<compile_context>
chip_gen: v7x
topology: tpu7x:2x2x1
jax: 0.10.2.dev20260603
libtpu: 0.0.44.dev20260713+nightly
codegen_flags: <defaults>
</compile_context>

<pallas_src>
import functools

import jax
import jax.numpy as jnp
from jax import lax
from jax.experimental import pallas as pl
from jax.experimental.pallas import tpu as pltpu
from jax.experimental.pallas import tpu_sc as plsc

N = 10000
E = 320000
D = 128
H = 128

NC = 2
NS = 16
NW = NC * NS
EP = E // NW
CH = 125
NCH = EP // CH
NPAD = 10240
RPT = NPAD // NS

_MESH = plsc.VectorSubcoreMesh(core_axis_name="c", subcore_axis_name="s")


def _fill(ref, row, val):
    for i in range(8):
        if row is None:
            ref[pl.ds(i * 16, 16)] = jnp.full((16,), val, jnp.float32)
        else:
            ref[row, pl.ds(i * 16, 16)] = jnp.full((16,), val, jnp.float32)


_G = 8
_NG = NCH // _G


@functools.partial(
    pl.kernel,
    out_type=jax.ShapeDtypeStruct((NC, NPAD), jnp.float32),
    mesh=_MESH,
    scratch_types=[
        pltpu.VMEM((_NG, _G, CH), jnp.int32),
        pltpu.VMEM((128,), jnp.float32),
        pltpu.VMEM((RPT,), jnp.float32),
        pltpu.VMEM_SHARED((NPAD,), jnp.float32),
        pltpu.SemaphoreType.DMA,
    ],
)
def _deg_kernel(ei_hbm, deg_out, didx, ones_v, zbuf, deg_sh, sem):
    c = lax.axis_index("c")
    s = lax.axis_index("s")
    wid = s * NC + c
    pltpu.async_copy(ei_hbm.at[1, wid], didx, sem)
    _fill(ones_v, None, 1.0)
    for k in range(RPT // 16):
        zbuf[pl.ds(k * 16, 16)] = jnp.zeros((16,), jnp.float32)
    pltpu.sync_copy(zbuf, deg_sh.at[pl.ds(s * RPT, RPT)])
    pltpu.make_async_copy(ei_hbm.at[1, wid], didx, sem).wait()
    plsc.subcore_barrier()

    def body(g, carry):
        for k in range(_G):
            pltpu.async_copy(ones_v.at[pl.ds(0, CH)],
                             deg_sh.at[didx.at[g, k]], sem, add=True)
        for k in range(_G):
            pltpu.make_async_copy(ones_v.at[pl.ds(0, CH)],
                                  deg_sh.at[didx.at[0, 0]], sem).wait()
        return carry

    lax.fori_loop(0, _NG, body, 0)
    plsc.subcore_barrier()
    pltpu.sync_copy(deg_sh.at[pl.ds(s * RPT, RPT)],
                    deg_out.at[c, pl.ds(s * RPT, RPT)])


@functools.partial(
    pl.kernel,
    out_type=jax.ShapeDtypeStruct((NC, NPAD, H), jnp.float32),
    mesh=_MESH,
    scratch_types=[
        pltpu.VMEM((2, 2, _G, CH), jnp.int32),
        pltpu.VMEM((CH, H), jnp.float32),
        pltpu.VMEM((CH, H), jnp.float32),
        pltpu.VMEM_SHARED((NPAD, H), jnp.float32),
        pltpu.SemaphoreType.DMA,
        pltpu.SemaphoreType.DMA,
        pltpu.SemaphoreType.DMA,
    ],
)
def _scatter_kernel(hs_hbm, ei_hbm, acc_out, idx, rows_a, rows_b,
                    acc_sh, sem_a, sem_b, sem_i):
    c = lax.axis_index("c")
    s = lax.axis_index("s")
    wid = s * NC + c

    def issue_idx(g, slot, sem=None):
        if sem is None:
            pltpu.sync_copy(ei_hbm.at[0, wid, g], idx.at[slot, 0])
            pltpu.sync_copy(ei_hbm.at[1, wid, g], idx.at[slot, 1])
        else:
            pltpu.async_copy(ei_hbm.at[0, wid, g], idx.at[slot, 0], sem)
            pltpu.async_copy(ei_hbm.at[1, wid, g], idx.at[slot, 1], sem)

    def wait_idx():
        for _ in range(2):
            pltpu.make_async_copy(ei_hbm.at[0, wid, 0], idx.at[0, 0],
                                  sem_i).wait()

    def issue_gather(slot, k, buf, sem):
        pltpu.async_copy(hs_hbm.at[idx.at[slot, 0, k]], buf, sem)

    def wait_gather(buf, sem):
        pltpu.make_async_copy(hs_hbm.at[idx.at[0, 0, 0]], buf, sem).wait()

    def process_group(slot, tail):
        for k in range(0, _G, 2):
            issue_gather(slot, k + 1, rows_b, sem_b)
            wait_gather(rows_a, sem_a)
            pltpu.sync_copy(rows_a, acc_sh.at[idx.at[slot, 1, k]], add=True)
            if k + 2 < _G:
                issue_gather(slot, k + 2, rows_a, sem_a)
            else:
                tail()
            wait_gather(rows_b, sem_b)
            pltpu.sync_copy(rows_b, acc_sh.at[idx.at[slot, 1, k + 1]],
                            add=True)

    issue_idx(0, 0, sem_i)

    def zrow(j, carry):
        for i in range(8):
            rows_b[j, pl.ds(i * 16, 16)] = jnp.zeros((16,), jnp.float32)
        return carry

    lax.fori_loop(0, CH, zrow, 0)
    for k in range(RPT // CH):
        pltpu.sync_copy(rows_b, acc_sh.at[pl.ds(s * RPT + k * CH, CH)])
    rem = RPT - (RPT // CH) * CH
    if rem:
        pltpu.sync_copy(rows_b.at[pl.ds(0, rem)],
                        acc_sh.at[pl.ds(s * RPT + RPT - rem, rem)])
    wait_idx()
    issue_gather(0, 0, rows_a, sem_a)
    plsc.subcore_barrier()

    def gpair(u, carry):
        g0 = 2 * u
        issue_idx(g0 + 1, 1, sem_i)

        def tail0():
            wait_idx()
            issue_gather(1, 0, rows_a, sem_a)

        process_group(0, tail0)

        @pl.when(g0 + 2 < _NG)
        def _():
            issue_idx(g0 + 2, 0, sem_i)

        def tail1():
            @pl.when(g0 + 2 < _NG)
            def _():
                wait_idx()
                issue_gather(0, 0, rows_a, sem_a)

        process_group(1, tail1)
        return carry

    lax.fori_loop(0, _NG // 2, gpair, 0)
    plsc.subcore_barrier()
    pltpu.sync_copy(acc_sh.at[pl.ds(s * RPT, RPT)],
                    acc_out.at[c, pl.ds(s * RPT, RPT)])


_R = 1000


def _tc1_body(x_ref, w_ref, p0_ref, p1_ref, hs_ref, dinv_ref):
    deg = p0_ref[0] + p1_ref[0] + 1.0
    dinv = lax.rsqrt(deg)
    h = jnp.dot(x_ref[...], w_ref[...], preferred_element_type=jnp.float32)
    hs_ref[...] = h * dinv
    dinv_ref[...] = dinv


def _tc_mid_body(a0_ref, a1_ref, hs_ref, dinv_ref, b_ref, w_ref, out_ref):
    dinv = dinv_ref[...]
    z = (a0_ref[0] + a1_ref[0] + hs_ref[...]) * dinv + b_ref[...][None, :]
    x2 = jnp.maximum(z, 0.0)
    h2 = jnp.dot(x2, w_ref[...], preferred_element_type=jnp.float32)
    out_ref[...] = h2 * dinv


def _tc_fin_body(a0_ref, a1_ref, hs_ref, dinv_ref, b_ref, out_ref):
    z = ((a0_ref[0] + a1_ref[0] + hs_ref[...]) * dinv_ref[...]
         + b_ref[...][None, :])
    out_ref[...] = jnp.maximum(z, 0.0)


def _tc1(x, W1, degp3):
    return pl.pallas_call(
        _tc1_body,
        grid=(N // _R,),
        in_specs=[
            pl.BlockSpec((_R, D), lambda i: (i, 0)),
            pl.BlockSpec((D, H), lambda i: (0, 0)),
            pl.BlockSpec((1, _R, 1), lambda i: (0, i, 0)),
            pl.BlockSpec((1, _R, 1), lambda i: (1, i, 0)),
        ],
        out_specs=[
            pl.BlockSpec((_R, H), lambda i: (i, 0)),
            pl.BlockSpec((_R, 1), lambda i: (i, 0)),
        ],
        out_shape=[
            jax.ShapeDtypeStruct((N, H), jnp.float32),
            jax.ShapeDtypeStruct((N, 1), jnp.float32),
        ],
    )(x, W1, degp3, degp3)


def _tc_mid(acc, hs1, dinv, b1, W2):
    return pl.pallas_call(
        _tc_mid_body,
        grid=(N // _R,),
        in_specs=[
            pl.BlockSpec((1, _R, H), lambda i: (0, i, 0)),
            pl.BlockSpec((1, _R, H), lambda i: (1, i, 0)),
            pl.BlockSpec((_R, H), lambda i: (i, 0)),
            pl.BlockSpec((_R, 1), lambda i: (i, 0)),
            pl.BlockSpec((H,), lambda i: (0,)),
            pl.BlockSpec((H, H), lambda i: (0, 0)),
        ],
        out_specs=pl.BlockSpec((_R, H), lambda i: (i, 0)),
        out_shape=jax.ShapeDtypeStruct((N, H), jnp.float32),
    )(acc, acc, hs1, dinv, b1, W2)


def _tc_fin(acc, hs2, dinv, b2):
    return pl.pallas_call(
        _tc_fin_body,
        grid=(N // _R,),
        in_specs=[
            pl.BlockSpec((1, _R, H), lambda i: (0, i, 0)),
            pl.BlockSpec((1, _R, H), lambda i: (1, i, 0)),
            pl.BlockSpec((_R, H), lambda i: (i, 0)),
            pl.BlockSpec((_R, 1), lambda i: (i, 0)),
            pl.BlockSpec((H,), lambda i: (0,)),
        ],
        out_specs=pl.BlockSpec((_R, H), lambda i: (i, 0)),
        out_shape=jax.ShapeDtypeStruct((N, H), jnp.float32),
    )(acc, acc, hs2, dinv, b2)


def kernel(x, edge_index, W1, b1, W2, b2):
    ei = edge_index.reshape(2, NW, _NG, _G, CH)
    degp = _deg_kernel(ei)
    hs1, dinv = _tc1(x, W1, degp.reshape(2, NPAD, 1))
    acc1 = _scatter_kernel(hs1, ei)
    hs2 = _tc_mid(acc1, hs1, dinv, b1, W2)
    acc2 = _scatter_kernel(hs2, ei)
    return _tc_fin(acc2, hs2, dinv, b2)

# --- scband reference (transcript-rebuilt; emitter-appended) ---
"""Pipeline reference for scband-gcn-86268713107997 (READ-ONLY COPY).

The authoritative reference and input builder live on the scoring server;
editing this copy changes nothing except your own understanding.
"""

import jax, jax.numpy as jnp
import numpy as np

N = 10000
E = 320000
D = 128
H = 128


def setup_inputs(seed: int = 0) -> dict:
    key = jax.random.key(seed)
    k1, k2, k3, k4, k5, k6 = jax.random.split(key, 6)
    x = jax.random.normal(k1, (N, D), dtype=jnp.float32)
    edge_index = jax.random.randint(k2, (2, E), 0, N, dtype=jnp.int32)
    # GCNConv layer 1 params (glorot-ish init)
    W1 = jax.random.normal(k3, (D, H), dtype=jnp.float32) * (1.0 / np.sqrt(D))
    b1 = jnp.zeros((H,), dtype=jnp.float32)
    # GCNConv layer 2 params
    W2 = jax.random.normal(k4, (H, H), dtype=jnp.float32) * (1.0 / np.sqrt(H))
    b2 = jnp.zeros((H,), dtype=jnp.float32)
    return {"x": x, "edge_index": edge_index, "W1": W1, "b1": b1, "W2": W2, "b2": b2}


def _gcn_conv(x, src, dst, W, b):
    # GCNConv with added self-loops and symmetric normalization:
    # out = D^{-1/2} (A + I) D^{-1/2} X W + b
    n = x.shape[0]
    loop = jnp.arange(n, dtype=src.dtype)
    src2 = jnp.concatenate([src, loop])
    dst2 = jnp.concatenate([dst, loop])
    deg = jnp.zeros((n,), dtype=x.dtype).at[dst2].add(1.0)
    dinv = jnp.where(deg > 0, jax.lax.rsqrt(jnp.maximum(deg, 1e-12)), 0.0)
    norm = dinv[src2] * dinv[dst2]
    h = x @ W
    msg = h[src2] * norm[:, None]
    out = jnp.zeros_like(h).at[dst2].add(msg)
    return out + b


def reference(x, edge_index, W1, b1, W2, b2):
    src = edge_index[0]
    dst = edge_index[1]
    # layer 1: conv -> relu -> dropout (eval mode: identity)
    h = jax.nn.relu(_gcn_conv(x, src, dst, W1, b1))
    # layer 2: conv -> relu -> dropout (eval mode: identity)
    h = jax.nn.relu(_gcn_conv(h, src, dst, W2, b2))
    return h

if __name__ == "__main__":
    import jax
    _d = setup_inputs()
    print(jax.jit(kernel)(*tuple(_d.values())))

</pallas_src>

<mosaic_0001>
#map = affine_map<(d0, d1) -> (0, 0)>
#map1 = affine_map<(d0, d1) -> (0, 0, 0, 0, 0)>
#map2 = affine_map<(d0, d1) -> (0, 0, 0)>
module attributes {stable_mosaic.version = 14 : i64} {
  func.func @_scatter_kernel(%arg0: i32, %arg1: i32, %arg2: memref<10000x128xf32, #tpu.memory_space<hbm>>, %arg3: memref<2x32x10x8x125xi32, #tpu.memory_space<hbm>>, %arg4: memref<2x10240x128xf32, #tpu.memory_space<hbm>>, %arg5: memref<2x2x8x125xi32, #tpu.memory_space<vmem>>, %arg6: memref<125x128xf32, #tpu.memory_space<vmem>>, %arg7: memref<125x128xf32, #tpu.memory_space<vmem>>, %arg8: memref<10240x128xf32, #tpu.memory_space<vmem_shared>>, %arg9: memref<!tpu.dma_semaphore, #tpu.memory_space<semaphore_mem>>, %arg10: memref<!tpu.dma_semaphore, #tpu.memory_space<semaphore_mem>>, %arg11: memref<!tpu.dma_semaphore, #tpu.memory_space<semaphore_mem>>) attributes {dimension_semantics = [#tpu.dimension_semantics<core_parallel>, #tpu.dimension_semantics<subcore_parallel>], iteration_bounds = array<i64: 2, 16>, scalar_prefetch = 0 : i64, scratch_operands = 7 : i64, tpu.core_type = #tpu.core_type<sc_vector_subcore>, window_params = [{transform_indices = #map}, {transform_indices = #map1}, {transform_indices = #map2}]} {
    %mul3A = arith.constant 2 : i32
    %mul3A_0 = arith.muli %arg1, %mul3A : i32
    %add3A = arith.addi %mul3A_0, %arg0 : i32
    %dma_start3A = arith.constant 0 : i32
    %dma_start3A_1 = arith.constant 0 : i32
    %dma_start3A_2 = arith.constant 0 : i32
    %dma_start3A_3 = arith.constant 0 : i32
    %dma_start3A_4 = arith.constant 0 : i32
    %dma_start3A_5 = arith.constant 0 : i32
    %dma_start3A_6 = tpu.memref_slice %arg5[%dma_start3A_2, %dma_start3A_3, %dma_start3A_4, %dma_start3A_5] : memref<2x2x8x125xi32, #tpu.memory_space<vmem>> -> memref<1x1x8x125xi32, #tpu.memory_space<vmem>>
    %dma_start3A_7 = tpu.memref_squeeze %dma_start3A_6 : memref<1x1x8x125xi32, #tpu.memory_space<vmem>> -> memref<8x125xi32, #tpu.memory_space<vmem>>
    %dma_start3A_8 = arith.constant 0 : i32
    %dma_start3A_9 = arith.constant 0 : i32
    %dma_start3A_10 = tpu.memref_slice %arg3[%dma_start3A, %add3A, %dma_start3A_1, %dma_start3A_8, %dma_start3A_9] : memref<2x32x10x8x125xi32, #tpu.memory_space<hbm>> -> memref<1x1x1x8x125xi32, #tpu.memory_space<hbm>>
    %dma_start3A_11 = tpu.memref_squeeze %dma_start3A_10 : memref<1x1x1x8x125xi32, #tpu.memory_space<hbm>> -> memref<8x125xi32, #tpu.memory_space<hbm>>
    %dma_start3A_12 = arith.constant 0 : i32
    %dma_start3A_13 = arith.constant 0 : i32
    %dma_start3A_14 = tpu.memref_slice %arg5[%dma_start3A_2, %dma_start3A_3, %dma_start3A_12, %dma_start3A_13] : memref<2x2x8x125xi32, #tpu.memory_space<vmem>> -> memref<1x1x8x125xi32, #tpu.memory_space<vmem>>
    %dma_start3A_15 = tpu.memref_squeeze %dma_start3A_14 : memref<1x1x8x125xi32, #tpu.memory_space<vmem>> -> memref<8x125xi32, #tpu.memory_space<vmem>>
    %dma_start3A_16 = arith.constant 0 : i32
    %dma_start3A_17 = arith.constant 0 : i32
    %dma_start3A_18 = tpu.memref_slice %arg3[%dma_start3A, %add3A, %dma_start3A_1, %dma_start3A_16, %dma_start3A_17] : memref<2x32x10x8x125xi32, #tpu.memory_space<hbm>> -> memref<1x1x1x8x125xi32, #tpu.memory_space<hbm>>
    %dma_start3A_19 = tpu.memref_squeeze %dma_start3A_18 : memref<1x1x1x8x125xi32, #tpu.memory_space<hbm>> -> memref<8x125xi32, #tpu.memory_space<hbm>>
    tpu.enqueue_dma source(%dma_start3A_19 : memref<8x125xi32, #tpu.memory_space<hbm>>) target(%dma_start3A_15 : memref<8x125xi32, #tpu.memory_space<vmem>>) target_semaphore(%arg11 : memref<!tpu.dma_semaphore, #tpu.memory_space<semaphore_mem>>)
    %dma_start3A_20 = arith.constant 1 : i32
    %dma_start3A_21 = arith.constant 0 : i32
    %dma_start3A_22 = arith.constant 0 : i32
    %dma_start3A_23 = arith.constant 1 : i32
    %dma_start3A_24 = arith.constant 0 : i32
    %dma_start3A_25 = arith.constant 0 : i32
    %dma_start3A_26 = tpu.memref_slice %arg5[%dma_start3A_22, %dma_start3A_23, %dma_start3A_24, %dma_start3A_25] : memref<2x2x8x125xi32, #tpu.memory_space<vmem>> -> memref<1x1x8x125xi32, #tpu.memory_space<vmem>>
    %dma_start3A_27 = tpu.memref_squeeze %dma_start3A_26 : memref<1x1x8x125xi32, #tpu.memory_space<vmem>> -> memref<8x125xi32, #tpu.memory_space<vmem>>
    %dma_start3A_28 = arith.constant 0 : i32
    %dma_start3A_29 = arith.constant 0 : i32
    %dma_start3A_30 = tpu.memref_slice %arg3[%dma_start3A_20, %add3A, %dma_start3A_21, %dma_start3A_28, %dma_start3A_29] : memref<2x32x10x8x125xi32, #tpu.memory_space<hbm>> -> memref<1x1x1x8x125xi32, #tpu.memory_space<hbm>>
    %dma_start3A_31 = tpu.memref_squeeze %dma_start3A_30 : memref<1x1x1x8x125xi32, #tpu.memory_space<hbm>> -> memref<8x125xi32, #tpu.memory_space<hbm>>
    %dma_start3A_32 = arith.constant 0 : i32
    %dma_start3A_33 = arith.constant 0 : i32
    %dma_start3A_34 = tpu.memref_slice %arg5[%dma_start3A_22, %dma_start3A_23, %dma_start3A_32, %dma_start3A_33] : memref<2x2x8x125xi32, #tpu.memory_space<vmem>> -> memref<1x1x8x125xi32, #tpu.memory_space<vmem>>
    %dma_start3A_35 = tpu.memref_squeeze %dma_start3A_34 : memref<1x1x8x125xi32, #tpu.memory_space<vmem>> -> memref<8x125xi32, #tpu.memory_space<vmem>>
    %dma_start3A_36 = arith.constant 0 : i32
    %dma_start3A_37 = arith.constant 0 : i32
    %dma_start3A_38 = tpu.memref_slice %arg3[%dma_start3A_20, %add3A, %dma_start3A_21, %dma_start3A_36, %dma_start3A_37] : memref<2x32x10x8x125xi32, #tpu.memory_space<hbm>> -> memref<1x1x1x8x125xi32, #tpu.memory_space<hbm>>
    %dma_start3A_39 = tpu.memref_squeeze %dma_start3A_38 : memref<1x1x1x8x125xi32, #tpu.memory_space<hbm>> -> memref<8x125xi32, #tpu.memory_space<hbm>>
    tpu.enqueue_dma source(%dma_start3A_39 : memref<8x125xi32, #tpu.memory_space<hbm>>) target(%dma_start3A_35 : memref<8x125xi32, #tpu.memory_space<vmem>>) target_semaphore(%arg11 : memref<!tpu.dma_semaphore, #tpu.memory_space<semaphore_mem>>)
    %scan3A = arith.constant 0 : i32
    %scan3A_40 = arith.constant 0 : i32
    %scan3A_41 = arith.constant 125 : i32
    %scan3A_42 = arith.addi %scan3A_40, %scan3A_41 : i32
    %scan3A_43 = arith.constant 1 : i32
    scf.for %scan3A_129 = %scan3A_40 to %scan3A_42 step %scan3A_43  : i32 {
      %broadcast_in_dim3A = arith.constant 0.000000e+00 : f32
      %broadcast_in_dim3A_130 = vector.broadcast %broadcast_in_dim3A : f32 to vector<16xf32>
      %swap3A = arith.index_cast %scan3A_129 : i32 to index
      %swap3A_131 = arith.constant 0 : index
      %swap3A_132 = tpu.vector_load %arg7[%swap3A, %swap3A_131] {strides = array<i32>} : memref<125x128xf32, #tpu.memory_space<vmem>>, vector<1x16xf32>,
      %swap3A_133 = vector.shape_cast %swap3A_132 : vector<1x16xf32> to vector<16xf32>
      %swap3A_134 = vector.shape_cast %broadcast_in_dim3A_130 : vector<16xf32> to vector<1x16xf32>
      tpu.vector_store %arg7[%swap3A, %swap3A_131], %swap3A_134 {strides = array<i32>} : memref<125x128xf32, #tpu.memory_space<vmem>>, vector<1x16xf32>,
      %broadcast_in_dim3A_135 = arith.constant 0.000000e+00 : f32
      %broadcast_in_dim3A_136 = vector.broadcast %broadcast_in_dim3A_135 : f32 to vector<16xf32>
      %swap3A_137 = arith.index_cast %scan3A_129 : i32 to index
      %swap3A_138 = arith.constant 16 : index
      %swap3A_139 = tpu.vector_load %arg7[%swap3A_137, %swap3A_138] {strides = array<i32>} : memref<125x128xf32, #tpu.memory_space<vmem>>, vector<1x16xf32>,
      %swap3A_140 = vector.shape_cast %swap3A_139 : vector<1x16xf32> to vector<16xf32>
      %swap3A_141 = vector.shape_cast %broadcast_in_dim3A_136 : vector<16xf32> to vector<1x16xf32>
      tpu.vector_store %arg7[%swap3A_137, %swap3A_138], %swap3A_141 {strides = array<i32>} : memref<125x128xf32, #tpu.memory_space<vmem>>, vector<1x16xf32>,
      %broadcast_in_dim3A_142 = arith.constant 0.000000e+00 : f32
      %broadcast_in_dim3A_143 = vector.broadcast %broadcast_in_dim3A_142 : f32 to vector<16xf32>
      %swap3A_144 = arith.index_cast %scan3A_129 : i32 to index
      %swap3A_145 = arith.constant 32 : index
      %swap3A_146 = tpu.vector_load %arg7[%swap3A_144, %swap3A_145] {strides = array<i32>} : memref<125x128xf32, #tpu.memory_space<vmem>>, vector<1x16xf32>,
      %swap3A_147 = vector.shape_cast %swap3A_146 : vector<1x16xf32> to vector<16xf32>
      %swap3A_148 = vector.shape_cast %broadcast_in_dim3A_143 : vector<16xf32> to vector<1x16xf32>
      tpu.vector_store %arg7[%swap3A_144, %swap3A_145], %swap3A_148 {strides = array<i32>} : memref<125x128xf32, #tpu.memory_space<vmem>>, vector<1x16xf32>,
      %broadcast_in_dim3A_149 = arith.constant 0.000000e+00 : f32
      %broadcast_in_dim3A_150 = vector.broadcast %broadcast_in_dim3A_149 : f32 to vector<16xf32>
      %swap3A_151 = arith.index_cast %scan3A_129 : i32 to index
      %swap3A_152 = arith.constant 48 : index
      %swap3A_153 = tpu.vector_load %arg7[%swap3A_151, %swap3A_152] {strides = array<i32>} : memref<125x128xf32, #tpu.memory_space<vmem>>, vector<1x16xf32>,
      %swap3A_154 = vector.shape_cast %swap3A_153 : vector<1x16xf32> to vector<16xf32>
      %swap3A_155 = vector.shape_cast %broadcast_in_dim3A_150 : vector<16xf32> to vector<1x16xf32>
      tpu.vector_store %arg7[%swap3A_151, %swap3A_152], %swap3A_155 {strides = array<i32>} : memref<125x128xf32, #tpu.memory_space<vmem>>, vector<1x16xf32>,
      %broadcast_in_dim3A_156 = arith.constant 0.000000e+00 : f32
      %broadcast_in_dim3A_157 = vector.broadcast %broadcast_in_dim3A_156 : f32 to vector<16xf32>
      %swap3A_158 = arith.index_cast %scan3A_129 : i32 to index
      %swap3A_159 = arith.constant 64 : index
      %swap3A_160 = tpu.vector_load %arg7[%swap3A_158, %swap3A_159] {strides = array<i32>} : memref<125x128xf32, #tpu.memory_space<vmem>>, vector<1x16xf32>,
      %swap3A_161 = vector.shape_cast %swap3A_160 : vector<1x16xf32> to vector<16xf32>
      %swap3A_162 = vector.shape_cast %broadcast_in_dim3A_157 : vector<16xf32> to vector<1x16xf32>
      tpu.vector_store %arg7[%swap3A_158, %swap3A_159], %swap3A_162 {strides = array<i32>} : memref<125x128xf32, #tpu.memory_space<vmem>>, vector<1x16xf32>,
      %broadcast_in_dim3A_163 = arith.constant 0.000000e+00 : f32
      %broadcast_in_dim3A_164 = vector.broadcast %broadcast_in_dim3A_163 : f32 to vector<16xf32>
      %swap3A_165 = arith.index_cast %scan3A_129 : i32 to index
      %swap3A_166 = arith.constant 80 : index
      %swap3A_167 = tpu.vector_load %arg7[%swap3A_165, %swap3A_166] {strides = array<i32>} : memref<125x128xf32, #tpu.memory_space<vmem>>, vector<1x16xf32>,
      %swap3A_168 = vector.shape_cast %swap3A_167 : vector<1x16xf32> to vector<16xf32>
      %swap3A_169 = vector.shape_cast %broadcast_in_dim3A_164 : vector<16xf32> to vector<1x16xf32>
      tpu.vector_store %arg7[%swap3A_165, %swap3A_166], %swap3A_169 {strides = array<i32>} : memref<125x128xf32, #tpu.memory_space<vmem>>, vector<1x16xf32>,
      %broadcast_in_dim3A_170 = arith.constant 0.000000e+00 : f32
      %broadcast_in_dim3A_171 = vector.broadcast %broadcast_in_dim3A_170 : f32 to vector<16xf32>
      %swap3A_172 = arith.index_cast %scan3A_129 : i32 to index
      %swap3A_173 = arith.constant 96 : index
      %swap3A_174 = tpu.vector_load %arg7[%swap3A_172, %swap3A_173] {strides = array<i32>} : memref<125x128xf32, #tpu.memory_space<vmem>>, vector<1x16xf32>,
      %swap3A_175 = vector.shape_cast %swap3A_174 : vector<1x16xf32> to vector<16xf32>
      %swap3A_176 = vector.shape_cast %broadcast_in_dim3A_171 : vector<16xf32> to vector<1x16xf32>
      tpu.vector_store %arg7[%swap3A_172, %swap3A_173], %swap3A_176 {strides = array<i32>} : memref<125x128xf32, #tpu.memory_space<vmem>>, vector<1x16xf32>,
      %broadcast_in_dim3A_177 = arith.constant 0.000000e+00 : f32
      %broadcast_in_dim3A_178 = vector.broadcast %broadcast_in_dim3A_177 : f32 to vector<16xf32>
      %swap3A_179 = arith.index_cast %scan3A_129 : i32 to index
      %swap3A_180 = arith.constant 112 : index
      %swap3A_181 = tpu.vector_load %arg7[%swap3A_179, %swap3A_180] {strides = array<i32>} : memref<125x128xf32, #tpu.memory_space<vmem>>, vector<1x16xf32>,
      %swap3A_182 = vector.shape_cast %swap3A_181 : vector<1x16xf32> to vector<16xf32>
      %swap3A_183 = vector.shape_cast %broadcast_in_dim3A_178 : vector<16xf32> to vector<1x16xf32>
      tpu.vector_store %arg7[%swap3A_179, %swap3A_180], %swap3A_183 {strides = array<i32>} : memref<125x128xf32, #tpu.memory_space<vmem>>, vector<1x16xf32>,
    }
    %scan3A_44 = arith.constant 125 : i32
    %mul3A_45 = arith.constant 640 : i32
    %mul3A_46 = arith.muli %arg1, %mul3A_45 : i32
    %add3A_47 = arith.constant 0 : i32
    %add3A_48 = arith.addi %mul3A_46, %add3A_47 : i32
    "tpu.region"() ({
      %run_scoped3A = tpu.sem_alloc : memref<!tpu.dma_semaphore, #tpu.memory_space<semaphore_mem>>
      %dma_start3A_129 = arith.constant 0 : i32
      %dma_start3A_130 = tpu.memref_slice %arg8[%add3A_48, %dma_start3A_129] : memref<10240x128xf32, #tpu.memory_space<vmem_shared>> -> memref<125x128xf32, #tpu.memory_space<vmem_shared>>
      %dma_start3A_131 = arith.constant 0 : i32
      %dma_start3A_132 = tpu.memref_slice %arg8[%add3A_48, %dma_start3A_131] : memref<10240x128xf32, #tpu.memory_space<vmem_shared>> -> memref<125x128xf32, #tpu.memory_space<vmem_shared>>
      tpu.enqueue_dma source(%arg7 : memref<125x128xf32, #tpu.memory_space<vmem>>) target(%dma_start3A_132 : memref<125x128xf32, #tpu.memory_space<vmem_shared>>) target_semaphore(%run_scoped3A : memref<!tpu.dma_semaphore, #tpu.memory_space<semaphore_mem>>)
      %dma_wait3A_133 = arith.constant 0 : i32
      %dma_wait3A_134 = tpu.memref_slice %arg8[%add3A_48, %dma_wait3A_133] : memref<10240x128xf32, #tpu.memory_space<vmem_shared>> -> memref<125x128xf32, #tpu.memory_space<vmem_shared>>
      %dma_wait3A_135 = arith.constant 0 : i32
      %dma_wait3A_136 = tpu.memref_slice %arg8[%add3A_48, %dma_wait3A_135] : memref<10240x128xf32, #tpu.memory_space<vmem_shared>> -> memref<125x128xf32, #tpu.memory_space<vmem_shared>>
      tpu.wait_dma2 semaphore(%run_scoped3A : memref<!tpu.dma_semaphore, #tpu.memory_space<semaphore_mem>>) src(%arg7 : memref<125x128xf32, #tpu.memory_space<vmem>>) dst(%dma_wait3A_136 : memref<125x128xf32, #tpu.memory_space<vmem_shared>>)
      tpu.yield
    }) : () -> ()
    %mul3A_49 = arith.constant 640 : i32
    %mul3A_50 = arith.muli %arg1, %mul3A_49 : i32
    %add3A_51 = arith.constant 125 : i32
    %add3A_52 = arith.addi %mul3A_50, %add3A_51 : i32
    "tpu.region"() ({
      %run_scoped3A = tpu.sem_alloc : memref<!tpu.dma_semaphore, #tpu.memory_space<semaphore_mem>>
      %dma_start3A_129 = arith.constant 0 : i32
      %dma_start3A_130 = tpu.memref_slice %arg8[%add3A_52, %dma_start3A_129] : memref<10240x128xf32, #tpu.memory_space<vmem_shared>> -> memref<125x128xf32, #tpu.memory_space<vmem_shared>>
      %dma_start3A_131 = arith.constant 0 : i32
      %dma_start3A_132 = tpu.memref_slice %arg8[%add3A_52, %dma_start3A_131] : memref<10240x128xf32, #tpu.memory_space<vmem_shared>> -> memref<125x128xf32, #tpu.memory_space<vmem_shared>>
      tpu.enqueue_dma source(%arg7 : memref<125x128xf32, #tpu.memory_space<vmem>>) target(%dma_start3A_132 : memref<125x128xf32, #tpu.memory_space<vmem_shared>>) target_semaphore(%run_scoped3A : memref<!tpu.dma_semaphore, #tpu.memory_space<semaphore_mem>>)
      %dma_wait3A_133 = arith.constant 0 : i32
      %dma_wait3A_134 = tpu.memref_slice %arg8[%add3A_52, %dma_wait3A_133] : memref<10240x128xf32, #tpu.memory_space<vmem_shared>> -> memref<125x128xf32, #tpu.memory_space<vmem_shared>>
      %dma_wait3A_135 = arith.constant 0 : i32
      %dma_wait3A_136 = tpu.memref_slice %arg8[%add3A_52, %dma_wait3A_135] : memref<10240x128xf32, #tpu.memory_space<vmem_shared>> -> memref<125x128xf32, #tpu.memory_space<vmem_shared>>
      tpu.wait_dma2 semaphore(%run_scoped3A : memref<!tpu.dma_semaphore, #tpu.memory_space<semaphore_mem>>) src(%arg7 : memref<125x128xf32, #tpu.memory_space<vmem>>) dst(%dma_wait3A_136 : memref<125x128xf32, #tpu.memory_space<vmem_shared>>)
      tpu.yield
    }) : () -> ()
    %mul3A_53 = arith.constant 640 : i32
    %mul3A_54 = arith.muli %arg1, %mul3A_53 : i32
    %add3A_55 = arith.constant 250 : i32
    %add3A_56 = arith.addi %mul3A_54, %add3A_55 : i32
    "tpu.region"() ({
      %run_scoped3A = tpu.sem_alloc : memref<!tpu.dma_semaphore, #tpu.memory_space<semaphore_mem>>
      %dma_start3A_129 = arith.constant 0 : i32
      %dma_start3A_130 = tpu.memref_slice %arg8[%add3A_56, %dma_start3A_129] : memref<10240x128xf32, #tpu.memory_space<vmem_shared>> -> memref<125x128xf32, #tpu.memory_space<vmem_shared>>
      %dma_start3A_131 = arith.constant 0 : i32
      %dma_start3A_132 = tpu.memref_slice %arg8[%add3A_56, %dma_start3A_131] : memref<10240x128xf32, #tpu.memory_space<vmem_shared>> -> memref<125x128xf32, #tpu.memory_space<vmem_shared>>
      tpu.enqueue_dma source(%arg7 : memref<125x128xf32, #tpu.memory_space<vmem>>) target(%dma_start3A_132 : memref<125x128xf32, #tpu.memory_space<vmem_shared>>) target_semaphore(%run_scoped3A : memref<!tpu.dma_semaphore, #tpu.memory_space<semaphore_mem>>)
      %dma_wait3A_133 = arith.constant 0 : i32
      %dma_wait3A_134 = tpu.memref_slice %arg8[%add3A_56, %dma_wait3A_133] : memref<10240x128xf32, #tpu.memory_space<vmem_shared>> -> memref<125x128xf32, #tpu.memory_space<vmem_shared>>
      %dma_wait3A_135 = arith.constant 0 : i32
      %dma_wait3A_136 = tpu.memref_slice %arg8[%add3A_56, %dma_wait3A_135] : memref<10240x128xf32, #tpu.memory_space<vmem_shared>> -> memref<125x128xf32, #tpu.memory_space<vmem_shared>>
      tpu.wait_dma2 semaphore(%run_scoped3A : memref<!tpu.dma_semaphore, #tpu.memory_space<semaphore_mem>>) src(%arg7 : memref<125x128xf32, #tpu.memory_space<vmem>>) dst(%dma_wait3A_136 : memref<125x128xf32, #tpu.memory_space<vmem_shared>>)
      tpu.yield
    }) : () -> ()
    %mul3A_57 = arith.constant 640 : i32
    %mul3A_58 = arith.muli %arg1, %mul3A_57 : i32
    %add3A_59 = arith.constant 375 : i32
    %add3A_60 = arith.addi %mul3A_58, %add3A_59 : i32
    "tpu.region"() ({
      %run_scoped3A = tpu.sem_alloc : memref<!tpu.dma_semaphore, #tpu.memory_space<semaphore_mem>>
      %dma_start3A_129 = arith.constant 0 : i32
      %dma_start3A_130 = tpu.memref_slice %arg8[%add3A_60, %dma_start3A_129] : memref<10240x128xf32, #tpu.memory_space<vmem_shared>> -> memref<125x128xf32, #tpu.memory_space<vmem_shared>>
      %dma_start3A_131 = arith.constant 0 : i32
      %dma_start3A_132 = tpu.memref_slice %arg8[%add3A_60, %dma_start3A_131] : memref<10240x128xf32, #tpu.memory_space<vmem_shared>> -> memref<125x128xf32, #tpu.memory_space<vmem_shared>>
      tpu.enqueue_dma source(%arg7 : memref<125x128xf32, #tpu.memory_space<vmem>>) target(%dma_start3A_132 : memref<125x128xf32, #tpu.memory_space<vmem_shared>>) target_semaphore(%run_scoped3A : memref<!tpu.dma_semaphore, #tpu.memory_space<semaphore_mem>>)
      %dma_wait3A_133 = arith.constant 0 : i32
      %dma_wait3A_134 = tpu.memref_slice %arg8[%add3A_60, %dma_wait3A_133] : memref<10240x128xf32, #tpu.memory_space<vmem_shared>> -> memref<125x128xf32, #tpu.memory_space<vmem_shared>>
      %dma_wait3A_135 = arith.constant 0 : i32
      %dma_wait3A_136 = tpu.memref_slice %arg8[%add3A_60, %dma_wait3A_135] : memref<10240x128xf32, #tpu.memory_space<vmem_shared>> -> memref<125x128xf32, #tpu.memory_space<vmem_shared>>
      tpu.wait_dma2 semaphore(%run_scoped3A : memref<!tpu.dma_semaphore, #tpu.memory_space<semaphore_mem>>) src(%arg7 : memref<125x128xf32, #tpu.memory_space<vmem>>) dst(%dma_wait3A_136 : memref<125x128xf32, #tpu.memory_space<vmem_shared>>)
      tpu.yield
    }) : () -> ()
    %mul3A_61 = arith.constant 640 : i32
    %mul3A_62 = arith.muli %arg1, %mul3A_61 : i32
    %add3A_63 = arith.constant 500 : i32
    %add3A_64 = arith.addi %mul3A_62, %add3A_63 : i32
    "tpu.region"() ({
      %run_scoped3A = tpu.sem_alloc : memref<!tpu.dma_semaphore, #tpu.memory_space<semaphore_mem>>
      %dma_start3A_129 = arith.constant 0 : i32
      %dma_start3A_130 = tpu.memref_slice %arg8[%add3A_64, %dma_start3A_129] : memref<10240x128xf32, #tpu.memory_space<vmem_shared>> -> memref<125x128xf32, #tpu.memory_space<vmem_shared>>
      %dma_start3A_131 = arith.constant 0 : i32
      %dma_start3A_132 = tpu.memref_slice %arg8[%add3A_64, %dma_start3A_131] : memref<10240x128xf32, #tpu.memory_space<vmem_shared>> -> memref<125x128xf32, #tpu.memory_space<vmem_shared>>
      tpu.enqueue_dma source(%arg7 : memref<125x128xf32, #tpu.memory_space<vmem>>) target(%dma_start3A_132 : memref<125x128xf32, #tpu.memory_space<vmem_shared>>) target_semaphore(%run_scoped3A : memref<!tpu.dma_semaphore, #tpu.memory_space<semaphore_mem>>)
      %dma_wait3A_133 = arith.constant 0 : i32
      %dma_wait3A_134 = tpu.memref_slice %arg8[%add3A_64, %dma_wait3A_133] : memref<10240x128xf32, #tpu.memory_space<vmem_shared>> -> memref<125x128xf32, #tpu.memory_space<vmem_shared>>
      %dma_wait3A_135 = arith.constant 0 : i32
      %dma_wait3A_136 = tpu.memref_slice %arg8[%add3A_64, %dma_wait3A_135] : memref<10240x128xf32, #tpu.memory_space<vmem_shared>> -> memref<125x128xf32, #tpu.memory_space<vmem_shared>>
      tpu.wait_dma2 semaphore(%run_scoped3A : memref<!tpu.dma_semaphore, #tpu.memory_space<semaphore_mem>>) src(%arg7 : memref<125x128xf32, #tpu.memory_space<vmem>>) dst(%dma_wait3A_136 : memref<125x128xf32, #tpu.memory_space<vmem_shared>>)
      tpu.yield
    }) : () -> ()
    %mul3A_65 = arith.constant 640 : i32
    %mul3A_66 = arith.muli %arg1, %mul3A_65 : i32
    %add3A_67 = arith.constant 640 : i32
    %add3A_68 = arith.addi %mul3A_66, %add3A_67 : i32
    %sub3A = arith.constant 15 : i32
    %sub3A_69 = arith.subi %add3A_68, %sub3A : i32
    "tpu.region"() ({
      %run_scoped3A = tpu.sem_alloc : memref<!tpu.dma_semaphore, #tpu.memory_space<semaphore_mem>>
      %dma_start3A_129 = arith.constant 0 : i32
      %dma_start3A_130 = arith.constant 0 : i32
      %dma_start3A_131 = tpu.memref_slice %arg7[%dma_start3A_129, %dma_start3A_130] : memref<125x128xf32, #tpu.memory_space<vmem>> -> memref<15x128xf32, #tpu.memory_space<vmem>>
      %dma_start3A_132 = arith.constant 0 : i32
      %dma_start3A_133 = tpu.memref_slice %arg8[%sub3A_69, %dma_start3A_132] : memref<10240x128xf32, #tpu.memory_space<vmem_shared>> -> memref<15x128xf32, #tpu.memory_space<vmem_shared>>
      %dma_start3A_134 = arith.constant 0 : i32
      %dma_start3A_135 = tpu.memref_slice %arg8[%sub3A_69, %dma_start3A_134] : memref<10240x128xf32, #tpu.memory_space<vmem_shared>> -> memref<15x128xf32, #tpu.memory_space<vmem_shared>>
      %dma_start3A_136 = arith.constant 0 : i32
      %dma_start3A_137 = arith.constant 0 : i32
      %dma_start3A_138 = tpu.memref_slice %arg7[%dma_start3A_136, %dma_start3A_137] : memref<125x128xf32, #tpu.memory_space<vmem>> -> memref<15x128xf32, #tpu.memory_space<vmem>>
      tpu.enqueue_dma source(%dma_start3A_138 : memref<15x128xf32, #tpu.memory_space<vmem>>) target(%dma_start3A_135 : memref<15x128xf32, #tpu.memory_space<vmem_shared>>) target_semaphore(%run_scoped3A : memref<!tpu.dma_semaphore, #tpu.memory_space<semaphore_mem>>)
      %dma_wait3A_139 = arith.constant 0 : i32
      %dma_wait3A_140 = arith.constant 0 : i32
      %dma_wait3A_141 = tpu.memref_slice %arg7[%dma_wait3A_139, %dma_wait3A_140] : memref<125x128xf32, #tpu.memory_space<vmem>> -> memref<15x128xf32, #tpu.memory_space<vmem>>
      %dma_wait3A_142 = arith.constant 0 : i32
      %dma_wait3A_143 = tpu.memref_slice %arg8[%sub3A_69, %dma_wait3A_142] : memref<10240x128xf32, #tpu.memory_space<vmem_shared>> -> memref<15x128xf32, #tpu.memory_space<vmem_shared>>
      %dma_wait3A_144 = arith.constant 0 : i32
      %dma_wait3A_145 = tpu.memref_slice %arg8[%sub3A_69, %dma_wait3A_144] : memref<10240x128xf32, #tpu.memory_space<vmem_shared>> -> memref<15x128xf32, #tpu.memory_space<vmem_shared>>
      %dma_wait3A_146 = arith.constant 0 : i32
      %dma_wait3A_147 = arith.constant 0 : i32
      %dma_wait3A_148 = tpu.memref_slice %arg7[%dma_wait3A_146, %dma_wait3A_147] : memref<125x128xf32, #tpu.memory_space<vmem>> -> memref<15x128xf32, #tpu.memory_space<vmem>>
      tpu.wait_dma2 semaphore(%run_scoped3A : memref<!tpu.dma_semaphore, #tpu.memory_space<semaphore_mem>>) src(%dma_wait3A_148 : memref<15x128xf32, #tpu.memory_space<vmem>>) dst(%dma_wait3A_145 : memref<15x128xf32, #tpu.memory_space<vmem_shared>>)
      tpu.yield
    }) : () -> ()
    %dma_wait3A = arith.constant 0 : i32
    %dma_wait3A_70 = arith.constant 0 : i32
    %dma_wait3A_71 = arith.constant 0 : i32
    %dma_wait3A_72 = arith.constant 0 : i32
    %dma_wait3A_73 = arith.constant 0 : i32
    %dma_wait3A_74 = arith.constant 0 : i32
    %dma_wait3A_75 = tpu.memref_slice %arg5[%dma_wait3A_71, %dma_wait3A_72, %dma_wait3A_73, %dma_wait3A_74] : memref<2x2x8x125xi32, #tpu.memory_space<vmem>> -> memref<1x1x8x125xi32, #tpu.memory_space<vmem>>
    %dma_wait3A_76 = tpu.memref_squeeze %dma_wait3A_75 : memref<1x1x8x125xi32, #tpu.memory_space<vmem>> -> memref<8x125xi32, #tpu.memory_space<vmem>>
    %dma_wait3A_77 = arith.constant 0 : i32
    %dma_wait3A_78 = arith.constant 0 : i32
    %dma_wait3A_79 = tpu.memref_slice %arg3[%dma_wait3A, %add3A, %dma_wait3A_70, %dma_wait3A_77, %dma_wait3A_78] : memref<2x32x10x8x125xi32, #tpu.memory_space<hbm>> -> memref<1x1x1x8x125xi32, #tpu.memory_space<hbm>>
    %dma_wait3A_80 = tpu.memref_squeeze %dma_wait3A_79 : memref<1x1x1x8x125xi32, #tpu.memory_space<hbm>> -> memref<8x125xi32, #tpu.memory_space<hbm>>
    %dma_wait3A_81 = arith.constant 0 : i32
    %dma_wait3A_82 = arith.constant 0 : i32
    %dma_wait3A_83 = tpu.memref_slice %arg5[%dma_wait3A_71, %dma_wait3A_72, %dma_wait3A_81, %dma_wait3A_82] : memref<2x2x8x125xi32, #tpu.memory_space<vmem>> -> memref<1x1x8x125xi32, #tpu.memory_space<vmem>>
    %dma_wait3A_84 = tpu.memref_squeeze %dma_wait3A_83 : memref<1x1x8x125xi32, #tpu.memory_space<vmem>> -> memref<8x125xi32, #tpu.memory_space<vmem>>
    %dma_wait3A_85 = arith.constant 0 : i32
    %dma_wait3A_86 = arith.constant 0 : i32
    %dma_wait3A_87 = tpu.memref_slice %arg3[%dma_wait3A, %add3A, %dma_wait3A_70, %dma_wait3A_85, %dma_wait3A_86] : memref<2x32x10x8x125xi32, #tpu.memory_space<hbm>> -> memref<1x1x1x8x125xi32, #tpu.memory_space<hbm>>
    %dma_wait3A_88 = tpu.memref_squeeze %dma_wait3A_87 : memref<1x1x1x8x125xi32, #tpu.memory_space<hbm>> -> memref<8x125xi32, #tpu.memory_space<hbm>>
    tpu.wait_dma2 semaphore(%arg11 : memref<!tpu.dma_semaphore, #tpu.memory_space<semaphore_mem>>) src(%dma_wait3A_88 : memref<8x125xi32, #tpu.memory_space<hbm>>) dst(%dma_wait3A_84 : memref<8x125xi32, #tpu.memory_space<vmem>>)
    %dma_wait3A_89 = arith.constant 0 : i32
    %dma_wait3A_90 = arith.constant 0 : i32
    %dma_wait3A_91 = arith.constant 0 : i32
    %dma_wait3A_92 = arith.constant 0 : i32
    %dma_wait3A_93 = arith.constant 0 : i32
    %dma_wait3A_94 = arith.constant 0 : i32
    %dma_wait3A_95 = tpu.memref_slice %arg5[%dma_wait3A_91, %dma_wait3A_92, %dma_wait3A_93, %dma_wait3A_94] : memref<2x2x8x125xi32, #tpu.memory_space<vmem>> -> memref<1x1x8x125xi32, #tpu.memory_space<vmem>>
    %dma_wait3A_96 = tpu.memref_squeeze %dma_wait3A_95 : memref<1x1x8x125xi32, #tpu.memory_space<vmem>> -> memref<8x125xi32, #tpu.memory_space<vmem>>
    %dma_wait3A_97 = arith.constant 0 : i32
    %dma_wait3A_98 = arith.constant 0 : i32
    %dma_wait3A_99 = tpu.memref_slice %arg3[%dma_wait3A_89, %add3A, %dma_wait3A_90, %dma_wait3A_97, %dma_wait3A_98] : memref<2x32x10x8x125xi32, #tpu.memory_space<hbm>> -> memref<1x1x1x8x125xi32, #tpu.memory_space<hbm>>
    %dma_wait3A_100 = tpu.memref_squeeze %dma_wait3A_99 : memref<1x1x1x8x125xi32, #tpu.memory_space<hbm>> -> memref<8x125xi32, #tpu.memory_space<hbm>>
    %dma_wait3A_101 = arith.constant 0 : i32
    %dma_wait3A_102 = arith.constant 0 : i32
    %dma_wait3A_103 = tpu.memref_slice %arg5[%dma_wait3A_91, %dma_wait3A_92, %dma_wait3A_101, %dma_wait3A_102] : memref<2x2x8x125xi32, #tpu.memory_space<vmem>> -> memref<1x1x8x125xi32, #tpu.memory_space<vmem>>
    %dma_wait3A_104 = tpu.memref_squeeze %dma_wait3A_103 : memref<1x1x8x125xi32, #tpu.memory_space<vmem>> -> memref<8x125xi32, #tpu.memory_space<vmem>>
    %dma_wait3A_105 = arith.constant 0 : i32
    %dma_wait3A_106 = arith.constant 0 : i32
    %dma_wait3A_107 = tpu.memref_slice %arg3[%dma_wait3A_89, %add3A, %dma_wait3A_90, %dma_wait3A_105, %dma_wait3A_106] : memref<2x32x10x8x125xi32, #tpu.memory_space<hbm>> -> memref<1x1x1x8x125xi32, #tpu.memory_space<hbm>>
    %dma_wait3A_108 = tpu.memref_squeeze %dma_wait3A_107 : memref<1x1x1x8x125xi32, #tpu.memory_space<hbm>> -> memref<8x125xi32, #tpu.memory_space<hbm>>
    tpu.wait_dma2 semaphore(%arg11 : memref<!tpu.dma_semaphore, #tpu.memory_space<semaphore_mem>>) src(%dma_wait3A_108 : memref<8x125xi32, #tpu.memory_space<hbm>>) dst(%dma_wait3A_104 : memref<8x125xi32, #tpu.memory_space<vmem>>)
    %dma_start3A_109 = arith.constant 0 : i32
    %dma_start3A_110 = arith.constant 0 : i32
    %dma_start3A_111 = arith.constant 0 : i32
    %dma_start3A_112 = arith.constant 0 : i32
    %dma_start3A_113 = tpu.memref_slice %arg5[%dma_start3A_109, %dma_start3A_110, %dma_start3A_111, %dma_start3A_112] : memref<2x2x8x125xi32, #tpu.memory_space<vmem>> -> memref<1x1x1x125xi32, #tpu.memory_space<vmem>>
    %dma_start3A_114 = tpu.memref_squeeze %dma_start3A_113 : memref<1x1x1x125xi32, #tpu.memory_space<vmem>> -> memref<125xi32, #tpu.memory_space<vmem>>
    %dma_start3A_115 = arith.constant 0 : i32
    %dma_start3A_116 = arith.constant 0 : i32
    %dma_start3A_117 = tpu.memref_slice %arg2[%dma_start3A_115, %dma_start3A_116] : memref<10000x128xf32, #tpu.memory_space<hbm>> -> memref<10000x128xf32, #tpu.memory_space<hbm>>
    tpu.enqueue_indirect_dma source(%dma_start3A_117 : memref<10000x128xf32, #tpu.memory_space<hbm>>) target(%arg6 : memref<125x128xf32, #tpu.memory_space<vmem>>) offsets(%dma_start3A_114 : memref<125xi32, #tpu.memory_space<vmem>>) semaphore(%arg9 : memref<!tpu.dma_semaphore, #tpu.memory_space<semaphore_mem>>)
    %barrier3A = arith.constant 0 : index
    tpu.barrier barrier_id(%barrier3A)
    %scan3A_118 = arith.constant 0 : i32
    %scan3A_119 = arith.constant 0 : i32
    %scan3A_120 = arith.constant 5 : i32
    %scan3A_121 = arith.addi %scan3A_119, %scan3A_120 : i32
    %scan3A_122 = arith.constant 1 : i32
    scf.for %scan3A_129 = %scan3A_119 to %scan3A_121 step %scan3A_122  : i32 {
      %mul3A_130 = arith.constant 2 : i32
      %mul3A_131 = arith.muli %mul3A_130, %scan3A_129 : i32
      %add3A_132 = arith.constant 1 : i32
      %add3A_133 = arith.addi %mul3A_131, %add3A_132 : i32
      %dma_start3A_134 = arith.constant 0 : i32
      %dma_start3A_135 = arith.constant 1 : i32
      %dma_start3A_136 = arith.constant 0 : i32
      %dma_start3A_137 = arith.constant 0 : i32
      %dma_start3A_138 = arith.constant 0 : i32
      %dma_start3A_139 = tpu.memref_slice %arg5[%dma_start3A_135, %dma_start3A_136, %dma_start3A_137, %dma_start3A_138] : memref<2x2x8x125xi32, #tpu.memory_space<vmem>> -> memref<1x1x8x125xi32, #tpu.memory_space<vmem>>
      %dma_start3A_140 = tpu.memref_squeeze %dma_start3A_139 : memref<1x1x8x125xi32, #tpu.memory_space<vmem>> -> memref<8x125xi32, #tpu.memory_space<vmem>>
      %dma_start3A_141 = arith.constant 0 : i32
      %dma_start3A_142 = arith.constant 0 : i32
      %dma_start3A_143 = tpu.memref_slice %arg3[%dma_start3A_134, %add3A, %add3A_133, %dma_start3A_141, %dma_start3A_142] : memref<2x32x10x8x125xi32, #tpu.memory_space<hbm>> -> memref<1x1x1x8x125xi32, #tpu.memory_space<hbm>>
      %dma_start3A_144 = tpu.memref_squeeze %dma_start3A_143 : memref<1x1x1x8x125xi32, #tpu.memory_space<hbm>> -> memref<8x125xi32, #tpu.memory_space<hbm>>
      %dma_start3A_145 = arith.constant 0 : i32
      %dma_start3A_146 = arith.constant 0 : i32
      %dma_start3A_147 = tpu.memref_slice %arg5[%dma_start3A_135, %dma_start3A_136, %dma_start3A_145, %dma_start3A_146] : memref<2x2x8x125xi32, #tpu.memory_space<vmem>> -> memref<1x1x8x125xi32, #tpu.memory_space<vmem>>
      %dma_start3A_148 = tpu.memref_squeeze %dma_start3A_147 : memref<1x1x8x125xi32, #tpu.memory_space<vmem>> -> memref<8x125xi32, #tpu.memory_space<vmem>>
      %dma_start3A_149 = arith.constant 0 : i32
      %dma_start3A_150 = arith.constant 0 : i32
      %dma_start3A_151 = tpu.memref_slice %arg3[%dma_start3A_134, %add3A, %add3A_133, %dma_start3A_149, %dma_start3A_150] : memref<2x32x10x8x125xi32, #tpu.memory_space<hbm>> -> memref<1x1x1x8x125xi32, #tpu.memory_space<hbm>>
      %dma_start3A_152 = tpu.memref_squeeze %dma_start3A_151 : memref<1x1x1x8x125xi32, #tpu.memory_space<hbm>> -> memref<8x125xi32, #tpu.memory_space<hbm>>
      tpu.enqueue_dma source(%dma_start3A_152 : memref<8x125xi32, #tpu.memory_space<hbm>>) target(%dma_start3A_148 : memref<8x125xi32, #tpu.memory_space<vmem>>) target_semaphore(%arg11 : memref<!tpu.dma_semaphore, #tpu.memory_space<semaphore_mem>>)
      %dma_start3A_153 = arith.constant 1 : i32
      %dma_start3A_154 = arith.constant 1 : i32
      %dma_start3A_155 = arith.constant 1 : i32
      %dma_start3A_156 = arith.constant 0 : i32
      %dma_start3A_157 = arith.constant 0 : i32
      %dma_start3A_158 = tpu.memref_slice %arg5[%dma_start3A_154, %dma_start3A_155, %dma_start3A_156, %dma_start3A_157] : memref<2x2x8x125xi32, #tpu.memory_space<vmem>> -> memref<1x1x8x125xi32, #tpu.memory_space<vmem>>
      %dma_start3A_159 = tpu.memref_squeeze %dma_start3A_158 : memref<1x1x8x125xi32, #tpu.memory_space<vmem>> -> memref<8x125xi32, #tpu.memory_space<vmem>>
      %dma_start3A_160 = arith.constant 0 : i32
      %dma_start3A_161 = arith.constant 0 : i32
      %dma_start3A_162 = tpu.memref_slice %arg3[%dma_start3A_153, %add3A, %add3A_133, %dma_start3A_160, %dma_start3A_161] : memref<2x32x10x8x125xi32, #tpu.memory_space<hbm>> -> memref<1x1x1x8x125xi32, #tpu.memory_space<hbm>>
      %dma_start3A_163 = tpu.memref_squeeze %dma_start3A_162 : memref<1x1x1x8x125xi32, #tpu.memory_space<hbm>> -> memref<8x125xi32, #tpu.memory_space<hbm>>
      %dma_start3A_164 = arith.constant 0 : i32
      %dma_start3A_165 = arith.constant 0 : i32
      %dma_start3A_166 = tpu.memref_slice %arg5[%dma_start3A_154, %dma_start3A_155, %dma_start3A_164, %dma_start3A_165] : memref<2x2x8x125xi32, #tpu.memory_space<vmem>> -> memref<1x1x8x125xi32, #tpu.memory_space<vmem>>
      %dma_start3A_167 = tpu.memref_squeeze %dma_start3A_166 : memref<1x1x8x125xi32, #tpu.memory_space<vmem>> -> memref<8x125xi32, #tpu.memory_space<vmem>>
      %dma_start3A_168 = arith.constant 0 : i32
      %dma_start3A_169 = arith.constant 0 : i32
      %dma_start3A_170 = tpu.memref_slice %arg3[%dma_start3A_153, %add3A, %add3A_133, %dma_start3A_168, %dma_start3A_169] : memref<2x32x10x8x125xi32, #tpu.memory_space<hbm>> -> memref<1x1x1x8x125xi32, #tpu.memory_space<hbm>>
      %dma_start3A_171 = tpu.memref_squeeze %dma_start3A_170 : memref<1x1x1x8x125xi32, #tpu.memory_space<hbm>> -> memref<8x125xi32, #tpu.memory_space<hbm>>
      tpu.enqueue_dma source(%dma_start3A_171 : memref<8x125xi32, #tpu.memory_space<hbm>>) target(%dma_start3A_167 : memref<8x125xi32, #tpu.memory_space<vmem>>) target_semaphore(%arg11 : memref<!tpu.dma_semaphore, #tpu.memory_space<semaphore_mem>>)
      %dma_start3A_172 = arith.constant 0 : i32
      %dma_start3A_173 = arith.constant 0 : i32
      %dma_start3A_174 = arith.constant 1 : i32
      %dma_start3A_175 = arith.constant 0 : i32
      %dma_start3A_176 = tpu.memref_slice %arg5[%dma_start3A_172, %dma_start3A_173, %dma_start3A_174, %dma_start3A_175] : memref<2x2x8x125xi32, #tpu.memory_space<vmem>> -> memref<1x1x1x125xi32, #tpu.memory_space<vmem>>
      %dma_start3A_177 = tpu.memref_squeeze %dma_start3A_176 : memref<1x1x1x125xi32, #tpu.memory_space<vmem>> -> memref<125xi32, #tpu.memory_space<vmem>>
      %dma_start3A_178 = arith.constant 0 : i32
      %dma_start3A_179 = arith.constant 0 : i32
      %dma_start3A_180 = tpu.memref_slice %arg2[%dma_start3A_178, %dma_start3A_179] : memref<10000x128xf32, #tpu.memory_space<hbm>> -> memref<10000x128xf32, #tpu.memory_space<hbm>>
      tpu.enqueue_indirect_dma source(%dma_start3A_180 : memref<10000x128xf32, #tpu.memory_space<hbm>>) target(%arg7 : memref<125x128xf32, #tpu.memory_space<vmem>>) offsets(%dma_start3A_177 : memref<125xi32, #tpu.memory_space<vmem>>) semaphore(%arg10 : memref<!tpu.dma_semaphore, #tpu.memory_space<semaphore_mem>>)
      %dma_wait3A_181 = arith.constant 0 : i32
      %dma_wait3A_182 = arith.constant 0 : i32
      %dma_wait3A_183 = arith.constant 0 : i32
      %dma_wait3A_184 = arith.constant 0 : i32
      %dma_wait3A_185 = tpu.memref_slice %arg5[%dma_wait3A_181, %dma_wait3A_182, %dma_wait3A_183, %dma_wait3A_184] : memref<2x2x8x125xi32, #tpu.memory_space<vmem>> -> memref<1x1x1x125xi32, #tpu.memory_space<vmem>>
      %dma_wait3A_186 = tpu.memref_squeeze %dma_wait3A_185 : memref<1x1x1x125xi32, #tpu.memory_space<vmem>> -> memref<125xi32, #tpu.memory_space<vmem>>
      %dma_wait3A_187 = arith.constant 0 : i32
      %dma_wait3A_188 = arith.constant 0 : i32
      %dma_wait3A_189 = tpu.memref_slice %arg2[%dma_wait3A_187, %dma_wait3A_188] : memref<10000x128xf32, #tpu.memory_space<hbm>> -> memref<10000x128xf32, #tpu.memory_space<hbm>>
      tpu.wait_indirect_dma semaphore(%arg9 : memref<!tpu.dma_semaphore, #tpu.memory_space<semaphore_mem>>) src(%dma_wait3A_189 : memref<10000x128xf32, #tpu.memory_space<hbm>>) dst(%arg6 : memref<125x128xf32, #tpu.memory_space<vmem>>)
      %run_scoped3A = arith.constant 0 : i32
      %run_scoped3A_190 = arith.constant 1 : i32
      %run_scoped3A_191 = arith.constant 0 : i32
      "tpu.region"() ({
        %run_scoped3A_549 = tpu.sem_alloc : memref<!tpu.dma_semaphore, #tpu.memory_space<semaphore_mem>>
        %dma_start3A_550 = arith.constant 0 : i32
        %dma_start3A_551 = tpu.memref_slice %arg5[%run_scoped3A, %run_scoped3A_190, %run_scoped3A_191, %dma_start3A_550] : memref<2x2x8x125xi32, #tpu.memory_space<vmem>> -> memref<1x1x1x125xi32, #tpu.memory_space<vmem>>
        %dma_start3A_552 = tpu.memref_squeeze %dma_start3A_551 : memref<1x1x1x125xi32, #tpu.memory_space<vmem>> -> memref<125xi32, #tpu.memory_space<vmem>>
        %dma_start3A_553 = arith.constant 0 : i32
        %dma_start3A_554 = arith.constant 0 : i32
        %dma_start3A_555 = tpu.memref_slice %arg8[%dma_start3A_553, %dma_start3A_554] : memref<10240x128xf32, #tpu.memory_space<vmem_shared>> -> memref<10240x128xf32, #tpu.memory_space<vmem_shared>>
        tpu.enqueue_indirect_dma source(%arg6 : memref<125x128xf32, #tpu.memory_space<vmem>>) target(%dma_start3A_555 : memref<10240x128xf32, #tpu.memory_space<vmem_shared>>) offsets(%dma_start3A_552 : memref<125xi32, #tpu.memory_space<vmem>>) semaphore(%run_scoped3A_549 : memref<!tpu.dma_semaphore, #tpu.memory_space<semaphore_mem>>) {add = true}
        %dma_wait3A_556 = arith.constant 0 : i32
        %dma_wait3A_557 = tpu.memref_slice %arg5[%run_scoped3A, %run_scoped3A_190, %run_scoped3A_191, %dma_wait3A_556] : memref<2x2x8x125xi32, #tpu.memory_space<vmem>> -> memref<1x1x1x125xi32, #tpu.memory_space<vmem>>
        %dma_wait3A_558 = tpu.memref_squeeze %dma_wait3A_557 : memref<1x1x1x125xi32, #tpu.memory_space<vmem>> -> memref<125xi32, #tpu.memory_space<vmem>>
        %dma_wait3A_559 = arith.constant 0 : i32
        %dma_wait3A_560 = arith.constant 0 : i32
        %dma_wait3A_561 = tpu.memref_slice %arg8[%dma_wait3A_559, %dma_wait3A_560] : memref<10240x128xf32, #tpu.memory_space<vmem_shared>> -> memref<10240x128xf32, #tpu.memory_space<vmem_shared>>
        tpu.wait_indirect_dma semaphore(%run_scoped3A_549 : memref<!tpu.dma_semaphore, #tpu.memory_space<semaphore_mem>>) src(%arg6 : memref<125x128xf32, #tpu.memory_space<vmem>>) dst(%dma_wait3A_561 : memref<10240x128xf32, #tpu.memory_space<vmem_shared>>)
        tpu.yield
      }) : () -> ()
      %dma_start3A_192 = arith.constant 0 : i32
      %dma_start3A_193 = arith.constant 0 : i32
      %dma_start3A_194 = arith.constant 2 : i32
      %dma_start3A_195 = arith.constant 0 : i32
      %dma_start3A_196 = tpu.memref_slice %arg5[%dma_start3A_192, %dma_start3A_193, %dma_start3A_194, %dma_start3A_195] : memref<2x2x8x125xi32, #tpu.memory_space<vmem>> -> memref<1x1x1x125xi32, #tpu.memory_space<vmem>>
      %dma_start3A_197 = tpu.memref_squeeze %dma_start3A_196 : memref<1x1x1x125xi32, #tpu.memory_space<vmem>> -> memref<125xi32, #tpu.memory_space<vmem>>
      %dma_start3A_198 = arith.constant 0 : i32
      %dma_start3A_199 = arith.constant 0 : i32
      %dma_start3A_200 = tpu.memref_slice %arg2[%dma_start3A_198, %dma_start3A_199] : memref<10000x128xf32, #tpu.memory_space<hbm>> -> memref<10000x128xf32, #tpu.memory_space<hbm>>
      tpu.enqueue_indirect_dma source(%dma_start3A_200 : memref<10000x128xf32, #tpu.memory_space<hbm>>) target(%arg6 : memref<125x128xf32, #tpu.memory_space<vmem>>) offsets(%dma_start3A_197 : memref<125xi32, #tpu.memory_space<vmem>>) semaphore(%arg9 : memref<!tpu.dma_semaphore, #tpu.memory_space<semaphore_mem>>)
      %dma_wait3A_201 = arith.constant 0 : i32
      %dma_wait3A_202 = arith.constant 0 : i32
      %dma_wait3A_203 = arith.constant 0 : i32
      %dma_wait3A_204 = arith.constant 0 : i32
      %dma_wait3A_205 = tpu.memref_slice %arg5[%dma_wait3A_201, %dma_wait3A_202, %dma_wait3A_203, %dma_wait3A_204] : memref<2x2x8x125xi32, #tpu.memory_space<vmem>> -> memref<1x1x1x125xi32, #tpu.memory_space<vmem>>
      %dma_wait3A_206 = tpu.memref_squeeze %dma_wait3A_205 : memref<1x1x1x125xi32, #tpu.memory_space<vmem>> -> memref<125xi32, #tpu.memory_space<vmem>>
      %dma_wait3A_207 = arith.constant 0 : i32
      %dma_wait3A_208 = arith.constant 0 : i32
      %dma_wait3A_209 = tpu.memref_slice %arg2[%dma_wait3A_207, %dma_wait3A_208] : memref<10000x128xf32, #tpu.memory_space<hbm>> -> memref<10000x128xf32, #tpu.memory_space<hbm>>
      tpu.wait_indirect_dma semaphore(%arg10 : memref<!tpu.dma_semaphore, #tpu.memory_space<semaphore_mem>>) src(%dma_wait3A_209 : memref<10000x128xf32, #tpu.memory_space<hbm>>) dst(%arg7 : memref<125x128xf32, #tpu.memory_space<vmem>>)
      %run_scoped3A_210 = arith.constant 0 : i32
      %run_scoped3A_211 = arith.constant 1 : i32
      %run_scoped3A_212 = arith.constant 1 : i32
      "tpu.region"() ({
        %run_scoped3A_549 = tpu.sem_alloc : memref<!tpu.dma_semaphore, #tpu.memory_space<semaphore_mem>>
        %dma_start3A_550 = arith.constant 0 : i32
        %dma_start3A_551 = tpu.memref_slice %arg5[%run_scoped3A_210, %run_scoped3A_211, %run_scoped3A_212, %dma_start3A_550] : memref<2x2x8x125xi32, #tpu.memory_space<vmem>> -> memref<1x1x1x125xi32, #tpu.memory_space<vmem>>
        %dma_start3A_552 = tpu.memref_squeeze %dma_start3A_551 : memref<1x1x1x125xi32, #tpu.memory_space<vmem>> -> memref<125xi32, #tpu.memory_space<vmem>>
        %dma_start3A_553 = arith.constant 0 : i32
        %dma_start3A_554 = arith.constant 0 : i32
        %dma_start3A_555 = tpu.memref_slice %arg8[%dma_start3A_553, %dma_start3A_554] : memref<10240x128xf32, #tpu.memory_space<vmem_shared>> -> memref<10240x128xf32, #tpu.memory_space<vmem_shared>>
        tpu.enqueue_indirect_dma source(%arg7 : memref<125x128xf32, #tpu.memory_space<vmem>>) target(%dma_start3A_555 : memref<10240x128xf32, #tpu.memory_space<vmem_shared>>) offsets(%dma_start3A_552 : memref<125xi32, #tpu.memory_space<vmem>>) semaphore(%run_scoped3A_549 : memref<!tpu.dma_semaphore, #tpu.memory_space<semaphore_mem>>) {add = true}
        %dma_wait3A_556 = arith.constant 0 : i32
        %dma_wait3A_557 = tpu.memref_slice %arg5[%run_scoped3A_210, %run_scoped3A_211, %run_scoped3A_212, %dma_wait3A_556] : memref<2x2x8x125xi32, #tpu.memory_space<vmem>> -> memref<1x1x1x125xi32, #tpu.memory_space<vmem>>
        %dma_wait3A_558 = tpu.memref_squeeze %dma_wait3A_557 : memref<1x1x1x125xi32, #tpu.memory_space<vmem>> -> memref<125xi32, #tpu.memory_space<vmem>>
        %dma_wait3A_559 = arith.constant 0 : i32
        %dma_wait3A_560 = arith.constant 0 : i32
        %dma_wait3A_561 = tpu.memref_slice %arg8[%dma_wait3A_559, %dma_wait3A_560] : memref<10240x128xf32, #tpu.memory_space<vmem_shared>> -> memref<10240x128xf32, #tpu.memory_space<vmem_shared>>
        tpu.wait_indirect_dma semaphore(%run_scoped3A_549 : memref<!tpu.dma_semaphore, #tpu.memory_space<semaphore_mem>>) src(%arg7 : memref<125x128xf32, #tpu.memory_space<vmem>>) dst(%dma_wait3A_561 : memref<10240x128xf32, #tpu.memory_space<vmem_shared>>)
        tpu.yield
      }) : () -> ()
      %dma_start3A_213 = arith.constant 0 : i32
      %dma_start3A_214 = arith.constant 0 : i32
      %dma_start3A_215 = arith.constant 3 : i32
      %dma_start3A_216 = arith.constant 0 : i32
      %dma_start3A_217 = tpu.memref_slice %arg5[%dma_start3A_213, %dma_start3A_214, %dma_start3A_215, %dma_start3A_216] : memref<2x2x8x125xi32, #tpu.memory_space<vmem>> -> memref<1x1x1x125xi32, #tpu.memory_space<vmem>>
      %dma_start3A_218 = tpu.memref_squeeze %dma_start3A_217 : memref<1x1x1x125xi32, #tpu.memory_space<vmem>> -> memref<125xi32, #tpu.memory_space<vmem>>
      %dma_start3A_219 = arith.constant 0 : i32
      %dma_start3A_220 = arith.constant 0 : i32
      %dma_start3A_221 = tpu.memref_slice %arg2[%dma_start3A_219, %dma_start3A_220] : memref<10000x128xf32, #tpu.memory_space<hbm>> -> memref<10000x128xf32, #tpu.memory_space<hbm>>
      tpu.enqueue_indirect_dma source(%dma_start3A_221 : memref<10000x128xf32, #tpu.memory_space<hbm>>) target(%arg7 : memref<125x128xf32, #tpu.memory_space<vmem>>) offsets(%dma_start3A_218 : memref<125xi32, #tpu.memory_space<vmem>>) semaphore(%arg10 : memref<!tpu.dma_semaphore, #tpu.memory_space<semaphore_mem>>)
      %dma_wait3A_222 = arith.constant 0 : i32
      %dma_wait3A_223 = arith.constant 0 : i32
      %dma_wait3A_224 = arith.constant 0 : i32
      %dma_wait3A_225 = arith.constant 0 : i32
      %dma_wait3A_226 = tpu.memref_slice %arg5[%dma_wait3A_222, %dma_wait3A_223, %dma_wait3A_224, %dma_wait3A_225] : memref<2x2x8x125xi32, #tpu.memory_space<vmem>> -> memref<1x1x1x125xi32, #tpu.memory_space<vmem>>
      %dma_wait3A_227 = tpu.memref_squeeze %dma_wait3A_226 : memref<1x1x1x125xi32, #tpu.memory_space<vmem>> -> memref<125xi32, #tpu.memory_space<vmem>>
      %dma_wait3A_228 = arith.constant 0 : i32
      %dma_wait3A_229 = arith.constant 0 : i32
      %dma_wait3A_230 = tpu.memref_slice %arg2[%dma_wait3A_228, %dma_wait3A_229] : memref<10000x128xf32, #tpu.memory_space<hbm>> -> memref<10000x128xf32, #tpu.memory_space<hbm>>
      tpu.wait_indirect_dma semaphore(%arg9 : memref<!tpu.dma_semaphore, #tpu.memory_space<semaphore_mem>>) src(%dma_wait3A_230 : memref<10000x128xf32, #tpu.memory_space<hbm>>) dst(%arg6 : memref<125x128xf32, #tpu.memory_space<vmem>>)
      %run_scoped3A_231 = arith.constant 0 : i32
      %run_scoped3A_232 = arith.constant 1 : i32
      %run_scoped3A_233 = arith.constant 2 : i32
      "tpu.region"() ({
        %run_scoped3A_549 = tpu.sem_alloc : memref<!tpu.dma_semaphore, #tpu.memory_space<semaphore_mem>>
        %dma_start3A_550 = arith.constant 0 : i32
        %dma_start3A_551 = tpu.memref_slice %arg5[%run_scoped3A_231, %run_scoped3A_232, %run_scoped3A_233, %dma_start3A_550] : memref<2x2x8x125xi32, #tpu.memory_space<vmem>> -> memref<1x1x1x125xi32, #tpu.memory_space<vmem>>
        %dma_start3A_552 = tpu.memref_squeeze %dma_start3A_551 : memref<1x1x1x125xi32, #tpu.memory_space<vmem>> -> memref<125xi32, #tpu.memory_space<vmem>>
        %dma_start3A_553 = arith.constant 0 : i32
        %dma_start3A_554 = arith.constant 0 : i32
        %dma_start3A_555 = tpu.memref_slice %arg8[%dma_start3A_553, %dma_start3A_554] : memref<10240x128xf32, #tpu.memory_space<vmem_shared>> -> memref<10240x128xf32, #tpu.memory_space<vmem_shared>>
        tpu.enqueue_indirect_dma source(%arg6 : memref<125x128xf32, #tpu.memory_space<vmem>>) target(%dma_start3A_555 : memref<10240x128xf32, #tpu.memory_space<vmem_shared>>) offsets(%dma_start3A_552 : memref<125xi32, #tpu.memory_space<vmem>>) semaphore(%run_scoped3A_549 : memref<!tpu.dma_semaphore, #tpu.memory_space<semaphore_mem>>) {add = true}
        %dma_wait3A_556 = arith.constant 0 : i32
        %dma_wait3A_557 = tpu.memref_slice %arg5[%run_scoped3A_231, %run_scoped3A_232, %run_scoped3A_233, %dma_wait3A_556] : memref<2x2x8x125xi32, #tpu.memory_space<vmem>> -> memref<1x1x1x125xi32, #tpu.memory_space<vmem>>
        %dma_wait3A_558 = tpu.memref_squeeze %dma_wait3A_557 : memref<1x1x1x125xi32, #tpu.memory_space<vmem>> -> memref<125xi32, #tpu.memory_space<vmem>>
        %dma_wait3A_559 = arith.constant 0 : i32
        %dma_wait3A_560 = arith.constant 0 : i32
        %dma_wait3A_561 = tpu.memref_slice %arg8[%dma_wait3A_559, %dma_wait3A_560] : memref<10240x128xf32, #tpu.memory_space<vmem_shared>> -> memref<10240x128xf32, #tpu.memory_space<vmem_shared>>
        tpu.wait_indirect_dma semaphore(%run_scoped3A_549 : memref<!tpu.dma_semaphore, #tpu.memory_space<semaphore_mem>>) src(%arg6 : memref<125x128xf32, #tpu.memory_space<vmem>>) dst(%dma_wait3A_561 : memref<10240x128xf32, #tpu.memory_space<vmem_shared>>)
        tpu.yield
      }) : () -> ()
      %dma_start3A_234 = arith.constant 0 : i32
      %dma_start3A_235 = arith.constant 0 : i32
      %dma_start3A_236 = arith.constant 4 : i32
      %dma_start3A_237 = arith.constant 0 : i32
      %dma_start3A_238 = tpu.memref_slice %arg5[%dma_start3A_234, %dma_start3A_235, %dma_start3A_236, %dma_start3A_237] : memref<2x2x8x125xi32, #tpu.memory_space<vmem>> -> memref<1x1x1x125xi32, #tpu.memory_space<vmem>>
      %dma_start3A_239 = tpu.memref_squeeze %dma_start3A_238 : memref<1x1x1x125xi32, #tpu.memory_space<vmem>> -> memref<125xi32, #tpu.memory_space<vmem>>
      %dma_start3A_240 = arith.constant 0 : i32
      %dma_start3A_241 = arith.constant 0 : i32
      %dma_start3A_242 = tpu.memref_slice %arg2[%dma_start3A_240, %dma_start3A_241] : memref<10000x128xf32, #tpu.memory_space<hbm>> -> memref<10000x128xf32, #tpu.memory_space<hbm>>
      tpu.enqueue_indirect_dma source(%dma_start3A_242 : memref<10000x128xf32, #tpu.memory_space<hbm>>) target(%arg6 : memref<125x128xf32, #tpu.memory_space<vmem>>) offsets(%dma_start3A_239 : memref<125xi32, #tpu.memory_space<vmem>>) semaphore(%arg9 : memref<!tpu.dma_semaphore, #tpu.memory_space<semaphore_mem>>)
      %dma_wait3A_243 = arith.constant 0 : i32
      %dma_wait3A_244 = arith.constant 0 : i32
      %dma_wait3A_245 = arith.constant 0 : i32
      %dma_wait3A_246 = arith.constant 0 : i32
      %dma_wait3A_247 = tpu.memref_slice %arg5[%dma_wait3A_243, %dma_wait3A_244, %dma_wait3A_245, %dma_wait3A_246] : memref<2x2x8x125xi32, #tpu.memory_space<vmem>> -> memref<1x1x1x125xi32, #tpu.memory_space<vmem>>
      %dma_wait3A_248 = tpu.memref_squeeze %dma_wait3A_247 : memref<1x1x1x125xi32, #tpu.memory_space<vmem>> -> memref<125xi32, #tpu.memory_space<vmem>>
      %dma_wait3A_249 = arith.constant 0 : i32
      %dma_wait3A_250 = arith.constant 0 : i32
      %dma_wait3A_251 = tpu.memref_slice %arg2[%dma_wait3A_249, %dma_wait3A_250] : memref<10000x128xf32, #tpu.memory_space<hbm>> -> memref<10000x128xf32, #tpu.memory_space<hbm>>
      tpu.wait_indirect_dma semaphore(%arg10 : memref<!tpu.dma_semaphore, #tpu.memory_space<semaphore_mem>>) src(%dma_wait3A_251 : memref<10000x128xf32, #tpu.memory_space<hbm>>) dst(%arg7 : memref<125x128xf32, #tpu.memory_space<vmem>>)
      %run_scoped3A_252 = arith.constant 0 : i32
      %run_scoped3A_253 = arith.constant 1 : i32
      %run_scoped3A_254 = arith.constant 3 : i32
      "tpu.region"() ({
        %run_scoped3A_549 = tpu.sem_alloc : memref<!tpu.dma_semaphore, #tpu.memory_space<semaphore_mem>>
        %dma_start3A_550 = arith.constant 0 : i32
        %dma_start3A_551 = tpu.memref_slice %arg5[%run_scoped3A_252, %run_scoped3A_253, %run_scoped3A_254, %dma_start3A_550] : memref<2x2x8x125xi32, #tpu.memory_space<vmem>> -> memref<1x1x1x125xi32, #tpu.memory_space<vmem>>
        %dma_start3A_552 = tpu.memref_squeeze %dma_start3A_551 : memref<1x1x1x125xi32, #tpu.memory_space<vmem>> -> memref<125xi32, #tpu.memory_space<vmem>>
        %dma_start3A_553 = arith.constant 0 : i32
        %dma_start3A_554 = arith.constant 0 : i32
        %dma_start3A_555 = tpu.memref_slice %arg8[%dma_start3A_553, %dma_start3A_554] : memref<10240x128xf32, #tpu.memory_space<vmem_shared>> -> memref<10240x128xf32, #tpu.memory_space<vmem_shared>>
        tpu.enqueue_indirect_dma source(%arg7 : memref<125x128xf32, #tpu.memory_space<vmem>>) target(%dma_start3A_555 : memref<10240x128xf32, #tpu.memory_space<vmem_shared>>) offsets(%dma_start3A_552 : memref<125xi32, #tpu.memory_space<vmem>>) semaphore(%run_scoped3A_549 : memref<!tpu.dma_semaphore, #tpu.memory_space<semaphore_mem>>) {add = true}
        %dma_wait3A_556 = arith.constant 0 : i32
        %dma_wait3A_557 = tpu.memref_slice %arg5[%run_scoped3A_252, %run_scoped3A_253, %run_scoped3A_254, %dma_wait3A_556] : memref<2x2x8x125xi32, #tpu.memory_space<vmem>> -> memref<1x1x1x125xi32, #tpu.memory_space<vmem>>
        %dma_wait3A_558 = tpu.memref_squeeze %dma_wait3A_557 : memref<1x1x1x125xi32, #tpu.memory_space<vmem>> -> memref<125xi32, #tpu.memory_space<vmem>>
        %dma_wait3A_559 = arith.constant 0 : i32
        %dma_wait3A_560 = arith.constant 0 : i32
        %dma_wait3A_561 = tpu.memref_slice %arg8[%dma_wait3A_559, %dma_wait3A_560] : memref<10240x128xf32, #tpu.memory_space<vmem_shared>> -> memref<10240x128xf32, #tpu.memory_space<vmem_shared>>
        tpu.wait_indirect_dma semaphore(%run_scoped3A_549 : memref<!tpu.dma_semaphore, #tpu.memory_space<semaphore_mem>>) src(%arg7 : memref<125x128xf32, #tpu.memory_space<vmem>>) dst(%dma_wait3A_561 : memref<10240x128xf32, #tpu.memory_space<vmem_shared>>)
        tpu.yield
      }) : () -> ()
      %dma_start3A_255 = arith.constant 0 : i32
      %dma_start3A_256 = arith.constant 0 : i32
      %dma_start3A_257 = arith.constant 5 : i32
      %dma_start3A_258 = arith.constant 0 : i32
      %dma_start3A_259 = tpu.memref_slice %arg5[%dma_start3A_255, %dma_start3A_256, %dma_start3A_257, %dma_start3A_258] : memref<2x2x8x125xi32, #tpu.memory_space<vmem>> -> memref<1x1x1x125xi32, #tpu.memory_space<vmem>>
      %dma_start3A_260 = tpu.memref_squeeze %dma_start3A_259 : memref<1x1x1x125xi32, #tpu.memory_space<vmem>> -> memref<125xi32, #tpu.memory_space<vmem>>
      %dma_start3A_261 = arith.constant 0 : i32
      %dma_start3A_262 = arith.constant 0 : i32
      %dma_start3A_263 = tpu.memref_slice %arg2[%dma_start3A_261, %dma_start3A_262] : memref<10000x128xf32, #tpu.memory_space<hbm>> -> memref<10000x128xf32, #tpu.memory_space<hbm>>
      tpu.enqueue_indirect_dma source(%dma_start3A_263 : memref<10000x128xf32, #tpu.memory_space<hbm>>) target(%arg7 : memref<125x128xf32, #tpu.memory_space<vmem>>) offsets(%dma_start3A_260 : memref<125xi32, #tpu.memory_space<vmem>>) semaphore(%arg10 : memref<!tpu.dma_semaphore, #tpu.memory_space<semaphore_mem>>)
      %dma_wait3A_264 = arith.constant 0 : i32
      %dma_wait3A_265 = arith.constant 0 : i32
      %dma_wait3A_266 = arith.constant 0 : i32
      %dma_wait3A_267 = arith.constant 0 : i32
      %dma_wait3A_268 = tpu.memref_slice %arg5[%dma_wait3A_264, %dma_wait3A_265, %dma_wait3A_266, %dma_wait3A_267] : memref<2x2x8x125xi32, #tpu.memory_space<vmem>> -> memref<1x1x1x125xi32, #tpu.memory_space<vmem>>
      %dma_wait3A_269 = tpu.memref_squeeze %dma_wait3A_268 : memref<1x1x1x125xi32, #tpu.memory_space<vmem>> -> memref<125xi32, #tpu.memory_space<vmem>>
      %dma_wait3A_270 = arith.constant 0 : i32
      %dma_wait3A_271 = arith.constant 0 : i32
      %dma_wait3A_272 = tpu.memref_slice %arg2[%dma_wait3A_270, %dma_wait3A_271] : memref<10000x128xf32, #tpu.memory_space<hbm>> -> memref<10000x128xf32, #tpu.memory_space<hbm>>
      tpu.wait_indirect_dma semaphore(%arg9 : memref<!tpu.dma_semaphore, #tpu.memory_space<semaphore_mem>>) src(%dma_wait3A_272 : memref<10000x128xf32, #tpu.memory_space<hbm>>) dst(%arg6 : memref<125x128xf32, #tpu.memory_space<vmem>>)
      %run_scoped3A_273 = arith.constant 0 : i32
      %run_scoped3A_274 = arith.constant 1 : i32
      %run_scoped3A_275 = arith.constant 4 : i32
      "tpu.region"() ({
        %run_scoped3A_549 = tpu.sem_alloc : memref<!tpu.dma_semaphore, #tpu.memory_space<semaphore_mem>>
        %dma_start3A_550 = arith.constant 0 : i32
        %dma_start3A_551 = tpu.memref_slice %arg5[%run_scoped3A_273, %run_scoped3A_274, %run_scoped3A_275, %dma_start3A_550] : memref<2x2x8x125xi32, #tpu.memory_space<vmem>> -> memref<1x1x1x125xi32, #tpu.memory_space<vmem>>
        %dma_start3A_552 = tpu.memref_squeeze %dma_start3A_551 : memref<1x1x1x125xi32, #tpu.memory_space<vmem>> -> memref<125xi32, #tpu.memory_space<vmem>>
        %dma_start3A_553 = arith.constant 0 : i32
        %dma_start3A_554 = arith.constant 0 : i32
        %dma_start3A_555 = tpu.memref_slice %arg8[%dma_start3A_553, %dma_start3A_554] : memref<10240x128xf32, #tpu.memory_space<vmem_shared>> -> memref<10240x128xf32, #tpu.memory_space<vmem_shared>>
        tpu.enqueue_indirect_dma source(%arg6 : memref<125x128xf32, #tpu.memory_space<vmem>>) target(%dma_start3A_555 : memref<10240x128xf32, #tpu.memory_space<vmem_shared>>) offsets(%dma_start3A_552 : memref<125xi32, #tpu.memory_space<vmem>>) semaphore(%run_scoped3A_549 : memref<!tpu.dma_semaphore, #tpu.memory_space<semaphore_mem>>) {add = true}
        %dma_wait3A_556 = arith.constant 0 : i32
        %dma_wait3A_557 = tpu.memref_slice %arg5[%run_scoped3A_273, %run_scoped3A_274, %run_scoped3A_275, %dma_wait3A_556] : memref<2x2x8x125xi32, #tpu.memory_space<vmem>> -> memref<1x1x1x125xi32, #tpu.memory_space<vmem>>
        %dma_wait3A_558 = tpu.memref_squeeze %dma_wait3A_557 : memref<1x1x1x125xi32, #tpu.memory_space<vmem>> -> memref<125xi32, #tpu.memory_space<vmem>>
        %dma_wait3A_559 = arith.constant 0 : i32
        %dma_wait3A_560 = arith.constant 0 : i32
        %dma_wait3A_561 = tpu.memref_slice %arg8[%dma_wait3A_559, %dma_wait3A_560] : memref<10240x128xf32, #tpu.memory_space<vmem_shared>> -> memref<10240x128xf32, #tpu.memory_space<vmem_shared>>
        tpu.wait_indirect_dma semaphore(%run_scoped3A_549 : memref<!tpu.dma_semaphore, #tpu.memory_space<semaphore_mem>>) src(%arg6 : memref<125x128xf32, #tpu.memory_space<vmem>>) dst(%dma_wait3A_561 : memref<10240x128xf32, #tpu.memory_space<vmem_shared>>)
        tpu.yield
      }) : () -> ()
      %dma_start3A_276 = arith.constant 0 : i32
      %dma_start3A_277 = arith.constant 0 : i32
      %dma_start3A_278 = arith.constant 6 : i32
      %dma_start3A_279 = arith.constant 0 : i32
      %dma_start3A_280 = tpu.memref_slice %arg5[%dma_start3A_276, %dma_start3A_277, %dma_start3A_278, %dma_start3A_279] : memref<2x2x8x125xi32, #tpu.memory_space<vmem>> -> memref<1x1x1x125xi32, #tpu.memory_space<vmem>>
      %dma_start3A_281 = tpu.memref_squeeze %dma_start3A_280 : memref<1x1x1x125xi32, #tpu.memory_space<vmem>> -> memref<125xi32, #tpu.memory_space<vmem>>
      %dma_start3A_282 = arith.constant 0 : i32
      %dma_start3A_283 = arith.constant 0 : i32
      %dma_start3A_284 = tpu.memref_slice %arg2[%dma_start3A_282, %dma_start3A_283] : memref<10000x128xf32, #tpu.memory_space<hbm>> -> memref<10000x128xf32, #tpu.memory_space<hbm>>
      tpu.enqueue_indirect_dma source(%dma_start3A_284 : memref<10000x128xf32, #tpu.memory_space<hbm>>) target(%arg6 : memref<125x128xf32, #tpu.memory_space<vmem>>) offsets(%dma_start3A_281 : memref<125xi32, #tpu.memory_space<vmem>>) semaphore(%arg9 : memref<!tpu.dma_semaphore, #tpu.memory_space<semaphore_mem>>)
      %dma_wait3A_285 = arith.constant 0 : i32
      %dma_wait3A_286 = arith.constant 0 : i32
      %dma_wait3A_287 = arith.constant 0 : i32
      %dma_wait3A_288 = arith.constant 0 : i32
      %dma_wait3A_289 = tpu.memref_slice %arg5[%dma_wait3A_285, %dma_wait3A_286, %dma_wait3A_287, %dma_wait3A_288] : memref<2x2x8x125xi32, #tpu.memory_space<vmem>> -> memref<1x1x1x125xi32, #tpu.memory_space<vmem>>
      %dma_wait3A_290 = tpu.memref_squeeze %dma_wait3A_289 : memref<1x1x1x125xi32, #tpu.memory_space<vmem>> -> memref<125xi32, #tpu.memory_space<vmem>>
      %dma_wait3A_291 = arith.constant 0 : i32
      %dma_wait3A_292 = arith.constant 0 : i32
      %dma_wait3A_293 = tpu.memref_slice %arg2[%dma_wait3A_291, %dma_wait3A_292] : memref<10000x128xf32, #tpu.memory_space<hbm>> -> memref<10000x128xf32, #tpu.memory_space<hbm>>
      tpu.wait_indirect_dma semaphore(%arg10 : memref<!tpu.dma_semaphore, #tpu.memory_space<semaphore_mem>>) src(%dma_wait3A_293 : memref<10000x128xf32, #tpu.memory_space<hbm>>) dst(%arg7 : memref<125x128xf32, #tpu.memory_space<vmem>>)
      %run_scoped3A_294 = arith.constant 0 : i32
      %run_scoped3A_295 = arith.constant 1 : i32
      %run_scoped3A_296 = arith.constant 5 : i32
      "tpu.region"() ({
        %run_scoped3A_549 = tpu.sem_alloc : memref<!tpu.dma_semaphore, #tpu.memory_space<semaphore_mem>>
        %dma_start3A_550 = arith.constant 0 : i32
        %dma_start3A_551 = tpu.memref_slice %arg5[%run_scoped3A_294, %run_scoped3A_295, %run_scoped3A_296, %dma_start3A_550] : memref<2x2x8x125xi32, #tpu.memory_space<vmem>> -> memref<1x1x1x125xi32, #tpu.memory_space<vmem>>
        %dma_start3A_552 = tpu.memref_squeeze %dma_start3A_551 : memref<1x1x1x125xi32, #tpu.memory_space<vmem>> -> memref<125xi32, #tpu.memory_space<vmem>>
        %dma_start3A_553 = arith.constant 0 : i32
        %dma_start3A_554 = arith.constant 0 : i32
        %dma_start3A_555 = tpu.memref_slice %arg8[%dma_start3A_553, %dma_start3A_554] : memref<10240x128xf32, #tpu.memory_space<vmem_shared>> -> memref<10240x128xf32, #tpu.memory_space<vmem_shared>>
        tpu.enqueue_indirect_dma source(%arg7 : memref<125x128xf32, #tpu.memory_space<vmem>>) target(%dma_start3A_555 : memref<10240x128xf32, #tpu.memory_space<vmem_shared>>) offsets(%dma_start3A_552 : memref<125xi32, #tpu.memory_space<vmem>>) semaphore(%run_scoped3A_549 : memref<!tpu.dma_semaphore, #tpu.memory_space<semaphore_mem>>) {add = true}
        %dma_wait3A_556 = arith.constant 0 : i32
        %dma_wait3A_557 = tpu.memref_slice %arg5[%run_scoped3A_294, %run_scoped3A_295, %run_scoped3A_296, %dma_wait3A_556] : memref<2x2x8x125xi32, #tpu.memory_space<vmem>> -> memref<1x1x1x125xi32, #tpu.memory_space<vmem>>
        %dma_wait3A_558 = tpu.memref_squeeze %dma_wait3A_557 : memref<1x1x1x125xi32, #tpu.memory_space<vmem>> -> memref<125xi32, #tpu.memory_space<vmem>>
        %dma_wait3A_559 = arith.constant 0 : i32
        %dma_wait3A_560 = arith.constant 0 : i32
        %dma_wait3A_561 = tpu.memref_slice %arg8[%dma_wait3A_559, %dma_wait3A_560] : memref<10240x128xf32, #tpu.memory_space<vmem_shared>> -> memref<10240x128xf32, #tpu.memory_space<vmem_shared>>
        tpu.wait_indirect_dma semaphore(%run_scoped3A_549 : memref<!tpu.dma_semaphore, #tpu.memory_space<semaphore_mem>>) src(%arg7 : memref<125x128xf32, #tpu.memory_space<vmem>>) dst(%dma_wait3A_561 : memref<10240x128xf32, #tpu.memory_space<vmem_shared>>)
        tpu.yield
      }) : () -> ()
      %dma_start3A_297 = arith.constant 0 : i32
      %dma_start3A_298 = arith.constant 0 : i32
      %dma_start3A_299 = arith.constant 7 : i32
      %dma_start3A_300 = arith.constant 0 : i32
      %dma_start3A_301 = tpu.memref_slice %arg5[%dma_start3A_297, %dma_start3A_298, %dma_start3A_299, %dma_start3A_300] : memref<2x2x8x125xi32, #tpu.memory_space<vmem>> -> memref<1x1x1x125xi32, #tpu.memory_space<vmem>>
      %dma_start3A_302 = tpu.memref_squeeze %dma_start3A_301 : memref<1x1x1x125xi32, #tpu.memory_space<vmem>> -> memref<125xi32, #tpu.memory_space<vmem>>
      %dma_start3A_303 = arith.constant 0 : i32
      %dma_start3A_304 = arith.constant 0 : i32
      %dma_start3A_305 = tpu.memref_slice %arg2[%dma_start3A_303, %dma_start3A_304] : memref<10000x128xf32, #tpu.memory_space<hbm>> -> memref<10000x128xf32, #tpu.memory_space<hbm>>
      tpu.enqueue_indirect_dma source(%dma_start3A_305 : memref<10000x128xf32, #tpu.memory_space<hbm>>) target(%arg7 : memref<125x128xf32, #tpu.memory_space<vmem>>) offsets(%dma_start3A_302 : memref<125xi32, #tpu.memory_space<vmem>>) semaphore(%arg10 : memref<!tpu.dma_semaphore, #tpu.memory_space<semaphore_mem>>)
      %dma_wait3A_306 = arith.constant 0 : i32
      %dma_wait3A_307 = arith.constant 0 : i32
      %dma_wait3A_308 = arith.constant 0 : i32
      %dma_wait3A_309 = arith.constant 0 : i32
      %dma_wait3A_310 = tpu.memref_slice %arg5[%dma_wait3A_306, %dma_wait3A_307, %dma_wait3A_308, %dma_wait3A_309] : memref<2x2x8x125xi32, #tpu.memory_space<vmem>> -> memref<1x1x1x125xi32, #tpu.memory_space<vmem>>
      %dma_wait3A_311 = tpu.memref_squeeze %dma_wait3A_310 : memref<1x1x1x125xi32, #tpu.memory_space<vmem>> -> memref<125xi32, #tpu.memory_space<vmem>>
      %dma_wait3A_312 = arith.constant 0 : i32
      %dma_wait3A_313 = arith.constant 0 : i32
      %dma_wait3A_314 = tpu.memref_slice %arg2[%dma_wait3A_312, %dma_wait3A_313] : memref<10000x128xf32, #tpu.memory_space<hbm>> -> memref<10000x128xf32, #tpu.memory_space<hbm>>
      tpu.wait_indirect_dma semaphore(%arg9 : memref<!tpu.dma_semaphore, #tpu.memory_space<semaphore_mem>>) src(%dma_wait3A_314 : memref<10000x128xf32, #tpu.memory_space<hbm>>) dst(%arg6 : memref<125x128xf32, #tpu.memory_space<vmem>>)
      %run_scoped3A_315 = arith.constant 0 : i32
      %run_scoped3A_316 = arith.constant 1 : i32
      %run_scoped3A_317 = arith.constant 6 : i32
      "tpu.region"() ({
        %run_scoped3A_549 = tpu.sem_alloc : memref<!tpu.dma_semaphore, #tpu.memory_space<semaphore_mem>>
        %dma_start3A_550 = arith.constant 0 : i32
        %dma_start3A_551 = tpu.memref_slice %arg5[%run_scoped3A_315, %run_scoped3A_316, %run_scoped3A_317, %dma_start3A_550] : memref<2x2x8x125xi32, #tpu.memory_space<vmem>> -> memref<1x1x1x125xi32, #tpu.memory_space<vmem>>
        %dma_start3A_552 = tpu.memref_squeeze %dma_start3A_551 : memref<1x1x1x125xi32, #tpu.memory_space<vmem>> -> memref<125xi32, #tpu.memory_space<vmem>>
        %dma_start3A_553 = arith.constant 0 : i32
        %dma_start3A_554 = arith.constant 0 : i32
        %dma_start3A_555 = tpu.memref_slice %arg8[%dma_start3A_553, %dma_start3A_554] : memref<10240x128xf32, #tpu.memory_space<vmem_shared>> -> memref<10240x128xf32, #tpu.memory_space<vmem_shared>>
        tpu.enqueue_indirect_dma source(%arg6 : memref<125x128xf32, #tpu.memory_space<vmem>>) target(%dma_start3A_555 : memref<10240x128xf32, #tpu.memory_space<vmem_shared>>) offsets(%dma_start3A_552 : memref<125xi32, #tpu.memory_space<vmem>>) semaphore(%run_scoped3A_549 : memref<!tpu.dma_semaphore, #tpu.memory_space<semaphore_mem>>) {add = true}
        %dma_wait3A_556 = arith.constant 0 : i32
        %dma_wait3A_557 = tpu.memref_slice %arg5[%run_scoped3A_315, %run_scoped3A_316, %run_scoped3A_317, %dma_wait3A_556] : memref<2x2x8x125xi32, #tpu.memory_space<vmem>> -> memref<1x1x1x125xi32, #tpu.memory_space<vmem>>
        %dma_wait3A_558 = tpu.memref_squeeze %dma_wait3A_557 : memref<1x1x1x125xi32, #tpu.memory_space<vmem>> -> memref<125xi32, #tpu.memory_space<vmem>>
        %dma_wait3A_559 = arith.constant 0 : i32
        %dma_wait3A_560 = arith.constant 0 : i32
        %dma_wait3A_561 = tpu.memref_slice %arg8[%dma_wait3A_559, %dma_wait3A_560] : memref<10240x128xf32, #tpu.memory_space<vmem_shared>> -> memref<10240x128xf32, #tpu.memory_space<vmem_shared>>
        tpu.wait_indirect_dma semaphore(%run_scoped3A_549 : memref<!tpu.dma_semaphore, #tpu.memory_space<semaphore_mem>>) src(%arg6 : memref<125x128xf32, #tpu.memory_space<vmem>>) dst(%dma_wait3A_561 : memref<10240x128xf32, #tpu.memory_space<vmem_shared>>)
        tpu.yield
      }) : () -> ()
      %dma_wait3A_318 = arith.constant 0 : i32
      %dma_wait3A_319 = arith.constant 0 : i32
      %dma_wait3A_320 = arith.constant 0 : i32
      %dma_wait3A_321 = arith.constant 0 : i32
      %dma_wait3A_322 = arith.constant 0 : i32
      %dma_wait3A_323 = arith.constant 0 : i32
      %dma_wait3A_324 = tpu.memref_slice %arg5[%dma_wait3A_320, %dma_wait3A_321, %dma_wait3A_322, %dma_wait3A_323] : memref<2x2x8x125xi32, #tpu.memory_space<vmem>> -> memref<1x1x8x125xi32, #tpu.memory_space<vmem>>
      %dma_wait3A_325 = tpu.memref_squeeze %dma_wait3A_324 : memref<1x1x8x125xi32, #tpu.memory_space<vmem>> -> memref<8x125xi32, #tpu.memory_space<vmem>>
      %dma_wait3A_326 = arith.constant 0 : i32
      %dma_wait3A_327 = arith.constant 0 : i32
      %dma_wait3A_328 = tpu.memref_slice %arg3[%dma_wait3A_318, %add3A, %dma_wait3A_319, %dma_wait3A_326, %dma_wait3A_327] : memref<2x32x10x8x125xi32, #tpu.memory_space<hbm>> -> memref<1x1x1x8x125xi32, #tpu.memory_space<hbm>>
      %dma_wait3A_329 = tpu.memref_squeeze %dma_wait3A_328 : memref<1x1x1x8x125xi32, #tpu.memory_space<hbm>> -> memref<8x125xi32, #tpu.memory_space<hbm>>
      %dma_wait3A_330 = arith.constant 0 : i32
      %dma_wait3A_331 = arith.constant 0 : i32
      %dma_wait3A_332 = tpu.memref_slice %arg5[%dma_wait3A_320, %dma_wait3A_321, %dma_wait3A_330, %dma_wait3A_331] : memref<2x2x8x125xi32, #tpu.memory_space<vmem>> -> memref<1x1x8x125xi32, #tpu.memory_space<vmem>>
      %dma_wait3A_333 = tpu.memref_squeeze %dma_wait3A_332 : memref<1x1x8x125xi32, #tpu.memory_space<vmem>> -> memref<8x125xi32, #tpu.memory_space<vmem>>
      %dma_wait3A_334 = arith.constant 0 : i32
      %dma_wait3A_335 = arith.constant 0 : i32
      %dma_wait3A_336 = tpu.memref_slice %arg3[%dma_wait3A_318, %add3A, %dma_wait3A_319, %dma_wait3A_334, %dma_wait3A_335] : memref<2x32x10x8x125xi32, #tpu.memory_space<hbm>> -> memref<1x1x1x8x125xi32, #tpu.memory_space<hbm>>
      %dma_wait3A_337 = tpu.memref_squeeze %dma_wait3A_336 : memref<1x1x1x8x125xi32, #tpu.memory_space<hbm>> -> memref<8x125xi32, #tpu.memory_space<hbm>>
      tpu.wait_dma2 semaphore(%arg11 : memref<!tpu.dma_semaphore, #tpu.memory_space<semaphore_mem>>) src(%dma_wait3A_337 : memref<8x125xi32, #tpu.memory_space<hbm>>) dst(%dma_wait3A_333 : memref<8x125xi32, #tpu.memory_space<vmem>>)
      %dma_wait3A_338 = arith.constant 0 : i32
      %dma_wait3A_339 = arith.constant 0 : i32
      %dma_wait3A_340 = arith.constant 0 : i32
      %dma_wait3A_341 = arith.constant 0 : i32
      %dma_wait3A_342 = arith.constant 0 : i32
      %dma_wait3A_343 = arith.constant 0 : i32
      %dma_wait3A_344 = tpu.memref_slice %arg5[%dma_wait3A_340, %dma_wait3A_341, %dma_wait3A_342, %dma_wait3A_343] : memref<2x2x8x125xi32, #tpu.memory_space<vmem>> -> memref<1x1x8x125xi32, #tpu.memory_space<vmem>>
      %dma_wait3A_345 = tpu.memref_squeeze %dma_wait3A_344 : memref<1x1x8x125xi32, #tpu.memory_space<vmem>> -> memref<8x125xi32, #tpu.memory_space<vmem>>
      %dma_wait3A_346 = arith.constant 0 : i32
      %dma_wait3A_347 = arith.constant 0 : i32
      %dma_wait3A_348 = tpu.memref_slice %arg3[%dma_wait3A_338, %add3A, %dma_wait3A_339, %dma_wait3A_346, %dma_wait3A_347] : memref<2x32x10x8x125xi32, #tpu.memory_space<hbm>> -> memref<1x1x1x8x125xi32, #tpu.memory_space<hbm>>
      %dma_wait3A_349 = tpu.memref_squeeze %dma_wait3A_348 : memref<1x1x1x8x125xi32, #tpu.memory_space<hbm>> -> memref<8x125xi32, #tpu.memory_space<hbm>>
      %dma_wait3A_350 = arith.constant 0 : i32
      %dma_wait3A_351 = arith.constant 0 : i32
      %dma_wait3A_352 = tpu.memref_slice %arg5[%dma_wait3A_340, %dma_wait3A_341, %dma_wait3A_350, %dma_wait3A_351] : memref<2x2x8x125xi32, #tpu.memory_space<vmem>> -> memref<1x1x8x125xi32, #tpu.memory_space<vmem>>
      %dma_wait3A_353 = tpu.memref_squeeze %dma_wait3A_352 : memref<1x1x8x125xi32, #tpu.memory_space<vmem>> -> memref<8x125xi32, #tpu.memory_space<vmem>>
      %dma_wait3A_354 = arith.constant 0 : i32
      %dma_wait3A_355 = arith.constant 0 : i32
      %dma_wait3A_356 = tpu.memref_slice %arg3[%dma_wait3A_338, %add3A, %dma_wait3A_339, %dma_wait3A_354, %dma_wait3A_355] : memref<2x32x10x8x125xi32, #tpu.memory_space<hbm>> -> memref<1x1x1x8x125xi32, #tpu.memory_space<hbm>>
      %dma_wait3A_357 = tpu.memref_squeeze %dma_wait3A_356 : memref<1x1x1x8x125xi32, #tpu.memory_space<hbm>> -> memref<8x125xi32, #tpu.memory_space<hbm>>
      tpu.wait_dma2 semaphore(%arg11 : memref<!tpu.dma_semaphore, #tpu.memory_space<semaphore_mem>>) src(%dma_wait3A_357 : memref<8x125xi32, #tpu.memory_space<hbm>>) dst(%dma_wait3A_353 : memref<8x125xi32, #tpu.memory_space<vmem>>)
      %dma_start3A_358 = arith.constant 1 : i32
      %dma_start3A_359 = arith.constant 0 : i32
      %dma_start3A_360 = arith.constant 0 : i32
      %dma_start3A_361 = arith.constant 0 : i32
      %dma_start3A_362 = tpu.memref_slice %arg5[%dma_start3A_358, %dma_start3A_359, %dma_start3A_360, %dma_start3A_361] : memref<2x2x8x125xi32, #tpu.memory_space<vmem>> -> memref<1x1x1x125xi32, #tpu.memory_space<vmem>>
      %dma_start3A_363 = tpu.memref_squeeze %dma_start3A_362 : memref<1x1x1x125xi32, #tpu.memory_space<vmem>> -> memref<125xi32, #tpu.memory_space<vmem>>
      %dma_start3A_364 = arith.constant 0 : i32
      %dma_start3A_365 = arith.constant 0 : i32
      %dma_start3A_366 = tpu.memref_slice %arg2[%dma_start3A_364, %dma_start3A_365] : memref<10000x128xf32, #tpu.memory_space<hbm>> -> memref<10000x128xf32, #tpu.memory_space<hbm>>
      tpu.enqueue_indirect_dma source(%dma_start3A_366 : memref<10000x128xf32, #tpu.memory_space<hbm>>) target(%arg6 : memref<125x128xf32, #tpu.memory_space<vmem>>) offsets(%dma_start3A_363 : memref<125xi32, #tpu.memory_space<vmem>>) semaphore(%arg9 : memref<!tpu.dma_semaphore, #tpu.memory_space<semaphore_mem>>)
      %dma_wait3A_367 = arith.constant 0 : i32
      %dma_wait3A_368 = arith.constant 0 : i32
      %dma_wait3A_369 = arith.constant 0 : i32
      %dma_wait3A_370 = arith.constant 0 : i32
      %dma_wait3A_371 = tpu.memref_slice %arg5[%dma_wait3A_367, %dma_wait3A_368, %dma_wait3A_369, %dma_wait3A_370] : memref<2x2x8x125xi32, #tpu.memory_space<vmem>> -> memref<1x1x1x125xi32, #tpu.memory_space<vmem>>
      %dma_wait3A_372 = tpu.memref_squeeze %dma_wait3A_371 : memref<1x1x1x125xi32, #tpu.memory_space<vmem>> -> memref<125xi32, #tpu.memory_space<vmem>>
      %dma_wait3A_373 = arith.constant 0 : i32
      %dma_wait3A_374 = arith.constant 0 : i32
      %dma_wait3A_375 = tpu.memref_slice %arg2[%dma_wait3A_373, %dma_wait3A_374] : memref<10000x128xf32, #tpu.memory_space<hbm>> -> memref<10000x128xf32, #tpu.memory_space<hbm>>
      tpu.wait_indirect_dma semaphore(%arg10 : memref<!tpu.dma_semaphore, #tpu.memory_space<semaphore_mem>>) src(%dma_wait3A_375 : memref<10000x128xf32, #tpu.memory_space<hbm>>) dst(%arg7 : memref<125x128xf32, #tpu.memory_space<vmem>>)
      %run_scoped3A_376 = arith.constant 0 : i32
      %run_scoped3A_377 = arith.constant 1 : i32
      %run_scoped3A_378 = arith.constant 7 : i32
      "tpu.region"() ({
        %run_scoped3A_549 = tpu.sem_alloc : memref<!tpu.dma_semaphore, #tpu.memory_space<semaphore_mem>>
        %dma_start3A_550 = arith.constant 0 : i32
        %dma_start3A_551 = tpu.memref_slice %arg5[%run_scoped3A_376, %run_scoped3A_377, %run_scoped3A_378, %dma_start3A_550] : memref<2x2x8x125xi32, #tpu.memory_space<vmem>> -> memref<1x1x1x125xi32, #tpu.memory_space<vmem>>
        %dma_start3A_552 = tpu.memref_squeeze %dma_start3A_551 : memref<1x1x1x125xi32, #tpu.memory_space<vmem>> -> memref<125xi32, #tpu.memory_space<vmem>>
        %dma_start3A_553 = arith.constant 0 : i32
        %dma_start3A_554 = arith.constant 0 : i32
        %dma_start3A_555 = tpu.memref_slice %arg8[%dma_start3A_553, %dma_start3A_554] : memref<10240x128xf32, #tpu.memory_space<vmem_shared>> -> memref<10240x128xf32, #tpu.memory_space<vmem_shared>>
        tpu.enqueue_indirect_dma source(%arg7 : memref<125x128xf32, #tpu.memory_space<vmem>>) target(%dma_start3A_555 : memref<10240x128xf32, #tpu.memory_space<vmem_shared>>) offsets(%dma_start3A_552 : memref<125xi32, #tpu.memory_space<vmem>>) semaphore(%run_scoped3A_549 : memref<!tpu.dma_semaphore, #tpu.memory_space<semaphore_mem>>) {add = true}
        %dma_wait3A_556 = arith.constant 0 : i32
        %dma_wait3A_557 = tpu.memref_slice %arg5[%run_scoped3A_376, %run_scoped3A_377, %run_scoped3A_378, %dma_wait3A_556] : memref<2x2x8x125xi32, #tpu.memory_space<vmem>> -> memref<1x1x1x125xi32, #tpu.memory_space<vmem>>
        %dma_wait3A_558 = tpu.memref_squeeze %dma_wait3A_557 : memref<1x1x1x125xi32, #tpu.memory_space<vmem>> -> memref<125xi32, #tpu.memory_space<vmem>>
        %dma_wait3A_559 = arith.constant 0 : i32
        %dma_wait3A_560 = arith.constant 0 : i32
        %dma_wait3A_561 = tpu.memref_slice %arg8[%dma_wait3A_559, %dma_wait3A_560] : memref<10240x128xf32, #tpu.memory_space<vmem_shared>> -> memref<10240x128xf32, #tpu.memory_space<vmem_shared>>
        tpu.wait_indirect_dma semaphore(%run_scoped3A_549 : memref<!tpu.dma_semaphore, #tpu.memory_space<semaphore_mem>>) src(%arg7 : memref<125x128xf32, #tpu.memory_space<vmem>>) dst(%dma_wait3A_561 : memref<10240x128xf32, #tpu.memory_space<vmem_shared>>)
        tpu.yield
      }) : () -> ()
      %add3A_379 = arith.constant 2 : i32
      %add3A_380 = arith.addi %mul3A_131, %add3A_379 : i32
      %lt3A = arith.constant 10 : i32
      %lt3A_381 = arith.cmpi slt, %add3A_380, %lt3A : i32
      %convert_element_type3A = arith.extui %lt3A_381 : i1 to i32
      %cond3A = arith.constant 0 : i32
      %cond3A_382 = arith.cmpi ne, %convert_element_type3A, %cond3A : i32
      scf.if %cond3A_382 {
        %add3A_549 = arith.constant 2 : i32
        %add3A_550 = arith.addi %mul3A_131, %add3A_549 : i32
        %dma_start3A_551 = arith.constant 0 : i32
        %dma_start3A_552 = arith.constant 0 : i32
        %dma_start3A_553 = arith.constant 0 : i32
        %dma_start3A_554 = arith.constant 0 : i32
        %dma_start3A_555 = arith.constant 0 : i32
        %dma_start3A_556 = tpu.memref_slice %arg5[%dma_start3A_552, %dma_start3A_553, %dma_start3A_554, %dma_start3A_555] : memref<2x2x8x125xi32, #tpu.memory_space<vmem>> -> memref<1x1x8x125xi32, #tpu.memory_space<vmem>>
        %dma_start3A_557 = tpu.memref_squeeze %dma_start3A_556 : memref<1x1x8x125xi32, #tpu.memory_space<vmem>> -> memref<8x125xi32, #tpu.memory_space<vmem>>
        %dma_start3A_558 = arith.constant 0 : i32
        %dma_start3A_559 = arith.constant 0 : i32
        %dma_start3A_560 = tpu.memref_slice %arg3[%dma_start3A_551, %add3A, %add3A_550, %dma_start3A_558, %dma_start3A_559] : memref<2x32x10x8x125xi32, #tpu.memory_space<hbm>> -> memref<1x1x1x8x125xi32, #tpu.memory_space<hbm>>
        %dma_start3A_561 = tpu.memref_squeeze %dma_start3A_560 : memref<1x1x1x8x125xi32, #tpu.memory_space<hbm>> -> memref<8x125xi32, #tpu.memory_space<hbm>>
        %dma_start3A_562 = arith.constant 0 : i32
        %dma_start3A_563 = arith.constant 0 : i32
        %dma_start3A_564 = tpu.memref_slice %arg5[%dma_start3A_552, %dma_start3A_553, %dma_start3A_562, %dma_start3A_563] : memref<2x2x8x125xi32, #tpu.memory_space<vmem>> -> memref<1x1x8x125xi32, #tpu.memory_space<vmem>>
        %dma_start3A_565 = tpu.memref_squeeze %dma_start3A_564 : memref<1x1x8x125xi32, #tpu.memory_space<vmem>> -> memref<8x125xi32, #tpu.memory_space<vmem>>
        %dma_start3A_566 = arith.constant 0 : i32
        %dma_start3A_567 = arith.constant 0 : i32
        %dma_start3A_568 = tpu.memref_slice %arg3[%dma_start3A_551, %add3A, %add3A_550, %dma_start3A_566, %dma_start3A_567] : memref<2x32x10x8x125xi32, #tpu.memory_space<hbm>> -> memref<1x1x1x8x125xi32, #tpu.memory_space<hbm>>
        %dma_start3A_569 = tpu.memref_squeeze %dma_start3A_568 : memref<1x1x1x8x125xi32, #tpu.memory_space<hbm>> -> memref<8x125xi32, #tpu.memory_space<hbm>>
        tpu.enqueue_dma source(%dma_start3A_569 : memref<8x125xi32, #tpu.memory_space<hbm>>) target(%dma_start3A_565 : memref<8x125xi32, #tpu.memory_space<vmem>>) target_semaphore(%arg11 : memref<!tpu.dma_semaphore, #tpu.memory_space<semaphore_mem>>)
        %dma_start3A_570 = arith.constant 1 : i32
        %dma_start3A_571 = arith.constant 0 : i32
        %dma_start3A_572 = arith.constant 1 : i32
        %dma_start3A_573 = arith.constant 0 : i32
        %dma_start3A_574 = arith.constant 0 : i32
        %dma_start3A_575 = tpu.memref_slice %arg5[%dma_start3A_571, %dma_start3A_572, %dma_start3A_573, %dma_start3A_574] : memref<2x2x8x125xi32, #tpu.memory_space<vmem>> -> memref<1x1x8x125xi32, #tpu.memory_space<vmem>>
        %dma_start3A_576 = tpu.memref_squeeze %dma_start3A_575 : memref<1x1x8x125xi32, #tpu.memory_space<vmem>> -> memref<8x125xi32, #tpu.memory_space<vmem>>
        %dma_start3A_577 = arith.constant 0 : i32
        %dma_start3A_578 = arith.constant 0 : i32
        %dma_start3A_579 = tpu.memref_slice %arg3[%dma_start3A_570, %add3A, %add3A_550, %dma_start3A_577, %dma_start3A_578] : memref<2x32x10x8x125xi32, #tpu.memory_space<hbm>> -> memref<1x1x1x8x125xi32, #tpu.memory_space<hbm>>
        %dma_start3A_580 = tpu.memref_squeeze %dma_start3A_579 : memref<1x1x1x8x125xi32, #tpu.memory_space<hbm>> -> memref<8x125xi32, #tpu.memory_space<hbm>>
        %dma_start3A_581 = arith.constant 0 : i32
        %dma_start3A_582 = arith.constant 0 : i32
        %dma_start3A_583 = tpu.memref_slice %arg5[%dma_start3A_571, %dma_start3A_572, %dma_start3A_581, %dma_start3A_582] : memref<2x2x8x125xi32, #tpu.memory_space<vmem>> -> memref<1x1x8x125xi32, #tpu.memory_space<vmem>>
        %dma_start3A_584 = tpu.memref_squeeze %dma_start3A_583 : memref<1x1x8x125xi32, #tpu.memory_space<vmem>> -> memref<8x125xi32, #tpu.memory_space<vmem>>
        %dma_start3A_585 = arith.constant 0 : i32
        %dma_start3A_586 = arith.constant 0 : i32
        %dma_start3A_587 = tpu.memref_slice %arg3[%dma_start3A_570, %add3A, %add3A_550, %dma_start3A_585, %dma_start3A_586] : memref<2x32x10x8x125xi32, #tpu.memory_space<hbm>> -> memref<1x1x1x8x125xi32, #tpu.memory_space<hbm>>
        %dma_start3A_588 = tpu.memref_squeeze %dma_start3A_587 : memref<1x1x1x8x125xi32, #tpu.memory_space<hbm>> -> memref<8x125xi32, #tpu.memory_space<hbm>>
        tpu.enqueue_dma source(%dma_start3A_588 : memref<8x125xi32, #tpu.memory_space<hbm>>) target(%dma_start3A_584 : memref<8x125xi32, #tpu.memory_space<vmem>>) target_semaphore(%arg11 : memref<!tpu.dma_semaphore, #tpu.memory_space<semaphore_mem>>)
      } else {
      }
      %dma_start3A_383 = arith.constant 1 : i32
      %dma_start3A_384 = arith.constant 0 : i32
      %dma_start3A_385 = arith.constant 1 : i32
      %dma_start3A_386 = arith.constant 0 : i32
      %dma_start3A_387 = tpu.memref_slice %arg5[%dma_start3A_383, %dma_start3A_384, %dma_start3A_385, %dma_start3A_386] : memref<2x2x8x125xi32, #tpu.memory_space<vmem>> -> memref<1x1x1x125xi32, #tpu.memory_space<vmem>>
      %dma_start3A_388 = tpu.memref_squeeze %dma_start3A_387 : memref<1x1x1x125xi32, #tpu.memory_space<vmem>> -> memref<125xi32, #tpu.memory_space<vmem>>
      %dma_start3A_389 = arith.constant 0 : i32
      %dma_start3A_390 = arith.constant 0 : i32
      %dma_start3A_391 = tpu.memref_slice %arg2[%dma_start3A_389, %dma_start3A_390] : memref<10000x128xf32, #tpu.memory_space<hbm>> -> memref<10000x128xf32, #tpu.memory_space<hbm>>
      tpu.enqueue_indirect_dma source(%dma_start3A_391 : memref<10000x128xf32, #tpu.memory_space<hbm>>) target(%arg7 : memref<125x128xf32, #tpu.memory_space<vmem>>) offsets(%dma_start3A_388 : memref<125xi32, #tpu.memory_space<vmem>>) semaphore(%arg10 : memref<!tpu.dma_semaphore, #tpu.memory_space<semaphore_mem>>)
      %dma_wait3A_392 = arith.constant 0 : i32
      %dma_wait3A_393 = arith.constant 0 : i32
      %dma_wait3A_394 = arith.constant 0 : i32
      %dma_wait3A_395 = arith.constant 0 : i32
      %dma_wait3A_396 = tpu.memref_slice %arg5[%dma_wait3A_392, %dma_wait3A_393, %dma_wait3A_394, %dma_wait3A_395] : memref<2x2x8x125xi32, #tpu.memory_space<vmem>> -> memref<1x1x1x125xi32, #tpu.memory_space<vmem>>
      %dma_wait3A_397 = tpu.memref_squeeze %dma_wait3A_396 : memref<1x1x1x125xi32, #tpu.memory_space<vmem>> -> memref<125xi32, #tpu.memory_space<vmem>>
      %dma_wait3A_398 = arith.constant 0 : i32
      %dma_wait3A_399 = arith.constant 0 : i32
      %dma_wait3A_400 = tpu.memref_slice %arg2[%dma_wait3A_398, %dma_wait3A_399] : memref<10000x128xf32, #tpu.memory_space<hbm>> -> memref<10000x128xf32, #tpu.memory_space<hbm>>
      tpu.wait_indirect_dma semaphore(%arg9 : memref<!tpu.dma_semaphore, #tpu.memory_space<semaphore_mem>>) src(%dma_wait3A_400 : memref<10000x128xf32, #tpu.memory_space<hbm>>) dst(%arg6 : memref<125x128xf32, #tpu.memory_space<vmem>>)
      %run_scoped3A_401 = arith.constant 1 : i32
      %run_scoped3A_402 = arith.constant 1 : i32
      %run_scoped3A_403 = arith.constant 0 : i32
      "tpu.region"() ({
        %run_scoped3A_549 = tpu.sem_alloc : memref<!tpu.dma_semaphore, #tpu.memory_space<semaphore_mem>>
        %dma_start3A_550 = arith.constant 0 : i32
        %dma_start3A_551 = tpu.memref_slice %arg5[%run_scoped3A_401, %run_scoped3A_402, %run_scoped3A_403, %dma_start3A_550] : memref<2x2x8x125xi32, #tpu.memory_space<vmem>> -> memref<1x1x1x125xi32, #tpu.memory_space<vmem>>
        %dma_start3A_552 = tpu.memref_squeeze %dma_start3A_551 : memref<1x1x1x125xi32, #tpu.memory_space<vmem>> -> memref<125xi32, #tpu.memory_space<vmem>>
        %dma_start3A_553 = arith.constant 0 : i32
        %dma_start3A_554 = arith.constant 0 : i32
        %dma_start3A_555 = tpu.memref_slice %arg8[%dma_start3A_553, %dma_start3A_554] : memref<10240x128xf32, #tpu.memory_space<vmem_shared>> -> memref<10240x128xf32, #tpu.memory_space<vmem_shared>>
        tpu.enqueue_indirect_dma source(%arg6 : memref<125x128xf32, #tpu.memory_space<vmem>>) target(%dma_start3A_555 : memref<10240x128xf32, #tpu.memory_space<vmem_shared>>) offsets(%dma_start3A_552 : memref<125xi32, #tpu.memory_space<vmem>>) semaphore(%run_scoped3A_549 : memref<!tpu.dma_semaphore, #tpu.memory_space<semaphore_mem>>) {add = true}
        %dma_wait3A_556 = arith.constant 0 : i32
        %dma_wait3A_557 = tpu.memref_slice %arg5[%run_scoped3A_401, %run_scoped3A_402, %run_scoped3A_403, %dma_wait3A_556] : memref<2x2x8x125xi32, #tpu.memory_space<vmem>> -> memref<1x1x1x125xi32, #tpu.memory_space<vmem>>
        %dma_wait3A_558 = tpu.memref_squeeze %dma_wait3A_557 : memref<1x1x1x125xi32, #tpu.memory_space<vmem>> -> memref<125xi32, #tpu.memory_space<vmem>>
        %dma_wait3A_559 = arith.constant 0 : i32
        %dma_wait3A_560 = arith.constant 0 : i32
        %dma_wait3A_561 = tpu.memref_slice %arg8[%dma_wait3A_559, %dma_wait3A_560] : memref<10240x128xf32, #tpu.memory_space<vmem_shared>> -> memref<10240x128xf32, #tpu.memory_space<vmem_shared>>
        tpu.wait_indirect_dma semaphore(%run_scoped3A_549 : memref<!tpu.dma_semaphore, #tpu.memory_space<semaphore_mem>>) src(%arg6 : memref<125x128xf32, #tpu.memory_space<vmem>>) dst(%dma_wait3A_561 : memref<10240x128xf32, #tpu.memory_space<vmem_shared>>)
        tpu.yield
      }) : () -> ()
      %dma_start3A_404 = arith.constant 1 : i32
      %dma_start3A_405 = arith.constant 0 : i32
      %dma_start3A_406 = arith.constant 2 : i32
      %dma_start3A_407 = arith.constant 0 : i32
      %dma_start3A_408 = tpu.memref_slice %arg5[%dma_start3A_404, %dma_start3A_405, %dma_start3A_406, %dma_start3A_407] : memref<2x2x8x125xi32, #tpu.memory_space<vmem>> -> memref<1x1x1x125xi32, #tpu.memory_space<vmem>>
      %dma_start3A_409 = tpu.memref_squeeze %dma_start3A_408 : memref<1x1x1x125xi32, #tpu.memory_space<vmem>> -> memref<125xi32, #tpu.memory_space<vmem>>
      %dma_start3A_410 = arith.constant 0 : i32
      %dma_start3A_411 = arith.constant 0 : i32
      %dma_start3A_412 = tpu.memref_slice %arg2[%dma_start3A_410, %dma_start3A_411] : memref<10000x128xf32, #tpu.memory_space<hbm>> -> memref<10000x128xf32, #tpu.memory_space<hbm>>
      tpu.enqueue_indirect_dma source(%dma_start3A_412 : memref<10000x128xf32, #tpu.memory_space<hbm>>) target(%arg6 : memref<125x128xf32, #tpu.memory_space<vmem>>) offsets(%dma_start3A_409 : memref<125xi32, #tpu.memory_space<vmem>>) semaphore(%arg9 : memref<!tpu.dma_semaphore, #tpu.memory_space<semaphore_mem>>)
      %dma_wait3A_413 = arith.constant 0 : i32
      %dma_wait3A_414 = arith.constant 0 : i32
      %dma_wait3A_415 = arith.constant 0 : i32
      %dma_wait3A_416 = arith.constant 0 : i32
      %dma_wait3A_417 = tpu.memref_slice %arg5[%dma_wait3A_413, %dma_wait3A_414, %dma_wait3A_415, %dma_wait3A_416] : memref<2x2x8x125xi32, #tpu.memory_space<vmem>> -> memref<1x1x1x125xi32, #tpu.memory_space<vmem>>
      %dma_wait3A_418 = tpu.memref_squeeze %dma_wait3A_417 : memref<1x1x1x125xi32, #tpu.memory_space<vmem>> -> memref<125xi32, #tpu.memory_space<vmem>>
      %dma_wait3A_419 = arith.constant 0 : i32
      %dma_wait3A_420 = arith.constant 0 : i32
      %dma_wait3A_421 = tpu.memref_slice %arg2[%dma_wait3A_419, %dma_wait3A_420] : memref<10000x128xf32, #tpu.memory_space<hbm>> -> memref<10000x128xf32, #tpu.memory_space<hbm>>
      tpu.wait_indirect_dma semaphore(%arg10 : memref<!tpu.dma_semaphore, #tpu.memory_space<semaphore_mem>>) src(%dma_wait3A_421 : memref<10000x128xf32, #tpu.memory_space<hbm>>) dst(%arg7 : memref<125x128xf32, #tpu.memory_space<vmem>>)
      %run_scoped3A_422 = arith.constant 1 : i32
      %run_scoped3A_423 = arith.constant 1 : i32
      %run_scoped3A_424 = arith.constant 1 : i32
      "tpu.region"() ({
        %run_scoped3A_549 = tpu.sem_alloc : memref<!tpu.dma_semaphore, #tpu.memory_space<semaphore_mem>>
        %dma_start3A_550 = arith.constant 0 : i32
        %dma_start3A_551 = tpu.memref_slice %arg5[%run_scoped3A_422, %run_scoped3A_423, %run_scoped3A_424, %dma_start3A_550] : memref<2x2x8x125xi32, #tpu.memory_space<vmem>> -> memref<1x1x1x125xi32, #tpu.memory_space<vmem>>
        %dma_start3A_552 = tpu.memref_squeeze %dma_start3A_551 : memref<1x1x1x125xi32, #tpu.memory_space<vmem>> -> memref<125xi32, #tpu.memory_space<vmem>>
        %dma_start3A_553 = arith.constant 0 : i32
        %dma_start3A_554 = arith.constant 0 : i32
        %dma_start3A_555 = tpu.memref_slice %arg8[%dma_start3A_553, %dma_start3A_554] : memref<10240x128xf32, #tpu.memory_space<vmem_shared>> -> memref<10240x128xf32, #tpu.memory_space<vmem_shared>>
        tpu.enqueue_indirect_dma source(%arg7 : memref<125x128xf32, #tpu.memory_space<vmem>>) target(%dma_start3A_555 : memref<10240x128xf32, #tpu.memory_space<vmem_shared>>) offsets(%dma_start3A_552 : memref<125xi32, #tpu.memory_space<vmem>>) semaphore(%run_scoped3A_549 : memref<!tpu.dma_semaphore, #tpu.memory_space<semaphore_mem>>) {add = true}
        %dma_wait3A_556 = arith.constant 0 : i32
        %dma_wait3A_557 = tpu.memref_slice %arg5[%run_scoped3A_422, %run_scoped3A_423, %run_scoped3A_424, %dma_wait3A_556] : memref<2x2x8x125xi32, #tpu.memory_space<vmem>> -> memref<1x1x1x125xi32, #tpu.memory_space<vmem>>
        %dma_wait3A_558 = tpu.memref_squeeze %dma_wait3A_557 : memref<1x1x1x125xi32, #tpu.memory_space<vmem>> -> memref<125xi32, #tpu.memory_space<vmem>>
        %dma_wait3A_559 = arith.constant 0 : i32
        %dma_wait3A_560 = arith.constant 0 : i32
        %dma_wait3A_561 = tpu.memref_slice %arg8[%dma_wait3A_559, %dma_wait3A_560] : memref<10240x128xf32, #tpu.memory_space<vmem_shared>> -> memref<10240x128xf32, #tpu.memory_space<vmem_shared>>
        tpu.wait_indirect_dma semaphore(%run_scoped3A_549 : memref<!tpu.dma_semaphore, #tpu.memory_space<semaphore_mem>>) src(%arg7 : memref<125x128xf32, #tpu.memory_space<vmem>>) dst(%dma_wait3A_561 : memref<10240x128xf32, #tpu.memory_space<vmem_shared>>)
        tpu.yield
      }) : () -> ()
      %dma_start3A_425 = arith.constant 1 : i32
      %dma_start3A_426 = arith.constant 0 : i32
      %dma_start3A_427 = arith.constant 3 : i32
      %dma_start3A_428 = arith.constant 0 : i32
      %dma_start3A_429 = tpu.memref_slice %arg5[%dma_start3A_425, %dma_start3A_426, %dma_start3A_427, %dma_start3A_428] : memref<2x2x8x125xi32, #tpu.memory_space<vmem>> -> memref<1x1x1x125xi32, #tpu.memory_space<vmem>>
      %dma_start3A_430 = tpu.memref_squeeze %dma_start3A_429 : memref<1x1x1x125xi32, #tpu.memory_space<vmem>> -> memref<125xi32, #tpu.memory_space<vmem>>
      %dma_start3A_431 = arith.constant 0 : i32
      %dma_start3A_432 = arith.constant 0 : i32
      %dma_start3A_433 = tpu.memref_slice %arg2[%dma_start3A_431, %dma_start3A_432] : memref<10000x128xf32, #tpu.memory_space<hbm>> -> memref<10000x128xf32, #tpu.memory_space<hbm>>
      tpu.enqueue_indirect_dma source(%dma_start3A_433 : memref<10000x128xf32, #tpu.memory_space<hbm>>) target(%arg7 : memref<125x128xf32, #tpu.memory_space<vmem>>) offsets(%dma_start3A_430 : memref<125xi32, #tpu.memory_space<vmem>>) semaphore(%arg10 : memref<!tpu.dma_semaphore, #tpu.memory_space<semaphore_mem>>)
      %dma_wait3A_434 = arith.constant 0 : i32
      %dma_wait3A_435 = arith.constant 0 : i32
      %dma_wait3A_436 = arith.constant 0 : i32
      %dma_wait3A_437 = arith.constant 0 : i32
      %dma_wait3A_438 = tpu.memref_slice %arg5[%dma_wait3A_434, %dma_wait3A_435, %dma_wait3A_436, %dma_wait3A_437] : memref<2x2x8x125xi32, #tpu.memory_space<vmem>> -> memref<1x1x1x125xi32, #tpu.memory_space<vmem>>
      %dma_wait3A_439 = tpu.memref_squeeze %dma_wait3A_438 : memref<1x1x1x125xi32, #tpu.memory_space<vmem>> -> memref<125xi32, #tpu.memory_space<vmem>>
      %dma_wait3A_440 = arith.constant 0 : i32
      %dma_wait3A_441 = arith.constant 0 : i32
      %dma_wait3A_442 = tpu.memref_slice %arg2[%dma_wait3A_440, %dma_wait3A_441] : memref<10000x128xf32, #tpu.memory_space<hbm>> -> memref<10000x128xf32, #tpu.memory_space<hbm>>
      tpu.wait_indirect_dma semaphore(%arg9 : memref<!tpu.dma_semaphore, #tpu.memory_space<semaphore_mem>>) src(%dma_wait3A_442 : memref<10000x128xf32, #tpu.memory_space<hbm>>) dst(%arg6 : memref<125x128xf32, #tpu.memory_space<vmem>>)
      %run_scoped3A_443 = arith.constant 1 : i32
      %run_scoped3A_444 = arith.constant 1 : i32
      %run_scoped3A_445 = arith.constant 2 : i32
      "tpu.region"() ({
        %run_scoped3A_549 = tpu.sem_alloc : memref<!tpu.dma_semaphore, #tpu.memory_space<semaphore_mem>>
        %dma_start3A_550 = arith.constant 0 : i32
        %dma_start3A_551 = tpu.memref_slice %arg5[%run_scoped3A_443, %run_scoped3A_444, %run_scoped3A_445, %dma_start3A_550] : memref<2x2x8x125xi32, #tpu.memory_space<vmem>> -> memref<1x1x1x125xi32, #tpu.memory_space<vmem>>
        %dma_start3A_552 = tpu.memref_squeeze %dma_start3A_551 : memref<1x1x1x125xi32, #tpu.memory_space<vmem>> -> memref<125xi32, #tpu.memory_space<vmem>>
        %dma_start3A_553 = arith.constant 0 : i32
        %dma_start3A_554 = arith.constant 0 : i32
        %dma_start3A_555 = tpu.memref_slice %arg8[%dma_start3A_553, %dma_start3A_554] : memref<10240x128xf32, #tpu.memory_space<vmem_shared>> -> memref<10240x128xf32, #tpu.memory_space<vmem_shared>>
        tpu.enqueue_indirect_dma source(%arg6 : memref<125x128xf32, #tpu.memory_space<vmem>>) target(%dma_start3A_555 : memref<10240x128xf32, #tpu.memory_space<vmem_shared>>) offsets(%dma_start3A_552 : memref<125xi32, #tpu.memory_space<vmem>>) semaphore(%run_scoped3A_549 : memref<!tpu.dma_semaphore, #tpu.memory_space<semaphore_mem>>) {add = true}
        %dma_wait3A_556 = arith.constant 0 : i32
        %dma_wait3A_557 = tpu.memref_slice %arg5[%run_scoped3A_443, %run_scoped3A_444, %run_scoped3A_445, %dma_wait3A_556] : memref<2x2x8x125xi32, #tpu.memory_space<vmem>> -> memref<1x1x1x125xi32, #tpu.memory_space<vmem>>
        %dma_wait3A_558 = tpu.memref_squeeze %dma_wait3A_557 : memref<1x1x1x125xi32, #tpu.memory_space<vmem>> -> memref<125xi32, #tpu.memory_space<vmem>>
        %dma_wait3A_559 = arith.constant 0 : i32
        %dma_wait3A_560 = arith.constant 0 : i32
        %dma_wait3A_561 = tpu.memref_slice %arg8[%dma_wait3A_559, %dma_wait3A_560] : memref<10240x128xf32, #tpu.memory_space<vmem_shared>> -> memref<10240x128xf32, #tpu.memory_space<vmem_shared>>
        tpu.wait_indirect_dma semaphore(%run_scoped3A_549 : memref<!tpu.dma_semaphore, #tpu.memory_space<semaphore_mem>>) src(%arg6 : memref<125x128xf32, #tpu.memory_space<vmem>>) dst(%dma_wait3A_561 : memref<10240x128xf32, #tpu.memory_space<vmem_shared>>)
        tpu.yield
      }) : () -> ()
      %dma_start3A_446 = arith.constant 1 : i32
      %dma_start3A_447 = arith.constant 0 : i32
      %dma_start3A_448 = arith.constant 4 : i32
      %dma_start3A_449 = arith.constant 0 : i32
      %dma_start3A_450 = tpu.memref_slice %arg5[%dma_start3A_446, %dma_start3A_447, %dma_start3A_448, %dma_start3A_449] : memref<2x2x8x125xi32, #tpu.memory_space<vmem>> -> memref<1x1x1x125xi32, #tpu.memory_space<vmem>>
      %dma_start3A_451 = tpu.memref_squeeze %dma_start3A_450 : memref<1x1x1x125xi32, #tpu.memory_space<vmem>> -> memref<125xi32, #tpu.memory_space<vmem>>
      %dma_start3A_452 = arith.constant 0 : i32
      %dma_start3A_453 = arith.constant 0 : i32
      %dma_start3A_454 = tpu.memref_slice %arg2[%dma_start3A_452, %dma_start3A_453] : memref<10000x128xf32, #tpu.memory_space<hbm>> -> memref<10000x128xf32, #tpu.memory_space<hbm>>
      tpu.enqueue_indirect_dma source(%dma_start3A_454 : memref<10000x128xf32, #tpu.memory_space<hbm>>) target(%arg6 : memref<125x128xf32, #tpu.memory_space<vmem>>) offsets(%dma_start3A_451 : memref<125xi32, #tpu.memory_space<vmem>>) semaphore(%arg9 : memref<!tpu.dma_semaphore, #tpu.memory_space<semaphore_mem>>)
      %dma_wait3A_455 = arith.constant 0 : i32
      %dma_wait3A_456 = arith.constant 0 : i32
      %dma_wait3A_457 = arith.constant 0 : i32
      %dma_wait3A_458 = arith.constant 0 : i32
      %dma_wait3A_459 = tpu.memref_slice %arg5[%dma_wait3A_455, %dma_wait3A_456, %dma_wait3A_457, %dma_wait3A_458] : memref<2x2x8x125xi32, #tpu.memory_space<vmem>> -> memref<1x1x1x125xi32, #tpu.memory_space<vmem>>
      %dma_wait3A_460 = tpu.memref_squeeze %dma_wait3A_459 : memref<1x1x1x125xi32, #tpu.memory_space<vmem>> -> memref<125xi32, #tpu.memory_space<vmem>>
      %dma_wait3A_461 = arith.constant 0 : i32
      %dma_wait3A_462 = arith.constant 0 : i32
      %dma_wait3A_463 = tpu.memref_slice %arg2[%dma_wait3A_461, %dma_wait3A_462] : memref<10000x128xf32, #tpu.memory_space<hbm>> -> memref<10000x128xf32, #tpu.memory_space<hbm>>
      tpu.wait_indirect_dma semaphore(%arg10 : memref<!tpu.dma_semaphore, #tpu.memory_space<semaphore_mem>>) src(%dma_wait3A_463 : memref<10000x128xf32, #tpu.memory_space<hbm>>) dst(%arg7 : memref<125x128xf32, #tpu.memory_space<vmem>>)
      %run_scoped3A_464 = arith.constant 1 : i32
      %run_scoped3A_465 = arith.constant 1 : i32
      %run_scoped3A_466 = arith.constant 3 : i32
      "tpu.region"() ({
        %run_scoped3A_549 = tpu.sem_alloc : memref<!tpu.dma_semaphore, #tpu.memory_space<semaphore_mem>>
        %dma_start3A_550 = arith.constant 0 : i32
        %dma_start3A_551 = tpu.memref_slice %arg5[%run_scoped3A_464, %run_scoped3A_465, %run_scoped3A_466, %dma_start3A_550] : memref<2x2x8x125xi32, #tpu.memory_space<vmem>> -> memref<1x1x1x125xi32, #tpu.memory_space<vmem>>
        %dma_start3A_552 = tpu.memref_squeeze %dma_start3A_551 : memref<1x1x1x125xi32, #tpu.memory_space<vmem>> -> memref<125xi32, #tpu.memory_space<vmem>>
        %dma_start3A_553 = arith.constant 0 : i32
        %dma_start3A_554 = arith.constant 0 : i32
        %dma_start3A_555 = tpu.memref_slice %arg8[%dma_start3A_553, %dma_start3A_554] : memref<10240x128xf32, #tpu.memory_space<vmem_shared>> -> memref<10240x128xf32, #tpu.memory_space<vmem_shared>>
        tpu.enqueue_indirect_dma source(%arg7 : memref<125x128xf32, #tpu.memory_space<vmem>>) target(%dma_start3A_555 : memref<10240x128xf32, #tpu.memory_space<vmem_shared>>) offsets(%dma_start3A_552 : memref<125xi32, #tpu.memory_space<vmem>>) semaphore(%run_scoped3A_549 : memref<!tpu.dma_semaphore, #tpu.memory_space<semaphore_mem>>) {add = true}
        %dma_wait3A_556 = arith.constant 0 : i32
        %dma_wait3A_557 = tpu.memref_slice %arg5[%run_scoped3A_464, %run_scoped3A_465, %run_scoped3A_466, %dma_wait3A_556] : memref<2x2x8x125xi32, #tpu.memory_space<vmem>> -> memref<1x1x1x125xi32, #tpu.memory_space<vmem>>
        %dma_wait3A_558 = tpu.memref_squeeze %dma_wait3A_557 : memref<1x1x1x125xi32, #tpu.memory_space<vmem>> -> memref<125xi32, #tpu.memory_space<vmem>>
        %dma_wait3A_559 = arith.constant 0 : i32
        %dma_wait3A_560 = arith.constant 0 : i32
        %dma_wait3A_561 = tpu.memref_slice %arg8[%dma_wait3A_559, %dma_wait3A_560] : memref<10240x128xf32, #tpu.memory_space<vmem_shared>> -> memref<10240x128xf32, #tpu.memory_space<vmem_shared>>
        tpu.wait_indirect_dma semaphore(%run_scoped3A_549 : memref<!tpu.dma_semaphore, #tpu.memory_space<semaphore_mem>>) src(%arg7 : memref<125x128xf32, #tpu.memory_space<vmem>>) dst(%dma_wait3A_561 : memref<10240x128xf32, #tpu.memory_space<vmem_shared>>)
        tpu.yield
      }) : () -> ()
      %dma_start3A_467 = arith.constant 1 : i32
      %dma_start3A_468 = arith.constant 0 : i32
      %dma_start3A_469 = arith.constant 5 : i32
      %dma_start3A_470 = arith.constant 0 : i32
      %dma_start3A_471 = tpu.memref_slice %arg5[%dma_start3A_467, %dma_start3A_468, %dma_start3A_469, %dma_start3A_470] : memref<2x2x8x125xi32, #tpu.memory_space<vmem>> -> memref<1x1x1x125xi32, #tpu.memory_space<vmem>>
      %dma_start3A_472 = tpu.memref_squeeze %dma_start3A_471 : memref<1x1x1x125xi32, #tpu.memory_space<vmem>> -> memref<125xi32, #tpu.memory_space<vmem>>
      %dma_start3A_473 = arith.constant 0 : i32
      %dma_start3A_474 = arith.constant 0 : i32
      %dma_start3A_475 = tpu.memref_slice %arg2[%dma_start3A_473, %dma_start3A_474] : memref<10000x128xf32, #tpu.memory_space<hbm>> -> memref<10000x128xf32, #tpu.memory_space<hbm>>
      tpu.enqueue_indirect_dma source(%dma_start3A_475 : memref<10000x128xf32, #tpu.memory_space<hbm>>) target(%arg7 : memref<125x128xf32, #tpu.memory_space<vmem>>) offsets(%dma_start3A_472 : memref<125xi32, #tpu.memory_space<vmem>>) semaphore(%arg10 : memref<!tpu.dma_semaphore, #tpu.memory_space<semaphore_mem>>)
      %dma_wait3A_476 = arith.constant 0 : i32
      %dma_wait3A_477 = arith.constant 0 : i32
      %dma_wait3A_478 = arith.constant 0 : i32
      %dma_wait3A_479 = arith.constant 0 : i32
      %dma_wait3A_480 = tpu.memref_slice %arg5[%dma_wait3A_476, %dma_wait3A_477, %dma_wait3A_478, %dma_wait3A_479] : memref<2x2x8x125xi32, #tpu.memory_space<vmem>> -> memref<1x1x1x125xi32, #tpu.memory_space<vmem>>
      %dma_wait3A_481 = tpu.memref_squeeze %dma_wait3A_480 : memref<1x1x1x125xi32, #tpu.memory_space<vmem>> -> memref<125xi32, #tpu.memory_space<vmem>>
      %dma_wait3A_482 = arith.constant 0 : i32
      %dma_wait3A_483 = arith.constant 0 : i32
      %dma_wait3A_484 = tpu.memref_slice %arg2[%dma_wait3A_482, %dma_wait3A_483] : memref<10000x128xf32, #tpu.memory_space<hbm>> -> memref<10000x128xf32, #tpu.memory_space<hbm>>
      tpu.wait_indirect_dma semaphore(%arg9 : memref<!tpu.dma_semaphore, #tpu.memory_space<semaphore_mem>>) src(%dma_wait3A_484 : memref<10000x128xf32, #tpu.memory_space<hbm>>) dst(%arg6 : memref<125x128xf32, #tpu.memory_space<vmem>>)
      %run_scoped3A_485 = arith.constant 1 : i32
      %run_scoped3A_486 = arith.constant 1 : i32
      %run_scoped3A_487 = arith.constant 4 : i32
      "tpu.region"() ({
        %run_scoped3A_549 = tpu.sem_alloc : memref<!tpu.dma_semaphore, #tpu.memory_space<semaphore_mem>>
        %dma_start3A_550 = arith.constant 0 : i32
        %dma_start3A_551 = tpu.memref_slice %arg5[%run_scoped3A_485, %run_scoped3A_486, %run_scoped3A_487, %dma_start3A_550] : memref<2x2x8x125xi32, #tpu.memory_space<vmem>> -> memref<1x1x1x125xi32, #tpu.memory_space<vmem>>
        %dma_start3A_552 = tpu.memref_squeeze %dma_start3A_551 : memref<1x1x1x125xi32, #tpu.memory_space<vmem>> -> memref<125xi32, #tpu.memory_space<vmem>>
        %dma_start3A_553 = arith.constant 0 : i32
        %dma_start3A_554 = arith.constant 0 : i32
        %dma_start3A_555 = tpu.memref_slice %arg8[%dma_start3A_553, %dma_start3A_554] : memref<10240x128xf32, #tpu.memory_space<vmem_shared>> -> memref<10240x128xf32, #tpu.memory_space<vmem_shared>>
        tpu.enqueue_indirect_dma source(%arg6 : memref<125x128xf32, #tpu.memory_space<vmem>>) target(%dma_start3A_555 : memref<10240x128xf32, #tpu.memory_space<vmem_shared>>) offsets(%dma_start3A_552 : memref<125xi32, #tpu.memory_space<vmem>>) semaphore(%run_scoped3A_549 : memref<!tpu.dma_semaphore, #tpu.memory_space<semaphore_mem>>) {add = true}
        %dma_wait3A_556 = arith.constant 0 : i32
        %dma_wait3A_557 = tpu.memref_slice %arg5[%run_scoped3A_485, %run_scoped3A_486, %run_scoped3A_487, %dma_wait3A_556] : memref<2x2x8x125xi32, #tpu.memory_space<vmem>> -> memref<1x1x1x125xi32, #tpu.memory_space<vmem>>
        %dma_wait3A_558 = tpu.memref_squeeze %dma_wait3A_557 : memref<1x1x1x125xi32, #tpu.memory_space<vmem>> -> memref<125xi32, #tpu.memory_space<vmem>>
        %dma_wait3A_559 = arith.constant 0 : i32
        %dma_wait3A_560 = arith.constant 0 : i32
        %dma_wait3A_561 = tpu.memref_slice %arg8[%dma_wait3A_559, %dma_wait3A_560] : memref<10240x128xf32, #tpu.memory_space<vmem_shared>> -> memref<10240x128xf32, #tpu.memory_space<vmem_shared>>
        tpu.wait_indirect_dma semaphore(%run_scoped3A_549 : memref<!tpu.dma_semaphore, #tpu.memory_space<semaphore_mem>>) src(%arg6 : memref<125x128xf32, #tpu.memory_space<vmem>>) dst(%dma_wait3A_561 : memref<10240x128xf32, #tpu.memory_space<vmem_shared>>)
        tpu.yield
      }) : () -> ()
      %dma_start3A_488 = arith.constant 1 : i32
      %dma_start3A_489 = arith.constant 0 : i32
      %dma_start3A_490 = arith.constant 6 : i32
      %dma_start3A_491 = arith.constant 0 : i32
      %dma_start3A_492 = tpu.memref_slice %arg5[%dma_start3A_488, %dma_start3A_489, %dma_start3A_490, %dma_start3A_491] : memref<2x2x8x125xi32, #tpu.memory_space<vmem>> -> memref<1x1x1x125xi32, #tpu.memory_space<vmem>>
      %dma_start3A_493 = tpu.memref_squeeze %dma_start3A_492 : memref<1x1x1x125xi32, #tpu.memory_space<vmem>> -> memref<125xi32, #tpu.memory_space<vmem>>
      %dma_start3A_494 = arith.constant 0 : i32
      %dma_start3A_495 = arith.constant 0 : i32
      %dma_start3A_496 = tpu.memref_slice %arg2[%dma_start3A_494, %dma_start3A_495] : memref<10000x128xf32, #tpu.memory_space<hbm>> -> memref<10000x128xf32, #tpu.memory_space<hbm>>
      tpu.enqueue_indirect_dma source(%dma_start3A_496 : memref<10000x128xf32, #tpu.memory_space<hbm>>) target(%arg6 : memref<125x128xf32, #tpu.memory_space<vmem>>) offsets(%dma_start3A_493 : memref<125xi32, #tpu.memory_space<vmem>>) semaphore(%arg9 : memref<!tpu.dma_semaphore, #tpu.memory_space<semaphore_mem>>)
      %dma_wait3A_497 = arith.constant 0 : i32
      %dma_wait3A_498 = arith.constant 0 : i32
      %dma_wait3A_499 = arith.constant 0 : i32
      %dma_wait3A_500 = arith.constant 0 : i32
      %dma_wait3A_501 = tpu.memref_slice %arg5[%dma_wait3A_497, %dma_wait3A_498, %dma_wait3A_499, %dma_wait3A_500] : memref<2x2x8x125xi32, #tpu.memory_space<vmem>> -> memref<1x1x1x125xi32, #tpu.memory_space<vmem>>
      %dma_wait3A_502 = tpu.memref_squeeze %dma_wait3A_501 : memref<1x1x1x125xi32, #tpu.memory_space<vmem>> -> memref<125xi32, #tpu.memory_space<vmem>>
      %dma_wait3A_503 = arith.constant 0 : i32
      %dma_wait3A_504 = arith.constant 0 : i32
      %dma_wait3A_505 = tpu.memref_slice %arg2[%dma_wait3A_503, %dma_wait3A_504] : memref<10000x128xf32, #tpu.memory_space<hbm>> -> memref<10000x128xf32, #tpu.memory_space<hbm>>
      tpu.wait_indirect_dma semaphore(%arg10 : memref<!tpu.dma_semaphore, #tpu.memory_space<semaphore_mem>>) src(%dma_wait3A_505 : memref<10000x128xf32, #tpu.memory_space<hbm>>) dst(%arg7 : memref<125x128xf32, #tpu.memory_space<vmem>>)
      %run_scoped3A_506 = arith.constant 1 : i32
      %run_scoped3A_507 = arith.constant 1 : i32
      %run_scoped3A_508 = arith.constant 5 : i32
      "tpu.region"() ({
        %run_scoped3A_549 = tpu.sem_alloc : memref<!tpu.dma_semaphore, #tpu.memory_space<semaphore_mem>>
        %dma_start3A_550 = arith.constant 0 : i32
        %dma_start3A_551 = tpu.memref_slice %arg5[%run_scoped3A_506, %run_scoped3A_507, %run_scoped3A_508, %dma_start3A_550] : memref<2x2x8x125xi32, #tpu.memory_space<vmem>> -> memref<1x1x1x125xi32, #tpu.memory_space<vmem>>
        %dma_start3A_552 = tpu.memref_squeeze %dma_start3A_551 : memref<1x1x1x125xi32, #tpu.memory_space<vmem>> -> memref<125xi32, #tpu.memory_space<vmem>>
        %dma_start3A_553 = arith.constant 0 : i32
        %dma_start3A_554 = arith.constant 0 : i32
        %dma_start3A_555 = tpu.memref_slice %arg8[%dma_start3A_553, %dma_start3A_554] : memref<10240x128xf32, #tpu.memory_space<vmem_shared>> -> memref<10240x128xf32, #tpu.memory_space<vmem_shared>>
        tpu.enqueue_indirect_dma source(%arg7 : memref<125x128xf32, #tpu.memory_space<vmem>>) target(%dma_start3A_555 : memref<10240x128xf32, #tpu.memory_space<vmem_shared>>) offsets(%dma_start3A_552 : memref<125xi32, #tpu.memory_space<vmem>>) semaphore(%run_scoped3A_549 : memref<!tpu.dma_semaphore, #tpu.memory_space<semaphore_mem>>) {add = true}
        %dma_wait3A_556 = arith.constant 0 : i32
        %dma_wait3A_557 = tpu.memref_slice %arg5[%run_scoped3A_506, %run_scoped3A_507, %run_scoped3A_508, %dma_wait3A_556] : memref<2x2x8x125xi32, #tpu.memory_space<vmem>> -> memref<1x1x1x125xi32, #tpu.memory_space<vmem>>
        %dma_wait3A_558 = tpu.memref_squeeze %dma_wait3A_557 : memref<1x1x1x125xi32, #tpu.memory_space<vmem>> -> memref<125xi32, #tpu.memory_space<vmem>>
        %dma_wait3A_559 = arith.constant 0 : i32
        %dma_wait3A_560 = arith.constant 0 : i32
        %dma_wait3A_561 = tpu.memref_slice %arg8[%dma_wait3A_559, %dma_wait3A_560] : memref<10240x128xf32, #tpu.memory_space<vmem_shared>> -> memref<10240x128xf32, #tpu.memory_space<vmem_shared>>
        tpu.wait_indirect_dma semaphore(%run_scoped3A_549 : memref<!tpu.dma_semaphore, #tpu.memory_space<semaphore_mem>>) src(%arg7 : memref<125x128xf32, #tpu.memory_space<vmem>>) dst(%dma_wait3A_561 : memref<10240x128xf32, #tpu.memory_space<vmem_shared>>)
        tpu.yield
      }) : () -> ()
      %dma_start3A_509 = arith.constant 1 : i32
      %dma_start3A_510 = arith.constant 0 : i32
      %dma_start3A_511 = arith.constant 7 : i32
      %dma_start3A_512 = arith.constant 0 : i32
      %dma_start3A_513 = tpu.memref_slice %arg5[%dma_start3A_509, %dma_start3A_510, %dma_start3A_511, %dma_start3A_512] : memref<2x2x8x125xi32, #tpu.memory_space<vmem>> -> memref<1x1x1x125xi32, #tpu.memory_space<vmem>>
      %dma_start3A_514 = tpu.memref_squeeze %dma_start3A_513 : memref<1x1x1x125xi32, #tpu.memory_space<vmem>> -> memref<125xi32, #tpu.memory_space<vmem>>
      %dma_start3A_515 = arith.constant 0 : i32
      %dma_start3A_516 = arith.constant 0 : i32
      %dma_start3A_517 = tpu.memref_slice %arg2[%dma_start3A_515, %dma_start3A_516] : memref<10000x128xf32, #tpu.memory_space<hbm>> -> memref<10000x128xf32, #tpu.memory_space<hbm>>
      tpu.enqueue_indirect_dma source(%dma_start3A_517 : memref<10000x128xf32, #tpu.memory_space<hbm>>) target(%arg7 : memref<125x128xf32, #tpu.memory_space<vmem>>) offsets(%dma_start3A_514 : memref<125xi32, #tpu.memory_space<vmem>>) semaphore(%arg10 : memref<!tpu.dma_semaphore, #tpu.memory_space<semaphore_mem>>)
      %dma_wait3A_518 = arith.constant 0 : i32
      %dma_wait3A_519 = arith.constant 0 : i32
      %dma_wait3A_520 = arith.constant 0 : i32
      %dma_wait3A_521 = arith.constant 0 : i32
      %dma_wait3A_522 = tpu.memref_slice %arg5[%dma_wait3A_518, %dma_wait3A_519, %dma_wait3A_520, %dma_wait3A_521] : memref<2x2x8x125xi32, #tpu.memory_space<vmem>> -> memref<1x1x1x125xi32, #tpu.memory_space<vmem>>
      %dma_wait3A_523 = tpu.memref_squeeze %dma_wait3A_522 : memref<1x1x1x125xi32, #tpu.memory_space<vmem>> -> memref<125xi32, #tpu.memory_space<vmem>>
      %dma_wait3A_524 = arith.constant 0 : i32
      %dma_wait3A_525 = arith.constant 0 : i32
      %dma_wait3A_526 = tpu.memref_slice %arg2[%dma_wait3A_524, %dma_wait3A_525] : memref<10000x128xf32, #tpu.memory_space<hbm>> -> memref<10000x128xf32, #tpu.memory_space<hbm>>
      tpu.wait_indirect_dma semaphore(%arg9 : memref<!tpu.dma_semaphore, #tpu.memory_space<semaphore_mem>>) src(%dma_wait3A_526 : memref<10000x128xf32, #tpu.memory_space<hbm>>) dst(%arg6 : memref<125x128xf32, #tpu.memory_space<vmem>>)
      %run_scoped3A_527 = arith.constant 1 : i32
      %run_scoped3A_528 = arith.constant 1 : i32
      %run_scoped3A_529 = arith.constant 6 : i32
      "tpu.region"() ({
        %run_scoped3A_549 = tpu.sem_alloc : memref<!tpu.dma_semaphore, #tpu.memory_space<semaphore_mem>>
        %dma_start3A_550 = arith.constant 0 : i32
        %dma_start3A_551 = tpu.memref_slice %arg5[%run_scoped3A_527, %run_scoped3A_528, %run_scoped3A_529, %dma_start3A_550] : memref<2x2x8x125xi32, #tpu.memory_space<vmem>> -> memref<1x1x1x125xi32, #tpu.memory_space<vmem>>
        %dma_start3A_552 = tpu.memref_squeeze %dma_start3A_551 : memref<1x1x1x125xi32, #tpu.memory_space<vmem>> -> memref<125xi32, #tpu.memory_space<vmem>>
        %dma_start3A_553 = arith.constant 0 : i32
        %dma_start3A_554 = arith.constant 0 : i32
        %dma_start3A_555 = tpu.memref_slice %arg8[%dma_start3A_553, %dma_start3A_554] : memref<10240x128xf32, #tpu.memory_space<vmem_shared>> -> memref<10240x128xf32, #tpu.memory_space<vmem_shared>>
        tpu.enqueue_indirect_dma source(%arg6 : memref<125x128xf32, #tpu.memory_space<vmem>>) target(%dma_start3A_555 : memref<10240x128xf32, #tpu.memory_space<vmem_shared>>) offsets(%dma_start3A_552 : memref<125xi32, #tpu.memory_space<vmem>>) semaphore(%run_scoped3A_549 : memref<!tpu.dma_semaphore, #tpu.memory_space<semaphore_mem>>) {add = true}
        %dma_wait3A_556 = arith.constant 0 : i32
        %dma_wait3A_557 = tpu.memref_slice %arg5[%run_scoped3A_527, %run_scoped3A_528, %run_scoped3A_529, %dma_wait3A_556] : memref<2x2x8x125xi32, #tpu.memory_space<vmem>> -> memref<1x1x1x125xi32, #tpu.memory_space<vmem>>
        %dma_wait3A_558 = tpu.memref_squeeze %dma_wait3A_557 : memref<1x1x1x125xi32, #tpu.memory_space<vmem>> -> memref<125xi32, #tpu.memory_space<vmem>>
        %dma_wait3A_559 = arith.constant 0 : i32
        %dma_wait3A_560 = arith.constant 0 : i32
        %dma_wait3A_561 = tpu.memref_slice %arg8[%dma_wait3A_559, %dma_wait3A_560] : memref<10240x128xf32, #tpu.memory_space<vmem_shared>> -> memref<10240x128xf32, #tpu.memory_space<vmem_shared>>
        tpu.wait_indirect_dma semaphore(%run_scoped3A_549 : memref<!tpu.dma_semaphore, #tpu.memory_space<semaphore_mem>>) src(%arg6 : memref<125x128xf32, #tpu.memory_space<vmem>>) dst(%dma_wait3A_561 : memref<10240x128xf32, #tpu.memory_space<vmem_shared>>)
        tpu.yield
      }) : () -> ()
      %add3A_530 = arith.constant 2 : i32
      %add3A_531 = arith.addi %mul3A_131, %add3A_530 : i32
      %lt3A_532 = arith.constant 10 : i32
      %lt3A_533 = arith.cmpi slt, %add3A_531, %lt3A_532 : i32
      %convert_element_type3A_534 = arith.extui %lt3A_533 : i1 to i32
      %cond3A_535 = arith.constant 0 : i32
      %cond3A_536 = arith.cmpi ne, %convert_element_type3A_534, %cond3A_535 : i32
      scf.if %cond3A_536 {
        %dma_wait3A_549 = arith.constant 0 : i32
        %dma_wait3A_550 = arith.constant 0 : i32
        %dma_wait3A_551 = arith.constant 0 : i32
        %dma_wait3A_552 = arith.constant 0 : i32
        %dma_wait3A_553 = arith.constant 0 : i32
        %dma_wait3A_554 = arith.constant 0 : i32
        %dma_wait3A_555 = tpu.memref_slice %arg5[%dma_wait3A_551, %dma_wait3A_552, %dma_wait3A_553, %dma_wait3A_554] : memref<2x2x8x125xi32, #tpu.memory_space<vmem>> -> memref<1x1x8x125xi32, #tpu.memory_space<vmem>>
        %dma_wait3A_556 = tpu.memref_squeeze %dma_wait3A_555 : memref<1x1x8x125xi32, #tpu.memory_space<vmem>> -> memref<8x125xi32, #tpu.memory_space<vmem>>
        %dma_wait3A_557 = arith.constant 0 : i32
        %dma_wait3A_558 = arith.constant 0 : i32
        %dma_wait3A_559 = tpu.memref_slice %arg3[%dma_wait3A_549, %add3A, %dma_wait3A_550, %dma_wait3A_557, %dma_wait3A_558] : memref<2x32x10x8x125xi32, #tpu.memory_space<hbm>> -> memref<1x1x1x8x125xi32, #tpu.memory_space<hbm>>
        %dma_wait3A_560 = tpu.memref_squeeze %dma_wait3A_559 : memref<1x1x1x8x125xi32, #tpu.memory_space<hbm>> -> memref<8x125xi32, #tpu.memory_space<hbm>>
        %dma_wait3A_561 = arith.constant 0 : i32
        %dma_wait3A_562 = arith.constant 0 : i32
        %dma_wait3A_563 = tpu.memref_slice %arg5[%dma_wait3A_551, %dma_wait3A_552, %dma_wait3A_561, %dma_wait3A_562] : memref<2x2x8x125xi32, #tpu.memory_space<vmem>> -> memref<1x1x8x125xi32, #tpu.memory_space<vmem>>
        %dma_wait3A_564 = tpu.memref_squeeze %dma_wait3A_563 : memref<1x1x8x125xi32, #tpu.memory_space<vmem>> -> memref<8x125xi32, #tpu.memory_space<vmem>>
        %dma_wait3A_565 = arith.constant 0 : i32
        %dma_wait3A_566 = arith.constant 0 : i32
        %dma_wait3A_567 = tpu.memref_slice %arg3[%dma_wait3A_549, %add3A, %dma_wait3A_550, %dma_wait3A_565, %dma_wait3A_566] : memref<2x32x10x8x125xi32, #tpu.memory_space<hbm>> -> memref<1x1x1x8x125xi32, #tpu.memory_space<hbm>>
        %dma_wait3A_568 = tpu.memref_squeeze %dma_wait3A_567 : memref<1x1x1x8x125xi32, #tpu.memory_space<hbm>> -> memref<8x125xi32, #tpu.memory_space<hbm>>
        tpu.wait_dma2 semaphore(%arg11 : memref<!tpu.dma_semaphore, #tpu.memory_space<semaphore_mem>>) src(%dma_wait3A_568 : memref<8x125xi32, #tpu.memory_space<hbm>>) dst(%dma_wait3A_564 : memref<8x125xi32, #tpu.memory_space<vmem>>)
        %dma_wait3A_569 = arith.constant 0 : i32
        %dma_wait3A_570 = arith.constant 0 : i32
        %dma_wait3A_571 = arith.constant 0 : i32
        %dma_wait3A_572 = arith.constant 0 : i32
        %dma_wait3A_573 = arith.constant 0 : i32
        %dma_wait3A_574 = arith.constant 0 : i32
        %dma_wait3A_575 = tpu.memref_slice %arg5[%dma_wait3A_571, %dma_wait3A_572, %dma_wait3A_573, %dma_wait3A_574] : memref<2x2x8x125xi32, #tpu.memory_space<vmem>> -> memref<1x1x8x125xi32, #tpu.memory_space<vmem>>
        %dma_wait3A_576 = tpu.memref_squeeze %dma_wait3A_575 : memref<1x1x8x125xi32, #tpu.memory_space<vmem>> -> memref<8x125xi32, #tpu.memory_space<vmem>>
        %dma_wait3A_577 = arith.constant 0 : i32
        %dma_wait3A_578 = arith.constant 0 : i32
        %dma_wait3A_579 = tpu.memref_slice %arg3[%dma_wait3A_569, %add3A, %dma_wait3A_570, %dma_wait3A_577, %dma_wait3A_578] : memref<2x32x10x8x125xi32, #tpu.memory_space<hbm>> -> memref<1x1x1x8x125xi32, #tpu.memory_space<hbm>>
        %dma_wait3A_580 = tpu.memref_squeeze %dma_wait3A_579 : memref<1x1x1x8x125xi32, #tpu.memory_space<hbm>> -> memref<8x125xi32, #tpu.memory_space<hbm>>
        %dma_wait3A_581 = arith.constant 0 : i32
        %dma_wait3A_582 = arith.constant 0 : i32
        %dma_wait3A_583 = tpu.memref_slice %arg5[%dma_wait3A_571, %dma_wait3A_572, %dma_wait3A_581, %dma_wait3A_582] : memref<2x2x8x125xi32, #tpu.memory_space<vmem>> -> memref<1x1x8x125xi32, #tpu.memory_space<vmem>>
        %dma_wait3A_584 = tpu.memref_squeeze %dma_wait3A_583 : memref<1x1x8x125xi32, #tpu.memory_space<vmem>> -> memref<8x125xi32, #tpu.memory_space<vmem>>
        %dma_wait3A_585 = arith.constant 0 : i32
        %dma_wait3A_586 = arith.constant 0 : i32
        %dma_wait3A_587 = tpu.memref_slice %arg3[%dma_wait3A_569, %add3A, %dma_wait3A_570, %dma_wait3A_585, %dma_wait3A_586] : memref<2x32x10x8x125xi32, #tpu.memory_space<hbm>> -> memref<1x1x1x8x125xi32, #tpu.memory_space<hbm>>
        %dma_wait3A_588 = tpu.memref_squeeze %dma_wait3A_587 : memref<1x1x1x8x125xi32, #tpu.memory_space<hbm>> -> memref<8x125xi32, #tpu.memory_space<hbm>>
        tpu.wait_dma2 semaphore(%arg11 : memref<!tpu.dma_semaphore, #tpu.memory_space<semaphore_mem>>) src(%dma_wait3A_588 : memref<8x125xi32, #tpu.memory_space<hbm>>) dst(%dma_wait3A_584 : memref<8x125xi32, #tpu.memory_space<vmem>>)
        %dma_start3A_589 = arith.constant 0 : i32
        %dma_start3A_590 = arith.constant 0 : i32
        %dma_start3A_591 = arith.constant 0 : i32
        %dma_start3A_592 = arith.constant 0 : i32
        %dma_start3A_593 = tpu.memref_slice %arg5[%dma_start3A_589, %dma_start3A_590, %dma_start3A_591, %dma_start3A_592] : memref<2x2x8x125xi32, #tpu.memory_space<vmem>> -> memref<1x1x1x125xi32, #tpu.memory_space<vmem>>
        %dma_start3A_594 = tpu.memref_squeeze %dma_start3A_593 : memref<1x1x1x125xi32, #tpu.memory_space<vmem>> -> memref<125xi32, #tpu.memory_space<vmem>>
        %dma_start3A_595 = arith.constant 0 : i32
        %dma_start3A_596 = arith.constant 0 : i32
        %dma_start3A_597 = tpu.memref_slice %arg2[%dma_start3A_595, %dma_start3A_596] : memref<10000x128xf32, #tpu.memory_space<hbm>> -> memref<10000x128xf32, #tpu.memory_space<hbm>>
        tpu.enqueue_indirect_dma source(%dma_start3A_597 : memref<10000x128xf32, #tpu.memory_space<hbm>>) target(%arg6 : memref<125x128xf32, #tpu.memory_space<vmem>>) offsets(%dma_start3A_594 : memref<125xi32, #tpu.memory_space<vmem>>) semaphore(%arg9 : memref<!tpu.dma_semaphore, #tpu.memory_space<semaphore_mem>>)
      } else {
      }
      %dma_wait3A_537 = arith.constant 0 : i32
      %dma_wait3A_538 = arith.constant 0 : i32
      %dma_wait3A_539 = arith.constant 0 : i32
      %dma_wait3A_540 = arith.constant 0 : i32
      %dma_wait3A_541 = tpu.memref_slice %arg5[%dma_wait3A_537, %dma_wait3A_538, %dma_wait3A_539, %dma_wait3A_540] : memref<2x2x8x125xi32, #tpu.memory_space<vmem>> -> memref<1x1x1x125xi32, #tpu.memory_space<vmem>>
      %dma_wait3A_542 = tpu.memref_squeeze %dma_wait3A_541 : memref<1x1x1x125xi32, #tpu.memory_space<vmem>> -> memref<125xi32, #tpu.memory_space<vmem>>
      %dma_wait3A_543 = arith.constant 0 : i32
      %dma_wait3A_544 = arith.constant 0 : i32
      %dma_wait3A_545 = tpu.memref_slice %arg2[%dma_wait3A_543, %dma_wait3A_544] : memref<10000x128xf32, #tpu.memory_space<hbm>> -> memref<10000x128xf32, #tpu.memory_space<hbm>>
      tpu.wait_indirect_dma semaphore(%arg10 : memref<!tpu.dma_semaphore, #tpu.memory_space<semaphore_mem>>) src(%dma_wait3A_545 : memref<10000x128xf32, #tpu.memory_space<hbm>>) dst(%arg7 : memref<125x128xf32, #tpu.memory_space<vmem>>)
      %run_scoped3A_546 = arith.constant 1 : i32
      %run_scoped3A_547 = arith.constant 1 : i32
      %run_scoped3A_548 = arith.constant 7 : i32
      "tpu.region"() ({
        %run_scoped3A_549 = tpu.sem_alloc : memref<!tpu.dma_semaphore, #tpu.memory_space<semaphore_mem>>
        %dma_start3A_550 = arith.constant 0 : i32
        %dma_start3A_551 = tpu.memref_slice %arg5[%run_scoped3A_546, %run_scoped3A_547, %run_scoped3A_548, %dma_start3A_550] : memref<2x2x8x125xi32, #tpu.memory_space<vmem>> -> memref<1x1x1x125xi32, #tpu.memory_space<vmem>>
        %dma_start3A_552 = tpu.memref_squeeze %dma_start3A_551 : memref<1x1x1x125xi32, #tpu.memory_space<vmem>> -> memref<125xi32, #tpu.memory_space<vmem>>
        %dma_start3A_553 = arith.constant 0 : i32
        %dma_start3A_554 = arith.constant 0 : i32
        %dma_start3A_555 = tpu.memref_slice %arg8[%dma_start3A_553, %dma_start3A_554] : memref<10240x128xf32, #tpu.memory_space<vmem_shared>> -> memref<10240x128xf32, #tpu.memory_space<vmem_shared>>
        tpu.enqueue_indirect_dma source(%arg7 : memref<125x128xf32, #tpu.memory_space<vmem>>) target(%dma_start3A_555 : memref<10240x128xf32, #tpu.memory_space<vmem_shared>>) offsets(%dma_start3A_552 : memref<125xi32, #tpu.memory_space<vmem>>) semaphore(%run_scoped3A_549 : memref<!tpu.dma_semaphore, #tpu.memory_space<semaphore_mem>>) {add = true}
        %dma_wait3A_556 = arith.constant 0 : i32
        %dma_wait3A_557 = tpu.memref_slice %arg5[%run_scoped3A_546, %run_scoped3A_547, %run_scoped3A_548, %dma_wait3A_556] : memref<2x2x8x125xi32, #tpu.memory_space<vmem>> -> memref<1x1x1x125xi32, #tpu.memory_space<vmem>>
        %dma_wait3A_558 = tpu.memref_squeeze %dma_wait3A_557 : memref<1x1x1x125xi32, #tpu.memory_space<vmem>> -> memref<125xi32, #tpu.memory_space<vmem>>
        %dma_wait3A_559 = arith.constant 0 : i32
        %dma_wait3A_560 = arith.constant 0 : i32
        %dma_wait3A_561 = tpu.memref_slice %arg8[%dma_wait3A_559, %dma_wait3A_560] : memref<10240x128xf32, #tpu.memory_space<vmem_shared>> -> memref<10240x128xf32, #tpu.memory_space<vmem_shared>>
        tpu.wait_indirect_dma semaphore(%run_scoped3A_549 : memref<!tpu.dma_semaphore, #tpu.memory_space<semaphore_mem>>) src(%arg7 : memref<125x128xf32, #tpu.memory_space<vmem>>) dst(%dma_wait3A_561 : memref<10240x128xf32, #tpu.memory_space<vmem_shared>>)
        tpu.yield
      }) : () -> ()
    }
    %scan3A_123 = arith.constant 5 : i32
    %barrier3A_124 = arith.constant 0 : index
    tpu.barrier barrier_id(%barrier3A_124)
    %mul3A_125 = arith.constant 640 : i32
    %mul3A_126 = arith.muli %arg1, %mul3A_125 : i32
    %mul3A_127 = arith.constant 640 : i32
    %mul3A_128 = arith.muli %arg1, %mul3A_127 : i32
    "tpu.region"() ({
      %run_scoped3A = tpu.sem_alloc : memref<!tpu.dma_semaphore, #tpu.memory_space<semaphore_mem>>
      %dma_start3A_129 = arith.constant 0 : i32
      %dma_start3A_130 = tpu.memref_slice %arg4[%arg0, %mul3A_128, %dma_start3A_129] : memref<2x10240x128xf32, #tpu.memory_space<hbm>> -> memref<1x640x128xf32, #tpu.memory_space<hbm>>
      %dma_start3A_131 = tpu.memref_squeeze %dma_start3A_130 : memref<1x640x128xf32, #tpu.memory_space<hbm>> -> memref<640x128xf32, #tpu.memory_space<hbm>>
      %dma_start3A_132 = arith.constant 0 : i32
      %dma_start3A_133 = tpu.memref_slice %arg8[%mul3A_126, %dma_start3A_132] : memref<10240x128xf32, #tpu.memory_space<vmem_shared>> -> memref<640x128xf32, #tpu.memory_space<vmem_shared>>
      tpu.enqueue_dma source(%dma_start3A_133 : memref<640x128xf32, #tpu.memory_space<vmem_shared>>) target(%dma_start3A_131 : memref<640x128xf32, #tpu.memory_space<hbm>>) target_semaphore(%run_scoped3A : memref<!tpu.dma_semaphore, #tpu.memory_space<semaphore_mem>>)
      %dma_wait3A_134 = arith.constant 0 : i32
      %dma_wait3A_135 = tpu.memref_slice %arg4[%arg0, %mul3A_128, %dma_wait3A_134] : memref<2x10240x128xf32, #tpu.memory_space<hbm>> -> memref<1x640x128xf32, #tpu.memory_space<hbm>>
      %dma_wait3A_136 = tpu.memref_squeeze %dma_wait3A_135 : memref<1x640x128xf32, #tpu.memory_space<hbm>> -> memref<640x128xf32, #tpu.memory_space<hbm>>
      %dma_wait3A_137 = arith.constant 0 : i32
      %dma_wait3A_138 = tpu.memref_slice %arg8[%mul3A_126, %dma_wait3A_137] : memref<10240x128xf32, #tpu.memory_space<vmem_shared>> -> memref<640x128xf32, #tpu.memory_space<vmem_shared>>
      tpu.wait_dma2 semaphore(%run_scoped3A : memref<!tpu.dma_semaphore, #tpu.memory_space<semaphore_mem>>) src(%dma_wait3A_138 : memref<640x128xf32, #tpu.memory_space<vmem_shared>>) dst(%dma_wait3A_136 : memref<640x128xf32, #tpu.memory_space<hbm>>)
      tpu.yield
    }) : () -> ()
    return
  }
}

#map = affine_map<(d0, d1) -> (0, 0, 0, 0, 0)>
#map1 = affine_map<(d0, d1) -> (0, 0)>
module attributes {stable_mosaic.version = 14 : i64} {
  func.func @_deg_kernel(%arg0: i32, %arg1: i32, %arg2: memref<2x32x10x8x125xi32, #tpu.memory_space<hbm>>, %arg3: memref<2x10240xf32, #tpu.memory_space<hbm>>, %arg4: memref<10x8x125xi32, #tpu.memory_space<vmem>>, %arg5: memref<128xf32, #tpu.memory_space<vmem>>, %arg6: memref<640xf32, #tpu.memory_space<vmem>>, %arg7: memref<10240xf32, #tpu.memory_space<vmem_shared>>, %arg8: memref<!tpu.dma_semaphore, #tpu.memory_space<semaphore_mem>>) attributes {dimension_semantics = [#tpu.dimension_semantics<core_parallel>, #tpu.dimension_semantics<subcore_parallel>], iteration_bounds = array<i64: 2, 16>, scalar_prefetch = 0 : i64, scratch_operands = 5 : i64, tpu.core_type = #tpu.core_type<sc_vector_subcore>, window_params = [{transform_indices = #map}, {transform_indices = #map1}]} {
    %mul3A = arith.constant 2 : i32
    %mul3A_0 = arith.muli %arg1, %mul3A : i32
    %add3A = arith.addi %mul3A_0, %arg0 : i32
    %dma_start3A = arith.constant 1 : i32
    %dma_start3A_1 = arith.constant 0 : i32
    %dma_start3A_2 = arith.constant 0 : i32
    %dma_start3A_3 = arith.constant 0 : i32
    %dma_start3A_4 = tpu.memref_slice %arg2[%dma_start3A, %add3A, %dma_start3A_1, %dma_start3A_2, %dma_start3A_3] : memref<2x32x10x8x125xi32, #tpu.memory_space<hbm>> -> memref<1x1x10x8x125xi32, #tpu.memory_space<hbm>>
    %dma_start3A_5 = tpu.memref_squeeze %dma_start3A_4 : memref<1x1x10x8x125xi32, #tpu.memory_space<hbm>> -> memref<10x8x125xi32, #tpu.memory_space<hbm>>
    %dma_start3A_6 = arith.constant 0 : i32
    %dma_start3A_7 = arith.constant 0 : i32
    %dma_start3A_8 = arith.constant 0 : i32
    %dma_start3A_9 = tpu.memref_slice %arg2[%dma_start3A, %add3A, %dma_start3A_6, %dma_start3A_7, %dma_start3A_8] : memref<2x32x10x8x125xi32, #tpu.memory_space<hbm>> -> memref<1x1x10x8x125xi32, #tpu.memory_space<hbm>>
    %dma_start3A_10 = tpu.memref_squeeze %dma_start3A_9 : memref<1x1x10x8x125xi32, #tpu.memory_space<hbm>> -> memref<10x8x125xi32, #tpu.memory_space<hbm>>
    tpu.enqueue_dma source(%dma_start3A_10 : memref<10x8x125xi32, #tpu.memory_space<hbm>>) target(%arg4 : memref<10x8x125xi32, #tpu.memory_space<vmem>>) target_semaphore(%arg8 : memref<!tpu.dma_semaphore, #tpu.memory_space<semaphore_mem>>)
    %broadcast_in_dim3A = arith.constant 1.000000e+00 : f32
    %broadcast_in_dim3A_11 = vector.broadcast %broadcast_in_dim3A : f32 to vector<16xf32>
    %swap3A = arith.constant 0 : index
    %swap3A_12 = tpu.vector_load %arg5[%swap3A] {strides = array<i32>} : memref<128xf32, #tpu.memory_space<vmem>>, vector<16xf32>,
    %swap3A_13 = vector.shape_cast %swap3A_12 : vector<16xf32> to vector<16xf32>
    %swap3A_14 = vector.shape_cast %broadcast_in_dim3A_11 : vector<16xf32> to vector<16xf32>
    tpu.vector_store %arg5[%swap3A], %swap3A_14 {strides = array<i32>} : memref<128xf32, #tpu.memory_space<vmem>>, vector<16xf32>,
    %broadcast_in_dim3A_15 = arith.constant 1.000000e+00 : f32
    %broadcast_in_dim3A_16 = vector.broadcast %broadcast_in_dim3A_15 : f32 to vector<16xf32>
    %swap3A_17 = arith.constant 16 : index
    %swap3A_18 = tpu.vector_load %arg5[%swap3A_17] {strides = array<i32>} : memref<128xf32, #tpu.memory_space<vmem>>, vector<16xf32>,
    %swap3A_19 = vector.shape_cast %swap3A_18 : vector<16xf32> to vector<16xf32>
    %swap3A_20 = vector.shape_cast %broadcast_in_dim3A_16 : vector<16xf32> to vector<16xf32>
    tpu.vector_store %arg5[%swap3A_17], %swap3A_20 {strides = array<i32>} : memref<128xf32, #tpu.memory_space<vmem>>, vector<16xf32>,
    %broadcast_in_dim3A_21 = arith.constant 1.000000e+00 : f32
    %broadcast_in_dim3A_22 = vector.broadcast %broadcast_in_dim3A_21 : f32 to vector<16xf32>
    %swap3A_23 = arith.constant 32 : index
    %swap3A_24 = tpu.vector_load %arg5[%swap3A_23] {strides = array<i32>} : memref<128xf32, #tpu.memory_space<vmem>>, vector<16xf32>,
    %swap3A_25 = vector.shape_cast %swap3A_24 : vector<16xf32> to vector<16xf32>
    %swap3A_26 = vector.shape_cast %broadcast_in_dim3A_22 : vector<16xf32> to vector<16xf32>
    tpu.vector_store %arg5[%swap3A_23], %swap3A_26 {strides = array<i32>} : memref<128xf32, #tpu.memory_space<vmem>>, vector<16xf32>,
    %broadcast_in_dim3A_27 = arith.constant 1.000000e+00 : f32
    %broadcast_in_dim3A_28 = vector.broadcast %broadcast_in_dim3A_27 : f32 to vector<16xf32>
    %swap3A_29 = arith.constant 48 : index
    %swap3A_30 = tpu.vector_load %arg5[%swap3A_29] {strides = array<i32>} : memref<128xf32, #tpu.memory_space<vmem>>, vector<16xf32>,
    %swap3A_31 = vector.shape_cast %swap3A_30 : vector<16xf32> to vector<16xf32>
    %swap3A_32 = vector.shape_cast %broadcast_in_dim3A_28 : vector<16xf32> to vector<16xf32>
    tpu.vector_store %arg5[%swap3A_29], %swap3A_32 {strides = array<i32>} : memref<128xf32, #tpu.memory_space<vmem>>, vector<16xf32>,
    %broadcast_in_dim3A_33 = arith.constant 1.000000e+00 : f32
    %broadcast_in_dim3A_34 = vector.broadcast %broadcast_in_dim3A_33 : f32 to vector<16xf32>
    %swap3A_35 = arith.constant 64 : index
    %swap3A_36 = tpu.vector_load %arg5[%swap3A_35] {strides = array<i32>} : memref<128xf32, #tpu.memory_space<vmem>>, vector<16xf32>,
    %swap3A_37 = vector.shape_cast %swap3A_36 : vector<16xf32> to vector<16xf32>
    %swap3A_38 = vector.shape_cast %broadcast_in_dim3A_34 : vector<16xf32> to vector<16xf32>
    tpu.vector_store %arg5[%swap3A_35], %swap3A_38 {strides = array<i32>} : memref<128xf32, #tpu.memory_space<vmem>>, vector<16xf32>,
    %broadcast_in_dim3A_39 = arith.constant 1.000000e+00 : f32
    %broadcast_in_dim3A_40 = vector.broadcast %broadcast_in_dim3A_39 : f32 to vector<16xf32>
    %swap3A_41 = arith.constant 80 : index
    %swap3A_42 = tpu.vector_load %arg5[%swap3A_41] {strides = array<i32>} : memref<128xf32, #tpu.memory_space<vmem>>, vector<16xf32>,
    %swap3A_43 = vector.shape_cast %swap3A_42 : vector<16xf32> to vector<16xf32>
    %swap3A_44 = vector.shape_cast %broadcast_in_dim3A_40 : vector<16xf32> to vector<16xf32>
    tpu.vector_store %arg5[%swap3A_41], %swap3A_44 {strides = array<i32>} : memref<128xf32, #tpu.memory_space<vmem>>, vector<16xf32>,
    %broadcast_in_dim3A_45 = arith.constant 1.000000e+00 : f32
    %broadcast_in_dim3A_46 = vector.broadcast %broadcast_in_dim3A_45 : f32 to vector<16xf32>
    %swap3A_47 = arith.constant 96 : index
    %swap3A_48 = tpu.vector_load %arg5[%swap3A_47] {strides = array<i32>} : memref<128xf32, #tpu.memory_space<vmem>>, vector<16xf32>,
    %swap3A_49 = vector.shape_cast %swap3A_48 : vector<16xf32> to vector<16xf32>
    %swap3A_50 = vector.shape_cast %broadcast_in_dim3A_46 : vector<16xf32> to vector<16xf32>
    tpu.vector_store %arg5[%swap3A_47], %swap3A_50 {strides = array<i32>} : memref<128xf32, #tpu.memory_space<vmem>>, vector<16xf32>,
    %broadcast_in_dim3A_51 = arith.constant 1.000000e+00 : f32
    %broadcast_in_dim3A_52 = vector.broadcast %broadcast_in_dim3A_51 : f32 to vector<16xf32>
    %swap3A_53 = arith.constant 112 : index
    %swap3A_54 = tpu.vector_load %arg5[%swap3A_53] {strides = array<i32>} : memref<128xf32, #tpu.memory_space<vmem>>, vector<16xf32>,
    %swap3A_55 = vector.shape_cast %swap3A_54 : vector<16xf32> to vector<16xf32>
    %swap3A_56 = vector.shape_cast %broadcast_in_dim3A_52 : vector<16xf32> to vector<16xf32>
    tpu.vector_store %arg5[%swap3A_53], %swap3A_56 {strides = array<i32>} : memref<128xf32, #tpu.memory_space<vmem>>, vector<16xf32>,
    %broadcast_in_dim3A_57 = arith.constant 0.000000e+00 : f32
    %broadcast_in_dim3A_58 = vector.broadcast %broadcast_in_dim3A_57 : f32 to vector<16xf32>
    %swap3A_59 = arith.constant 0 : index
    %swap3A_60 = tpu.vector_load %arg6[%swap3A_59] {strides = array<i32>} : memref<640xf32, #tpu.memory_space<vmem>>, vector<16xf32>,
    %swap3A_61 = vector.shape_cast %swap3A_60 : vector<16xf32> to vector<16xf32>
    %swap3A_62 = vector.shape_cast %broadcast_in_dim3A_58 : vector<16xf32> to vector<16xf32>
    tpu.vector_store %arg6[%swap3A_59], %swap3A_62 {strides = array<i32>} : memref<640xf32, #tpu.memory_space<vmem>>, vector<16xf32>,
    %broadcast_in_dim3A_63 = arith.constant 0.000000e+00 : f32
    %broadcast_in_dim3A_64 = vector.broadcast %broadcast_in_dim3A_63 : f32 to vector<16xf32>
    %swap3A_65 = arith.constant 16 : index
    %swap3A_66 = tpu.vector_load %arg6[%swap3A_65] {strides = array<i32>} : memref<640xf32, #tpu.memory_space<vmem>>, vector<16xf32>,
    %swap3A_67 = vector.shape_cast %swap3A_66 : vector<16xf32> to vector<16xf32>
    %swap3A_68 = vector.shape_cast %broadcast_in_dim3A_64 : vector<16xf32> to vector<16xf32>
    tpu.vector_store %arg6[%swap3A_65], %swap3A_68 {strides = array<i32>} : memref<640xf32, #tpu.memory_space<vmem>>, vector<16xf32>,
    %broadcast_in_dim3A_69 = arith.constant 0.000000e+00 : f32
    %broadcast_in_dim3A_70 = vector.broadcast %broadcast_in_dim3A_69 : f32 to vector<16xf32>
    %swap3A_71 = arith.constant 32 : index
    %swap3A_72 = tpu.vector_load %arg6[%swap3A_71] {strides = array<i32>} : memref<640xf32, #tpu.memory_space<vmem>>, vector<16xf32>,
    %swap3A_73 = vector.shape_cast %swap3A_72 : vector<16xf32> to vector<16xf32>
    %swap3A_74 = vector.shape_cast %broadcast_in_dim3A_70 : vector<16xf32> to vector<16xf32>
    tpu.vector_store %arg6[%swap3A_71], %swap3A_74 {strides = array<i32>} : memref<640xf32, #tpu.memory_space<vmem>>, vector<16xf32>,
    %broadcast_in_dim3A_75 = arith.constant 0.000000e+00 : f32
    %broadcast_in_dim3A_76 = vector.broadcast %broadcast_in_dim3A_75 : f32 to vector<16xf32>
    %swap3A_77 = arith.constant 48 : index
    %swap3A_78 = tpu.vector_load %arg6[%swap3A_77] {strides = array<i32>} : memref<640xf32, #tpu.memory_space<vmem>>, vector<16xf32>,
    %swap3A_79 = vector.shape_cast %swap3A_78 : vector<16xf32> to vector<16xf32>
    %swap3A_80 = vector.shape_cast %broadcast_in_dim3A_76 : vector<16xf32> to vector<16xf32>
    tpu.vector_store %arg6[%swap3A_77], %swap3A_80 {strides = array<i32>} : memref<640xf32, #tpu.memory_space<vmem>>, vector<16xf32>,
    %broadcast_in_dim3A_81 = arith.constant 0.000000e+00 : f32
    %broadcast_in_dim3A_82 = vector.broadcast %broadcast_in_dim3A_81 : f32 to vector<16xf32>
    %swap3A_83 = arith.constant 64 : index
    %swap3A_84 = tpu.vector_load %arg6[%swap3A_83] {strides = array<i32>} : memref<640xf32, #tpu.memory_space<vmem>>, vector<16xf32>,
    %swap3A_85 = vector.shape_cast %swap3A_84 : vector<16xf32> to vector<16xf32>
    %swap3A_86 = vector.shape_cast %broadcast_in_dim3A_82 : vector<16xf32> to vector<16xf32>
    tpu.vector_store %arg6[%swap3A_83], %swap3A_86 {strides = array<i32>} : memref<640xf32, #tpu.memory_space<vmem>>, vector<16xf32>,
    %broadcast_in_dim3A_87 = arith.constant 0.000000e+00 : f32
    %broadcast_in_dim3A_88 = vector.broadcast %broadcast_in_dim3A_87 : f32 to vector<16xf32>
    %swap3A_89 = arith.constant 80 : index
    %swap3A_90 = tpu.vector_load %arg6[%swap3A_89] {strides = array<i32>} : memref<640xf32, #tpu.memory_space<vmem>>, vector<16xf32>,
    %swap3A_91 = vector.shape_cast %swap3A_90 : vector<16xf32> to vector<16xf32>
    %swap3A_92 = vector.shape_cast %broadcast_in_dim3A_88 : vector<16xf32> to vector<16xf32>
    tpu.vector_store %arg6[%swap3A_89], %swap3A_92 {strides = array<i32>} : memref<640xf32, #tpu.memory_space<vmem>>, vector<16xf32>,
    %broadcast_in_dim3A_93 = arith.constant 0.000000e+00 : f32
    %broadcast_in_dim3A_94 = vector.broadcast %broadcast_in_dim3A_93 : f32 to vector<16xf32>
    %swap3A_95 = arith.constant 96 : index
    %swap3A_96 = tpu.vector_load %arg6[%swap3A_95] {strides = array<i32>} : memref<640xf32, #tpu.memory_space<vmem>>, vector<16xf32>,
    %swap3A_97 = vector.shape_cast %swap3A_96 : vector<16xf32> to vector<16xf32>
    %swap3A_98 = vector.shape_cast %broadcast_in_dim3A_94 : vector<16xf32> to vector<16xf32>
    tpu.vector_store %arg6[%swap3A_95], %swap3A_98 {strides = array<i32>} : memref<640xf32, #tpu.memory_space<vmem>>, vector<16xf32>,
    %broadcast_in_dim3A_99 = arith.constant 0.000000e+00 : f32
    %broadcast_in_dim3A_100 = vector.broadcast %broadcast_in_dim3A_99 : f32 to vector<16xf32>
    %swap3A_101 = arith.constant 112 : index
    %swap3A_102 = tpu.vector_load %arg6[%swap3A_101] {strides = array<i32>} : memref<640xf32, #tpu.memory_space<vmem>>, vector<16xf32>,
    %swap3A_103 = vector.shape_cast %swap3A_102 : vector<16xf32> to vector<16xf32>
    %swap3A_104 = vector.shape_cast %broadcast_in_dim3A_100 : vector<16xf32> to vector<16xf32>
    tpu.vector_store %arg6[%swap3A_101], %swap3A_104 {strides = array<i32>} : memref<640xf32, #tpu.memory_space<vmem>>, vector<16xf32>,
    %broadcast_in_dim3A_105 = arith.constant 0.000000e+00 : f32
    %broadcast_in_dim3A_106 = vector.broadcast %broadcast_in_dim3A_105 : f32 to vector<16xf32>
    %swap3A_107 = arith.constant 128 : index
    %swap3A_108 = tpu.vector_load %arg6[%swap3A_107] {strides = array<i32>} : memref<640xf32, #tpu.memory_space<vmem>>, vector<16xf32>,
    %swap3A_109 = vector.shape_cast %swap3A_108 : vector<16xf32> to vector<16xf32>
    %swap3A_110 = vector.shape_cast %broadcast_in_dim3A_106 : vector<16xf32> to vector<16xf32>
    tpu.vector_store %arg6[%swap3A_107], %swap3A_110 {strides = array<i32>} : memref<640xf32, #tpu.memory_space<vmem>>, vector<16xf32>,
    %broadcast_in_dim3A_111 = arith.constant 0.000000e+00 : f32
    %broadcast_in_dim3A_112 = vector.broadcast %broadcast_in_dim3A_111 : f32 to vector<16xf32>
    %swap3A_113 = arith.constant 144 : index
    %swap3A_114 = tpu.vector_load %arg6[%swap3A_113] {strides = array<i32>} : memref<640xf32, #tpu.memory_space<vmem>>, vector<16xf32>,
    %swap3A_115 = vector.shape_cast %swap3A_114 : vector<16xf32> to vector<16xf32>
    %swap3A_116 = vector.shape_cast %broadcast_in_dim3A_112 : vector<16xf32> to vector<16xf32>
    tpu.vector_store %arg6[%swap3A_113], %swap3A_116 {strides = array<i32>} : memref<640xf32, #tpu.memory_space<vmem>>, vector<16xf32>,
    %broadcast_in_dim3A_117 = arith.constant 0.000000e+00 : f32
    %broadcast_in_dim3A_118 = vector.broadcast %broadcast_in_dim3A_117 : f32 to vector<16xf32>
    %swap3A_119 = arith.constant 160 : index
    %swap3A_120 = tpu.vector_load %arg6[%swap3A_119] {strides = array<i32>} : memref<640xf32, #tpu.memory_space<vmem>>, vector<16xf32>,
    %swap3A_121 = vector.shape_cast %swap3A_120 : vector<16xf32> to vector<16xf32>
    %swap3A_122 = vector.shape_cast %broadcast_in_dim3A_118 : vector<16xf32> to vector<16xf32>
    tpu.vector_store %arg6[%swap3A_119], %swap3A_122 {strides = array<i32>} : memref<640xf32, #tpu.memory_space<vmem>>, vector<16xf32>,
    %broadcast_in_dim3A_123 = arith.constant 0.000000e+00 : f32
    %broadcast_in_dim3A_124 = vector.broadcast %broadcast_in_dim3A_123 : f32 to vector<16xf32>
    %swap3A_125 = arith.constant 176 : index
    %swap3A_126 = tpu.vector_load %arg6[%swap3A_125] {strides = array<i32>} : memref<640xf32, #tpu.memory_space<vmem>>, vector<16xf32>,
    %swap3A_127 = vector.shape_cast %swap3A_126 : vector<16xf32> to vector<16xf32>
    %swap3A_128 = vector.shape_cast %broadcast_in_dim3A_124 : vector<16xf32> to vector<16xf32>
    tpu.vector_store %arg6[%swap3A_125], %swap3A_128 {strides = array<i32>} : memref<640xf32, #tpu.memory_space<vmem>>, vector<16xf32>,
    %broadcast_in_dim3A_129 = arith.constant 0.000000e+00 : f32
    %broadcast_in_dim3A_130 = vector.broadcast %broadcast_in_dim3A_129 : f32 to vector<16xf32>
    %swap3A_131 = arith.constant 192 : index
    %swap3A_132 = tpu.vector_load %arg6[%swap3A_131] {strides = array<i32>} : memref<640xf32, #tpu.memory_space<vmem>>, vector<16xf32>,
    %swap3A_133 = vector.shape_cast %swap3A_132 : vector<16xf32> to vector<16xf32>
    %swap3A_134 = vector.shape_cast %broadcast_in_dim3A_130 : vector<16xf32> to vector<16xf32>
    tpu.vector_store %arg6[%swap3A_131], %swap3A_134 {strides = array<i32>} : memref<640xf32, #tpu.memory_space<vmem>>, vector<16xf32>,
    %broadcast_in_dim3A_135 = arith.constant 0.000000e+00 : f32
    %broadcast_in_dim3A_136 = vector.broadcast %broadcast_in_dim3A_135 : f32 to vector<16xf32>
    %swap3A_137 = arith.constant 208 : index
    %swap3A_138 = tpu.vector_load %arg6[%swap3A_137] {strides = array<i32>} : memref<640xf32, #tpu.memory_space<vmem>>, vector<16xf32>,
    %swap3A_139 = vector.shape_cast %swap3A_138 : vector<16xf32> to vector<16xf32>
    %swap3A_140 = vector.shape_cast %broadcast_in_dim3A_136 : vector<16xf32> to vector<16xf32>
    tpu.vector_store %arg6[%swap3A_137], %swap3A_140 {strides = array<i32>} : memref<640xf32, #tpu.memory_space<vmem>>, vector<16xf32>,
    %broadcast_in_dim3A_141 = arith.constant 0.000000e+00 : f32
    %broadcast_in_dim3A_142 = vector.broadcast %broadcast_in_dim3A_141 : f32 to vector<16xf32>
    %swap3A_143 = arith.constant 224 : index
    %swap3A_144 = tpu.vector_load %arg6[%swap3A_143] {strides = array<i32>} : memref<640xf32, #tpu.memory_space<vmem>>, vector<16xf32>,
    %swap3A_145 = vector.shape_cast %swap3A_144 : vector<16xf32> to vector<16xf32>
    %swap3A_146 = vector.shape_cast %broadcast_in_dim3A_142 : vector<16xf32> to vector<16xf32>
    tpu.vector_store %arg6[%swap3A_143], %swap3A_146 {strides = array<i32>} : memref<640xf32, #tpu.memory_space<vmem>>, vector<16xf32>,
    %broadcast_in_dim3A_147 = arith.constant 0.000000e+00 : f32
    %broadcast_in_dim3A_148 = vector.broadcast %broadcast_in_dim3A_147 : f32 to vector<16xf32>
    %swap3A_149 = arith.constant 240 : index
    %swap3A_150 = tpu.vector_load %arg6[%swap3A_149] {strides = array<i32>} : memref<640xf32, #tpu.memory_space<vmem>>, vector<16xf32>,
    %swap3A_151 = vector.shape_cast %swap3A_150 : vector<16xf32> to vector<16xf32>
    %swap3A_152 = vector.shape_cast %broadcast_in_dim3A_148 : vector<16xf32> to vector<16xf32>
    tpu.vector_store %arg6[%swap3A_149], %swap3A_152 {strides = array<i32>} : memref<640xf32, #tpu.memory_space<vmem>>, vector<16xf32>,
    %broadcast_in_dim3A_153 = arith.constant 0.000000e+00 : f32
    %broadcast_in_dim3A_154 = vector.broadcast %broadcast_in_dim3A_153 : f32 to vector<16xf32>
    %swap3A_155 = arith.constant 256 : index
    %swap3A_156 = tpu.vector_load %arg6[%swap3A_155] {strides = array<i32>} : memref<640xf32, #tpu.memory_space<vmem>>, vector<16xf32>,
    %swap3A_157 = vector.shape_cast %swap3A_156 : vector<16xf32> to vector<16xf32>
    %swap3A_158 = vector.shape_cast %broadcast_in_dim3A_154 : vector<16xf32> to vector<16xf32>
    tpu.vector_store %arg6[%swap3A_155], %swap3A_158 {strides = array<i32>} : memref<640xf32, #tpu.memory_space<vmem>>, vector<16xf32>,
    %broadcast_in_dim3A_159 = arith.constant 0.000000e+00 : f32
    %broadcast_in_dim3A_160 = vector.broadcast %broadcast_in_dim3A_159 : f32 to vector<16xf32>
    %swap3A_161 = arith.constant 272 : index
    %swap3A_162 = tpu.vector_load %arg6[%swap3A_161] {strides = array<i32>} : memref<640xf32, #tpu.memory_space<vmem>>, vector<16xf32>,
    %swap3A_163 = vector.shape_cast %swap3A_162 : vector<16xf32> to vector<16xf32>
    %swap3A_164 = vector.shape_cast %broadcast_in_dim3A_160 : vector<16xf32> to vector<16xf32>
    tpu.vector_store %arg6[%swap3A_161], %swap3A_164 {strides = array<i32>} : memref<640xf32, #tpu.memory_space<vmem>>, vector<16xf32>,
    %broadcast_in_dim3A_165 = arith.constant 0.000000e+00 : f32
    %broadcast_in_dim3A_166 = vector.broadcast %broadcast_in_dim3A_165 : f32 to vector<16xf32>
    %swap3A_167 = arith.constant 288 : index
    %swap3A_168 = tpu.vector_load %arg6[%swap3A_167] {strides = array<i32>} : memref<640xf32, #tpu.memory_space<vmem>>, vector<16xf32>,
    %swap3A_169 = vector.shape_cast %swap3A_168 : vector<16xf32> to vector<16xf32>
    %swap3A_170 = vector.shape_cast %broadcast_in_dim3A_166 : vector<16xf32> to vector<16xf32>
    tpu.vector_store %arg6[%swap3A_167], %swap3A_170 {strides = array<i32>} : memref<640xf32, #tpu.memory_space<vmem>>, vector<16xf32>,
    %broadcast_in_dim3A_171 = arith.constant 0.000000e+00 : f32
    %broadcast_in_dim3A_172 = vector.broadcast %broadcast_in_dim3A_171 : f32 to vector<16xf32>
    %swap3A_173 = arith.constant 304 : index
    %swap3A_174 = tpu.vector_load %arg6[%swap3A_173] {strides = array<i32>} : memref<640xf32, #tpu.memory_space<vmem>>, vector<16xf32>,
    %swap3A_175 = vector.shape_cast %swap3A_174 : vector<16xf32> to vector<16xf32>
    %swap3A_176 = vector.shape_cast %broadcast_in_dim3A_172 : vector<16xf32> to vector<16xf32>
    tpu.vector_store %arg6[%swap3A_173], %swap3A_176 {strides = array<i32>} : memref<640xf32, #tpu.memory_space<vmem>>, vector<16xf32>,
    %broadcast_in_dim3A_177 = arith.constant 0.000000e+00 : f32
    %broadcast_in_dim3A_178 = vector.broadcast %broadcast_in_dim3A_177 : f32 to vector<16xf32>
    %swap3A_179 = arith.constant 320 : index
    %swap3A_180 = tpu.vector_load %arg6[%swap3A_179] {strides = array<i32>} : memref<640xf32, #tpu.memory_space<vmem>>, vector<16xf32>,
    %swap3A_181 = vector.shape_cast %swap3A_180 : vector<16xf32> to vector<16xf32>
    %swap3A_182 = vector.shape_cast %broadcast_in_dim3A_178 : vector<16xf32> to vector<16xf32>
    tpu.vector_store %arg6[%swap3A_179], %swap3A_182 {strides = array<i32>} : memref<640xf32, #tpu.memory_space<vmem>>, vector<16xf32>,
    %broadcast_in_dim3A_183 = arith.constant 0.000000e+00 : f32
    %broadcast_in_dim3A_184 = vector.broadcast %broadcast_in_dim3A_183 : f32 to vector<16xf32>
    %swap3A_185 = arith.constant 336 : index
    %swap3A_186 = tpu.vector_load %arg6[%swap3A_185] {strides = array<i32>} : memref<640xf32, #tpu.memory_space<vmem>>, vector<16xf32>,
    %swap3A_187 = vector.shape_cast %swap3A_186 : vector<16xf32> to vector<16xf32>
    %swap3A_188 = vector.shape_cast %broadcast_in_dim3A_184 : vector<16xf32> to vector<16xf32>
    tpu.vector_store %arg6[%swap3A_185], %swap3A_188 {strides = array<i32>} : memref<640xf32, #tpu.memory_space<vmem>>, vector<16xf32>,
    %broadcast_in_dim3A_189 = arith.constant 0.000000e+00 : f32
    %broadcast_in_dim3A_190 = vector.broadcast %broadcast_in_dim3A_189 : f32 to vector<16xf32>
    %swap3A_191 = arith.constant 352 : index
    %swap3A_192 = tpu.vector_load %arg6[%swap3A_191] {strides = array<i32>} : memref<640xf32, #tpu.memory_space<vmem>>, vector<16xf32>,
    %swap3A_193 = vector.shape_cast %swap3A_192 : vector<16xf32> to vector<16xf32>
    %swap3A_194 = vector.shape_cast %broadcast_in_dim3A_190 : vector<16xf32> to vector<16xf32>
    tpu.vector_store %arg6[%swap3A_191], %swap3A_194 {strides = array<i32>} : memref<640xf32, #tpu.memory_space<vmem>>, vector<16xf32>,
    %broadcast_in_dim3A_195 = arith.constant 0.000000e+00 : f32
    %broadcast_in_dim3A_196 = vector.broadcast %broadcast_in_dim3A_195 : f32 to vector<16xf32>
    %swap3A_197 = arith.constant 368 : index
    %swap3A_198 = tpu.vector_load %arg6[%swap3A_197] {strides = array<i32>} : memref<640xf32, #tpu.memory_space<vmem>>, vector<16xf32>,
    %swap3A_199 = vector.shape_cast %swap3A_198 : vector<16xf32> to vector<16xf32>
    %swap3A_200 = vector.shape_cast %broadcast_in_dim3A_196 : vector<16xf32> to vector<16xf32>
    tpu.vector_store %arg6[%swap3A_197], %swap3A_200 {strides = array<i32>} : memref<640xf32, #tpu.memory_space<vmem>>, vector<16xf32>,
    %broadcast_in_dim3A_201 = arith.constant 0.000000e+00 : f32
    %broadcast_in_dim3A_202 = vector.broadcast %broadcast_in_dim3A_201 : f32 to vector<16xf32>
    %swap3A_203 = arith.constant 384 : index
    %swap3A_204 = tpu.vector_load %arg6[%swap3A_203] {strides = array<i32>} : memref<640xf32, #tpu.memory_space<vmem>>, vector<16xf32>,
    %swap3A_205 = vector.shape_cast %swap3A_204 : vector<16xf32> to vector<16xf32>
    %swap3A_206 = vector.shape_cast %broadcast_in_dim3A_202 : vector<16xf32> to vector<16xf32>
    tpu.vector_store %arg6[%swap3A_203], %swap3A_206 {strides = array<i32>} : memref<640xf32, #tpu.memory_space<vmem>>, vector<16xf32>,
    %broadcast_in_dim3A_207 = arith.constant 0.000000e+00 : f32
    %broadcast_in_dim3A_208 = vector.broadcast %broadcast_in_dim3A_207 : f32 to vector<16xf32>
    %swap3A_209 = arith.constant 400 : index
    %swap3A_210 = tpu.vector_load %arg6[%swap3A_209] {strides = array<i32>} : memref<640xf32, #tpu.memory_space<vmem>>, vector<16xf32>,
    %swap3A_211 = vector.shape_cast %swap3A_210 : vector<16xf32> to vector<16xf32>
    %swap3A_212 = vector.shape_cast %broadcast_in_dim3A_208 : vector<16xf32> to vector<16xf32>
    tpu.vector_store %arg6[%swap3A_209], %swap3A_212 {strides = array<i32>} : memref<640xf32, #tpu.memory_space<vmem>>, vector<16xf32>,
    %broadcast_in_dim3A_213 = arith.constant 0.000000e+00 : f32
    %broadcast_in_dim3A_214 = vector.broadcast %broadcast_in_dim3A_213 : f32 to vector<16xf32>
    %swap3A_215 = arith.constant 416 : index
    %swap3A_216 = tpu.vector_load %arg6[%swap3A_215] {strides = array<i32>} : memref<640xf32, #tpu.memory_space<vmem>>, vector<16xf32>,
    %swap3A_217 = vector.shape_cast %swap3A_216 : vector<16xf32> to vector<16xf32>
    %swap3A_218 = vector.shape_cast %broadcast_in_dim3A_214 : vector<16xf32> to vector<16xf32>
    tpu.vector_store %arg6[%swap3A_215], %swap3A_218 {strides = array<i32>} : memref<640xf32, #tpu.memory_space<vmem>>, vector<16xf32>,
    %broadcast_in_dim3A_219 = arith.constant 0.000000e+00 : f32
    %broadcast_in_dim3A_220 = vector.broadcast %broadcast_in_dim3A_219 : f32 to vector<16xf32>
    %swap3A_221 = arith.constant 432 : index
    %swap3A_222 = tpu.vector_load %arg6[%swap3A_221] {strides = array<i32>} : memref<640xf32, #tpu.memory_space<vmem>>, vector<16xf32>,
    %swap3A_223 = vector.shape_cast %swap3A_222 : vector<16xf32> to vector<16xf32>
    %swap3A_224 = vector.shape_cast %broadcast_in_dim3A_220 : vector<16xf32> to vector<16xf32>
    tpu.vector_store %arg6[%swap3A_221], %swap3A_224 {strides = array<i32>} : memref<640xf32, #tpu.memory_space<vmem>>, vector<16xf32>,
    %broadcast_in_dim3A_225 = arith.constant 0.000000e+00 : f32
    %broadcast_in_dim3A_226 = vector.broadcast %broadcast_in_dim3A_225 : f32 to vector<16xf32>
    %swap3A_227 = arith.constant 448 : index
    %swap3A_228 = tpu.vector_load %arg6[%swap3A_227] {strides = array<i32>} : memref<640xf32, #tpu.memory_space<vmem>>, vector<16xf32>,
    %swap3A_229 = vector.shape_cast %swap3A_228 : vector<16xf32> to vector<16xf32>
    %swap3A_230 = vector.shape_cast %broadcast_in_dim3A_226 : vector<16xf32> to vector<16xf32>
    tpu.vector_store %arg6[%swap3A_227], %swap3A_230 {strides = array<i32>} : memref<640xf32, #tpu.memory_space<vmem>>, vector<16xf32>,
    %broadcast_in_dim3A_231 = arith.constant 0.000000e+00 : f32
    %broadcast_in_dim3A_232 = vector.broadcast %broadcast_in_dim3A_231 : f32 to vector<16xf32>
    %swap3A_233 = arith.constant 464 : index
    %swap3A_234 = tpu.vector_load %arg6[%swap3A_233] {strides = array<i32>} : memref<640xf32, #tpu.memory_space<vmem>>, vector<16xf32>,
    %swap3A_235 = vector.shape_cast %swap3A_234 : vector<16xf32> to vector<16xf32>
    %swap3A_236 = vector.shape_cast %broadcast_in_dim3A_232 : vector<16xf32> to vector<16xf32>
    tpu.vector_store %arg6[%swap3A_233], %swap3A_236 {strides = array<i32>} : memref<640xf32, #tpu.memory_space<vmem>>, vector<16xf32>,
    %broadcast_in_dim3A_237 = arith.constant 0.000000e+00 : f32
    %broadcast_in_dim3A_238 = vector.broadcast %broadcast_in_dim3A_237 : f32 to vector<16xf32>
    %swap3A_239 = arith.constant 480 : index
    %swap3A_240 = tpu.vector_load %arg6[%swap3A_239] {strides = array<i32>} : memref<640xf32, #tpu.memory_space<vmem>>, vector<16xf32>,
    %swap3A_241 = vector.shape_cast %swap3A_240 : vector<16xf32> to vector<16xf32>
    %swap3A_242 = vector.shape_cast %broadcast_in_dim3A_238 : vector<16xf32> to vector<16xf32>
    tpu.vector_store %arg6[%swap3A_239], %swap3A_242 {strides = array<i32>} : memref<640xf32, #tpu.memory_space<vmem>>, vector<16xf32>,
    %broadcast_in_dim3A_243 = arith.constant 0.000000e+00 : f32
    %broadcast_in_dim3A_244 = vector.broadcast %broadcast_in_dim3A_243 : f32 to vector<16xf32>
    %swap3A_245 = arith.constant 496 : index
    %swap3A_246 = tpu.vector_load %arg6[%swap3A_245] {strides = array<i32>} : memref<640xf32, #tpu.memory_space<vmem>>, vector<16xf32>,
    %swap3A_247 = vector.shape_cast %swap3A_246 : vector<16xf32> to vector<16xf32>
    %swap3A_248 = vector.shape_cast %broadcast_in_dim3A_244 : vector<16xf32> to vector<16xf32>
    tpu.vector_store %arg6[%swap3A_245], %swap3A_248 {strides = array<i32>} : memref<640xf32, #tpu.memory_space<vmem>>, vector<16xf32>,
    %broadcast_in_dim3A_249 = arith.constant 0.000000e+00 : f32
    %broadcast_in_dim3A_250 = vector.broadcast %broadcast_in_dim3A_249 : f32 to vector<16xf32>
    %swap3A_251 = arith.constant 512 : index
    %swap3A_252 = tpu.vector_load %arg6[%swap3A_251] {strides = array<i32>} : memref<640xf32, #tpu.memory_space<vmem>>, vector<16xf32>,
    %swap3A_253 = vector.shape_cast %swap3A_252 : vector<16xf32> to vector<16xf32>
    %swap3A_254 = vector.shape_cast %broadcast_in_dim3A_250 : vector<16xf32> to vector<16xf32>
    tpu.vector_store %arg6[%swap3A_251], %swap3A_254 {strides = array<i32>} : memref<640xf32, #tpu.memory_space<vmem>>, vector<16xf32>,
    %broadcast_in_dim3A_255 = arith.constant 0.000000e+00 : f32
    %broadcast_in_dim3A_256 = vector.broadcast %broadcast_in_dim3A_255 : f32 to vector<16xf32>
    %swap3A_257 = arith.constant 528 : index
    %swap3A_258 = tpu.vector_load %arg6[%swap3A_257] {strides = array<i32>} : memref<640xf32, #tpu.memory_space<vmem>>, vector<16xf32>,
    %swap3A_259 = vector.shape_cast %swap3A_258 : vector<16xf32> to vector<16xf32>
    %swap3A_260 = vector.shape_cast %broadcast_in_dim3A_256 : vector<16xf32> to vector<16xf32>
    tpu.vector_store %arg6[%swap3A_257], %swap3A_260 {strides = array<i32>} : memref<640xf32, #tpu.memory_space<vmem>>, vector<16xf32>,
    %broadcast_in_dim3A_261 = arith.constant 0.000000e+00 : f32
    %broadcast_in_dim3A_262 = vector.broadcast %broadcast_in_dim3A_261 : f32 to vector<16xf32>
    %swap3A_263 = arith.constant 544 : index
    %swap3A_264 = tpu.vector_load %arg6[%swap3A_263] {strides = array<i32>} : memref<640xf32, #tpu.memory_space<vmem>>, vector<16xf32>,
    %swap3A_265 = vector.shape_cast %swap3A_264 : vector<16xf32> to vector<16xf32>
    %swap3A_266 = vector.shape_cast %broadcast_in_dim3A_262 : vector<16xf32> to vector<16xf32>
    tpu.vector_store %arg6[%swap3A_263], %swap3A_266 {strides = array<i32>} : memref<640xf32, #tpu.memory_space<vmem>>, vector<16xf32>,
    %broadcast_in_dim3A_267 = arith.constant 0.000000e+00 : f32
    %broadcast_in_dim3A_268 = vector.broadcast %broadcast_in_dim3A_267 : f32 to vector<16xf32>
    %swap3A_269 = arith.constant 560 : index
    %swap3A_270 = tpu.vector_load %arg6[%swap3A_269] {strides = array<i32>} : memref<640xf32, #tpu.memory_space<vmem>>, vector<16xf32>,
    %swap3A_271 = vector.shape_cast %swap3A_270 : vector<16xf32> to vector<16xf32>
    %swap3A_272 = vector.shape_cast %broadcast_in_dim3A_268 : vector<16xf32> to vector<16xf32>
    tpu.vector_store %arg6[%swap3A_269], %swap3A_272 {strides = array<i32>} : memref<640xf32, #tpu.memory_space<vmem>>, vector<16xf32>,
    %broadcast_in_dim3A_273 = arith.constant 0.000000e+00 : f32
    %broadcast_in_dim3A_274 = vector.broadcast %broadcast_in_dim3A_273 : f32 to vector<16xf32>
    %swap3A_275 = arith.constant 576 : index
    %swap3A_276 = tpu.vector_load %arg6[%swap3A_275] {strides = array<i32>} : memref<640xf32, #tpu.memory_space<vmem>>, vector<16xf32>,
    %swap3A_277 = vector.shape_cast %swap3A_276 : vector<16xf32> to vector<16xf32>
    %swap3A_278 = vector.shape_cast %broadcast_in_dim3A_274 : vector<16xf32> to vector<16xf32>
    tpu.vector_store %arg6[%swap3A_275], %swap3A_278 {strides = array<i32>} : memref<640xf32, #tpu.memory_space<vmem>>, vector<16xf32>,
    %broadcast_in_dim3A_279 = arith.constant 0.000000e+00 : f32
    %broadcast_in_dim3A_280 = vector.broadcast %broadcast_in_dim3A_279 : f32 to vector<16xf32>
    %swap3A_281 = arith.constant 592 : index
    %swap3A_282 = tpu.vector_load %arg6[%swap3A_281] {strides = array<i32>} : memref<640xf32, #tpu.memory_space<vmem>>, vector<16xf32>,
    %swap3A_283 = vector.shape_cast %swap3A_282 : vector<16xf32> to vector<16xf32>
    %swap3A_284 = vector.shape_cast %broadcast_in_dim3A_280 : vector<16xf32> to vector<16xf32>
    tpu.vector_store %arg6[%swap3A_281], %swap3A_284 {strides = array<i32>} : memref<640xf32, #tpu.memory_space<vmem>>, vector<16xf32>,
    %broadcast_in_dim3A_285 = arith.constant 0.000000e+00 : f32
    %broadcast_in_dim3A_286 = vector.broadcast %broadcast_in_dim3A_285 : f32 to vector<16xf32>
    %swap3A_287 = arith.constant 608 : index
    %swap3A_288 = tpu.vector_load %arg6[%swap3A_287] {strides = array<i32>} : memref<640xf32, #tpu.memory_space<vmem>>, vector<16xf32>,
    %swap3A_289 = vector.shape_cast %swap3A_288 : vector<16xf32> to vector<16xf32>
    %swap3A_290 = vector.shape_cast %broadcast_in_dim3A_286 : vector<16xf32> to vector<16xf32>
    tpu.vector_store %arg6[%swap3A_287], %swap3A_290 {strides = array<i32>} : memref<640xf32, #tpu.memory_space<vmem>>, vector<16xf32>,
    %broadcast_in_dim3A_291 = arith.constant 0.000000e+00 : f32
    %broadcast_in_dim3A_292 = vector.broadcast %broadcast_in_dim3A_291 : f32 to vector<16xf32>
    %swap3A_293 = arith.constant 624 : index
    %swap3A_294 = tpu.vector_load %arg6[%swap3A_293] {strides = array<i32>} : memref<640xf32, #tpu.memory_space<vmem>>, vector<16xf32>,
    %swap3A_295 = vector.shape_cast %swap3A_294 : vector<16xf32> to vector<16xf32>
    %swap3A_296 = vector.shape_cast %broadcast_in_dim3A_292 : vector<16xf32> to vector<16xf32>
    tpu.vector_store %arg6[%swap3A_293], %swap3A_296 {strides = array<i32>} : memref<640xf32, #tpu.memory_space<vmem>>, vector<16xf32>,
    %mul3A_297 = arith.constant 640 : i32
    %mul3A_298 = arith.muli %arg1, %mul3A_297 : i32
    "tpu.region"() ({
      %run_scoped3A = tpu.sem_alloc : memref<!tpu.dma_semaphore, #tpu.memory_space<semaphore_mem>>
      %dma_start3A_319 = tpu.memref_slice %arg7[%mul3A_298] : memref<10240xf32, #tpu.memory_space<vmem_shared>> -> memref<640xf32, #tpu.memory_space<vmem_shared>>
      %dma_start3A_320 = tpu.memref_slice %arg7[%mul3A_298] : memref<10240xf32, #tpu.memory_space<vmem_shared>> -> memref<640xf32, #tpu.memory_space<vmem_shared>>
      tpu.enqueue_dma source(%arg6 : memref<640xf32, #tpu.memory_space<vmem>>) target(%dma_start3A_320 : memref<640xf32, #tpu.memory_space<vmem_shared>>) target_semaphore(%run_scoped3A : memref<!tpu.dma_semaphore, #tpu.memory_space<semaphore_mem>>)
      %dma_wait3A_321 = tpu.memref_slice %arg7[%mul3A_298] : memref<10240xf32, #tpu.memory_space<vmem_shared>> -> memref<640xf32, #tpu.memory_space<vmem_shared>>
      %dma_wait3A_322 = tpu.memref_slice %arg7[%mul3A_298] : memref<10240xf32, #tpu.memory_space<vmem_shared>> -> memref<640xf32, #tpu.memory_space<vmem_shared>>
      tpu.wait_dma2 semaphore(%run_scoped3A : memref<!tpu.dma_semaphore, #tpu.memory_space<semaphore_mem>>) src(%arg6 : memref<640xf32, #tpu.memory_space<vmem>>) dst(%dma_wait3A_322 : memref<640xf32, #tpu.memory_space<vmem_shared>>)
      tpu.yield
    }) : () -> ()
    %dma_wait3A = arith.constant 1 : i32
    %dma_wait3A_299 = arith.constant 0 : i32
    %dma_wait3A_300 = arith.constant 0 : i32
    %dma_wait3A_301 = arith.constant 0 : i32
    %dma_wait3A_302 = tpu.memref_slice %arg2[%dma_wait3A, %add3A, %dma_wait3A_299, %dma_wait3A_300, %dma_wait3A_301] : memref<2x32x10x8x125xi32, #tpu.memory_space<hbm>> -> memref<1x1x10x8x125xi32, #tpu.memory_space<hbm>>
    %dma_wait3A_303 = tpu.memref_squeeze %dma_wait3A_302 : memref<1x1x10x8x125xi32, #tpu.memory_space<hbm>> -> memref<10x8x125xi32, #tpu.memory_space<hbm>>
    %dma_wait3A_304 = arith.constant 0 : i32
    %dma_wait3A_305 = arith.constant 0 : i32
    %dma_wait3A_306 = arith.constant 0 : i32
    %dma_wait3A_307 = tpu.memref_slice %arg2[%dma_wait3A, %add3A, %dma_wait3A_304, %dma_wait3A_305, %dma_wait3A_306] : memref<2x32x10x8x125xi32, #tpu.memory_space<hbm>> -> memref<1x1x10x8x125xi32, #tpu.memory_space<hbm>>
    %dma_wait3A_308 = tpu.memref_squeeze %dma_wait3A_307 : memref<1x1x10x8x125xi32, #tpu.memory_space<hbm>> -> memref<10x8x125xi32, #tpu.memory_space<hbm>>
    tpu.wait_dma2 semaphore(%arg8 : memref<!tpu.dma_semaphore, #tpu.memory_space<semaphore_mem>>) src(%dma_wait3A_308 : memref<10x8x125xi32, #tpu.memory_space<hbm>>) dst(%arg4 : memref<10x8x125xi32, #tpu.memory_space<vmem>>)
    %barrier3A = arith.constant 0 : index
    tpu.barrier barrier_id(%barrier3A)
    %scan3A = arith.constant 0 : i32
    %scan3A_309 = arith.constant 0 : i32
    %scan3A_310 = arith.constant 10 : i32
    %scan3A_311 = arith.addi %scan3A_309, %scan3A_310 : i32
    %scan3A_312 = arith.constant 1 : i32
    scf.for %scan3A_319 = %scan3A_309 to %scan3A_311 step %scan3A_312  : i32 {
      %dma_start3A_320 = arith.constant 0 : i32
      %dma_start3A_321 = arith.constant 0 : i32
      %dma_start3A_322 = tpu.memref_slice %arg5[%dma_start3A_321] : memref<128xf32, #tpu.memory_space<vmem>> -> memref<125xf32, #tpu.memory_space<vmem>>
      %dma_start3A_323 = arith.constant 0 : i32
      %dma_start3A_324 = tpu.memref_slice %arg4[%scan3A_319, %dma_start3A_320, %dma_start3A_323] : memref<10x8x125xi32, #tpu.memory_space<vmem>> -> memref<1x1x125xi32, #tpu.memory_space<vmem>>
      %dma_start3A_325 = tpu.memref_squeeze %dma_start3A_324 : memref<1x1x125xi32, #tpu.memory_space<vmem>> -> memref<125xi32, #tpu.memory_space<vmem>>
      %dma_start3A_326 = arith.constant 0 : i32
      %dma_start3A_327 = tpu.memref_slice %arg7[%dma_start3A_326] : memref<10240xf32, #tpu.memory_space<vmem_shared>> -> memref<10240xf32, #tpu.memory_space<vmem_shared>>
      tpu.enqueue_indirect_dma source(%dma_start3A_322 : memref<125xf32, #tpu.memory_space<vmem>>) target(%dma_start3A_327 : memref<10240xf32, #tpu.memory_space<vmem_shared>>) offsets(%dma_start3A_325 : memref<125xi32, #tpu.memory_space<vmem>>) semaphore(%arg8 : memref<!tpu.dma_semaphore, #tpu.memory_space<semaphore_mem>>) {add = true}
      %dma_start3A_328 = arith.constant 1 : i32
      %dma_start3A_329 = arith.constant 0 : i32
      %dma_start3A_330 = tpu.memref_slice %arg5[%dma_start3A_329] : memref<128xf32, #tpu.memory_space<vmem>> -> memref<125xf32, #tpu.memory_space<vmem>>
      %dma_start3A_331 = arith.constant 0 : i32
      %dma_start3A_332 = tpu.memref_slice %arg4[%scan3A_319, %dma_start3A_328, %dma_start3A_331] : memref<10x8x125xi32, #tpu.memory_space<vmem>> -> memref<1x1x125xi32, #tpu.memory_space<vmem>>
      %dma_start3A_333 = tpu.memref_squeeze %dma_start3A_332 : memref<1x1x125xi32, #tpu.memory_space<vmem>> -> memref<125xi32, #tpu.memory_space<vmem>>
      %dma_start3A_334 = arith.constant 0 : i32
      %dma_start3A_335 = tpu.memref_slice %arg7[%dma_start3A_334] : memref<10240xf32, #tpu.memory_space<vmem_shared>> -> memref<10240xf32, #tpu.memory_space<vmem_shared>>
      tpu.enqueue_indirect_dma source(%dma_start3A_330 : memref<125xf32, #tpu.memory_space<vmem>>) target(%dma_start3A_335 : memref<10240xf32, #tpu.memory_space<vmem_shared>>) offsets(%dma_start3A_333 : memref<125xi32, #tpu.memory_space<vmem>>) semaphore(%arg8 : memref<!tpu.dma_semaphore, #tpu.memory_space<semaphore_mem>>) {add = true}
      %dma_start3A_336 = arith.constant 2 : i32
      %dma_start3A_337 = arith.constant 0 : i32
      %dma_start3A_338 = tpu.memref_slice %arg5[%dma_start3A_337] : memref<128xf32, #tpu.memory_space<vmem>> -> memref<125xf32, #tpu.memory_space<vmem>>
      %dma_start3A_339 = arith.constant 0 : i32
      %dma_start3A_340 = tpu.memref_slice %arg4[%scan3A_319, %dma_start3A_336, %dma_start3A_339] : memref<10x8x125xi32, #tpu.memory_space<vmem>> -> memref<1x1x125xi32, #tpu.memory_space<vmem>>
      %dma_start3A_341 = tpu.memref_squeeze %dma_start3A_340 : memref<1x1x125xi32, #tpu.memory_space<vmem>> -> memref<125xi32, #tpu.memory_space<vmem>>
      %dma_start3A_342 = arith.constant 0 : i32
      %dma_start3A_343 = tpu.memref_slice %arg7[%dma_start3A_342] : memref<10240xf32, #tpu.memory_space<vmem_shared>> -> memref<10240xf32, #tpu.memory_space<vmem_shared>>
      tpu.enqueue_indirect_dma source(%dma_start3A_338 : memref<125xf32, #tpu.memory_space<vmem>>) target(%dma_start3A_343 : memref<10240xf32, #tpu.memory_space<vmem_shared>>) offsets(%dma_start3A_341 : memref<125xi32, #tpu.memory_space<vmem>>) semaphore(%arg8 : memref<!tpu.dma_semaphore, #tpu.memory_space<semaphore_mem>>) {add = true}
      %dma_start3A_344 = arith.constant 3 : i32
      %dma_start3A_345 = arith.constant 0 : i32
      %dma_start3A_346 = tpu.memref_slice %arg5[%dma_start3A_345] : memref<128xf32, #tpu.memory_space<vmem>> -> memref<125xf32, #tpu.memory_space<vmem>>
      %dma_start3A_347 = arith.constant 0 : i32
      %dma_start3A_348 = tpu.memref_slice %arg4[%scan3A_319, %dma_start3A_344, %dma_start3A_347] : memref<10x8x125xi32, #tpu.memory_space<vmem>> -> memref<1x1x125xi32, #tpu.memory_space<vmem>>
      %dma_start3A_349 = tpu.memref_squeeze %dma_start3A_348 : memref<1x1x125xi32, #tpu.memory_space<vmem>> -> memref<125xi32, #tpu.memory_space<vmem>>
      %dma_start3A_350 = arith.constant 0 : i32
      %dma_start3A_351 = tpu.memref_slice %arg7[%dma_start3A_350] : memref<10240xf32, #tpu.memory_space<vmem_shared>> -> memref<10240xf32, #tpu.memory_space<vmem_shared>>
      tpu.enqueue_indirect_dma source(%dma_start3A_346 : memref<125xf32, #tpu.memory_space<vmem>>) target(%dma_start3A_351 : memref<10240xf32, #tpu.memory_space<vmem_shared>>) offsets(%dma_start3A_349 : memref<125xi32, #tpu.memory_space<vmem>>) semaphore(%arg8 : memref<!tpu.dma_semaphore, #tpu.memory_space<semaphore_mem>>) {add = true}
      %dma_start3A_352 = arith.constant 4 : i32
      %dma_start3A_353 = arith.constant 0 : i32
      %dma_start3A_354 = tpu.memref_slice %arg5[%dma_start3A_353] : memref<128xf32, #tpu.memory_space<vmem>> -> memref<125xf32, #tpu.memory_space<vmem>>
      %dma_start3A_355 = arith.constant 0 : i32
      %dma_start3A_356 = tpu.memref_slice %arg4[%scan3A_319, %dma_start3A_352, %dma_start3A_355] : memref<10x8x125xi32, #tpu.memory_space<vmem>> -> memref<1x1x125xi32, #tpu.memory_space<vmem>>
      %dma_start3A_357 = tpu.memref_squeeze %dma_start3A_356 : memref<1x1x125xi32, #tpu.memory_space<vmem>> -> memref<125xi32, #tpu.memory_space<vmem>>
      %dma_start3A_358 = arith.constant 0 : i32
      %dma_start3A_359 = tpu.memref_slice %arg7[%dma_start3A_358] : memref<10240xf32, #tpu.memory_space<vmem_shared>> -> memref<10240xf32, #tpu.memory_space<vmem_shared>>
      tpu.enqueue_indirect_dma source(%dma_start3A_354 : memref<125xf32, #tpu.memory_space<vmem>>) target(%dma_start3A_359 : memref<10240xf32, #tpu.memory_space<vmem_shared>>) offsets(%dma_start3A_357 : memref<125xi32, #tpu.memory_space<vmem>>) semaphore(%arg8 : memref<!tpu.dma_semaphore, #tpu.memory_space<semaphore_mem>>) {add = true}
      %dma_start3A_360 = arith.constant 5 : i32
      %dma_start3A_361 = arith.constant 0 : i32
      %dma_start3A_362 = tpu.memref_slice %arg5[%dma_start3A_361] : memref<128xf32, #tpu.memory_space<vmem>> -> memref<125xf32, #tpu.memory_space<vmem>>
      %dma_start3A_363 = arith.constant 0 : i32
      %dma_start3A_364 = tpu.memref_slice %arg4[%scan3A_319, %dma_start3A_360, %dma_start3A_363] : memref<10x8x125xi32, #tpu.memory_space<vmem>> -> memref<1x1x125xi32, #tpu.memory_space<vmem>>
      %dma_start3A_365 = tpu.memref_squeeze %dma_start3A_364 : memref<1x1x125xi32, #tpu.memory_space<vmem>> -> memref<125xi32, #tpu.memory_space<vmem>>
      %dma_start3A_366 = arith.constant 0 : i32
      %dma_start3A_367 = tpu.memref_slice %arg7[%dma_start3A_366] : memref<10240xf32, #tpu.memory_space<vmem_shared>> -> memref<10240xf32, #tpu.memory_space<vmem_shared>>
      tpu.enqueue_indirect_dma source(%dma_start3A_362 : memref<125xf32, #tpu.memory_space<vmem>>) target(%dma_start3A_367 : memref<10240xf32, #tpu.memory_space<vmem_shared>>) offsets(%dma_start3A_365 : memref<125xi32, #tpu.memory_space<vmem>>) semaphore(%arg8 : memref<!tpu.dma_semaphore, #tpu.memory_space<semaphore_mem>>) {add = true}
      %dma_start3A_368 = arith.constant 6 : i32
      %dma_start3A_369 = arith.constant 0 : i32
      %dma_start3A_370 = tpu.memref_slice %arg5[%dma_start3A_369] : memref<128xf32, #tpu.memory_space<vmem>> -> memref<125xf32, #tpu.memory_space<vmem>>
      %dma_start3A_371 = arith.constant 0 : i32
      %dma_start3A_372 = tpu.memref_slice %arg4[%scan3A_319, %dma_start3A_368, %dma_start3A_371] : memref<10x8x125xi32, #tpu.memory_space<vmem>> -> memref<1x1x125xi32, #tpu.memory_space<vmem>>
      %dma_start3A_373 = tpu.memref_squeeze %dma_start3A_372 : memref<1x1x125xi32, #tpu.memory_space<vmem>> -> memref<125xi32, #tpu.memory_space<vmem>>
      %dma_start3A_374 = arith.constant 0 : i32
      %dma_start3A_375 = tpu.memref_slice %arg7[%dma_start3A_374] : memref<10240xf32, #tpu.memory_space<vmem_shared>> -> memref<10240xf32, #tpu.memory_space<vmem_shared>>
      tpu.enqueue_indirect_dma source(%dma_start3A_370 : memref<125xf32, #tpu.memory_space<vmem>>) target(%dma_start3A_375 : memref<10240xf32, #tpu.memory_space<vmem_shared>>) offsets(%dma_start3A_373 : memref<125xi32, #tpu.memory_space<vmem>>) semaphore(%arg8 : memref<!tpu.dma_semaphore, #tpu.memory_space<semaphore_mem>>) {add = true}
      %dma_start3A_376 = arith.constant 7 : i32
      %dma_start3A_377 = arith.constant 0 : i32
      %dma_start3A_378 = tpu.memref_slice %arg5[%dma_start3A_377] : memref<128xf32, #tpu.memory_space<vmem>> -> memref<125xf32, #tpu.memory_space<vmem>>
      %dma_start3A_379 = arith.constant 0 : i32
      %dma_start3A_380 = tpu.memref_slice %arg4[%scan3A_319, %dma_start3A_376, %dma_start3A_379] : memref<10x8x125xi32, #tpu.memory_space<vmem>> -> memref<1x1x125xi32, #tpu.memory_space<vmem>>
      %dma_start3A_381 = tpu.memref_squeeze %dma_start3A_380 : memref<1x1x125xi32, #tpu.memory_space<vmem>> -> memref<125xi32, #tpu.memory_space<vmem>>
      %dma_start3A_382 = arith.constant 0 : i32
      %dma_start3A_383 = tpu.memref_slice %arg7[%dma_start3A_382] : memref<10240xf32, #tpu.memory_space<vmem_shared>> -> memref<10240xf32, #tpu.memory_space<vmem_shared>>
      tpu.enqueue_indirect_dma source(%dma_start3A_378 : memref<125xf32, #tpu.memory_space<vmem>>) target(%dma_start3A_383 : memref<10240xf32, #tpu.memory_space<vmem_shared>>) offsets(%dma_start3A_381 : memref<125xi32, #tpu.memory_space<vmem>>) semaphore(%arg8 : memref<!tpu.dma_semaphore, #tpu.memory_space<semaphore_mem>>) {add = true}
      %dma_wait3A_384 = arith.constant 0 : i32
      %dma_wait3A_385 = arith.constant 0 : i32
      %dma_wait3A_386 = arith.constant 0 : i32
      %dma_wait3A_387 = tpu.memref_slice %arg5[%dma_wait3A_386] : memref<128xf32, #tpu.memory_space<vmem>> -> memref<125xf32, #tpu.memory_space<vmem>>
      %dma_wait3A_388 = arith.constant 0 : i32
      %dma_wait3A_389 = tpu.memref_slice %arg4[%dma_wait3A_384, %dma_wait3A_385, %dma_wait3A_388] : memref<10x8x125xi32, #tpu.memory_space<vmem>> -> memref<1x1x125xi32, #tpu.memory_space<vmem>>
      %dma_wait3A_390 = tpu.memref_squeeze %dma_wait3A_389 : memref<1x1x125xi32, #tpu.memory_space<vmem>> -> memref<125xi32, #tpu.memory_space<vmem>>
      %dma_wait3A_391 = arith.constant 0 : i32
      %dma_wait3A_392 = tpu.memref_slice %arg7[%dma_wait3A_391] : memref<10240xf32, #tpu.memory_space<vmem_shared>> -> memref<10240xf32, #tpu.memory_space<vmem_shared>>
      tpu.wait_indirect_dma semaphore(%arg8 : memref<!tpu.dma_semaphore, #tpu.memory_space<semaphore_mem>>) src(%dma_wait3A_387 : memref<125xf32, #tpu.memory_space<vmem>>) dst(%dma_wait3A_392 : memref<10240xf32, #tpu.memory_space<vmem_shared>>)
      %dma_wait3A_393 = arith.constant 0 : i32
      %dma_wait3A_394 = arith.constant 0 : i32
      %dma_wait3A_395 = arith.constant 0 : i32
      %dma_wait3A_396 = tpu.memref_slice %arg5[%dma_wait3A_395] : memref<128xf32, #tpu.memory_space<vmem>> -> memref<125xf32, #tpu.memory_space<vmem>>
      %dma_wait3A_397 = arith.constant 0 : i32
      %dma_wait3A_398 = tpu.memref_slice %arg4[%dma_wait3A_393, %dma_wait3A_394, %dma_wait3A_397] : memref<10x8x125xi32, #tpu.memory_space<vmem>> -> memref<1x1x125xi32, #tpu.memory_space<vmem>>
      %dma_wait3A_399 = tpu.memref_squeeze %dma_wait3A_398 : memref<1x1x125xi32, #tpu.memory_space<vmem>> -> memref<125xi32, #tpu.memory_space<vmem>>
      %dma_wait3A_400 = arith.constant 0 : i32
      %dma_wait3A_401 = tpu.memref_slice %arg7[%dma_wait3A_400] : memref<10240xf32, #tpu.memory_space<vmem_shared>> -> memref<10240xf32, #tpu.memory_space<vmem_shared>>
      tpu.wait_indirect_dma semaphore(%arg8 : memref<!tpu.dma_semaphore, #tpu.memory_space<semaphore_mem>>) src(%dma_wait3A_396 : memref<125xf32, #tpu.memory_space<vmem>>) dst(%dma_wait3A_401 : memref<10240xf32, #tpu.memory_space<vmem_shared>>)
      %dma_wait3A_402 = arith.constant 0 : i32
      %dma_wait3A_403 = arith.constant 0 : i32
      %dma_wait3A_404 = arith.constant 0 : i32
      %dma_wait3A_405 = tpu.memref_slice %arg5[%dma_wait3A_404] : memref<128xf32, #tpu.memory_space<vmem>> -> memref<125xf32, #tpu.memory_space<vmem>>
      %dma_wait3A_406 = arith.constant 0 : i32
      %dma_wait3A_407 = tpu.memref_slice %arg4[%dma_wait3A_402, %dma_wait3A_403, %dma_wait3A_406] : memref<10x8x125xi32, #tpu.memory_space<vmem>> -> memref<1x1x125xi32, #tpu.memory_space<vmem>>
      %dma_wait3A_408 = tpu.memref_squeeze %dma_wait3A_407 : memref<1x1x125xi32, #tpu.memory_space<vmem>> -> memref<125xi32, #tpu.memory_space<vmem>>
      %dma_wait3A_409 = arith.constant 0 : i32
      %dma_wait3A_410 = tpu.memref_slice %arg7[%dma_wait3A_409] : memref<10240xf32, #tpu.memory_space<vmem_shared>> -> memref<10240xf32, #tpu.memory_space<vmem_shared>>
      tpu.wait_indirect_dma semaphore(%arg8 : memref<!tpu.dma_semaphore, #tpu.memory_space<semaphore_mem>>) src(%dma_wait3A_405 : memref<125xf32, #tpu.memory_space<vmem>>) dst(%dma_wait3A_410 : memref<10240xf32, #tpu.memory_space<vmem_shared>>)
      %dma_wait3A_411 = arith.constant 0 : i32
      %dma_wait3A_412 = arith.constant 0 : i32
      %dma_wait3A_413 = arith.constant 0 : i32
      %dma_wait3A_414 = tpu.memref_slice %arg5[%dma_wait3A_413] : memref<128xf32, #tpu.memory_space<vmem>> -> memref<125xf32, #tpu.memory_space<vmem>>
      %dma_wait3A_415 = arith.constant 0 : i32
      %dma_wait3A_416 = tpu.memref_slice %arg4[%dma_wait3A_411, %dma_wait3A_412, %dma_wait3A_415] : memref<10x8x125xi32, #tpu.memory_space<vmem>> -> memref<1x1x125xi32, #tpu.memory_space<vmem>>
      %dma_wait3A_417 = tpu.memref_squeeze %dma_wait3A_416 : memref<1x1x125xi32, #tpu.memory_space<vmem>> -> memref<125xi32, #tpu.memory_space<vmem>>
      %dma_wait3A_418 = arith.constant 0 : i32
      %dma_wait3A_419 = tpu.memref_slice %arg7[%dma_wait3A_418] : memref<10240xf32, #tpu.memory_space<vmem_shared>> -> memref<10240xf32, #tpu.memory_space<vmem_shared>>
      tpu.wait_indirect_dma semaphore(%arg8 : memref<!tpu.dma_semaphore, #tpu.memory_space<semaphore_mem>>) src(%dma_wait3A_414 : memref<125xf32, #tpu.memory_space<vmem>>) dst(%dma_wait3A_419 : memref<10240xf32, #tpu.memory_space<vmem_shared>>)
      %dma_wait3A_420 = arith.constant 0 : i32
      %dma_wait3A_421 = arith.constant 0 : i32
      %dma_wait3A_422 = arith.constant 0 : i32
      %dma_wait3A_423 = tpu.memref_slice %arg5[%dma_wait3A_422] : memref<128xf32, #tpu.memory_space<vmem>> -> memref<125xf32, #tpu.memory_space<vmem>>
      %dma_wait3A_424 = arith.constant 0 : i32
      %dma_wait3A_425 = tpu.memref_slice %arg4[%dma_wait3A_420, %dma_wait3A_421, %dma_wait3A_424] : memref<10x8x125xi32, #tpu.memory_space<vmem>> -> memref<1x1x125xi32, #tpu.memory_space<vmem>>
      %dma_wait3A_426 = tpu.memref_squeeze %dma_wait3A_425 : memref<1x1x125xi32, #tpu.memory_space<vmem>> -> memref<125xi32, #tpu.memory_space<vmem>>
      %dma_wait3A_427 = arith.constant 0 : i32
      %dma_wait3A_428 = tpu.memref_slice %arg7[%dma_wait3A_427] : memref<10240xf32, #tpu.memory_space<vmem_shared>> -> memref<10240xf32, #tpu.memory_space<vmem_shared>>
      tpu.wait_indirect_dma semaphore(%arg8 : memref<!tpu.dma_semaphore, #tpu.memory_space<semaphore_mem>>) src(%dma_wait3A_423 : memref<125xf32, #tpu.memory_space<vmem>>) dst(%dma_wait3A_428 : memref<10240xf32, #tpu.memory_space<vmem_shared>>)
      %dma_wait3A_429 = arith.constant 0 : i32
      %dma_wait3A_430 = arith.constant 0 : i32
      %dma_wait3A_431 = arith.constant 0 : i32
      %dma_wait3A_432 = tpu.memref_slice %arg5[%dma_wait3A_431] : memref<128xf32, #tpu.memory_space<vmem>> -> memref<125xf32, #tpu.memory_space<vmem>>
      %dma_wait3A_433 = arith.constant 0 : i32
      %dma_wait3A_434 = tpu.memref_slice %arg4[%dma_wait3A_429, %dma_wait3A_430, %dma_wait3A_433] : memref<10x8x125xi32, #tpu.memory_space<vmem>> -> memref<1x1x125xi32, #tpu.memory_space<vmem>>
      %dma_wait3A_435 = tpu.memref_squeeze %dma_wait3A_434 : memref<1x1x125xi32, #tpu.memory_space<vmem>> -> memref<125xi32, #tpu.memory_space<vmem>>
      %dma_wait3A_436 = arith.constant 0 : i32
      %dma_wait3A_437 = tpu.memref_slice %arg7[%dma_wait3A_436] : memref<10240xf32, #tpu.memory_space<vmem_shared>> -> memref<10240xf32, #tpu.memory_space<vmem_shared>>
      tpu.wait_indirect_dma semaphore(%arg8 : memref<!tpu.dma_semaphore, #tpu.memory_space<semaphore_mem>>) src(%dma_wait3A_432 : memref<125xf32, #tpu.memory_space<vmem>>) dst(%dma_wait3A_437 : memref<10240xf32, #tpu.memory_space<vmem_shared>>)
      %dma_wait3A_438 = arith.constant 0 : i32
      %dma_wait3A_439 = arith.constant 0 : i32
      %dma_wait3A_440 = arith.constant 0 : i32
      %dma_wait3A_441 = tpu.memref_slice %arg5[%dma_wait3A_440] : memref<128xf32, #tpu.memory_space<vmem>> -> memref<125xf32, #tpu.memory_space<vmem>>
      %dma_wait3A_442 = arith.constant 0 : i32
      %dma_wait3A_443 = tpu.memref_slice %arg4[%dma_wait3A_438, %dma_wait3A_439, %dma_wait3A_442] : memref<10x8x125xi32, #tpu.memory_space<vmem>> -> memref<1x1x125xi32, #tpu.memory_space<vmem>>
      %dma_wait3A_444 = tpu.memref_squeeze %dma_wait3A_443 : memref<1x1x125xi32, #tpu.memory_space<vmem>> -> memref<125xi32, #tpu.memory_space<vmem>>
      %dma_wait3A_445 = arith.constant 0 : i32
      %dma_wait3A_446 = tpu.memref_slice %arg7[%dma_wait3A_445] : memref<10240xf32, #tpu.memory_space<vmem_shared>> -> memref<10240xf32, #tpu.memory_space<vmem_shared>>
      tpu.wait_indirect_dma semaphore(%arg8 : memref<!tpu.dma_semaphore, #tpu.memory_space<semaphore_mem>>) src(%dma_wait3A_441 : memref<125xf32, #tpu.memory_space<vmem>>) dst(%dma_wait3A_446 : memref<10240xf32, #tpu.memory_space<vmem_shared>>)
      %dma_wait3A_447 = arith.constant 0 : i32
      %dma_wait3A_448 = arith.constant 0 : i32
      %dma_wait3A_449 = arith.constant 0 : i32
      %dma_wait3A_450 = tpu.memref_slice %arg5[%dma_wait3A_449] : memref<128xf32, #tpu.memory_space<vmem>> -> memref<125xf32, #tpu.memory_space<vmem>>
      %dma_wait3A_451 = arith.constant 0 : i32
      %dma_wait3A_452 = tpu.memref_slice %arg4[%dma_wait3A_447, %dma_wait3A_448, %dma_wait3A_451] : memref<10x8x125xi32, #tpu.memory_space<vmem>> -> memref<1x1x125xi32, #tpu.memory_space<vmem>>
      %dma_wait3A_453 = tpu.memref_squeeze %dma_wait3A_452 : memref<1x1x125xi32, #tpu.memory_space<vmem>> -> memref<125xi32, #tpu.memory_space<vmem>>
      %dma_wait3A_454 = arith.constant 0 : i32
      %dma_wait3A_455 = tpu.memref_slice %arg7[%dma_wait3A_454] : memref<10240xf32, #tpu.memory_space<vmem_shared>> -> memref<10240xf32, #tpu.memory_space<vmem_shared>>
      tpu.wait_indirect_dma semaphore(%arg8 : memref<!tpu.dma_semaphore, #tpu.memory_space<semaphore_mem>>) src(%dma_wait3A_450 : memref<125xf32, #tpu.memory_space<vmem>>) dst(%dma_wait3A_455 : memref<10240xf32, #tpu.memory_space<vmem_shared>>)
    }
    %scan3A_313 = arith.constant 10 : i32
    %barrier3A_314 = arith.constant 0 : index
    tpu.barrier barrier_id(%barrier3A_314)
    %mul3A_315 = arith.constant 640 : i32
    %mul3A_316 = arith.muli %arg1, %mul3A_315 : i32
    %mul3A_317 = arith.constant 640 : i32
    %mul3A_318 = arith.muli %arg1, %mul3A_317 : i32
    "tpu.region"() ({
      %run_scoped3A = tpu.sem_alloc : memref<!tpu.dma_semaphore, #tpu.memory_space<semaphore_mem>>
      %dma_start3A_319 = tpu.memref_slice %arg3[%arg0, %mul3A_318] : memref<2x10240xf32, #tpu.memory_space<hbm>> -> memref<1x640xf32, #tpu.memory_space<hbm>>
      %dma_start3A_320 = tpu.memref_squeeze %dma_start3A_319 : memref<1x640xf32, #tpu.memory_space<hbm>> -> memref<640xf32, #tpu.memory_space<hbm>>
      %dma_start3A_321 = tpu.memref_slice %arg7[%mul3A_316] : memref<10240xf32, #tpu.memory_space<vmem_shared>> -> memref<640xf32, #tpu.memory_space<vmem_shared>>
      tpu.enqueue_dma source(%dma_start3A_321 : memref<640xf32, #tpu.memory_space<vmem_shared>>) target(%dma_start3A_320 : memref<640xf32, #tpu.memory_space<hbm>>) target_semaphore(%run_scoped3A : memref<!tpu.dma_semaphore, #tpu.memory_space<semaphore_mem>>)
      %dma_wait3A_322 = tpu.memref_slice %arg3[%arg0, %mul3A_318] : memref<2x10240xf32, #tpu.memory_space<hbm>> -> memref<1x640xf32, #tpu.memory_space<hbm>>
      %dma_wait3A_323 = tpu.memref_squeeze %dma_wait3A_322 : memref<1x640xf32, #tpu.memory_space<hbm>> -> memref<640xf32, #tpu.memory_space<hbm>>
      %dma_wait3A_324 = tpu.memref_slice %arg7[%mul3A_316] : memref<10240xf32, #tpu.memory_space<vmem_shared>> -> memref<640xf32, #tpu.memory_space<vmem_shared>>
      tpu.wait_dma2 semaphore(%run_scoped3A : memref<!tpu.dma_semaphore, #tpu.memory_space<semaphore_mem>>) src(%dma_wait3A_324 : memref<640xf32, #tpu.memory_space<vmem_shared>>) dst(%dma_wait3A_323 : memref<640xf32, #tpu.memory_space<hbm>>)
      tpu.yield
    }) : () -> ()
    return
  }
}

#map = affine_map<(d0, d1) -> (0, 0)>
#map1 = affine_map<(d0, d1) -> (0, 0, 0, 0, 0)>
#map2 = affine_map<(d0, d1) -> (0, 0, 0)>
module attributes {stable_mosaic.version = 14 : i64} {
  func.func @_scatter_kernel(%arg0: i32, %arg1: i32, %arg2: memref<10000x128xf32, #tpu.memory_space<hbm>>, %arg3: memref<2x32x10x8x125xi32, #tpu.memory_space<hbm>>, %arg4: memref<2x10240x128xf32, #tpu.memory_space<hbm>>, %arg5: memref<2x2x8x125xi32, #tpu.memory_space<vmem>>, %arg6: memref<125x128xf32, #tpu.memory_space<vmem>>, %arg7: memref<125x128xf32, #tpu.memory_space<vmem>>, %arg8: memref<10240x128xf32, #tpu.memory_space<vmem_shared>>, %arg9: memref<!tpu.dma_semaphore, #tpu.memory_space<semaphore_mem>>, %arg10: memref<!tpu.dma_semaphore, #tpu.memory_space<semaphore_mem>>, %arg11: memref<!tpu.dma_semaphore, #tpu.memory_space<semaphore_mem>>) attributes {dimension_semantics = [#tpu.dimension_semantics<core_parallel>, #tpu.dimension_semantics<subcore_parallel>], iteration_bounds = array<i64: 2, 16>, scalar_prefetch = 0 : i64, scratch_operands = 7 : i64, tpu.core_type = #tpu.core_type<sc_vector_subcore>, window_params = [{transform_indices = #map}, {transform_indices = #map1}, {transform_indices = #map2}]} {
    %mul3A = arith.constant 2 : i32
    %mul3A_0 = arith.muli %arg1, %mul3A : i32
    %add3A = arith.addi %mul3A_0, %arg0 : i32
    %dma_start3A = arith.constant 0 : i32
    %dma_start3A_1 = arith.constant 0 : i32
    %dma_start3A_2 = arith.constant 0 : i32
    %dma_start3A_3 = arith.constant 0 : i32
    %dma_start3A_4 = arith.constant 0 : i32
    %dma_start3A_5 = arith.constant 0 : i32
    %dma_start3A_6 = tpu.memref_slice %arg5[%dma_start3A_2, %dma_start3A_3, %dma_start3A_4, %dma_start3A_5] : memref<2x2x8x125xi32, #tpu.memory_space<vmem>> -> memref<1x1x8x125xi32, #tpu.memory_space<vmem>>
    %dma_start3A_7 = tpu.memref_squeeze %dma_start3A_6 : memref<1x1x8x125xi32, #tpu.memory_space<vmem>> -> memref<8x125xi32, #tpu.memory_space<vmem>>
    %dma_start3A_8 = arith.constant 0 : i32
    %dma_start3A_9 = arith.constant 0 : i32
    %dma_start3A_10 = tpu.memref_slice %arg3[%dma_start3A, %add3A, %dma_start3A_1, %dma_start3A_8, %dma_start3A_9] : memref<2x32x10x8x125xi32, #tpu.memory_space<hbm>> -> memref<1x1x1x8x125xi32, #tpu.memory_space<hbm>>
    %dma_start3A_11 = tpu.memref_squeeze %dma_start3A_10 : memref<1x1x1x8x125xi32, #tpu.memory_space<hbm>> -> memref<8x125xi32, #tpu.memory_space<hbm>>
    %dma_start3A_12 = arith.constant 0 : i32
    %dma_start3A_13 = arith.constant 0 : i32
    %dma_start3A_14 = tpu.memref_slice %arg5[%dma_start3A_2, %dma_start3A_3, %dma_start3A_12, %dma_start3A_13] : memref<2x2x8x125xi32, #tpu.memory_space<vmem>> -> memref<1x1x8x125xi32, #tpu.memory_space<vmem>>
    %dma_start3A_15 = tpu.memref_squeeze %dma_start3A_14 : memref<1x1x8x125xi32, #tpu.memory_space<vmem>> -> memref<8x125xi32, #tpu.memory_space<vmem>>
    %dma_start3A_16 = arith.constant 0 : i32
    %dma_start3A_17 = arith.constant 0 : i32
    %dma_start3A_18 = tpu.memref_slice %arg3[%dma_start3A, %add3A, %dma_start3A_1, %dma_start3A_16, %dma_start3A_17] : memref<2x32x10x8x125xi32, #tpu.memory_space<hbm>> -> memref<1x1x1x8x125xi32, #tpu.memory_space<hbm>>
    %dma_start3A_19 = tpu.memref_squeeze %dma_start3A_18 : memref<1x1x1x8x125xi32, #tpu.memory_space<hbm>> -> memref<8x125xi32, #tpu.memory_space<hbm>>
    tpu.enqueue_dma source(%dma_start3A_19 : memref<8x125xi32, #tpu.memory_space<hbm>>) target(%dma_start3A_15 : memref<8x125xi32, #tpu.memory_space<vmem>>) target_semaphore(%arg11 : memref<!tpu.dma_semaphore, #tpu.memory_space<semaphore_mem>>)
    %dma_start3A_20 = arith.constant 1 : i32
    %dma_start3A_21 = arith.constant 0 : i32
    %dma_start3A_22 = arith.constant 0 : i32
    %dma_start3A_23 = arith.constant 1 : i32
    %dma_start3A_24 = arith.constant 0 : i32
    %dma_start3A_25 = arith.constant 0 : i32
    %dma_start3A_26 = tpu.memref_slice %arg5[%dma_start3A_22, %dma_start3A_23, %dma_start3A_24, %dma_start3A_25] : memref<2x2x8x125xi32, #tpu.memory_space<vmem>> -> memref<1x1x8x125xi32, #tpu.memory_space<vmem>>
    %dma_start3A_27 = tpu.memref_squeeze %dma_start3A_26 : memref<1x1x8x125xi32, #tpu.memory_space<vmem>> -> memref<8x125xi32, #tpu.memory_space<vmem>>
    %dma_start3A_28 = arith.constant 0 : i32
    %dma_start3A_29 = arith.constant 0 : i32
    %dma_start3A_30 = tpu.memref_slice %arg3[%dma_start3A_20, %add3A, %dma_start3A_21, %dma_start3A_28, %dma_start3A_29] : memref<2x32x10x8x125xi32, #tpu.memory_space<hbm>> -> memref<1x1x1x8x125xi32, #tpu.memory_space<hbm>>
    %dma_start3A_31 = tpu.memref_squeeze %dma_start3A_30 : memref<1x1x1x8x125xi32, #tpu.memory_space<hbm>> -> memref<8x125xi32, #tpu.memory_space<hbm>>
    %dma_start3A_32 = arith.constant 0 : i32
    %dma_start3A_33 = arith.constant 0 : i32
    %dma_start3A_34 = tpu.memref_slice %arg5[%dma_start3A_22, %dma_start3A_23, %dma_start3A_32, %dma_start3A_33] : memref<2x2x8x125xi32, #tpu.memory_space<vmem>> -> memref<1x1x8x125xi32, #tpu.memory_space<vmem>>
    %dma_start3A_35 = tpu.memref_squeeze %dma_start3A_34 : memref<1x1x8x125xi32, #tpu.memory_space<vmem>> -> memref<8x125xi32, #tpu.memory_space<vmem>>
    %dma_start3A_36 = arith.constant 0 : i32
    %dma_start3A_37 = arith.constant 0 : i32
    %dma_start3A_38 = tpu.memref_slice %arg3[%dma_start3A_20, %add3A, %dma_start3A_21, %dma_start3A_36, %dma_start3A_37] : memref<2x32x10x8x125xi32, #tpu.memory_space<hbm>> -> memref<1x1x1x8x125xi32, #tpu.memory_space<hbm>>
    %dma_start3A_39 = tpu.memref_squeeze %dma_start3A_38 : memref<1x1x1x8x125xi32, #tpu.memory_space<hbm>> -> memref<8x125xi32, #tpu.memory_space<hbm>>
    tpu.enqueue_dma source(%dma_start3A_39 : memref<8x125xi32, #tpu.memory_space<hbm>>) target(%dma_start3A_35 : memref<8x125xi32, #tpu.memory_space<vmem>>) target_semaphore(%arg11 : memref<!tpu.dma_semaphore, #tpu.memory_space<semaphore_mem>>)
    %scan3A = arith.constant 0 : i32
    %scan3A_40 = arith.constant 0 : i32
    %scan3A_41 = arith.constant 125 : i32
    %scan3A_42 = arith.addi %scan3A_40, %scan3A_41 : i32
    %scan3A_43 = arith.constant 1 : i32
    scf.for %scan3A_129 = %scan3A_40 to %scan3A_42 step %scan3A_43  : i32 {
      %broadcast_in_dim3A = arith.constant 0.000000e+00 : f32
      %broadcast_in_dim3A_130 = vector.broadcast %broadcast_in_dim3A : f32 to vector<16xf32>
      %swap3A = arith.index_cast %scan3A_129 : i32 to index
      %swap3A_131 = arith.constant 0 : index
      %swap3A_132 = tpu.vector_load %arg7[%swap3A, %swap3A_131] {strides = array<i32>} : memref<125x128xf32, #tpu.memory_space<vmem>>, vector<1x16xf32>,
      %swap3A_133 = vector.shape_cast %swap3A_132 : vector<1x16xf32> to vector<16xf32>
      %swap3A_134 = vector.shape_cast %broadcast_in_dim3A_130 : vector<16xf32> to vector<1x16xf32>
      tpu.vector_store %arg7[%swap3A, %swap3A_131], %swap3A_134 {strides = array<i32>} : memref<125x128xf32, #tpu.memory_space<vmem>>, vector<1x16xf32>,
      %broadcast_in_dim3A_135 = arith.constant 0.000000e+00 : f32
      %broadcast_in_dim3A_136 = vector.broadcast %broadcast_in_dim3A_135 : f32 to vector<16xf32>
      %swap3A_137 = arith.index_cast %scan3A_129 : i32 to index
      %swap3A_138 = arith.constant 16 : index
      %swap3A_139 = tpu.vector_load %arg7[%swap3A_137, %swap3A_138] {strides = array<i32>} : memref<125x128xf32, #tpu.memory_space<vmem>>, vector<1x16xf32>,
      %swap3A_140 = vector.shape_cast %swap3A_139 : vector<1x16xf32> to vector<16xf32>
      %swap3A_141 = vector.shape_cast %broadcast_in_dim3A_136 : vector<16xf32> to vector<1x16xf32>
      tpu.vector_store %arg7[%swap3A_137, %swap3A_138], %swap3A_141 {strides = array<i32>} : memref<125x128xf32, #tpu.memory_space<vmem>>, vector<1x16xf32>,
      %broadcast_in_dim3A_142 = arith.constant 0.000000e+00 : f32
      %broadcast_in_dim3A_143 = vector.broadcast %broadcast_in_dim3A_142 : f32 to vector<16xf32>
      %swap3A_144 = arith.index_cast %scan3A_129 : i32 to index
      %swap3A_145 = arith.constant 32 : index
      %swap3A_146 = tpu.vector_load %arg7[%swap3A_144, %swap3A_145] {strides = array<i32>} : memref<125x128xf32, #tpu.memory_space<vmem>>, vector<1x16xf32>,
      %swap3A_147 = vector.shape_cast %swap3A_146 : vector<1x16xf32> to vector<16xf32>
      %swap3A_148 = vector.shape_cast %broadcast_in_dim3A_143 : vector<16xf32> to vector<1x16xf32>
      tpu.vector_store %arg7[%swap3A_144, %swap3A_145], %swap3A_148 {strides = array<i32>} : memref<125x128xf32, #tpu.memory_space<vmem>>, vector<1x16xf32>,
      %broadcast_in_dim3A_149 = arith.constant 0.000000e+00 : f32
      %broadcast_in_dim3A_150 = vector.broadcast %broadcast_in_dim3A_149 : f32 to vector<16xf32>
      %swap3A_151 = arith.index_cast %scan3A_129 : i32 to index
      %swap3A_152 = arith.constant 48 : index
      %swap3A_153 = tpu.vector_load %arg7[%swap3A_151, %swap3A_152] {strides = array<i32>} : memref<125x128xf32, #tpu.memory_space<vmem>>, vector<1x16xf32>,
      %swap3A_154 = vector.shape_cast %swap3A_153 : vector<1x16xf32> to vector<16xf32>
      %swap3A_155 = vector.shape_cast %broadcast_in_dim3A_150 : vector<16xf32> to vector<1x16xf32>
      tpu.vector_store %arg7[%swap3A_151, %swap3A_152], %swap3A_155 {strides = array<i32>} : memref<125x128xf32, #tpu.memory_space<vmem>>, vector<1x16xf32>,
      %broadcast_in_dim3A_156 = arith.constant 0.000000e+00 : f32
      %broadcast_in_dim3A_157 = vector.broadcast %broadcast_in_dim3A_156 : f32 to vector<16xf32>
      %swap3A_158 = arith.index_cast %scan3A_129 : i32 to index
      %swap3A_159 = arith.constant 64 : index
      %swap3A_160 = tpu.vector_load %arg7[%swap3A_158, %swap3A_159] {strides = array<i32>} : memref<125x128xf32, #tpu.memory_space<vmem>>, vector<1x16xf32>,
      %swap3A_161 = vector.shape_cast %swap3A_160 : vector<1x16xf32> to vector<16xf32>
      %swap3A_162 = vector.shape_cast %broadcast_in_dim3A_157 : vector<16xf32> to vector<1x16xf32>
      tpu.vector_store %arg7[%swap3A_158, %swap3A_159], %swap3A_162 {strides = array<i32>} : memref<125x128xf32, #tpu.memory_space<vmem>>, vector<1x16xf32>,
      %broadcast_in_dim3A_163 = arith.constant 0.000000e+00 : f32
      %broadcast_in_dim3A_164 = vector.broadcast %broadcast_in_dim3A_163 : f32 to vector<16xf32>
      %swap3A_165 = arith.index_cast %scan3A_129 : i32 to index
      %swap3A_166 = arith.constant 80 : index
      %swap3A_167 = tpu.vector_load %arg7[%swap3A_165, %swap3A_166] {strides = array<i32>} : memref<125x128xf32, #tpu.memory_space<vmem>>, vector<1x16xf32>,
      %swap3A_168 = vector.shape_cast %swap3A_167 : vector<1x16xf32> to vector<16xf32>
      %swap3A_169 = vector.shape_cast %broadcast_in_dim3A_164 : vector<16xf32> to vector<1x16xf32>
      tpu.vector_store %arg7[%swap3A_165, %swap3A_166], %swap3A_169 {strides = array<i32>} : memref<125x128xf32, #tpu.memory_space<vmem>>, vector<1x16xf32>,
      %broadcast_in_dim3A_170 = arith.constant 0.000000e+00 : f32
      %broadcast_in_dim3A_171 = vector.broadcast %broadcast_in_dim3A_170 : f32 to vector<16xf32>
      %swap3A_172 = arith.index_cast %scan3A_129 : i32 to index
      %swap3A_173 = arith.constant 96 : index
      %swap3A_174 = tpu.vector_load %arg7[%swap3A_172, %swap3A_173] {strides = array<i32>} : memref<125x128xf32, #tpu.memory_space<vmem>>, vector<1x16xf32>,
      %swap3A_175 = vector.shape_cast %swap3A_174 : vector<1x16xf32> to vector<16xf32>
      %swap3A_176 = vector.shape_cast %broadcast_in_dim3A_171 : vector<16xf32> to vector<1x16xf32>
      tpu.vector_store %arg7[%swap3A_172, %swap3A_173], %swap3A_176 {strides = array<i32>} : memref<125x128xf32, #tpu.memory_space<vmem>>, vector<1x16xf32>,
      %broadcast_in_dim3A_177 = arith.constant 0.000000e+00 : f32
      %broadcast_in_dim3A_178 = vector.broadcast %broadcast_in_dim3A_177 : f32 to vector<16xf32>
      %swap3A_179 = arith.index_cast %scan3A_129 : i32 to index
      %swap3A_180 = arith.constant 112 : index
      %swap3A_181 = tpu.vector_load %arg7[%swap3A_179, %swap3A_180] {strides = array<i32>} : memref<125x128xf32, #tpu.memory_space<vmem>>, vector<1x16xf32>,
      %swap3A_182 = vector.shape_cast %swap3A_181 : vector<1x16xf32> to vector<16xf32>
      %swap3A_183 = vector.shape_cast %broadcast_in_dim3A_178 : vector<16xf32> to vector<1x16xf32>
      tpu.vector_store %arg7[%swap3A_179, %swap3A_180], %swap3A_183 {strides = array<i32>} : memref<125x128xf32, #tpu.memory_space<vmem>>, vector<1x16xf32>,
    }
    %scan3A_44 = arith.constant 125 : i32
    %mul3A_45 = arith.constant 640 : i32
    %mul3A_46 = arith.muli %arg1, %mul3A_45 : i32
    %add3A_47 = arith.constant 0 : i32
    %add3A_48 = arith.addi %mul3A_46, %add3A_47 : i32
    "tpu.region"() ({
      %run_scoped3A = tpu.sem_alloc : memref<!tpu.dma_semaphore, #tpu.memory_space<semaphore_mem>>
      %dma_start3A_129 = arith.constant 0 : i32
      %dma_start3A_130 = tpu.memref_slice %arg8[%add3A_48, %dma_start3A_129] : memref<10240x128xf32, #tpu.memory_space<vmem_shared>> -> memref<125x128xf32, #tpu.memory_space<vmem_shared>>
      %dma_start3A_131 = arith.constant 0 : i32
      %dma_start3A_132 = tpu.memref_slice %arg8[%add3A_48, %dma_start3A_131] : memref<10240x128xf32, #tpu.memory_space<vmem_shared>> -> memref<125x128xf32, #tpu.memory_space<vmem_shared>>
      tpu.enqueue_dma source(%arg7 : memref<125x128xf32, #tpu.memory_space<vmem>>) target(%dma_start3A_132 : memref<125x128xf32, #tpu.memory_space<vmem_shared>>) target_semaphore(%run_scoped3A : memref<!tpu.dma_semaphore, #tpu.memory_space<semaphore_mem>>)
      %dma_wait3A_133 = arith.constant 0 : i32
      %dma_wait3A_134 = tpu.memref_slice %arg8[%add3A_48, %dma_wait3A_133] : memref<10240x128xf32, #tpu.memory_space<vmem_shared>> -> memref<125x128xf32, #tpu.memory_space<vmem_shared>>
      %dma_wait3A_135 = arith.constant 0 : i32
      %dma_wait3A_136 = tpu.memref_slice %arg8[%add3A_48, %dma_wait3A_135] : memref<10240x128xf32, #tpu.memory_space<vmem_shared>> -> memref<125x128xf32, #tpu.memory_space<vmem_shared>>
      tpu.wait_dma2 semaphore(%run_scoped3A : memref<!tpu.dma_semaphore, #tpu.memory_space<semaphore_mem>>) src(%arg7 : memref<125x128xf32, #tpu.memory_space<vmem>>) dst(%dma_wait3A_136 : memref<125x128xf32, #tpu.memory_space<vmem_shared>>)
      tpu.yield
    }) : () -> ()
    %mul3A_49 = arith.constant 640 : i32
    %mul3A_50 = arith.muli %arg1, %mul3A_49 : i32
    %add3A_51 = arith.constant 125 : i32
    %add3A_52 = arith.addi %mul3A_50, %add3A_51 : i32
    "tpu.region"() ({
      %run_scoped3A = tpu.sem_alloc : memref<!tpu.dma_semaphore, #tpu.memory_space<semaphore_mem>>
      %dma_start3A_129 = arith.constant 0 : i32
      %dma_start3A_130 = tpu.memref_slice %arg8[%add3A_52, %dma_start3A_129] : memref<10240x128xf32, #tpu.memory_space<vmem_shared>> -> memref<125x128xf32, #tpu.memory_space<vmem_shared>>
      %dma_start3A_131 = arith.constant 0 : i32
      %dma_start3A_132 = tpu.memref_slice %arg8[%add3A_52, %dma_start3A_131] : memref<10240x128xf32, #tpu.memory_space<vmem_shared>> -> memref<125x128xf32, #tpu.memory_space<vmem_shared>>
      tpu.enqueue_dma source(%arg7 : memref<125x128xf32, #tpu.memory_space<vmem>>) target(%dma_start3A_132 : memref<125x128xf32, #tpu.memory_space<vmem_shared>>) target_semaphore(%run_scoped3A : memref<!tpu.dma_semaphore, #tpu.memory_space<semaphore_mem>>)
      %dma_wait3A_133 = arith.constant 0 : i32
      %dma_wait3A_134 = tpu.memref_slice %arg8[%add3A_52, %dma_wait3A_133] : memref<10240x128xf32, #tpu.memory_space<vmem_shared>> -> memref<125x128xf32, #tpu.memory_space<vmem_shared>>
      %dma_wait3A_135 = arith.constant 0 : i32
      %dma_wait3A_136 = tpu.memref_slice %arg8[%add3A_52, %dma_wait3A_135] : memref<10240x128xf32, #tpu.memory_space<vmem_shared>> -> memref<125x128xf32, #tpu.memory_space<vmem_shared>>
      tpu.wait_dma2 semaphore(%run_scoped3A : memref<!tpu.dma_semaphore, #tpu.memory_space<semaphore_mem>>) src(%arg7 : memref<125x128xf32, #tpu.memory_space<vmem>>) dst(%dma_wait3A_136 : memref<125x128xf32, #tpu.memory_space<vmem_shared>>)
      tpu.yield
    }) : () -> ()
    %mul3A_53 = arith.constant 640 : i32
    %mul3A_54 = arith.muli %arg1, %mul3A_53 : i32
    %add3A_55 = arith.constant 250 : i32
    %add3A_56 = arith.addi %mul3A_54, %add3A_55 : i32
    "tpu.region"() ({
      %run_scoped3A = tpu.sem_alloc : memref<!tpu.dma_semaphore, #tpu.memory_space<semaphore_mem>>
      %dma_start3A_129 = arith.constant 0 : i32
      %dma_start3A_130 = tpu.memref_slice %arg8[%add3A_56, %dma_start3A_129] : memref<10240x128xf32, #tpu.memory_space<vmem_shared>> -> memref<125x128xf32, #tpu.memory_space<vmem_shared>>
      %dma_start3A_131 = arith.constant 0 : i32
      %dma_start3A_132 = tpu.memref_slice %arg8[%add3A_56, %dma_start3A_131] : memref<10240x128xf32, #tpu.memory_space<vmem_shared>> -> memref<125x128xf32, #tpu.memory_space<vmem_shared>>
      tpu.enqueue_dma source(%arg7 : memref<125x128xf32, #tpu.memory_space<vmem>>) target(%dma_start3A_132 : memref<125x128xf32, #tpu.memory_space<vmem_shared>>) target_semaphore(%run_scoped3A : memref<!tpu.dma_semaphore, #tpu.memory_space<semaphore_mem>>)
      %dma_wait3A_133 = arith.constant 0 : i32
      %dma_wait3A_134 = tpu.memref_slice %arg8[%add3A_56, %dma_wait3A_133] : memref<10240x128xf32, #tpu.memory_space<vmem_shared>> -> memref<125x128xf32, #tpu.memory_space<vmem_shared>>
      %dma_wait3A_135 = arith.constant 0 : i32
      %dma_wait3A_136 = tpu.memref_slice %arg8[%add3A_56, %dma_wait3A_135] : memref<10240x128xf32, #tpu.memory_space<vmem_shared>> -> memref<125x128xf32, #tpu.memory_space<vmem_shared>>
      tpu.wait_dma2 semaphore(%run_scoped3A : memref<!tpu.dma_semaphore, #tpu.memory_space<semaphore_mem>>) src(%arg7 : memref<125x128xf32, #tpu.memory_space<vmem>>) dst(%dma_wait3A_136 : memref<125x128xf32, #tpu.memory_space<vmem_shared>>)
      tpu.yield
    }) : () -> ()
    %mul3A_57 = arith.constant 640 : i32
    %mul3A_58 = arith.muli %arg1, %mul3A_57 : i32
    %add3A_59 = arith.constant 375 : i32
    %add3A_60 = arith.addi %mul3A_58, %add3A_59 : i32
    "tpu.region"() ({
      %run_scoped3A = tpu.sem_alloc : memref<!tpu.dma_semaphore, #tpu.memory_space<semaphore_mem>>
      %dma_start3A_129 = arith.constant 0 : i32
      %dma_start3A_130 = tpu.memref_slice %arg8[%add3A_60, %dma_start3A_129] : memref<10240x128xf32, #tpu.memory_space<vmem_shared>> -> memref<125x128xf32, #tpu.memory_space<vmem_shared>>
      %dma_start3A_131 = arith.constant 0 : i32
      %dma_start3A_132 = tpu.memref_slice %arg8[%add3A_60, %dma_start3A_131] : memref<10240x128xf32, #tpu.memory_space<vmem_shared>> -> memref<125x128xf32, #tpu.memory_space<vmem_shared>>
      tpu.enqueue_dma source(%arg7 : memref<125x128xf32, #tpu.memory_space<vmem>>) target(%dma_start3A_132 : memref<125x128xf32, #tpu.memory_space<vmem_shared>>) target_semaphore(%run_scoped3A : memref<!tpu.dma_semaphore, #tpu.memory_space<semaphore_mem>>)
      %dma_wait3A_133 = arith.constant 0 : i32
      %dma_wait3A_134 = tpu.memref_slice %arg8[%add3A_60, %dma_wait3A_133] : memref<10240x128xf32, #tpu.memory_space<vmem_shared>> -> memref<125x128xf32, #tpu.memory_space<vmem_shared>>
      %dma_wait3A_135 = arith.constant 0 : i32
      %dma_wait3A_136 = tpu.memref_slice %arg8[%add3A_60, %dma_wait3A_135] : memref<10240x128xf32, #tpu.memory_space<vmem_shared>> -> memref<125x128xf32, #tpu.memory_space<vmem_shared>>
      tpu.wait_dma2 semaphore(%run_scoped3A : memref<!tpu.dma_semaphore, #tpu.memory_space<semaphore_mem>>) src(%arg7 : memref<125x128xf32, #tpu.memory_space<vmem>>) dst(%dma_wait3A_136 : memref<125x128xf32, #tpu.memory_space<vmem_shared>>)
      tpu.yield
    }) : () -> ()
    %mul3A_61 = arith.constant 640 : i32
    %mul3A_62 = arith.muli %arg1, %mul3A_61 : i32
    %add3A_63 = arith.constant 500 : i32
    %add3A_64 = arith.addi %mul3A_62, %add3A_63 : i32
    "tpu.region"() ({
      %run_scoped3A = tpu.sem_alloc : memref<!tpu.dma_semaphore, #tpu.memory_space<semaphore_mem>>
      %dma_start3A_129 = arith.constant 0 : i32
      %dma_start3A_130 = tpu.memref_slice %arg8[%add3A_64, %dma_start3A_129] : memref<10240x128xf32, #tpu.memory_space<vmem_shared>> -> memref<125x128xf32, #tpu.memory_space<vmem_shared>>
      %dma_start3A_131 = arith.constant 0 : i32
      %dma_start3A_132 = tpu.memref_slice %arg8[%add3A_64, %dma_start3A_131] : memref<10240x128xf32, #tpu.memory_space<vmem_shared>> -> memref<125x128xf32, #tpu.memory_space<vmem_shared>>
      tpu.enqueue_dma source(%arg7 : memref<125x128xf32, #tpu.memory_space<vmem>>) target(%dma_start3A_132 : memref<125x128xf32, #tpu.memory_space<vmem_shared>>) target_semaphore(%run_scoped3A : memref<!tpu.dma_semaphore, #tpu.memory_space<semaphore_mem>>)
      %dma_wait3A_133 = arith.constant 0 : i32
      %dma_wait3A_134 = tpu.memref_slice %arg8[%add3A_64, %dma_wait3A_133] : memref<10240x128xf32, #tpu.memory_space<vmem_shared>> -> memref<125x128xf32, #tpu.memory_space<vmem_shared>>
      %dma_wait3A_135 = arith.constant 0 : i32
      %dma_wait3A_136 = tpu.memref_slice %arg8[%add3A_64, %dma_wait3A_135] : memref<10240x128xf32, #tpu.memory_space<vmem_shared>> -> memref<125x128xf32, #tpu.memory_space<vmem_shared>>
      tpu.wait_dma2 semaphore(%run_scoped3A : memref<!tpu.dma_semaphore, #tpu.memory_space<semaphore_mem>>) src(%arg7 : memref<125x128xf32, #tpu.memory_space<vmem>>) dst(%dma_wait3A_136 : memref<125x128xf32, #tpu.memory_space<vmem_shared>>)
      tpu.yield
    }) : () -> ()
    %mul3A_65 = arith.constant 640 : i32
    %mul3A_66 = arith.muli %arg1, %mul3A_65 : i32
    %add3A_67 = arith.constant 640 : i32
    %add3A_68 = arith.addi %mul3A_66, %add3A_67 : i32
    %sub3A = arith.constant 15 : i32
    %sub3A_69 = arith.subi %add3A_68, %sub3A : i32
    "tpu.region"() ({
      %run_scoped3A = tpu.sem_alloc : memref<!tpu.dma_semaphore, #tpu.memory_space<semaphore_mem>>
      %dma_start3A_129 = arith.constant 0 : i32
      %dma_start3A_130 = arith.constant 0 : i32
      %dma_start3A_131 = tpu.memref_slice %arg7[%dma_start3A_129, %dma_start3A_130] : memref<125x128xf32, #tpu.memory_space<vmem>> -> memref<15x128xf32, #tpu.memory_space<vmem>>
      %dma_start3A_132 = arith.constant 0 : i32
      %dma_start3A_133 = tpu.memref_slice %arg8[%sub3A_69, %dma_start3A_132] : memref<10240x128xf32, #tpu.memory_space<vmem_shared>> -> memref<15x128xf32, #tpu.memory_space<vmem_shared>>
      %dma_start3A_134 = arith.constant 0 : i32
      %dma_start3A_135 = tpu.memref_slice %arg8[%sub3A_69, %dma_start3A_134] : memref<10240x128xf32, #tpu.memory_space<vmem_shared>> -> memref<15x128xf32, #tpu.memory_space<vmem_shared>>
      %dma_start3A_136 = arith.constant 0 : i32
      %dma_start3A_137 = arith.constant 0 : i32
      %dma_start3A_138 = tpu.memref_slice %arg7[%dma_start3A_136, %dma_start3A_137] : memref<125x128xf32, #tpu.memory_space<vmem>> -> memref<15x128xf32, #tpu.memory_space<vmem>>
      tpu.enqueue_dma source(%dma_start3A_138 : memref<15x128xf32, #tpu.memory_space<vmem>>) target(%dma_start3A_135 : memref<15x128xf32, #tpu.memory_space<vmem_shared>>) target_semaphore(%run_scoped3A : memref<!tpu.dma_semaphore, #tpu.memory_space<semaphore_mem>>)
      %dma_wait3A_139 = arith.constant 0 : i32
      %dma_wait3A_140 = arith.constant 0 : i32
      %dma_wait3A_141 = tpu.memref_slice %arg7[%dma_wait3A_139, %dma_wait3A_140] : memref<125x128xf32, #tpu.memory_space<vmem>> -> memref<15x128xf32, #tpu.memory_space<vmem>>
      %dma_wait3A_142 = arith.constant 0 : i32
      %dma_wait3A_143 = tpu.memref_slice %arg8[%sub3A_69, %dma_wait3A_142] : memref<10240x128xf32, #tpu.memory_space<vmem_shared>> -> memref<15x128xf32, #tpu.memory_space<vmem_shared>>
      %dma_wait3A_144 = arith.constant 0 : i32
      %dma_wait3A_145 = tpu.memref_slice %arg8[%sub3A_69, %dma_wait3A_144] : memref<10240x128xf32, #tpu.memory_space<vmem_shared>> -> memref<15x128xf32, #tpu.memory_space<vmem_shared>>
      %dma_wait3A_146 = arith.constant 0 : i32
      %dma_wait3A_147 = arith.constant 0 : i32
      %dma_wait3A_148 = tpu.memref_slice %arg7[%dma_wait3A_146, %dma_wait3A_147] : memref<125x128xf32, #tpu.memory_space<vmem>> -> memref<15x128xf32, #tpu.memory_space<vmem>>
      tpu.wait_dma2 semaphore(%run_scoped3A : memref<!tpu.dma_semaphore, #tpu.memory_space<semaphore_mem>>) src(%dma_wait3A_148 : memref<15x128xf32, #tpu.memory_space<vmem>>) dst(%dma_wait3A_145 : memref<15x128xf32, #tpu.memory_space<vmem_shared>>)
      tpu.yield
    }) : () -> ()
    %dma_wait3A = arith.constant 0 : i32
    %dma_wait3A_70 = arith.constant 0 : i32
    %dma_wait3A_71 = arith.constant 0 : i32
    %dma_wait3A_72 = arith.constant 0 : i32
    %dma_wait3A_73 = arith.constant 0 : i32
    %dma_wait3A_74 = arith.constant 0 : i32
    %dma_wait3A_75 = tpu.memref_slice %arg5[%dma_wait3A_71, %dma_wait3A_72, %dma_wait3A_73, %dma_wait3A_74] : memref<2x2x8x125xi32, #tpu.memory_space<vmem>> -> memref<1x1x8x125xi32, #tpu.memory_space<vmem>>
    %dma_wait3A_76 = tpu.memref_squeeze %dma_wait3A_75 : memref<1x1x8x125xi32, #tpu.memory_space<vmem>> -> memref<8x125xi32, #tpu.memory_space<vmem>>
    %dma_wait3A_77 = arith.constant 0 : i32
    %dma_wait3A_78 = arith.constant 0 : i32
    %dma_wait3A_79 = tpu.memref_slice %arg3[%dma_wait3A, %add3A, %dma_wait3A_70, %dma_wait3A_77, %dma_wait3A_78] : memref<2x32x10x8x125xi32, #tpu.memory_space<hbm>> -> memref<1x1x1x8x125xi32, #tpu.memory_space<hbm>>
    %dma_wait3A_80 = tpu.memref_squeeze %dma_wait3A_79 : memref<1x1x1x8x125xi32, #tpu.memory_space<hbm>> -> memref<8x125xi32, #tpu.memory_space<hbm>>
    %dma_wait3A_81 = arith.constant 0 : i32
    %dma_wait3A_82 = arith.constant 0 : i32
    %dma_wait3A_83 = tpu.memref_slice %arg5[%dma_wait3A_71, %dma_wait3A_72, %dma_wait3A_81, %dma_wait3A_82] : memref<2x2x8x125xi32, #tpu.memory_space<vmem>> -> memref<1x1x8x125xi32, #tpu.memory_space<vmem>>
    %dma_wait3A_84 = tpu.memref_squeeze %dma_wait3A_83 : memref<1x1x8x125xi32, #tpu.memory_space<vmem>> -> memref<8x125xi32, #tpu.memory_space<vmem>>
    %dma_wait3A_85 = arith.constant 0 : i32
    %dma_wait3A_86 = arith.constant 0 : i32
    %dma_wait3A_87 = tpu.memref_slice %arg3[%dma_wait3A, %add3A, %dma_wait3A_70, %dma_wait3A_85, %dma_wait3A_86] : memref<2x32x10x8x125xi32, #tpu.memory_space<hbm>> -> memref<1x1x1x8x125xi32, #tpu.memory_space<hbm>>
    %dma_wait3A_88 = tpu.memref_squeeze %dma_wait3A_87 : memref<1x1x1x8x125xi32, #tpu.memory_space<hbm>> -> memref<8x125xi32, #tpu.memory_space<hbm>>
    tpu.wait_dma2 semaphore(%arg11 : memref<!tpu.dma_semaphore, #tpu.memory_space<semaphore_mem>>) src(%dma_wait3A_88 : memref<8x125xi32, #tpu.memory_space<hbm>>) dst(%dma_wait3A_84 : memref<8x125xi32, #tpu.memory_space<vmem>>)
    %dma_wait3A_89 = arith.constant 0 : i32
    %dma_wait3A_90 = arith.constant 0 : i32
    %dma_wait3A_91 = arith.constant 0 : i32
    %dma_wait3A_92 = arith.constant 0 : i32
    %dma_wait3A_93 = arith.constant 0 : i32
    %dma_wait3A_94 = arith.constant 0 : i32
    %dma_wait3A_95 = tpu.memref_slice %arg5[%dma_wait3A_91, %dma_wait3A_92, %dma_wait3A_93, %dma_wait3A_94] : memref<2x2x8x125xi32, #tpu.memory_space<vmem>> -> memref<1x1x8x125xi32, #tpu.memory_space<vmem>>
    %dma_wait3A_96 = tpu.memref_squeeze %dma_wait3A_95 : memref<1x1x8x125xi32, #tpu.memory_space<vmem>> -> memref<8x125xi32, #tpu.memory_space<vmem>>
    %dma_wait3A_97 = arith.constant 0 : i32
    %dma_wait3A_98 = arith.constant 0 : i32
    %dma_wait3A_99 = tpu.memref_slice %arg3[%dma_wait3A_89, %add3A, %dma_wait3A_90, %dma_wait3A_97, %dma_wait3A_98] : memref<2x32x10x8x125xi32, #tpu.memory_space<hbm>> -> memref<1x1x1x8x125xi32, #tpu.memory_space<hbm>>
    %dma_wait3A_100 = tpu.memref_squeeze %dma_wait3A_99 : memref<1x1x1x8x125xi32, #tpu.memory_space<hbm>> -> memref<8x125xi32, #tpu.memory_space<hbm>>
    %dma_wait3A_101 = arith.constant 0 : i32
    %dma_wait3A_102 = arith.constant 0 : i32
    %dma_wait3A_103 = tpu.memref_slice %arg5[%dma_wait3A_91, %dma_wait3A_92, %dma_wait3A_101, %dma_wait3A_102] : memref<2x2x8x125xi32, #tpu.memory_space<vmem>> -> memref<1x1x8x125xi32, #tpu.memory_space<vmem>>
    %dma_wait3A_104 = tpu.memref_squeeze %dma_wait3A_103 : memref<1x1x8x125xi32, #tpu.memory_space<vmem>> -> memref<8x125xi32, #tpu.memory_space<vmem>>
    %dma_wait3A_105 = arith.constant 0 : i32
    %dma_wait3A_106 = arith.constant 0 : i32
    %dma_wait3A_107 = tpu.memref_slice %arg3[%dma_wait3A_89, %add3A, %dma_wait3A_90, %dma_wait3A_105, %dma_wait3A_106] : memref<2x32x10x8x125xi32, #tpu.memory_space<hbm>> -> memref<1x1x1x8x125xi32, #tpu.memory_space<hbm>>
    %dma_wait3A_108 = tpu.memref_squeeze %dma_wait3A_107 : memref<1x1x1x8x125xi32, #tpu.memory_space<hbm>> -> memref<8x125xi32, #tpu.memory_space<hbm>>
    tpu.wait_dma2 semaphore(%arg11 : memref<!tpu.dma_semaphore, #tpu.memory_space<semaphore_mem>>) src(%dma_wait3A_108 : memref<8x125xi32, #tpu.memory_space<hbm>>) dst(%dma_wait3A_104 : memref<8x125xi32, #tpu.memory_space<vmem>>)
    %dma_start3A_109 = arith.constant 0 : i32
    %dma_start3A_110 = arith.constant 0 : i32
    %dma_start3A_111 = arith.constant 0 : i32
    %dma_start3A_112 = arith.constant 0 : i32
    %dma_start3A_113 = tpu.memref_slice %arg5[%dma_start3A_109, %dma_start3A_110, %dma_start3A_111, %dma_start3A_112] : memref<2x2x8x125xi32, #tpu.memory_space<vmem>> -> memref<1x1x1x125xi32, #tpu.memory_space<vmem>>
    %dma_start3A_114 = tpu.memref_squeeze %dma_start3A_113 : memref<1x1x1x125xi32, #tpu.memory_space<vmem>> -> memref<125xi32, #tpu.memory_space<vmem>>
    %dma_start3A_115 = arith.constant 0 : i32
    %dma_start3A_116 = arith.constant 0 : i32
    %dma_start3A_117 = tpu.memref_slice %arg2[%dma_start3A_115, %dma_start3A_116] : memref<10000x128xf32, #tpu.memory_space<hbm>> -> memref<10000x128xf32, #tpu.memory_space<hbm>>
    tpu.enqueue_indirect_dma source(%dma_start3A_117 : memref<10000x128xf32, #tpu.memory_space<hbm>>) target(%arg6 : memref<125x128xf32, #tpu.memory_space<vmem>>) offsets(%dma_start3A_114 : memref<125xi32, #tpu.memory_space<vmem>>) semaphore(%arg9 : memref<!tpu.dma_semaphore, #tpu.memory_space<semaphore_mem>>)
    %barrier3A = arith.constant 0 : index
    tpu.barrier barrier_id(%barrier3A)
    %scan3A_118 = arith.constant 0 : i32
    %scan3A_119 = arith.constant 0 : i32
    %scan3A_120 = arith.constant 5 : i32
    %scan3A_121 = arith.addi %scan3A_119, %scan3A_120 : i32
    %scan3A_122 = arith.constant 1 : i32
    scf.for %scan3A_129 = %scan3A_119 to %scan3A_121 step %scan3A_122  : i32 {
      %mul3A_130 = arith.constant 2 : i32
      %mul3A_131 = arith.muli %mul3A_130, %scan3A_129 : i32
      %add3A_132 = arith.constant 1 : i32
      %add3A_133 = arith.addi %mul3A_131, %add3A_132 : i32
      %dma_start3A_134 = arith.constant 0 : i32
      %dma_start3A_135 = arith.constant 1 : i32
      %dma_start3A_136 = arith.constant 0 : i32
      %dma_start3A_137 = arith.constant 0 : i32
      %dma_start3A_138 = arith.constant 0 : i32
      %dma_start3A_139 = tpu.memref_slice %arg5[%dma_start3A_135, %dma_start3A_136, %dma_start3A_137, %dma_start3A_138] : memref<2x2x8x125xi32, #tpu.memory_space<vmem>> -> memref<1x1x8x125xi32, #tpu.memory_space<vmem>>
      %dma_start3A_140 = tpu.memref_squeeze %dma_start3A_139 : memref<1x1x8x125xi32, #tpu.memory_space<vmem>> -> memref<8x125xi32, #tpu.memory_space<vmem>>
      %dma_start3A_141 = arith.constant 0 : i32
      %dma_start3A_142 = arith.constant 0 : i32
      %dma_start3A_143 = tpu.memref_slice %arg3[%dma_start3A_134, %add3A, %add3A_133, %dma_start3A_141, %dma_start3A_142] : memref<2x32x10x8x125xi32, #tpu.memory_space<hbm>> -> memref<1x1x1x8x125xi32, #tpu.memory_space<hbm>>
      %dma_start3A_144 = tpu.memref_squeeze %dma_start3A_143 : memref<1x1x1x8x125xi32, #tpu.memory_space<hbm>> -> memref<8x125xi32, #tpu.memory_space<hbm>>
      %dma_start3A_145 = arith.constant 0 : i32
      %dma_start3A_146 = arith.constant 0 : i32
      %dma_start3A_147 = tpu.memref_slice %arg5[%dma_start3A_135, %dma_start3A_136, %dma_start3A_145, %dma_start3A_146] : memref<2x2x8x125xi32, #tpu.memory_space<vmem>> -> memref<1x1x8x125xi32, #tpu.memory_space<vmem>>
      %dma_start3A_148 = tpu.memref_squeeze %dma_start3A_147 : memref<1x1x8x125xi32, #tpu.memory_space<vmem>> -> memref<8x125xi32, #tpu.memory_space<vmem>>
      %dma_start3A_149 = arith.constant 0 : i32
      %dma_start3A_150 = arith.constant 0 : i32
      %dma_start3A_151 = tpu.memref_slice %arg3[%dma_start3A_134, %add3A, %add3A_133, %dma_start3A_149, %dma_start3A_150] : memref<2x32x10x8x125xi32, #tpu.memory_space<hbm>> -> memref<1x1x1x8x125xi32, #tpu.memory_space<hbm>>
      %dma_start3A_152 = tpu.memref_squeeze %dma_start3A_151 : memref<1x1x1x8x125xi32, #tpu.memory_space<hbm>> -> memref<8x125xi32, #tpu.memory_space<hbm>>
      tpu.enqueue_dma source(%dma_start3A_152 : memref<8x125xi32, #tpu.memory_space<hbm>>) target(%dma_start3A_148 : memref<8x125xi32, #tpu.memory_space<vmem>>) target_semaphore(%arg11 : memref<!tpu.dma_semaphore, #tpu.memory_space<semaphore_mem>>)
      %dma_start3A_153 = arith.constant 1 : i32
      %dma_start3A_154 = arith.constant 1 : i32
      %dma_start3A_155 = arith.constant 1 : i32
      %dma_start3A_156 = arith.constant 0 : i32
      %dma_start3A_157 = arith.constant 0 : i32
      %dma_start3A_158 = tpu.memref_slice %arg5[%dma_start3A_154, %dma_start3A_155, %dma_start3A_156, %dma_start3A_157] : memref<2x2x8x125xi32, #tpu.memory_space<vmem>> -> memref<1x1x8x125xi32, #tpu.memory_space<vmem>>
      %dma_start3A_159 = tpu.memref_squeeze %dma_start3A_158 : memref<1x1x8x125xi32, #tpu.memory_space<vmem>> -> memref<8x125xi32, #tpu.memory_space<vmem>>
      %dma_start3A_160 = arith.constant 0 : i32
      %dma_start3A_161 = arith.constant 0 : i32
      %dma_start3A_162 = tpu.memref_slice %arg3[%dma_start3A_153, %add3A, %add3A_133, %dma_start3A_160, %dma_start3A_161] : memref<2x32x10x8x125xi32, #tpu.memory_space<hbm>> -> memref<1x1x1x8x125xi32, #tpu.memory_space<hbm>>
      %dma_start3A_163 = tpu.memref_squeeze %dma_start3A_162 : memref<1x1x1x8x125xi32, #tpu.memory_space<hbm>> -> memref<8x125xi32, #tpu.memory_space<hbm>>
      %dma_start3A_164 = arith.constant 0 : i32
      %dma_start3A_165 = arith.constant 0 : i32
      %dma_start3A_166 = tpu.memref_slice %arg5[%dma_start3A_154, %dma_start3A_155, %dma_start3A_164, %dma_start3A_165] : memref<2x2x8x125xi32, #tpu.memory_space<vmem>> -> memref<1x1x8x125xi32, #tpu.memory_space<vmem>>
      %dma_start3A_167 = tpu.memref_squeeze %dma_start3A_166 : memref<1x1x8x125xi32, #tpu.memory_space<vmem>> -> memref<8x125xi32, #tpu.memory_space<vmem>>
      %dma_start3A_168 = arith.constant 0 : i32
      %dma_start3A_169 = arith.constant 0 : i32
      %dma_start3A_170 = tpu.memref_slice %arg3[%dma_start3A_153, %add3A, %add3A_133, %dma_start3A_168, %dma_start3A_169] : memref<2x32x10x8x125xi32, #tpu.memory_space<hbm>> -> memref<1x1x1x8x125xi32, #tpu.memory_space<hbm>>
      %dma_start3A_171 = tpu.memref_squeeze %dma_start3A_170 : memref<1x1x1x8x125xi32, #tpu.memory_space<hbm>> -> memref<8x125xi32, #tpu.memory_space<hbm>>
      tpu.enqueue_dma source(%dma_start3A_171 : memref<8x125xi32, #tpu.memory_space<hbm>>) target(%dma_start3A_167 : memref<8x125xi32, #tpu.memory_space<vmem>>) target_semaphore(%arg11 : memref<!tpu.dma_semaphore, #tpu.memory_space<semaphore_mem>>)
      %dma_start3A_172 = arith.constant 0 : i32
      %dma_start3A_173 = arith.constant 0 : i32
      %dma_start3A_174 = arith.constant 1 : i32
      %dma_start3A_175 = arith.constant 0 : i32
      %dma_start3A_176 = tpu.memref_slice %arg5[%dma_start3A_172, %dma_start3A_173, %dma_start3A_174, %dma_start3A_175] : memref<2x2x8x125xi32, #tpu.memory_space<vmem>> -> memref<1x1x1x125xi32, #tpu.memory_space<vmem>>
      %dma_start3A_177 = tpu.memref_squeeze %dma_start3A_176 : memref<1x1x1x125xi32, #tpu.memory_space<vmem>> -> memref<125xi32, #tpu.memory_space<vmem>>
      %dma_start3A_178 = arith.constant 0 : i32
      %dma_start3A_179 = arith.constant 0 : i32
      %dma_start3A_180 = tpu.memref_slice %arg2[%dma_start3A_178, %dma_start3A_179] : memref<10000x128xf32, #tpu.memory_space<hbm>> -> memref<10000x128xf32, #tpu.memory_space<hbm>>
      tpu.enqueue_indirect_dma source(%dma_start3A_180 : memref<10000x128xf32, #tpu.memory_space<hbm>>) target(%arg7 : memref<125x128xf32, #tpu.memory_space<vmem>>) offsets(%dma_start3A_177 : memref<125xi32, #tpu.memory_space<vmem>>) semaphore(%arg10 : memref<!tpu.dma_semaphore, #tpu.memory_space<semaphore_mem>>)
      %dma_wait3A_181 = arith.constant 0 : i32
      %dma_wait3A_182 = arith.constant 0 : i32
      %dma_wait3A_183 = arith.constant 0 : i32
      %dma_wait3A_184 = arith.constant 0 : i32
      %dma_wait3A_185 = tpu.memref_slice %arg5[%dma_wait3A_181, %dma_wait3A_182, %dma_wait3A_183, %dma_wait3A_184] : memref<2x2x8x125xi32, #tpu.memory_space<vmem>> -> memref<1x1x1x125xi32, #tpu.memory_space<vmem>>
      %dma_wait3A_186 = tpu.memref_squeeze %dma_wait3A_185 : memref<1x1x1x125xi32, #tpu.memory_space<vmem>> -> memref<125xi32, #tpu.memory_space<vmem>>
      %dma_wait3A_187 = arith.constant 0 : i32
      %dma_wait3A_188 = arith.constant 0 : i32
      %dma_wait3A_189 = tpu.memref_slice %arg2[%dma_wait3A_187, %dma_wait3A_188] : memref<10000x128xf32, #tpu.memory_space<hbm>> -> memref<10000x128xf32, #tpu.memory_space<hbm>>
      tpu.wait_indirect_dma semaphore(%arg9 : memref<!tpu.dma_semaphore, #tpu.memory_space<semaphore_mem>>) src(%dma_wait3A_189 : memref<10000x128xf32, #tpu.memory_space<hbm>>) dst(%arg6 : memref<125x128xf32, #tpu.memory_space<vmem>>)
      %run_scoped3A = arith.constant 0 : i32
      %run_scoped3A_190 = arith.constant 1 : i32
      %run_scoped3A_191 = arith.constant 0 : i32
      "tpu.region"() ({
        %run_scoped3A_549 = tpu.sem_alloc : memref<!tpu.dma_semaphore, #tpu.memory_space<semaphore_mem>>
        %dma_start3A_550 = arith.constant 0 : i32
        %dma_start3A_551 = tpu.memref_slice %arg5[%run_scoped3A, %run_scoped3A_190, %run_scoped3A_191, %dma_start3A_550] : memref<2x2x8x125xi32, #tpu.memory_space<vmem>> -> memref<1x1x1x125xi32, #tpu.memory_space<vmem>>
        %dma_start3A_552 = tpu.memref_squeeze %dma_start3A_551 : memref<1x1x1x125xi32, #tpu.memory_space<vmem>> -> memref<125xi32, #tpu.memory_space<vmem>>
        %dma_start3A_553 = arith.constant 0 : i32
        %dma_start3A_554 = arith.constant 0 : i32
        %dma_start3A_555 = tpu.memref_slice %arg8[%dma_start3A_553, %dma_start3A_554] : memref<10240x128xf32, #tpu.memory_space<vmem_shared>> -> memref<10240x128xf32, #tpu.memory_space<vmem_shared>>
        tpu.enqueue_indirect_dma source(%arg6 : memref<125x128xf32, #tpu.memory_space<vmem>>) target(%dma_start3A_555 : memref<10240x128xf32, #tpu.memory_space<vmem_shared>>) offsets(%dma_start3A_552 : memref<125xi32, #tpu.memory_space<vmem>>) semaphore(%run_scoped3A_549 : memref<!tpu.dma_semaphore, #tpu.memory_space<semaphore_mem>>) {add = true}
        %dma_wait3A_556 = arith.constant 0 : i32
        %dma_wait3A_557 = tpu.memref_slice %arg5[%run_scoped3A, %run_scoped3A_190, %run_scoped3A_191, %dma_wait3A_556] : memref<2x2x8x125xi32, #tpu.memory_space<vmem>> -> memref<1x1x1x125xi32, #tpu.memory_space<vmem>>
        %dma_wait3A_558 = tpu.memref_squeeze %dma_wait3A_557 : memref<1x1x1x125xi32, #tpu.memory_space<vmem>> -> memref<125xi32, #tpu.memory_space<vmem>>
        %dma_wait3A_559 = arith.constant 0 : i32
        %dma_wait3A_560 = arith.constant 0 : i32
        %dma_wait3A_561 = tpu.memref_slice %arg8[%dma_wait3A_559, %dma_wait3A_560] : memref<10240x128xf32, #tpu.memory_space<vmem_shared>> -> memref<10240x128xf32, #tpu.memory_space<vmem_shared>>
        tpu.wait_indirect_dma semaphore(%run_scoped3A_549 : memref<!tpu.dma_semaphore, #tpu.memory_space<semaphore_mem>>) src(%arg6 : memref<125x128xf32, #tpu.memory_space<vmem>>) dst(%dma_wait3A_561 : memref<10240x128xf32, #tpu.memory_space<vmem_shared>>)
        tpu.yield
      }) : () -> ()
      %dma_start3A_192 = arith.constant 0 : i32
      %dma_start3A_193 = arith.constant 0 : i32
      %dma_start3A_194 = arith.constant 2 : i32
      %dma_start3A_195 = arith.constant 0 : i32
      %dma_start3A_196 = tpu.memref_slice %arg5[%dma_start3A_192, %dma_start3A_193, %dma_start3A_194, %dma_start3A_195] : memref<2x2x8x125xi32, #tpu.memory_space<vmem>> -> memref<1x1x1x125xi32, #tpu.memory_space<vmem>>
      %dma_start3A_197 = tpu.memref_squeeze %dma_start3A_196 : memref<1x1x1x125xi32, #tpu.memory_space<vmem>> -> memref<125xi32, #tpu.memory_space<vmem>>
      %dma_start3A_198 = arith.constant 0 : i32
      %dma_start3A_199 = arith.constant 0 : i32
      %dma_start3A_200 = tpu.memref_slice %arg2[%dma_start3A_198, %dma_start3A_199] : memref<10000x128xf32, #tpu.memory_space<hbm>> -> memref<10000x128xf32, #tpu.memory_space<hbm>>
      tpu.enqueue_indirect_dma source(%dma_start3A_200 : memref<10000x128xf32, #tpu.memory_space<hbm>>) target(%arg6 : memref<125x128xf32, #tpu.memory_space<vmem>>) offsets(%dma_start3A_197 : memref<125xi32, #tpu.memory_space<vmem>>) semaphore(%arg9 : memref<!tpu.dma_semaphore, #tpu.memory_space<semaphore_mem>>)
      %dma_wait3A_201 = arith.constant 0 : i32
      %dma_wait3A_202 = arith.constant 0 : i32
      %dma_wait3A_203 = arith.constant 0 : i32
      %dma_wait3A_204 = arith.constant 0 : i32
      %dma_wait3A_205 = tpu.memref_slice %arg5[%dma_wait3A_201, %dma_wait3A_202, %dma_wait3A_203, %dma_wait3A_204] : memref<2x2x8x125xi32, #tpu.memory_space<vmem>> -> memref<1x1x1x125xi32, #tpu.memory_space<vmem>>
      %dma_wait3A_206 = tpu.memref_squeeze %dma_wait3A_205 : memref<1x1x1x125xi32, #tpu.memory_space<vmem>> -> memref<125xi32, #tpu.memory_space<vmem>>
      %dma_wait3A_207 = arith.constant 0 : i32
      %dma_wait3A_208 = arith.constant 0 : i32
      %dma_wait3A_209 = tpu.memref_slice %arg2[%dma_wait3A_207, %dma_wait3A_208] : memref<10000x128xf32, #tpu.memory_space<hbm>> -> memref<10000x128xf32, #tpu.memory_space<hbm>>
      tpu.wait_indirect_dma semaphore(%arg10 : memref<!tpu.dma_semaphore, #tpu.memory_space<semaphore_mem>>) src(%dma_wait3A_209 : memref<10000x128xf32, #tpu.memory_space<hbm>>) dst(%arg7 : memref<125x128xf32, #tpu.memory_space<vmem>>)
      %run_scoped3A_210 = arith.constant 0 : i32
      %run_scoped3A_211 = arith.constant 1 : i32
      %run_scoped3A_212 = arith.constant 1 : i32
      "tpu.region"() ({
        %run_scoped3A_549 = tpu.sem_alloc : memref<!tpu.dma_semaphore, #tpu.memory_space<semaphore_mem>>
        %dma_start3A_550 = arith.constant 0 : i32
        %dma_start3A_551 = tpu.memref_slice %arg5[%run_scoped3A_210, %run_scoped3A_211, %run_scoped3A_212, %dma_start3A_550] : memref<2x2x8x125xi32, #tpu.memory_space<vmem>> -> memref<1x1x1x125xi32, #tpu.memory_space<vmem>>
        %dma_start3A_552 = tpu.memref_squeeze %dma_start3A_551 : memref<1x1x1x125xi32, #tpu.memory_space<vmem>> -> memref<125xi32, #tpu.memory_space<vmem>>
        %dma_start3A_553 = arith.constant 0 : i32
        %dma_start3A_554 = arith.constant 0 : i32
        %dma_start3A_555 = tpu.memref_slice %arg8[%dma_start3A_553, %dma_start3A_554] : memref<10240x128xf32, #tpu.memory_space<vmem_shared>> -> memref<10240x128xf32, #tpu.memory_space<vmem_shared>>
        tpu.enqueue_indirect_dma source(%arg7 : memref<125x128xf32, #tpu.memory_space<vmem>>) target(%dma_start3A_555 : memref<10240x128xf32, #tpu.memory_space<vmem_shared>>) offsets(%dma_start3A_552 : memref<125xi32, #tpu.memory_space<vmem>>) semaphore(%run_scoped3A_549 : memref<!tpu.dma_semaphore, #tpu.memory_space<semaphore_mem>>) {add = true}
        %dma_wait3A_556 = arith.constant 0 : i32
        %dma_wait3A_557 = tpu.memref_slice %arg5[%run_scoped3A_210, %run_scoped3A_211, %run_scoped3A_212, %dma_wait3A_556] : memref<2x2x8x125xi32, #tpu.memory_space<vmem>> -> memref<1x1x1x125xi32, #tpu.memory_space<vmem>>
        %dma_wait3A_558 = tpu.memref_squeeze %dma_wait3A_557 : memref<1x1x1x125xi32, #tpu.memory_space<vmem>> -> memref<125xi32, #tpu.memory_space<vmem>>
        %dma_wait3A_559 = arith.constant 0 : i32
        %dma_wait3A_560 = arith.constant 0 : i32
        %dma_wait3A_561 = tpu.memref_slice %arg8[%dma_wait3A_559, %dma_wait3A_560] : memref<10240x128xf32, #tpu.memory_space<vmem_shared>> -> memref<10240x128xf32, #tpu.memory_space<vmem_shared>>
        tpu.wait_indirect_dma semaphore(%run_scoped3A_549 : memref<!tpu.dma_semaphore, #tpu.memory_space<semaphore_mem>>) src(%arg7 : memref<125x128xf32, #tpu.memory_space<vmem>>) dst(%dma_wait3A_561 : memref<10240x128xf32, #tpu.memory_space<vmem_shared>>)
        tpu.yield
      }) : () -> ()
      %dma_start3A_213 = arith.constant 0 : i32
      %dma_start3A_214 = arith.constant 0 : i32
      %dma_start3A_215 = arith.constant 3 : i32
      %dma_start3A_216 = arith.constant 0 : i32
      %dma_start3A_217 = tpu.memref_slice %arg5[%dma_start3A_213, %dma_start3A_214, %dma_start3A_215, %dma_start3A_216] : memref<2x2x8x125xi32, #tpu.memory_space<vmem>> -> memref<1x1x1x125xi32, #tpu.memory_space<vmem>>
      %dma_start3A_218 = tpu.memref_squeeze %dma_start3A_217 : memref<1x1x1x125xi32, #tpu.memory_space<vmem>> -> memref<125xi32, #tpu.memory_space<vmem>>
      %dma_start3A_219 = arith.constant 0 : i32
      %dma_start3A_220 = arith.constant 0 : i32
      %dma_start3A_221 = tpu.memref_slice %arg2[%dma_start3A_219, %dma_start3A_220] : memref<10000x128xf32, #tpu.memory_space<hbm>> -> memref<10000x128xf32, #tpu.memory_space<hbm>>
      tpu.enqueue_indirect_dma source(%dma_start3A_221 : memref<10000x128xf32, #tpu.memory_space<hbm>>) target(%arg7 : memref<125x128xf32, #tpu.memory_space<vmem>>) offsets(%dma_start3A_218 : memref<125xi32, #tpu.memory_space<vmem>>) semaphore(%arg10 : memref<!tpu.dma_semaphore, #tpu.memory_space<semaphore_mem>>)
      %dma_wait3A_222 = arith.constant 0 : i32
      %dma_wait3A_223 = arith.constant 0 : i32
      %dma_wait3A_224 = arith.constant 0 : i32
      %dma_wait3A_225 = arith.constant 0 : i32
      %dma_wait3A_226 = tpu.memref_slice %arg5[%dma_wait3A_222, %dma_wait3A_223, %dma_wait3A_224, %dma_wait3A_225] : memref<2x2x8x125xi32, #tpu.memory_space<vmem>> -> memref<1x1x1x125xi32, #tpu.memory_space<vmem>>
      %dma_wait3A_227 = tpu.memref_squeeze %dma_wait3A_226 : memref<1x1x1x125xi32, #tpu.memory_space<vmem>> -> memref<125xi32, #tpu.memory_space<vmem>>
      %dma_wait3A_228 = arith.constant 0 : i32
      %dma_wait3A_229 = arith.constant 0 : i32
      %dma_wait3A_230 = tpu.memref_slice %arg2[%dma_wait3A_228, %dma_wait3A_229] : memref<10000x128xf32, #tpu.memory_space<hbm>> -> memref<10000x128xf32, #tpu.memory_space<hbm>>
      tpu.wait_indirect_dma semaphore(%arg9 : memref<!tpu.dma_semaphore, #tpu.memory_space<semaphore_mem>>) src(%dma_wait3A_230 : memref<10000x128xf32, #tpu.memory_space<hbm>>) dst(%arg6 : memref<125x128xf32, #tpu.memory_space<vmem>>)
      %run_scoped3A_231 = arith.constant 0 : i32
      %run_scoped3A_232 = arith.constant 1 : i32
      %run_scoped3A_233 = arith.constant 2 : i32
      "tpu.region"() ({
        %run_scoped3A_549 = tpu.sem_alloc : memref<!tpu.dma_semaphore, #tpu.memory_space<semaphore_mem>>
        %dma_start3A_550 = arith.constant 0 : i32
        %dma_start3A_551 = tpu.memref_slice %arg5[%run_scoped3A_231, %run_scoped3A_232, %run_scoped3A_233, %dma_start3A_550] : memref<2x2x8x125xi32, #tpu.memory_space<vmem>> -> memref<1x1x1x125xi32, #tpu.memory_space<vmem>>
        %dma_start3A_552 = tpu.memref_squeeze %dma_start3A_551 : memref<1x1x1x125xi32, #tpu.memory_space<vmem>> -> memref<125xi32, #tpu.memory_space<vmem>>
        %dma_start3A_553 = arith.constant 0 : i32
        %dma_start3A_554 = arith.constant 0 : i32
        %dma_start3A_555 = tpu.memref_slice %arg8[%dma_start3A_553, %dma_start3A_554] : memref<10240x128xf32, #tpu.memory_space<vmem_shared>> -> memref<10240x128xf32, #tpu.memory_space<vmem_shared>>
        tpu.enqueue_indirect_dma source(%arg6 : memref<125x128xf32, #tpu.memory_space<vmem>>) target(%dma_start3A_555 : memref<10240x128xf32, #tpu.memory_space<vmem_shared>>) offsets(%dma_start3A_552 : memref<125xi32, #tpu.memory_space<vmem>>) semaphore(%run_scoped3A_549 : memref<!tpu.dma_semaphore, #tpu.memory_space<semaphore_mem>>) {add = true}
        %dma_wait3A_556 = arith.constant 0 : i32
        %dma_wait3A_557 = tpu.memref_slice %arg5[%run_scoped3A_231, %run_scoped3A_232, %run_scoped3A_233, %dma_wait3A_556] : memref<2x2x8x125xi32, #tpu.memory_space<vmem>> -> memref<1x1x1x125xi32, #tpu.memory_space<vmem>>
        %dma_wait3A_558 = tpu.memref_squeeze %dma_wait3A_557 : memref<1x1x1x125xi32, #tpu.memory_space<vmem>> -> memref<125xi32, #tpu.memory_space<vmem>>
        %dma_wait3A_559 = arith.constant 0 : i32
        %dma_wait3A_560 = arith.constant 0 : i32
        %dma_wait3A_561 = tpu.memref_slice %arg8[%dma_wait3A_559, %dma_wait3A_560] : memref<10240x128xf32, #tpu.memory_space<vmem_shared>> -> memref<10240x128xf32, #tpu.memory_space<vmem_shared>>
        tpu.wait_indirect_dma semaphore(%run_scoped3A_549 : memref<!tpu.dma_semaphore, #tpu.memory_space<semaphore_mem>>) src(%arg6 : memref<125x128xf32, #tpu.memory_space<vmem>>) dst(%dma_wait3A_561 : memref<10240x128xf32, #tpu.memory_space<vmem_shared>>)
        tpu.yield
      }) : () -> ()
      %dma_start3A_234 = arith.constant 0 : i32
      %dma_start3A_235 = arith.constant 0 : i32
      %dma_start3A_236 = arith.constant 4 : i32
      %dma_start3A_237 = arith.constant 0 : i32
      %dma_start3A_238 = tpu.memref_slice %arg5[%dma_start3A_234, %dma_start3A_235, %dma_start3A_236, %dma_start3A_237] : memref<2x2x8x125xi32, #tpu.memory_space<vmem>> -> memref<1x1x1x125xi32, #tpu.memory_space<vmem>>
      %dma_start3A_239 = tpu.memref_squeeze %dma_start3A_238 : memref<1x1x1x125xi32, #tpu.memory_space<vmem>> -> memref<125xi32, #tpu.memory_space<vmem>>
      %dma_start3A_240 = arith.constant 0 : i32
      %dma_start3A_241 = arith.constant 0 : i32
      %dma_start3A_242 = tpu.memref_slice %arg2[%dma_start3A_240, %dma_start3A_241] : memref<10000x128xf32, #tpu.memory_space<hbm>> -> memref<10000x128xf32, #tpu.memory_space<hbm>>
      tpu.enqueue_indirect_dma source(%dma_start3A_242 : memref<10000x128xf32, #tpu.memory_space<hbm>>) target(%arg6 : memref<125x128xf32, #tpu.memory_space<vmem>>) offsets(%dma_start3A_239 : memref<125xi32, #tpu.memory_space<vmem>>) semaphore(%arg9 : memref<!tpu.dma_semaphore, #tpu.memory_space<semaphore_mem>>)
      %dma_wait3A_243 = arith.constant 0 : i32
      %dma_wait3A_244 = arith.constant 0 : i32
      %dma_wait3A_245 = arith.constant 0 : i32
      %dma_wait3A_246 = arith.constant 0 : i32
      %dma_wait3A_247 = tpu.memref_slice %arg5[%dma_wait3A_243, %dma_wait3A_244, %dma_wait3A_245, %dma_wait3A_246] : memref<2x2x8x125xi32, #tpu.memory_space<vmem>> -> memref<1x1x1x125xi32, #tpu.memory_space<vmem>>
      %dma_wait3A_248 = tpu.memref_squeeze %dma_wait3A_247 : memref<1x1x1x125xi32, #tpu.memory_space<vmem>> -> memref<125xi32, #tpu.memory_space<vmem>>
      %dma_wait3A_249 = arith.constant 0 : i32
      %dma_wait3A_250 = arith.constant 0 : i32
      %dma_wait3A_251 = tpu.memref_slice %arg2[%dma_wait3A_249, %dma_wait3A_250] : memref<10000x128xf32, #tpu.memory_space<hbm>> -> memref<10000x128xf32, #tpu.memory_space<hbm>>
      tpu.wait_indirect_dma semaphore(%arg10 : memref<!tpu.dma_semaphore, #tpu.memory_space<semaphore_mem>>) src(%dma_wait3A_251 : memref<10000x128xf32, #tpu.memory_space<hbm>>) dst(%arg7 : memref<125x128xf32, #tpu.memory_space<vmem>>)
      %run_scoped3A_252 = arith.constant 0 : i32
      %run_scoped3A_253 = arith.constant 1 : i32
      %run_scoped3A_254 = arith.constant 3 : i32
      "tpu.region"() ({
        %run_scoped3A_549 = tpu.sem_alloc : memref<!tpu.dma_semaphore, #tpu.memory_space<semaphore_mem>>
        %dma_start3A_550 = arith.constant 0 : i32
        %dma_start3A_551 = tpu.memref_slice %arg5[%run_scoped3A_252, %run_scoped3A_253, %run_scoped3A_254, %dma_start3A_550] : memref<2x2x8x125xi32, #tpu.memory_space<vmem>> -> memref<1x1x1x125xi32, #tpu.memory_space<vmem>>
        %dma_start3A_552 = tpu.memref_squeeze %dma_start3A_551 : memref<1x1x1x125xi32, #tpu.memory_space<vmem>> -> memref<125xi32, #tpu.memory_space<vmem>>
        %dma_start3A_553 = arith.constant 0 : i32
        %dma_start3A_554 = arith.constant 0 : i32
        %dma_start3A_555 = tpu.memref_slice %arg8[%dma_start3A_553, %dma_start3A_554] : memref<10240x128xf32, #tpu.memory_space<vmem_shared>> -> memref<10240x128xf32, #tpu.memory_space<vmem_shared>>
        tpu.enqueue_indirect_dma source(%arg7 : memref<125x128xf32, #tpu.memory_space<vmem>>) target(%dma_start3A_555 : memref<10240x128xf32, #tpu.memory_space<vmem_shared>>) offsets(%dma_start3A_552 : memref<125xi32, #tpu.memory_space<vmem>>) semaphore(%run_scoped3A_549 : memref<!tpu.dma_semaphore, #tpu.memory_space<semaphore_mem>>) {add = true}
        %dma_wait3A_556 = arith.constant 0 : i32
        %dma_wait3A_557 = tpu.memref_slice %arg5[%run_scoped3A_252, %run_scoped3A_253, %run_scoped3A_254, %dma_wait3A_556] : memref<2x2x8x125xi32, #tpu.memory_space<vmem>> -> memref<1x1x1x125xi32, #tpu.memory_space<vmem>>
        %dma_wait3A_558 = tpu.memref_squeeze %dma_wait3A_557 : memref<1x1x1x125xi32, #tpu.memory_space<vmem>> -> memref<125xi32, #tpu.memory_space<vmem>>
        %dma_wait3A_559 = arith.constant 0 : i32
        %dma_wait3A_560 = arith.constant 0 : i32
        %dma_wait3A_561 = tpu.memref_slice %arg8[%dma_wait3A_559, %dma_wait3A_560] : memref<10240x128xf32, #tpu.memory_space<vmem_shared>> -> memref<10240x128xf32, #tpu.memory_space<vmem_shared>>
        tpu.wait_indirect_dma semaphore(%run_scoped3A_549 : memref<!tpu.dma_semaphore, #tpu.memory_space<semaphore_mem>>) src(%arg7 : memref<125x128xf32, #tpu.memory_space<vmem>>) dst(%dma_wait3A_561 : memref<10240x128xf32, #tpu.memory_space<vmem_shared>>)
        tpu.yield
      }) : () -> ()
      %dma_start3A_255 = arith.constant 0 : i32
      %dma_start3A_256 = arith.constant 0 : i32
      %dma_start3A_257 = arith.constant 5 : i32
      %dma_start3A_258 = arith.constant 0 : i32
      %dma_start3A_259 = tpu.memref_slice %arg5[%dma_start3A_255, %dma_start3A_256, %dma_start3A_257, %dma_start3A_258] : memref<2x2x8x125xi32, #tpu.memory_space<vmem>> -> memref<1x1x1x125xi32, #tpu.memory_space<vmem>>
      %dma_start3A_260 = tpu.memref_squeeze %dma_start3A_259 : memref<1x1x1x125xi32, #tpu.memory_space<vmem>> -> memref<125xi32, #tpu.memory_space<vmem>>
      %dma_start3A_261 = arith.constant 0 : i32
      %dma_start3A_262 = arith.constant 0 : i32
      %dma_start3A_263 = tpu.memref_slice %arg2[%dma_start3A_261, %dma_start3A_262] : memref<10000x128xf32, #tpu.memory_space<hbm>> -> memref<10000x128xf32, #tpu.memory_space<hbm>>
      tpu.enqueue_indirect_dma source(%dma_start3A_263 : memref<10000x128xf32, #tpu.memory_space<hbm>>) target(%arg7 : memref<125x128xf32, #tpu.memory_space<vmem>>) offsets(%dma_start3A_260 : memref<125xi32, #tpu.memory_space<vmem>>) semaphore(%arg10 : memref<!tpu.dma_semaphore, #tpu.memory_space<semaphore_mem>>)
      %dma_wait3A_264 = arith.constant 0 : i32
      %dma_wait3A_265 = arith.constant 0 : i32
      %dma_wait3A_266 = arith.constant 0 : i32
      %dma_wait3A_267 = arith.constant 0 : i32
      %dma_wait3A_268 = tpu.memref_slice %arg5[%dma_wait3A_264, %dma_wait3A_265, %dma_wait3A_266, %dma_wait3A_267] : memref<2x2x8x125xi32, #tpu.memory_space<vmem>> -> memref<1x1x1x125xi32, #tpu.memory_space<vmem>>
      %dma_wait3A_269 = tpu.memref_squeeze %dma_wait3A_268 : memref<1x1x1x125xi32, #tpu.memory_space<vmem>> -> memref<125xi32, #tpu.memory_space<vmem>>
      %dma_wait3A_270 = arith.constant 0 : i32
      %dma_wait3A_271 = arith.constant 0 : i32
      %dma_wait3A_272 = tpu.memref_slice %arg2[%dma_wait3A_270, %dma_wait3A_271] : memref<10000x128xf32, #tpu.memory_space<hbm>> -> memref<10000x128xf32, #tpu.memory_space<hbm>>
      tpu.wait_indirect_dma semaphore(%arg9 : memref<!tpu.dma_semaphore, #tpu.memory_space<semaphore_mem>>) src(%dma_wait3A_272 : memref<10000x128xf32, #tpu.memory_space<hbm>>) dst(%arg6 : memref<125x128xf32, #tpu.memory_space<vmem>>)
      %run_scoped3A_273 = arith.constant 0 : i32
      %run_scoped3A_274 = arith.constant 1 : i32
      %run_scoped3A_275 = arith.constant 4 : i32
      "tpu.region"() ({
        %run_scoped3A_549 = tpu.sem_alloc : memref<!tpu.dma_semaphore, #tpu.memory_space<semaphore_mem>>
        %dma_start3A_550 = arith.constant 0 : i32
        %dma_start3A_551 = tpu.memref_slice %arg5[%run_scoped3A_273, %run_scoped3A_274, %run_scoped3A_275, %dma_start3A_550] : memref<2x2x8x125xi32, #tpu.memory_space<vmem>> -> memref<1x1x1x125xi32, #tpu.memory_space<vmem>>
        %dma_start3A_552 = tpu.memref_squeeze %dma_start3A_551 : memref<1x1x1x125xi32, #tpu.memory_space<vmem>> -> memref<125xi32, #tpu.memory_space<vmem>>
        %dma_start3A_553 = arith.constant 0 : i32
        %dma_start3A_554 = arith.constant 0 : i32
        %dma_start3A_555 = tpu.memref_slice %arg8[%dma_start3A_553, %dma_start3A_554] : memref<10240x128xf32, #tpu.memory_space<vmem_shared>> -> memref<10240x128xf32, #tpu.memory_space<vmem_shared>>
        tpu.enqueue_indirect_dma source(%arg6 : memref<125x128xf32, #tpu.memory_space<vmem>>) target(%dma_start3A_555 : memref<10240x128xf32, #tpu.memory_space<vmem_shared>>) offsets(%dma_start3A_552 : memref<125xi32, #tpu.memory_space<vmem>>) semaphore(%run_scoped3A_549 : memref<!tpu.dma_semaphore, #tpu.memory_space<semaphore_mem>>) {add = true}
        %dma_wait3A_556 = arith.constant 0 : i32
        %dma_wait3A_557 = tpu.memref_slice %arg5[%run_scoped3A_273, %run_scoped3A_274, %run_scoped3A_275, %dma_wait3A_556] : memref<2x2x8x125xi32, #tpu.memory_space<vmem>> -> memref<1x1x1x125xi32, #tpu.memory_space<vmem>>
        %dma_wait3A_558 = tpu.memref_squeeze %dma_wait3A_557 : memref<1x1x1x125xi32, #tpu.memory_space<vmem>> -> memref<125xi32, #tpu.memory_space<vmem>>
        %dma_wait3A_559 = arith.constant 0 : i32
        %dma_wait3A_560 = arith.constant 0 : i32
        %dma_wait3A_561 = tpu.memref_slice %arg8[%dma_wait3A_559, %dma_wait3A_560] : memref<10240x128xf32, #tpu.memory_space<vmem_shared>> -> memref<10240x128xf32, #tpu.memory_space<vmem_shared>>
        tpu.wait_indirect_dma semaphore(%run_scoped3A_549 : memref<!tpu.dma_semaphore, #tpu.memory_space<semaphore_mem>>) src(%arg6 : memref<125x128xf32, #tpu.memory_space<vmem>>) dst(%dma_wait3A_561 : memref<10240x128xf32, #tpu.memory_space<vmem_shared>>)
        tpu.yield
      }) : () -> ()
      %dma_start3A_276 = arith.constant 0 : i32
      %dma_start3A_277 = arith.constant 0 : i32
      %dma_start3A_278 = arith.constant 6 : i32
      %dma_start3A_279 = arith.constant 0 : i32
      %dma_start3A_280 = tpu.memref_slice %arg5[%dma_start3A_276, %dma_start3A_277, %dma_start3A_278, %dma_start3A_279] : memref<2x2x8x125xi32, #tpu.memory_space<vmem>> -> memref<1x1x1x125xi32, #tpu.memory_space<vmem>>
      %dma_start3A_281 = tpu.memref_squeeze %dma_start3A_280 : memref<1x1x1x125xi32, #tpu.memory_space<vmem>> -> memref<125xi32, #tpu.memory_space<vmem>>
      %dma_start3A_282 = arith.constant 0 : i32
      %dma_start3A_283 = arith.constant 0 : i32
      %dma_start3A_284 = tpu.memref_slice %arg2[%dma_start3A_282, %dma_start3A_283] : memref<10000x128xf32, #tpu.memory_space<hbm>> -> memref<10000x128xf32, #tpu.memory_space<hbm>>
      tpu.enqueue_indirect_dma source(%dma_start3A_284 : memref<10000x128xf32, #tpu.memory_space<hbm>>) target(%arg6 : memref<125x128xf32, #tpu.memory_space<vmem>>) offsets(%dma_start3A_281 : memref<125xi32, #tpu.memory_space<vmem>>) semaphore(%arg9 : memref<!tpu.dma_semaphore, #tpu.memory_space<semaphore_mem>>)
      %dma_wait3A_285 = arith.constant 0 : i32
      %dma_wait3A_286 = arith.constant 0 : i32
      %dma_wait3A_287 = arith.constant 0 : i32
      %dma_wait3A_288 = arith.constant 0 : i32
      %dma_wait3A_289 = tpu.memref_slice %arg5[%dma_wait3A_285, %dma_wait3A_286, %dma_wait3A_287, %dma_wait3A_288] : memref<2x2x8x125xi32, #tpu.memory_space<vmem>> -> memref<1x1x1x125xi32, #tpu.memory_space<vmem>>
      %dma_wait3A_290 = tpu.memref_squeeze %dma_wait3A_289 : memref<1x1x1x125xi32, #tpu.memory_space<vmem>> -> memref<125xi32, #tpu.memory_space<vmem>>
      %dma_wait3A_291 = arith.constant 0 : i32
      %dma_wait3A_292 = arith.constant 0 : i32
      %dma_wait3A_293 = tpu.memref_slice %arg2[%dma_wait3A_291, %dma_wait3A_292] : memref<10000x128xf32, #tpu.memory_space<hbm>> -> memref<10000x128xf32, #tpu.memory_space<hbm>>
      tpu.wait_indirect_dma semaphore(%arg10 : memref<!tpu.dma_semaphore, #tpu.memory_space<semaphore_mem>>) src(%dma_wait3A_293 : memref<10000x128xf32, #tpu.memory_space<hbm>>) dst(%arg7 : memref<125x128xf32, #tpu.memory_space<vmem>>)
      %run_scoped3A_294 = arith.constant 0 : i32
      %run_scoped3A_295 = arith.constant 1 : i32
      %run_scoped3A_296 = arith.constant 5 : i32
      "tpu.region"() ({
        %run_scoped3A_549 = tpu.sem_alloc : memref<!tpu.dma_semaphore, #tpu.memory_space<semaphore_mem>>
        %dma_start3A_550 = arith.constant 0 : i32
        %dma_start3A_551 = tpu.memref_slice %arg5[%run_scoped3A_294, %run_scoped3A_295, %run_scoped3A_296, %dma_start3A_550] : memref<2x2x8x125xi32, #tpu.memory_space<vmem>> -> memref<1x1x1x125xi32, #tpu.memory_space<vmem>>
        %dma_start3A_552 = tpu.memref_squeeze %dma_start3A_551 : memref<1x1x1x125xi32, #tpu.memory_space<vmem>> -> memref<125xi32, #tpu.memory_space<vmem>>
        %dma_start3A_553 = arith.constant 0 : i32
        %dma_start3A_554 = arith.constant 0 : i32
        %dma_start3A_555 = tpu.memref_slice %arg8[%dma_start3A_553, %dma_start3A_554] : memref<10240x128xf32, #tpu.memory_space<vmem_shared>> -> memref<10240x128xf32, #tpu.memory_space<vmem_shared>>
        tpu.enqueue_indirect_dma source(%arg7 : memref<125x128xf32, #tpu.memory_space<vmem>>) target(%dma_start3A_555 : memref<10240x128xf32, #tpu.memory_space<vmem_shared>>) offsets(%dma_start3A_552 : memref<125xi32, #tpu.memory_space<vmem>>) semaphore(%run_scoped3A_549 : memref<!tpu.dma_semaphore, #tpu.memory_space<semaphore_mem>>) {add = true}
        %dma_wait3A_556 = arith.constant 0 : i32
        %dma_wait3A_557 = tpu.memref_slice %arg5[%run_scoped3A_294, %run_scoped3A_295, %run_scoped3A_296, %dma_wait3A_556] : memref<2x2x8x125xi32, #tpu.memory_space<vmem>> -> memref<1x1x1x125xi32, #tpu.memory_space<vmem>>
        %dma_wait3A_558 = tpu.memref_squeeze %dma_wait3A_557 : memref<1x1x1x125xi32, #tpu.memory_space<vmem>> -> memref<125xi32, #tpu.memory_space<vmem>>
        %dma_wait3A_559 = arith.constant 0 : i32
        %dma_wait3A_560 = arith.constant 0 : i32
        %dma_wait3A_561 = tpu.memref_slice %arg8[%dma_wait3A_559, %dma_wait3A_560] : memref<10240x128xf32, #tpu.memory_space<vmem_shared>> -> memref<10240x128xf32, #tpu.memory_space<vmem_shared>>
        tpu.wait_indirect_dma semaphore(%run_scoped3A_549 : memref<!tpu.dma_semaphore, #tpu.memory_space<semaphore_mem>>) src(%arg7 : memref<125x128xf32, #tpu.memory_space<vmem>>) dst(%dma_wait3A_561 : memref<10240x128xf32, #tpu.memory_space<vmem_shared>>)
        tpu.yield
      }) : () -> ()
      %dma_start3A_297 = arith.constant 0 : i32
      %dma_start3A_298 = arith.constant 0 : i32
      %dma_start3A_299 = arith.constant 7 : i32
      %dma_start3A_300 = arith.constant 0 : i32
      %dma_start3A_301 = tpu.memref_slice %arg5[%dma_start3A_297, %dma_start3A_298, %dma_start3A_299, %dma_start3A_300] : memref<2x2x8x125xi32, #tpu.memory_space<vmem>> -> memref<1x1x1x125xi32, #tpu.memory_space<vmem>>
      %dma_start3A_302 = tpu.memref_squeeze %dma_start3A_301 : memref<1x1x1x125xi32, #tpu.memory_space<vmem>> -> memref<125xi32, #tpu.memory_space<vmem>>
      %dma_start3A_303 = arith.constant 0 : i32
      %dma_start3A_304 = arith.constant 0 : i32
      %dma_start3A_305 = tpu.memref_slice %arg2[%dma_start3A_303, %dma_start3A_304] : memref<10000x128xf32, #tpu.memory_space<hbm>> -> memref<10000x128xf32, #tpu.memory_space<hbm>>
      tpu.enqueue_indirect_dma source(%dma_start3A_305 : memref<10000x128xf32, #tpu.memory_space<hbm>>) target(%arg7 : memref<125x128xf32, #tpu.memory_space<vmem>>) offsets(%dma_start3A_302 : memref<125xi32, #tpu.memory_space<vmem>>) semaphore(%arg10 : memref<!tpu.dma_semaphore, #tpu.memory_space<semaphore_mem>>)
      %dma_wait3A_306 = arith.constant 0 : i32
      %dma_wait3A_307 = arith.constant 0 : i32
      %dma_wait3A_308 = arith.constant 0 : i32
      %dma_wait3A_309 = arith.constant 0 : i32
      %dma_wait3A_310 = tpu.memref_slice %arg5[%dma_wait3A_306, %dma_wait3A_307, %dma_wait3A_308, %dma_wait3A_309] : memref<2x2x8x125xi32, #tpu.memory_space<vmem>> -> memref<1x1x1x125xi32, #tpu.memory_space<vmem>>
      %dma_wait3A_311 = tpu.memref_squeeze %dma_wait3A_310 : memref<1x1x1x125xi32, #tpu.memory_space<vmem>> -> memref<125xi32, #tpu.memory_space<vmem>>
      %dma_wait3A_312 = arith.constant 0 : i32
      %dma_wait3A_313 = arith.constant 0 : i32
      %dma_wait3A_314 = tpu.memref_slice %arg2[%dma_wait3A_312, %dma_wait3A_313] : memref<10000x128xf32, #tpu.memory_space<hbm>> -> memref<10000x128xf32, #tpu.memory_space<hbm>>
      tpu.wait_indirect_dma semaphore(%arg9 : memref<!tpu.dma_semaphore, #tpu.memory_space<semaphore_mem>>) src(%dma_wait3A_314 : memref<10000x128xf32, #tpu.memory_space<hbm>>) dst(%arg6 : memref<125x128xf32, #tpu.memory_space<vmem>>)
      %run_scoped3A_315 = arith.constant 0 : i32
      %run_scoped3A_316 = arith.constant 1 : i32
      %run_scoped3A_317 = arith.constant 6 : i32
      "tpu.region"() ({
        %run_scoped3A_549 = tpu.sem_alloc : memref<!tpu.dma_semaphore, #tpu.memory_space<semaphore_mem>>
        %dma_start3A_550 = arith.constant 0 : i32
        %dma_start3A_551 = tpu.memref_slice %arg5[%run_scoped3A_315, %run_scoped3A_316, %run_scoped3A_317, %dma_start3A_550] : memref<2x2x8x125xi32, #tpu.memory_space<vmem>> -> memref<1x1x1x125xi32, #tpu.memory_space<vmem>>
        %dma_start3A_552 = tpu.memref_squeeze %dma_start3A_551 : memref<1x1x1x125xi32, #tpu.memory_space<vmem>> -> memref<125xi32, #tpu.memory_space<vmem>>
        %dma_start3A_553 = arith.constant 0 : i32
        %dma_start3A_554 = arith.constant 0 : i32
        %dma_start3A_555 = tpu.memref_slice %arg8[%dma_start3A_553, %dma_start3A_554] : memref<10240x128xf32, #tpu.memory_space<vmem_shared>> -> memref<10240x128xf32, #tpu.memory_space<vmem_shared>>
        tpu.enqueue_indirect_dma source(%arg6 : memref<125x128xf32, #tpu.memory_space<vmem>>) target(%dma_start3A_555 : memref<10240x128xf32, #tpu.memory_space<vmem_shared>>) offsets(%dma_start3A_552 : memref<125xi32, #tpu.memory_space<vmem>>) semaphore(%run_scoped3A_549 : memref<!tpu.dma_semaphore, #tpu.memory_space<semaphore_mem>>) {add = true}
        %dma_wait3A_556 = arith.constant 0 : i32
        %dma_wait3A_557 = tpu.memref_slice %arg5[%run_scoped3A_315, %run_scoped3A_316, %run_scoped3A_317, %dma_wait3A_556] : memref<2x2x8x125xi32, #tpu.memory_space<vmem>> -> memref<1x1x1x125xi32, #tpu.memory_space<vmem>>
        %dma_wait3A_558 = tpu.memref_squeeze %dma_wait3A_557 : memref<1x1x1x125xi32, #tpu.memory_space<vmem>> -> memref<125xi32, #tpu.memory_space<vmem>>
        %dma_wait3A_559 = arith.constant 0 : i32
        %dma_wait3A_560 = arith.constant 0 : i32
        %dma_wait3A_561 = tpu.memref_slice %arg8[%dma_wait3A_559, %dma_wait3A_560] : memref<10240x128xf32, #tpu.memory_space<vmem_shared>> -> memref<10240x128xf32, #tpu.memory_space<vmem_shared>>
        tpu.wait_indirect_dma semaphore(%run_scoped3A_549 : memref<!tpu.dma_semaphore, #tpu.memory_space<semaphore_mem>>) src(%arg6 : memref<125x128xf32, #tpu.memory_space<vmem>>) dst(%dma_wait3A_561 : memref<10240x128xf32, #tpu.memory_space<vmem_shared>>)
        tpu.yield
      }) : () -> ()
      %dma_wait3A_318 = arith.constant 0 : i32
      %dma_wait3A_319 = arith.constant 0 : i32
      %dma_wait3A_320 = arith.constant 0 : i32
      %dma_wait3A_321 = arith.constant 0 : i32
      %dma_wait3A_322 = arith.constant 0 : i32
      %dma_wait3A_323 = arith.constant 0 : i32
      %dma_wait3A_324 = tpu.memref_slice %arg5[%dma_wait3A_320, %dma_wait3A_321, %dma_wait3A_322, %dma_wait3A_323] : memref<2x2x8x125xi32, #tpu.memory_space<vmem>> -> memref<1x1x8x125xi32, #tpu.memory_space<vmem>>
      %dma_wait3A_325 = tpu.memref_squeeze %dma_wait3A_324 : memref<1x1x8x125xi32, #tpu.memory_space<vmem>> -> memref<8x125xi32, #tpu.memory_space<vmem>>
      %dma_wait3A_326 = arith.constant 0 : i32
      %dma_wait3A_327 = arith.constant 0 : i32
      %dma_wait3A_328 = tpu.memref_slice %arg3[%dma_wait3A_318, %add3A, %dma_wait3A_319, %dma_wait3A_326, %dma_wait3A_327] : memref<2x32x10x8x125xi32, #tpu.memory_space<hbm>> -> memref<1x1x1x8x125xi32, #tpu.memory_space<hbm>>
      %dma_wait3A_329 = tpu.memref_squeeze %dma_wait3A_328 : memref<1x1x1x8x125xi32, #tpu.memory_space<hbm>> -> memref<8x125xi32, #tpu.memory_space<hbm>>
      %dma_wait3A_330 = arith.constant 0 : i32
      %dma_wait3A_331 = arith.constant 0 : i32
      %dma_wait3A_332 = tpu.memref_slice %arg5[%dma_wait3A_320, %dma_wait3A_321, %dma_wait3A_330, %dma_wait3A_331] : memref<2x2x8x125xi32, #tpu.memory_space<vmem>> -> memref<1x1x8x125xi32, #tpu.memory_space<vmem>>
      %dma_wait3A_333 = tpu.memref_squeeze %dma_wait3A_332 : memref<1x1x8x125xi32, #tpu.memory_space<vmem>> -> memref<8x125xi32, #tpu.memory_space<vmem>>
      %dma_wait3A_334 = arith.constant 0 : i32
      %dma_wait3A_335 = arith.constant 0 : i32
      %dma_wait3A_336 = tpu.memref_slice %arg3[%dma_wait3A_318, %add3A, %dma_wait3A_319, %dma_wait3A_334, %dma_wait3A_335] : memref<2x32x10x8x125xi32, #tpu.memory_space<hbm>> -> memref<1x1x1x8x125xi32, #tpu.memory_space<hbm>>
      %dma_wait3A_337 = tpu.memref_squeeze %dma_wait3A_336 : memref<1x1x1x8x125xi32, #tpu.memory_space<hbm>> -> memref<8x125xi32, #tpu.memory_space<hbm>>
      tpu.wait_dma2 semaphore(%arg11 : memref<!tpu.dma_semaphore, #tpu.memory_space<semaphore_mem>>) src(%dma_wait3A_337 : memref<8x125xi32, #tpu.memory_space<hbm>>) dst(%dma_wait3A_333 : memref<8x125xi32, #tpu.memory_space<vmem>>)
      %dma_wait3A_338 = arith.constant 0 : i32
      %dma_wait3A_339 = arith.constant 0 : i32
      %dma_wait3A_340 = arith.constant 0 : i32
      %dma_wait3A_341 = arith.constant 0 : i32
      %dma_wait3A_342 = arith.constant 0 : i32
      %dma_wait3A_343 = arith.constant 0 : i32
      %dma_wait3A_344 = tpu.memref_slice %arg5[%dma_wait3A_340, %dma_wait3A_341, %dma_wait3A_342, %dma_wait3A_343] : memref<2x2x8x125xi32, #tpu.memory_space<vmem>> -> memref<1x1x8x125xi32, #tpu.memory_space<vmem>>
      %dma_wait3A_345 = tpu.memref_squeeze %dma_wait3A_344 : memref<1x1x8x125xi32, #tpu.memory_space<vmem>> -> memref<8x125xi32, #tpu.memory_space<vmem>>
      %dma_wait3A_346 = arith.constant 0 : i32
      %dma_wait3A_347 = arith.constant 0 : i32
      %dma_wait3A_348 = tpu.memref_slice %arg3[%dma_wait3A_338, %add3A, %dma_wait3A_339, %dma_wait3A_346, %dma_wait3A_347] : memref<2x32x10x8x125xi32, #tpu.memory_space<hbm>> -> memref<1x1x1x8x125xi32, #tpu.memory_space<hbm>>
      %dma_wait3A_349 = tpu.memref_squeeze %dma_wait3A_348 : memref<1x1x1x8x125xi32, #tpu.memory_space<hbm>> -> memref<8x125xi32, #tpu.memory_space<hbm>>
      %dma_wait3A_350 = arith.constant 0 : i32
      %dma_wait3A_351 = arith.constant 0 : i32
      %dma_wait3A_352 = tpu.memref_slice %arg5[%dma_wait3A_340, %dma_wait3A_341, %dma_wait3A_350, %dma_wait3A_351] : memref<2x2x8x125xi32, #tpu.memory_space<vmem>> -> memref<1x1x8x125xi32, #tpu.memory_space<vmem>>
      %dma_wait3A_353 = tpu.memref_squeeze %dma_wait3A_352 : memref<1x1x8x125xi32, #tpu.memory_space<vmem>> -> memref<8x125xi32, #tpu.memory_space<vmem>>
      %dma_wait3A_354 = arith.constant 0 : i32
      %dma_wait3A_355 = arith.constant 0 : i32
      %dma_wait3A_356 = tpu.memref_slice %arg3[%dma_wait3A_338, %add3A, %dma_wait3A_339, %dma_wait3A_354, %dma_wait3A_355] : memref<2x32x10x8x125xi32, #tpu.memory_space<hbm>> -> memref<1x1x1x8x125xi32, #tpu.memory_space<hbm>>
      %dma_wait3A_357 = tpu.memref_squeeze %dma_wait3A_356 : memref<1x1x1x8x125xi32, #tpu.memory_space<hbm>> -> memref<8x125xi32, #tpu.memory_space<hbm>>
      tpu.wait_dma2 semaphore(%arg11 : memref<!tpu.dma_semaphore, #tpu.memory_space<semaphore_mem>>) src(%dma_wait3A_357 : memref<8x125xi32, #tpu.memory_space<hbm>>) dst(%dma_wait3A_353 : memref<8x125xi32, #tpu.memory_space<vmem>>)
      %dma_start3A_358 = arith.constant 1 : i32
      %dma_start3A_359 = arith.constant 0 : i32
      %dma_start3A_360 = arith.constant 0 : i32
      %dma_start3A_361 = arith.constant 0 : i32
      %dma_start3A_362 = tpu.memref_slice %arg5[%dma_start3A_358, %dma_start3A_359, %dma_start3A_360, %dma_start3A_361] : memref<2x2x8x125xi32, #tpu.memory_space<vmem>> -> memref<1x1x1x125xi32, #tpu.memory_space<vmem>>
      %dma_start3A_363 = tpu.memref_squeeze %dma_start3A_362 : memref<1x1x1x125xi32, #tpu.memory_space<vmem>> -> memref<125xi32, #tpu.memory_space<vmem>>
      %dma_start3A_364 = arith.constant 0 : i32
      %dma_start3A_365 = arith.constant 0 : i32
      %dma_start3A_366 = tpu.memref_slice %arg2[%dma_start3A_364, %dma_start3A_365] : memref<10000x128xf32, #tpu.memory_space<hbm>> -> memref<10000x128xf32, #tpu.memory_space<hbm>>
      tpu.enqueue_indirect_dma source(%dma_start3A_366 : memref<10000x128xf32, #tpu.memory_space<hbm>>) target(%arg6 : memref<125x128xf32, #tpu.memory_space<vmem>>) offsets(%dma_start3A_363 : memref<125xi32, #tpu.memory_space<vmem>>) semaphore(%arg9 : memref<!tpu.dma_semaphore, #tpu.memory_space<semaphore_mem>>)
      %dma_wait3A_367 = arith.constant 0 : i32
      %dma_wait3A_368 = arith.constant 0 : i32
      %dma_wait3A_369 = arith.constant 0 : i32
      %dma_wait3A_370 = arith.constant 0 : i32
      %dma_wait3A_371 = tpu.memref_slice %arg5[%dma_wait3A_367, %dma_wait3A_368, %dma_wait3A_369, %dma_wait3A_370] : memref<2x2x8x125xi32, #tpu.memory_space<vmem>> -> memref<1x1x1x125xi32, #tpu.memory_space<vmem>>
      %dma_wait3A_372 = tpu.memref_squeeze %dma_wait3A_371 : memref<1x1x1x125xi32, #tpu.memory_space<vmem>> -> memref<125xi32, #tpu.memory_space<vmem>>
      %dma_wait3A_373 = arith.constant 0 : i32
      %dma_wait3A_374 = arith.constant 0 : i32
      %dma_wait3A_375 = tpu.memref_slice %arg2[%dma_wait3A_373, %dma_wait3A_374] : memref<10000x128xf32, #tpu.memory_space<hbm>> -> memref<10000x128xf32, #tpu.memory_space<hbm>>
      tpu.wait_indirect_dma semaphore(%arg10 : memref<!tpu.dma_semaphore, #tpu.memory_space<semaphore_mem>>) src(%dma_wait3A_375 : memref<10000x128xf32, #tpu.memory_space<hbm>>) dst(%arg7 : memref<125x128xf32, #tpu.memory_space<vmem>>)
      %run_scoped3A_376 = arith.constant 0 : i32
      %run_scoped3A_377 = arith.constant 1 : i32
      %run_scoped3A_378 = arith.constant 7 : i32
      "tpu.region"() ({
        %run_scoped3A_549 = tpu.sem_alloc : memref<!tpu.dma_semaphore, #tpu.memory_space<semaphore_mem>>
        %dma_start3A_550 = arith.constant 0 : i32
        %dma_start3A_551 = tpu.memref_slice %arg5[%run_scoped3A_376, %run_scoped3A_377, %run_scoped3A_378, %dma_start3A_550] : memref<2x2x8x125xi32, #tpu.memory_space<vmem>> -> memref<1x1x1x125xi32, #tpu.memory_space<vmem>>
        %dma_start3A_552 = tpu.memref_squeeze %dma_start3A_551 : memref<1x1x1x125xi32, #tpu.memory_space<vmem>> -> memref<125xi32, #tpu.memory_space<vmem>>
        %dma_start3A_553 = arith.constant 0 : i32
        %dma_start3A_554 = arith.constant 0 : i32
        %dma_start3A_555 = tpu.memref_slice %arg8[%dma_start3A_553, %dma_start3A_554] : memref<10240x128xf32, #tpu.memory_space<vmem_shared>> -> memref<10240x128xf32, #tpu.memory_space<vmem_shared>>
        tpu.enqueue_indirect_dma source(%arg7 : memref<125x128xf32, #tpu.memory_space<vmem>>) target(%dma_start3A_555 : memref<10240x128xf32, #tpu.memory_space<vmem_shared>>) offsets(%dma_start3A_552 : memref<125xi32, #tpu.memory_space<vmem>>) semaphore(%run_scoped3A_549 : memref<!tpu.dma_semaphore, #tpu.memory_space<semaphore_mem>>) {add = true}
        %dma_wait3A_556 = arith.constant 0 : i32
        %dma_wait3A_557 = tpu.memref_slice %arg5[%run_scoped3A_376, %run_scoped3A_377, %run_scoped3A_378, %dma_wait3A_556] : memref<2x2x8x125xi32, #tpu.memory_space<vmem>> -> memref<1x1x1x125xi32, #tpu.memory_space<vmem>>
        %dma_wait3A_558 = tpu.memref_squeeze %dma_wait3A_557 : memref<1x1x1x125xi32, #tpu.memory_space<vmem>> -> memref<125xi32, #tpu.memory_space<vmem>>
        %dma_wait3A_559 = arith.constant 0 : i32
        %dma_wait3A_560 = arith.constant 0 : i32
        %dma_wait3A_561 = tpu.memref_slice %arg8[%dma_wait3A_559, %dma_wait3A_560] : memref<10240x128xf32, #tpu.memory_space<vmem_shared>> -> memref<10240x128xf32, #tpu.memory_space<vmem_shared>>
        tpu.wait_indirect_dma semaphore(%run_scoped3A_549 : memref<!tpu.dma_semaphore, #tpu.memory_space<semaphore_mem>>) src(%arg7 : memref<125x128xf32, #tpu.memory_space<vmem>>) dst(%dma_wait3A_561 : memref<10240x128xf32, #tpu.memory_space<vmem_shared>>)
        tpu.yield
      }) : () -> ()
      %add3A_379 = arith.constant 2 : i32
      %add3A_380 = arith.addi %mul3A_131, %add3A_379 : i32
      %lt3A = arith.constant 10 : i32
      %lt3A_381 = arith.cmpi slt, %add3A_380, %lt3A : i32
      %convert_element_type3A = arith.extui %lt3A_381 : i1 to i32
      %cond3A = arith.constant 0 : i32
      %cond3A_382 = arith.cmpi ne, %convert_element_type3A, %cond3A : i32
      scf.if %cond3A_382 {
        %add3A_549 = arith.constant 2 : i32
        %add3A_550 = arith.addi %mul3A_131, %add3A_549 : i32
        %dma_start3A_551 = arith.constant 0 : i32
        %dma_start3A_552 = arith.constant 0 : i32
        %dma_start3A_553 = arith.constant 0 : i32
        %dma_start3A_554 = arith.constant 0 : i32
        %dma_start3A_555 = arith.constant 0 : i32
        %dma_start3A_556 = tpu.memref_slice %arg5[%dma_start3A_552, %dma_start3A_553, %dma_start3A_554, %dma_start3A_555] : memref<2x2x8x125xi32, #tpu.memory_space<vmem>> -> memref<1x1x8x125xi32, #tpu.memory_space<vmem>>
        %dma_start3A_557 = tpu.memref_squeeze %dma_start3A_556 : memref<1x1x8x125xi32, #tpu.memory_space<vmem>> -> memref<8x125xi32, #tpu.memory_space<vmem>>
        %dma_start3A_558 = arith.constant 0 : i32
        %dma_start3A_559 = arith.constant 0 : i32
        %dma_start3A_560 = tpu.memref_slice %arg3[%dma_start3A_551, %add3A, %add3A_550, %dma_start3A_558, %dma_start3A_559] : memref<2x32x10x8x125xi32, #tpu.memory_space<hbm>> -> memref<1x1x1x8x125xi32, #tpu.memory_space<hbm>>
        %dma_start3A_561 = tpu.memref_squeeze %dma_start3A_560 : memref<1x1x1x8x125xi32, #tpu.memory_space<hbm>> -> memref<8x125xi32, #tpu.memory_space<hbm>>
        %dma_start3A_562 = arith.constant 0 : i32
        %dma_start3A_563 = arith.constant 0 : i32
        %dma_start3A_564 = tpu.memref_slice %arg5[%dma_start3A_552, %dma_start3A_553, %dma_start3A_562, %dma_start3A_563] : memref<2x2x8x125xi32, #tpu.memory_space<vmem>> -> memref<1x1x8x125xi32, #tpu.memory_space<vmem>>
        %dma_start3A_565 = tpu.memref_squeeze %dma_start3A_564 : memref<1x1x8x125xi32, #tpu.memory_space<vmem>> -> memref<8x125xi32, #tpu.memory_space<vmem>>
        %dma_start3A_566 = arith.constant 0 : i32
        %dma_start3A_567 = arith.constant 0 : i32
        %dma_start3A_568 = tpu.memref_slice %arg3[%dma_start3A_551, %add3A, %add3A_550, %dma_start3A_566, %dma_start3A_567] : memref<2x32x10x8x125xi32, #tpu.memory_space<hbm>> -> memref<1x1x1x8x125xi32, #tpu.memory_space<hbm>>
        %dma_start3A_569 = tpu.memref_squeeze %dma_start3A_568 : memref<1x1x1x8x125xi32, #tpu.memory_space<hbm>> -> memref<8x125xi32, #tpu.memory_space<hbm>>
        tpu.enqueue_dma source(%dma_start3A_569 : memref<8x125xi32, #tpu.memory_space<hbm>>) target(%dma_start3A_565 : memref<8x125xi32, #tpu.memory_space<vmem>>) target_semaphore(%arg11 : memref<!tpu.dma_semaphore, #tpu.memory_space<semaphore_mem>>)
        %dma_start3A_570 = arith.constant 1 : i32
        %dma_start3A_571 = arith.constant 0 : i32
        %dma_start3A_572 = arith.constant 1 : i32
        %dma_start3A_573 = arith.constant 0 : i32
        %dma_start3A_574 = arith.constant 0 : i32
        %dma_start3A_575 = tpu.memref_slice %arg5[%dma_start3A_571, %dma_start3A_572, %dma_start3A_573, %dma_start3A_574] : memref<2x2x8x125xi32, #tpu.memory_space<vmem>> -> memref<1x1x8x125xi32, #tpu.memory_space<vmem>>
        %dma_start3A_576 = tpu.memref_squeeze %dma_start3A_575 : memref<1x1x8x125xi32, #tpu.memory_space<vmem>> -> memref<8x125xi32, #tpu.memory_space<vmem>>
        %dma_start3A_577 = arith.constant 0 : i32
        %dma_start3A_578 = arith.constant 0 : i32
        %dma_start3A_579 = tpu.memref_slice %arg3[%dma_start3A_570, %add3A, %add3A_550, %dma_start3A_577, %dma_start3A_578] : memref<2x32x10x8x125xi32, #tpu.memory_space<hbm>> -> memref<1x1x1x8x125xi32, #tpu.memory_space<hbm>>
        %dma_start3A_580 = tpu.memref_squeeze %dma_start3A_579 : memref<1x1x1x8x125xi32, #tpu.memory_space<hbm>> -> memref<8x125xi32, #tpu.memory_space<hbm>>
        %dma_start3A_581 = arith.constant 0 : i32
        %dma_start3A_582 = arith.constant 0 : i32
        %dma_start3A_583 = tpu.memref_slice %arg5[%dma_start3A_571, %dma_start3A_572, %dma_start3A_581, %dma_start3A_582] : memref<2x2x8x125xi32, #tpu.memory_space<vmem>> -> memref<1x1x8x125xi32, #tpu.memory_space<vmem>>
        %dma_start3A_584 = tpu.memref_squeeze %dma_start3A_583 : memref<1x1x8x125xi32, #tpu.memory_space<vmem>> -> memref<8x125xi32, #tpu.memory_space<vmem>>
        %dma_start3A_585 = arith.constant 0 : i32
        %dma_start3A_586 = arith.constant 0 : i32
        %dma_start3A_587 = tpu.memref_slice %arg3[%dma_start3A_570, %add3A, %add3A_550, %dma_start3A_585, %dma_start3A_586] : memref<2x32x10x8x125xi32, #tpu.memory_space<hbm>> -> memref<1x1x1x8x125xi32, #tpu.memory_space<hbm>>
        %dma_start3A_588 = tpu.memref_squeeze %dma_start3A_587 : memref<1x1x1x8x125xi32, #tpu.memory_space<hbm>> -> memref<8x125xi32, #tpu.memory_space<hbm>>
        tpu.enqueue_dma source(%dma_start3A_588 : memref<8x125xi32, #tpu.memory_space<hbm>>) target(%dma_start3A_584 : memref<8x125xi32, #tpu.memory_space<vmem>>) target_semaphore(%arg11 : memref<!tpu.dma_semaphore, #tpu.memory_space<semaphore_mem>>)
      } else {
      }
      %dma_start3A_383 = arith.constant 1 : i32
      %dma_start3A_384 = arith.constant 0 : i32
      %dma_start3A_385 = arith.constant 1 : i32
      %dma_start3A_386 = arith.constant 0 : i32
      %dma_start3A_387 = tpu.memref_slice %arg5[%dma_start3A_383, %dma_start3A_384, %dma_start3A_385, %dma_start3A_386] : memref<2x2x8x125xi32, #tpu.memory_space<vmem>> -> memref<1x1x1x125xi32, #tpu.memory_space<vmem>>
      %dma_start3A_388 = tpu.memref_squeeze %dma_start3A_387 : memref<1x1x1x125xi32, #tpu.memory_space<vmem>> -> memref<125xi32, #tpu.memory_space<vmem>>
      %dma_start3A_389 = arith.constant 0 : i32
      %dma_start3A_390 = arith.constant 0 : i32
      %dma_start3A_391 = tpu.memref_slice %arg2[%dma_start3A_389, %dma_start3A_390] : memref<10000x128xf32, #tpu.memory_space<hbm>> -> memref<10000x128xf32, #tpu.memory_space<hbm>>
      tpu.enqueue_indirect_dma source(%dma_start3A_391 : memref<10000x128xf32, #tpu.memory_space<hbm>>) target(%arg7 : memref<125x128xf32, #tpu.memory_space<vmem>>) offsets(%dma_start3A_388 : memref<125xi32, #tpu.memory_space<vmem>>) semaphore(%arg10 : memref<!tpu.dma_semaphore, #tpu.memory_space<semaphore_mem>>)
      %dma_wait3A_392 = arith.constant 0 : i32
      %dma_wait3A_393 = arith.constant 0 : i32
      %dma_wait3A_394 = arith.constant 0 : i32
      %dma_wait3A_395 = arith.constant 0 : i32
      %dma_wait3A_396 = tpu.memref_slice %arg5[%dma_wait3A_392, %dma_wait3A_393, %dma_wait3A_394, %dma_wait3A_395] : memref<2x2x8x125xi32, #tpu.memory_space<vmem>> -> memref<1x1x1x125xi32, #tpu.memory_space<vmem>>
      %dma_wait3A_397 = tpu.memref_squeeze %dma_wait3A_396 : memref<1x1x1x125xi32, #tpu.memory_space<vmem>> -> memref<125xi32, #tpu.memory_space<vmem>>
      %dma_wait3A_398 = arith.constant 0 : i32
      %dma_wait3A_399 = arith.constant 0 : i32
      %dma_wait3A_400 = tpu.memref_slice %arg2[%dma_wait3A_398, %dma_wait3A_399] : memref<10000x128xf32, #tpu.memory_space<hbm>> -> memref<10000x128xf32, #tpu.memory_space<hbm>>
      tpu.wait_indirect_dma semaphore(%arg9 : memref<!tpu.dma_semaphore, #tpu.memory_space<semaphore_mem>>) src(%dma_wait3A_400 : memref<10000x128xf32, #tpu.memory_space<hbm>>) dst(%arg6 : memref<125x128xf32, #tpu.memory_space<vmem>>)
      %run_scoped3A_401 = arith.constant 1 : i32
      %run_scoped3A_402 = arith.constant 1 : i32
      %run_scoped3A_403 = arith.constant 0 : i32
      "tpu.region"() ({
        %run_scoped3A_549 = tpu.sem_alloc : memref<!tpu.dma_semaphore, #tpu.memory_space<semaphore_mem>>
        %dma_start3A_550 = arith.constant 0 : i32
        %dma_start3A_551 = tpu.memref_slice %arg5[%run_scoped3A_401, %run_scoped3A_402, %run_scoped3A_403, %dma_start3A_550] : memref<2x2x8x125xi32, #tpu.memory_space<vmem>> -> memref<1x1x1x125xi32, #tpu.memory_space<vmem>>
        %dma_start3A_552 = tpu.memref_squeeze %dma_start3A_551 : memref<1x1x1x125xi32, #tpu.memory_space<vmem>> -> memref<125xi32, #tpu.memory_space<vmem>>
        %dma_start3A_553 = arith.constant 0 : i32
        %dma_start3A_554 = arith.constant 0 : i32
        %dma_start3A_555 = tpu.memref_slice %arg8[%dma_start3A_553, %dma_start3A_554] : memref<10240x128xf32, #tpu.memory_space<vmem_shared>> -> memref<10240x128xf32, #tpu.memory_space<vmem_shared>>
        tpu.enqueue_indirect_dma source(%arg6 : memref<125x128xf32, #tpu.memory_space<vmem>>) target(%dma_start3A_555 : memref<10240x128xf32, #tpu.memory_space<vmem_shared>>) offsets(%dma_start3A_552 : memref<125xi32, #tpu.memory_space<vmem>>) semaphore(%run_scoped3A_549 : memref<!tpu.dma_semaphore, #tpu.memory_space<semaphore_mem>>) {add = true}
        %dma_wait3A_556 = arith.constant 0 : i32
        %dma_wait3A_557 = tpu.memref_slice %arg5[%run_scoped3A_401, %run_scoped3A_402, %run_scoped3A_403, %dma_wait3A_556] : memref<2x2x8x125xi32, #tpu.memory_space<vmem>> -> memref<1x1x1x125xi32, #tpu.memory_space<vmem>>
        %dma_wait3A_558 = tpu.memref_squeeze %dma_wait3A_557 : memref<1x1x1x125xi32, #tpu.memory_space<vmem>> -> memref<125xi32, #tpu.memory_space<vmem>>
        %dma_wait3A_559 = arith.constant 0 : i32
        %dma_wait3A_560 = arith.constant 0 : i32
        %dma_wait3A_561 = tpu.memref_slice %arg8[%dma_wait3A_559, %dma_wait3A_560] : memref<10240x128xf32, #tpu.memory_space<vmem_shared>> -> memref<10240x128xf32, #tpu.memory_space<vmem_shared>>
        tpu.wait_indirect_dma semaphore(%run_scoped3A_549 : memref<!tpu.dma_semaphore, #tpu.memory_space<semaphore_mem>>) src(%arg6 : memref<125x128xf32, #tpu.memory_space<vmem>>) dst(%dma_wait3A_561 : memref<10240x128xf32, #tpu.memory_space<vmem_shared>>)
        tpu.yield
      }) : () -> ()
      %dma_start3A_404 = arith.constant 1 : i32
      %dma_start3A_405 = arith.constant 0 : i32
      %dma_start3A_406 = arith.constant 2 : i32
      %dma_start3A_407 = arith.constant 0 : i32
      %dma_start3A_408 = tpu.memref_slice %arg5[%dma_start3A_404, %dma_start3A_405, %dma_start3A_406, %dma_start3A_407] : memref<2x2x8x125xi32, #tpu.memory_space<vmem>> -> memref<1x1x1x125xi32, #tpu.memory_space<vmem>>
      %dma_start3A_409 = tpu.memref_squeeze %dma_start3A_408 : memref<1x1x1x125xi32, #tpu.memory_space<vmem>> -> memref<125xi32, #tpu.memory_space<vmem>>
      %dma_start3A_410 = arith.constant 0 : i32
      %dma_start3A_411 = arith.constant 0 : i32
      %dma_start3A_412 = tpu.memref_slice %arg2[%dma_start3A_410, %dma_start3A_411] : memref<10000x128xf32, #tpu.memory_space<hbm>> -> memref<10000x128xf32, #tpu.memory_space<hbm>>
      tpu.enqueue_indirect_dma source(%dma_start3A_412 : memref<10000x128xf32, #tpu.memory_space<hbm>>) target(%arg6 : memref<125x128xf32, #tpu.memory_space<vmem>>) offsets(%dma_start3A_409 : memref<125xi32, #tpu.memory_space<vmem>>) semaphore(%arg9 : memref<!tpu.dma_semaphore, #tpu.memory_space<semaphore_mem>>)
      %dma_wait3A_413 = arith.constant 0 : i32
      %dma_wait3A_414 = arith.constant 0 : i32
      %dma_wait3A_415 = arith.constant 0 : i32
      %dma_wait3A_416 = arith.constant 0 : i32
      %dma_wait3A_417 = tpu.memref_slice %arg5[%dma_wait3A_413, %dma_wait3A_414, %dma_wait3A_415, %dma_wait3A_416] : memref<2x2x8x125xi32, #tpu.memory_space<vmem>> -> memref<1x1x1x125xi32, #tpu.memory_space<vmem>>
      %dma_wait3A_418 = tpu.memref_squeeze %dma_wait3A_417 : memref<1x1x1x125xi32, #tpu.memory_space<vmem>> -> memref<125xi32, #tpu.memory_space<vmem>>
      %dma_wait3A_419 = arith.constant 0 : i32
      %dma_wait3A_420 = arith.constant 0 : i32
      %dma_wait3A_421 = tpu.memref_slice %arg2[%dma_wait3A_419, %dma_wait3A_420] : memref<10000x128xf32, #tpu.memory_space<hbm>> -> memref<10000x128xf32, #tpu.memory_space<hbm>>
      tpu.wait_indirect_dma semaphore(%arg10 : memref<!tpu.dma_semaphore, #tpu.memory_space<semaphore_mem>>) src(%dma_wait3A_421 : memref<10000x128xf32, #tpu.memory_space<hbm>>) dst(%arg7 : memref<125x128xf32, #tpu.memory_space<vmem>>)
      %run_scoped3A_422 = arith.constant 1 : i32
      %run_scoped3A_423 = arith.constant 1 : i32
      %run_scoped3A_424 = arith.constant 1 : i32
      "tpu.region"() ({
        %run_scoped3A_549 = tpu.sem_alloc : memref<!tpu.dma_semaphore, #tpu.memory_space<semaphore_mem>>
        %dma_start3A_550 = arith.constant 0 : i32
        %dma_start3A_551 = tpu.memref_slice %arg5[%run_scoped3A_422, %run_scoped3A_423, %run_scoped3A_424, %dma_start3A_550] : memref<2x2x8x125xi32, #tpu.memory_space<vmem>> -> memref<1x1x1x125xi32, #tpu.memory_space<vmem>>
        %dma_start3A_552 = tpu.memref_squeeze %dma_start3A_551 : memref<1x1x1x125xi32, #tpu.memory_space<vmem>> -> memref<125xi32, #tpu.memory_space<vmem>>
        %dma_start3A_553 = arith.constant 0 : i32
        %dma_start3A_554 = arith.constant 0 : i32
        %dma_start3A_555 = tpu.memref_slice %arg8[%dma_start3A_553, %dma_start3A_554] : memref<10240x128xf32, #tpu.memory_space<vmem_shared>> -> memref<10240x128xf32, #tpu.memory_space<vmem_shared>>
        tpu.enqueue_indirect_dma source(%arg7 : memref<125x128xf32, #tpu.memory_space<vmem>>) target(%dma_start3A_555 : memref<10240x128xf32, #tpu.memory_space<vmem_shared>>) offsets(%dma_start3A_552 : memref<125xi32, #tpu.memory_space<vmem>>) semaphore(%run_scoped3A_549 : memref<!tpu.dma_semaphore, #tpu.memory_space<semaphore_mem>>) {add = true}
        %dma_wait3A_556 = arith.constant 0 : i32
        %dma_wait3A_557 = tpu.memref_slice %arg5[%run_scoped3A_422, %run_scoped3A_423, %run_scoped3A_424, %dma_wait3A_556] : memref<2x2x8x125xi32, #tpu.memory_space<vmem>> -> memref<1x1x1x125xi32, #tpu.memory_space<vmem>>
        %dma_wait3A_558 = tpu.memref_squeeze %dma_wait3A_557 : memref<1x1x1x125xi32, #tpu.memory_space<vmem>> -> memref<125xi32, #tpu.memory_space<vmem>>
        %dma_wait3A_559 = arith.constant 0 : i32
        %dma_wait3A_560 = arith.constant 0 : i32
        %dma_wait3A_561 = tpu.memref_slice %arg8[%dma_wait3A_559, %dma_wait3A_560] : memref<10240x128xf32, #tpu.memory_space<vmem_shared>> -> memref<10240x128xf32, #tpu.memory_space<vmem_shared>>
        tpu.wait_indirect_dma semaphore(%run_scoped3A_549 : memref<!tpu.dma_semaphore, #tpu.memory_space<semaphore_mem>>) src(%arg7 : memref<125x128xf32, #tpu.memory_space<vmem>>) dst(%dma_wait3A_561 : memref<10240x128xf32, #tpu.memory_space<vmem_shared>>)
        tpu.yield
      }) : () -> ()
      %dma_start3A_425 = arith.constant 1 : i32
      %dma_start3A_426 = arith.constant 0 : i32
      %dma_start3A_427 = arith.constant 3 : i32
      %dma_start3A_428 = arith.constant 0 : i32
      %dma_start3A_429 = tpu.memref_slice %arg5[%dma_start3A_425, %dma_start3A_426, %dma_start3A_427, %dma_start3A_428] : memref<2x2x8x125xi32, #tpu.memory_space<vmem>> -> memref<1x1x1x125xi32, #tpu.memory_space<vmem>>
      %dma_start3A_430 = tpu.memref_squeeze %dma_start3A_429 : memref<1x1x1x125xi32, #tpu.memory_space<vmem>> -> memref<125xi32, #tpu.memory_space<vmem>>
      %dma_start3A_431 = arith.constant 0 : i32
      %dma_start3A_432 = arith.constant 0 : i32
      %dma_start3A_433 = tpu.memref_slice %arg2[%dma_start3A_431, %dma_start3A_432] : memref<10000x128xf32, #tpu.memory_space<hbm>> -> memref<10000x128xf32, #tpu.memory_space<hbm>>
      tpu.enqueue_indirect_dma source(%dma_start3A_433 : memref<10000x128xf32, #tpu.memory_space<hbm>>) target(%arg7 : memref<125x128xf32, #tpu.memory_space<vmem>>) offsets(%dma_start3A_430 : memref<125xi32, #tpu.memory_space<vmem>>) semaphore(%arg10 : memref<!tpu.dma_semaphore, #tpu.memory_space<semaphore_mem>>)
      %dma_wait3A_434 = arith.constant 0 : i32
      %dma_wait3A_435 = arith.constant 0 : i32
      %dma_wait3A_436 = arith.constant 0 : i32
      %dma_wait3A_437 = arith.constant 0 : i32
      %dma_wait3A_438 = tpu.memref_slice %arg5[%dma_wait3A_434, %dma_wait3A_435, %dma_wait3A_436, %dma_wait3A_437] : memref<2x2x8x125xi32, #tpu.memory_space<vmem>> -> memref<1x1x1x125xi32, #tpu.memory_space<vmem>>
      %dma_wait3A_439 = tpu.memref_squeeze %dma_wait3A_438 : memref<1x1x1x125xi32, #tpu.memory_space<vmem>> -> memref<125xi32, #tpu.memory_space<vmem>>
      %dma_wait3A_440 = arith.constant 0 : i32
      %dma_wait3A_441 = arith.constant 0 : i32
      %dma_wait3A_442 = tpu.memref_slice %arg2[%dma_wait3A_440, %dma_wait3A_441] : memref<10000x128xf32, #tpu.memory_space<hbm>> -> memref<10000x128xf32, #tpu.memory_space<hbm>>
      tpu.wait_indirect_dma semaphore(%arg9 : memref<!tpu.dma_semaphore, #tpu.memory_space<semaphore_mem>>) src(%dma_wait3A_442 : memref<10000x128xf32, #tpu.memory_space<hbm>>) dst(%arg6 : memref<125x128xf32, #tpu.memory_space<vmem>>)
      %run_scoped3A_443 = arith.constant 1 : i32
      %run_scoped3A_444 = arith.constant 1 : i32
      %run_scoped3A_445 = arith.constant 2 : i32
      "tpu.region"() ({
        %run_scoped3A_549 = tpu.sem_alloc : memref<!tpu.dma_semaphore, #tpu.memory_space<semaphore_mem>>
        %dma_start3A_550 = arith.constant 0 : i32
        %dma_start3A_551 = tpu.memref_slice %arg5[%run_scoped3A_443, %run_scoped3A_444, %run_scoped3A_445, %dma_start3A_550] : memref<2x2x8x125xi32, #tpu.memory_space<vmem>> -> memref<1x1x1x125xi32, #tpu.memory_space<vmem>>
        %dma_start3A_552 = tpu.memref_squeeze %dma_start3A_551 : memref<1x1x1x125xi32, #tpu.memory_space<vmem>> -> memref<125xi32, #tpu.memory_space<vmem>>
        %dma_start3A_553 = arith.constant 0 : i32
        %dma_start3A_554 = arith.constant 0 : i32
        %dma_start3A_555 = tpu.memref_slice %arg8[%dma_start3A_553, %dma_start3A_554] : memref<10240x128xf32, #tpu.memory_space<vmem_shared>> -> memref<10240x128xf32, #tpu.memory_space<vmem_shared>>
        tpu.enqueue_indirect_dma source(%arg6 : memref<125x128xf32, #tpu.memory_space<vmem>>) target(%dma_start3A_555 : memref<10240x128xf32, #tpu.memory_space<vmem_shared>>) offsets(%dma_start3A_552 : memref<125xi32, #tpu.memory_space<vmem>>) semaphore(%run_scoped3A_549 : memref<!tpu.dma_semaphore, #tpu.memory_space<semaphore_mem>>) {add = true}
        %dma_wait3A_556 = arith.constant 0 : i32
        %dma_wait3A_557 = tpu.memref_slice %arg5[%run_scoped3A_443, %run_scoped3A_444, %run_scoped3A_445, %dma_wait3A_556] : memref<2x2x8x125xi32, #tpu.memory_space<vmem>> -> memref<1x1x1x125xi32, #tpu.memory_space<vmem>>
        %dma_wait3A_558 = tpu.memref_squeeze %dma_wait3A_557 : memref<1x1x1x125xi32, #tpu.memory_space<vmem>> -> memref<125xi32, #tpu.memory_space<vmem>>
        %dma_wait3A_559 = arith.constant 0 : i32
        %dma_wait3A_560 = arith.constant 0 : i32
        %dma_wait3A_561 = tpu.memref_slice %arg8[%dma_wait3A_559, %dma_wait3A_560] : memref<10240x128xf32, #tpu.memory_space<vmem_shared>> -> memref<10240x128xf32, #tpu.memory_space<vmem_shared>>
        tpu.wait_indirect_dma semaphore(%run_scoped3A_549 : memref<!tpu.dma_semaphore, #tpu.memory_space<semaphore_mem>>) src(%arg6 : memref<125x128xf32, #tpu.memory_space<vmem>>) dst(%dma_wait3A_561 : memref<10240x128xf32, #tpu.memory_space<vmem_shared>>)
        tpu.yield
      }) : () -> ()
      %dma_start3A_446 = arith.constant 1 : i32
      %dma_start3A_447 = arith.constant 0 : i32
      %dma_start3A_448 = arith.constant 4 : i32
      %dma_start3A_449 = arith.constant 0 : i32
      %dma_start3A_450 = tpu.memref_slice %arg5[%dma_start3A_446, %dma_start3A_447, %dma_start3A_448, %dma_start3A_449] : memref<2x2x8x125xi32, #tpu.memory_space<vmem>> -> memref<1x1x1x125xi32, #tpu.memory_space<vmem>>
      %dma_start3A_451 = tpu.memref_squeeze %dma_start3A_450 : memref<1x1x1x125xi32, #tpu.memory_space<vmem>> -> memref<125xi32, #tpu.memory_space<vmem>>
      %dma_start3A_452 = arith.constant 0 : i32
      %dma_start3A_453 = arith.constant 0 : i32
      %dma_start3A_454 = tpu.memref_slice %arg2[%dma_start3A_452, %dma_start3A_453] : memref<10000x128xf32, #tpu.memory_space<hbm>> -> memref<10000x128xf32, #tpu.memory_space<hbm>>
      tpu.enqueue_indirect_dma source(%dma_start3A_454 : memref<10000x128xf32, #tpu.memory_space<hbm>>) target(%arg6 : memref<125x128xf32, #tpu.memory_space<vmem>>) offsets(%dma_start3A_451 : memref<125xi32, #tpu.memory_space<vmem>>) semaphore(%arg9 : memref<!tpu.dma_semaphore, #tpu.memory_space<semaphore_mem>>)
      %dma_wait3A_455 = arith.constant 0 : i32
      %dma_wait3A_456 = arith.constant 0 : i32
      %dma_wait3A_457 = arith.constant 0 : i32
      %dma_wait3A_458 = arith.constant 0 : i32
      %dma_wait3A_459 = tpu.memref_slice %arg5[%dma_wait3A_455, %dma_wait3A_456, %dma_wait3A_457, %dma_wait3A_458] : memref<2x2x8x125xi32, #tpu.memory_space<vmem>> -> memref<1x1x1x125xi32, #tpu.memory_space<vmem>>
      %dma_wait3A_460 = tpu.memref_squeeze %dma_wait3A_459 : memref<1x1x1x125xi32, #tpu.memory_space<vmem>> -> memref<125xi32, #tpu.memory_space<vmem>>
      %dma_wait3A_461 = arith.constant 0 : i32
      %dma_wait3A_462 = arith.constant 0 : i32
      %dma_wait3A_463 = tpu.memref_slice %arg2[%dma_wait3A_461, %dma_wait3A_462] : memref<10000x128xf32, #tpu.memory_space<hbm>> -> memref<10000x128xf32, #tpu.memory_space<hbm>>
      tpu.wait_indirect_dma semaphore(%arg10 : memref<!tpu.dma_semaphore, #tpu.memory_space<semaphore_mem>>) src(%dma_wait3A_463 : memref<10000x128xf32, #tpu.memory_space<hbm>>) dst(%arg7 : memref<125x128xf32, #tpu.memory_space<vmem>>)
      %run_scoped3A_464 = arith.constant 1 : i32
      %run_scoped3A_465 = arith.constant 1 : i32
      %run_scoped3A_466 = arith.constant 3 : i32
      "tpu.region"() ({
        %run_scoped3A_549 = tpu.sem_alloc : memref<!tpu.dma_semaphore, #tpu.memory_space<semaphore_mem>>
        %dma_start3A_550 = arith.constant 0 : i32
        %dma_start3A_551 = tpu.memref_slice %arg5[%run_scoped3A_464, %run_scoped3A_465, %run_scoped3A_466, %dma_start3A_550] : memref<2x2x8x125xi32, #tpu.memory_space<vmem>> -> memref<1x1x1x125xi32, #tpu.memory_space<vmem>>
        %dma_start3A_552 = tpu.memref_squeeze %dma_start3A_551 : memref<1x1x1x125xi32, #tpu.memory_space<vmem>> -> memref<125xi32, #tpu.memory_space<vmem>>
        %dma_start3A_553 = arith.constant 0 : i32
        %dma_start3A_554 = arith.constant 0 : i32
        %dma_start3A_555 = tpu.memref_slice %arg8[%dma_start3A_553, %dma_start3A_554] : memref<10240x128xf32, #tpu.memory_space<vmem_shared>> -> memref<10240x128xf32, #tpu.memory_space<vmem_shared>>
        tpu.enqueue_indirect_dma source(%arg7 : memref<125x128xf32, #tpu.memory_space<vmem>>) target(%dma_start3A_555 : memref<10240x128xf32, #tpu.memory_space<vmem_shared>>) offsets(%dma_start3A_552 : memref<125xi32, #tpu.memory_space<vmem>>) semaphore(%run_scoped3A_549 : memref<!tpu.dma_semaphore, #tpu.memory_space<semaphore_mem>>) {add = true}
        %dma_wait3A_556 = arith.constant 0 : i32
        %dma_wait3A_557 = tpu.memref_slice %arg5[%run_scoped3A_464, %run_scoped3A_465, %run_scoped3A_466, %dma_wait3A_556] : memref<2x2x8x125xi32, #tpu.memory_space<vmem>> -> memref<1x1x1x125xi32, #tpu.memory_space<vmem>>
        %dma_wait3A_558 = tpu.memref_squeeze %dma_wait3A_557 : memref<1x1x1x125xi32, #tpu.memory_space<vmem>> -> memref<125xi32, #tpu.memory_space<vmem>>
        %dma_wait3A_559 = arith.constant 0 : i32
        %dma_wait3A_560 = arith.constant 0 : i32
        %dma_wait3A_561 = tpu.memref_slice %arg8[%dma_wait3A_559, %dma_wait3A_560] : memref<10240x128xf32, #tpu.memory_space<vmem_shared>> -> memref<10240x128xf32, #tpu.memory_space<vmem_shared>>
        tpu.wait_indirect_dma semaphore(%run_scoped3A_549 : memref<!tpu.dma_semaphore, #tpu.memory_space<semaphore_mem>>) src(%arg7 : memref<125x128xf32, #tpu.memory_space<vmem>>) dst(%dma_wait3A_561 : memref<10240x128xf32, #tpu.memory_space<vmem_shared>>)
        tpu.yield
      }) : () -> ()
      %dma_start3A_467 = arith.constant 1 : i32
      %dma_start3A_468 = arith.constant 0 : i32
      %dma_start3A_469 = arith.constant 5 : i32
      %dma_start3A_470 = arith.constant 0 : i32
      %dma_start3A_471 = tpu.memref_slice %arg5[%dma_start3A_467, %dma_start3A_468, %dma_start3A_469, %dma_start3A_470] : memref<2x2x8x125xi32, #tpu.memory_space<vmem>> -> memref<1x1x1x125xi32, #tpu.memory_space<vmem>>
      %dma_start3A_472 = tpu.memref_squeeze %dma_start3A_471 : memref<1x1x1x125xi32, #tpu.memory_space<vmem>> -> memref<125xi32, #tpu.memory_space<vmem>>
      %dma_start3A_473 = arith.constant 0 : i32
      %dma_start3A_474 = arith.constant 0 : i32
      %dma_start3A_475 = tpu.memref_slice %arg2[%dma_start3A_473, %dma_start3A_474] : memref<10000x128xf32, #tpu.memory_space<hbm>> -> memref<10000x128xf32, #tpu.memory_space<hbm>>
      tpu.enqueue_indirect_dma source(%dma_start3A_475 : memref<10000x128xf32, #tpu.memory_space<hbm>>) target(%arg7 : memref<125x128xf32, #tpu.memory_space<vmem>>) offsets(%dma_start3A_472 : memref<125xi32, #tpu.memory_space<vmem>>) semaphore(%arg10 : memref<!tpu.dma_semaphore, #tpu.memory_space<semaphore_mem>>)
      %dma_wait3A_476 = arith.constant 0 : i32
      %dma_wait3A_477 = arith.constant 0 : i32
      %dma_wait3A_478 = arith.constant 0 : i32
      %dma_wait3A_479 = arith.constant 0 : i32
      %dma_wait3A_480 = tpu.memref_slice %arg5[%dma_wait3A_476, %dma_wait3A_477, %dma_wait3A_478, %dma_wait3A_479] : memref<2x2x8x125xi32, #tpu.memory_space<vmem>> -> memref<1x1x1x125xi32, #tpu.memory_space<vmem>>
      %dma_wait3A_481 = tpu.memref_squeeze %dma_wait3A_480 : memref<1x1x1x125xi32, #tpu.memory_space<vmem>> -> memref<125xi32, #tpu.memory_space<vmem>>
      %dma_wait3A_482 = arith.constant 0 : i32
      %dma_wait3A_483 = arith.constant 0 : i32
      %dma_wait3A_484 = tpu.memref_slice %arg2[%dma_wait3A_482, %dma_wait3A_483] : memref<10000x128xf32, #tpu.memory_space<hbm>> -> memref<10000x128xf32, #tpu.memory_space<hbm>>
      tpu.wait_indirect_dma semaphore(%arg9 : memref<!tpu.dma_semaphore, #tpu.memory_space<semaphore_mem>>) src(%dma_wait3A_484 : memref<10000x128xf32, #tpu.memory_space<hbm>>) dst(%arg6 : memref<125x128xf32, #tpu.memory_space<vmem>>)
      %run_scoped3A_485 = arith.constant 1 : i32
      %run_scoped3A_486 = arith.constant 1 : i32
      %run_scoped3A_487 = arith.constant 4 : i32
      "tpu.region"() ({
        %run_scoped3A_549 = tpu.sem_alloc : memref<!tpu.dma_semaphore, #tpu.memory_space<semaphore_mem>>
        %dma_start3A_550 = arith.constant 0 : i32
        %dma_start3A_551 = tpu.memref_slice %arg5[%run_scoped3A_485, %run_scoped3A_486, %run_scoped3A_487, %dma_start3A_550] : memref<2x2x8x125xi32, #tpu.memory_space<vmem>> -> memref<1x1x1x125xi32, #tpu.memory_space<vmem>>
        %dma_start3A_552 = tpu.memref_squeeze %dma_start3A_551 : memref<1x1x1x125xi32, #tpu.memory_space<vmem>> -> memref<125xi32, #tpu.memory_space<vmem>>
        %dma_start3A_553 = arith.constant 0 : i32
        %dma_start3A_554 = arith.constant 0 : i32
        %dma_start3A_555 = tpu.memref_slice %arg8[%dma_start3A_553, %dma_start3A_554] : memref<10240x128xf32, #tpu.memory_space<vmem_shared>> -> memref<10240x128xf32, #tpu.memory_space<vmem_shared>>
        tpu.enqueue_indirect_dma source(%arg6 : memref<125x128xf32, #tpu.memory_space<vmem>>) target(%dma_start3A_555 : memref<10240x128xf32, #tpu.memory_space<vmem_shared>>) offsets(%dma_start3A_552 : memref<125xi32, #tpu.memory_space<vmem>>) semaphore(%run_scoped3A_549 : memref<!tpu.dma_semaphore, #tpu.memory_space<semaphore_mem>>) {add = true}
        %dma_wait3A_556 = arith.constant 0 : i32
        %dma_wait3A_557 = tpu.memref_slice %arg5[%run_scoped3A_485, %run_scoped3A_486, %run_scoped3A_487, %dma_wait3A_556] : memref<2x2x8x125xi32, #tpu.memory_space<vmem>> -> memref<1x1x1x125xi32, #tpu.memory_space<vmem>>
        %dma_wait3A_558 = tpu.memref_squeeze %dma_wait3A_557 : memref<1x1x1x125xi32, #tpu.memory_space<vmem>> -> memref<125xi32, #tpu.memory_space<vmem>>
        %dma_wait3A_559 = arith.constant 0 : i32
        %dma_wait3A_560 = arith.constant 0 : i32
        %dma_wait3A_561 = tpu.memref_slice %arg8[%dma_wait3A_559, %dma_wait3A_560] : memref<10240x128xf32, #tpu.memory_space<vmem_shared>> -> memref<10240x128xf32, #tpu.memory_space<vmem_shared>>
        tpu.wait_indirect_dma semaphore(%run_scoped3A_549 : memref<!tpu.dma_semaphore, #tpu.memory_space<semaphore_mem>>) src(%arg6 : memref<125x128xf32, #tpu.memory_space<vmem>>) dst(%dma_wait3A_561 : memref<10240x128xf32, #tpu.memory_space<vmem_shared>>)
        tpu.yield
      }) : () -> ()
      %dma_start3A_488 = arith.constant 1 : i32
      %dma_start3A_489 = arith.constant 0 : i32
      %dma_start3A_490 = arith.constant 6 : i32
      %dma_start3A_491 = arith.constant 0 : i32
      %dma_start3A_492 = tpu.memref_slice %arg5[%dma_start3A_488, %dma_start3A_489, %dma_start3A_490, %dma_start3A_491] : memref<2x2x8x125xi32, #tpu.memory_space<vmem>> -> memref<1x1x1x125xi32, #tpu.memory_space<vmem>>
      %dma_start3A_493 = tpu.memref_squeeze %dma_start3A_492 : memref<1x1x1x125xi32, #tpu.memory_space<vmem>> -> memref<125xi32, #tpu.memory_space<vmem>>
      %dma_start3A_494 = arith.constant 0 : i32
      %dma_start3A_495 = arith.constant 0 : i32
      %dma_start3A_496 = tpu.memref_slice %arg2[%dma_start3A_494, %dma_start3A_495] : memref<10000x128xf32, #tpu.memory_space<hbm>> -> memref<10000x128xf32, #tpu.memory_space<hbm>>
      tpu.enqueue_indirect_dma source(%dma_start3A_496 : memref<10000x128xf32, #tpu.memory_space<hbm>>) target(%arg6 : memref<125x128xf32, #tpu.memory_space<vmem>>) offsets(%dma_start3A_493 : memref<125xi32, #tpu.memory_space<vmem>>) semaphore(%arg9 : memref<!tpu.dma_semaphore, #tpu.memory_space<semaphore_mem>>)
      %dma_wait3A_497 = arith.constant 0 : i32
      %dma_wait3A_498 = arith.constant 0 : i32
      %dma_wait3A_499 = arith.constant 0 : i32
      %dma_wait3A_500 = arith.constant 0 : i32
      %dma_wait3A_501 = tpu.memref_slice %arg5[%dma_wait3A_497, %dma_wait3A_498, %dma_wait3A_499, %dma_wait3A_500] : memref<2x2x8x125xi32, #tpu.memory_space<vmem>> -> memref<1x1x1x125xi32, #tpu.memory_space<vmem>>
      %dma_wait3A_502 = tpu.memref_squeeze %dma_wait3A_501 : memref<1x1x1x125xi32, #tpu.memory_space<vmem>> -> memref<125xi32, #tpu.memory_space<vmem>>
      %dma_wait3A_503 = arith.constant 0 : i32
      %dma_wait3A_504 = arith.constant 0 : i32
      %dma_wait3A_505 = tpu.memref_slice %arg2[%dma_wait3A_503, %dma_wait3A_504] : memref<10000x128xf32, #tpu.memory_space<hbm>> -> memref<10000x128xf32, #tpu.memory_space<hbm>>
      tpu.wait_indirect_dma semaphore(%arg10 : memref<!tpu.dma_semaphore, #tpu.memory_space<semaphore_mem>>) src(%dma_wait3A_505 : memref<10000x128xf32, #tpu.memory_space<hbm>>) dst(%arg7 : memref<125x128xf32, #tpu.memory_space<vmem>>)
      %run_scoped3A_506 = arith.constant 1 : i32
      %run_scoped3A_507 = arith.constant 1 : i32
      %run_scoped3A_508 = arith.constant 5 : i32
      "tpu.region"() ({
        %run_scoped3A_549 = tpu.sem_alloc : memref<!tpu.dma_semaphore, #tpu.memory_space<semaphore_mem>>
        %dma_start3A_550 = arith.constant 0 : i32
        %dma_start3A_551 = tpu.memref_slice %arg5[%run_scoped3A_506, %run_scoped3A_507, %run_scoped3A_508, %dma_start3A_550] : memref<2x2x8x125xi32, #tpu.memory_space<vmem>> -> memref<1x1x1x125xi32, #tpu.memory_space<vmem>>
        %dma_start3A_552 = tpu.memref_squeeze %dma_start3A_551 : memref<1x1x1x125xi32, #tpu.memory_space<vmem>> -> memref<125xi32, #tpu.memory_space<vmem>>
        %dma_start3A_553 = arith.constant 0 : i32
        %dma_start3A_554 = arith.constant 0 : i32
        %dma_start3A_555 = tpu.memref_slice %arg8[%dma_start3A_553, %dma_start3A_554] : memref<10240x128xf32, #tpu.memory_space<vmem_shared>> -> memref<10240x128xf32, #tpu.memory_space<vmem_shared>>
        tpu.enqueue_indirect_dma source(%arg7 : memref<125x128xf32, #tpu.memory_space<vmem>>) target(%dma_start3A_555 : memref<10240x128xf32, #tpu.memory_space<vmem_shared>>) offsets(%dma_start3A_552 : memref<125xi32, #tpu.memory_space<vmem>>) semaphore(%run_scoped3A_549 : memref<!tpu.dma_semaphore, #tpu.memory_space<semaphore_mem>>) {add = true}
        %dma_wait3A_556 = arith.constant 0 : i32
        %dma_wait3A_557 = tpu.memref_slice %arg5[%run_scoped3A_506, %run_scoped3A_507, %run_scoped3A_508, %dma_wait3A_556] : memref<2x2x8x125xi32, #tpu.memory_space<vmem>> -> memref<1x1x1x125xi32, #tpu.memory_space<vmem>>
        %dma_wait3A_558 = tpu.memref_squeeze %dma_wait3A_557 : memref<1x1x1x125xi32, #tpu.memory_space<vmem>> -> memref<125xi32, #tpu.memory_space<vmem>>
        %dma_wait3A_559 = arith.constant 0 : i32
        %dma_wait3A_560 = arith.constant 0 : i32
        %dma_wait3A_561 = tpu.memref_slice %arg8[%dma_wait3A_559, %dma_wait3A_560] : memref<10240x128xf32, #tpu.memory_space<vmem_shared>> -> memref<10240x128xf32, #tpu.memory_space<vmem_shared>>
        tpu.wait_indirect_dma semaphore(%run_scoped3A_549 : memref<!tpu.dma_semaphore, #tpu.memory_space<semaphore_mem>>) src(%arg7 : memref<125x128xf32, #tpu.memory_space<vmem>>) dst(%dma_wait3A_561 : memref<10240x128xf32, #tpu.memory_space<vmem_shared>>)
        tpu.yield
      }) : () -> ()
      %dma_start3A_509 = arith.constant 1 : i32
      %dma_start3A_510 = arith.constant 0 : i32
      %dma_start3A_511 = arith.constant 7 : i32
      %dma_start3A_512 = arith.constant 0 : i32
      %dma_start3A_513 = tpu.memref_slice %arg5[%dma_start3A_509, %dma_start3A_510, %dma_start3A_511, %dma_start3A_512] : memref<2x2x8x125xi32, #tpu.memory_space<vmem>> -> memref<1x1x1x125xi32, #tpu.memory_space<vmem>>
      %dma_start3A_514 = tpu.memref_squeeze %dma_start3A_513 : memref<1x1x1x125xi32, #tpu.memory_space<vmem>> -> memref<125xi32, #tpu.memory_space<vmem>>
      %dma_start3A_515 = arith.constant 0 : i32
      %dma_start3A_516 = arith.constant 0 : i32
      %dma_start3A_517 = tpu.memref_slice %arg2[%dma_start3A_515, %dma_start3A_516] : memref<10000x128xf32, #tpu.memory_space<hbm>> -> memref<10000x128xf32, #tpu.memory_space<hbm>>
      tpu.enqueue_indirect_dma source(%dma_start3A_517 : memref<10000x128xf32, #tpu.memory_space<hbm>>) target(%arg7 : memref<125x128xf32, #tpu.memory_space<vmem>>) offsets(%dma_start3A_514 : memref<125xi32, #tpu.memory_space<vmem>>) semaphore(%arg10 : memref<!tpu.dma_semaphore, #tpu.memory_space<semaphore_mem>>)
      %dma_wait3A_518 = arith.constant 0 : i32
      %dma_wait3A_519 = arith.constant 0 : i32
      %dma_wait3A_520 = arith.constant 0 : i32
      %dma_wait3A_521 = arith.constant 0 : i32
      %dma_wait3A_522 = tpu.memref_slice %arg5[%dma_wait3A_518, %dma_wait3A_519, %dma_wait3A_520, %dma_wait3A_521] : memref<2x2x8x125xi32, #tpu.memory_space<vmem>> -> memref<1x1x1x125xi32, #tpu.memory_space<vmem>>
      %dma_wait3A_523 = tpu.memref_squeeze %dma_wait3A_522 : memref<1x1x1x125xi32, #tpu.memory_space<vmem>> -> memref<125xi32, #tpu.memory_space<vmem>>
      %dma_wait3A_524 = arith.constant 0 : i32
      %dma_wait3A_525 = arith.constant 0 : i32
      %dma_wait3A_526 = tpu.memref_slice %arg2[%dma_wait3A_524, %dma_wait3A_525] : memref<10000x128xf32, #tpu.memory_space<hbm>> -> memref<10000x128xf32, #tpu.memory_space<hbm>>
      tpu.wait_indirect_dma semaphore(%arg9 : memref<!tpu.dma_semaphore, #tpu.memory_space<semaphore_mem>>) src(%dma_wait3A_526 : memref<10000x128xf32, #tpu.memory_space<hbm>>) dst(%arg6 : memref<125x128xf32, #tpu.memory_space<vmem>>)
      %run_scoped3A_527 = arith.constant 1 : i32
      %run_scoped3A_528 = arith.constant 1 : i32
      %run_scoped3A_529 = arith.constant 6 : i32
      "tpu.region"() ({
        %run_scoped3A_549 = tpu.sem_alloc : memref<!tpu.dma_semaphore, #tpu.memory_space<semaphore_mem>>
        %dma_start3A_550 = arith.constant 0 : i32
        %dma_start3A_551 = tpu.memref_slice %arg5[%run_scoped3A_527, %run_scoped3A_528, %run_scoped3A_529, %dma_start3A_550] : memref<2x2x8x125xi32, #tpu.memory_space<vmem>> -> memref<1x1x1x125xi32, #tpu.memory_space<vmem>>
        %dma_start3A_552 = tpu.memref_squeeze %dma_start3A_551 : memref<1x1x1x125xi32, #tpu.memory_space<vmem>> -> memref<125xi32, #tpu.memory_space<vmem>>
        %dma_start3A_553 = arith.constant 0 : i32
        %dma_start3A_554 = arith.constant 0 : i32
        %dma_start3A_555 = tpu.memref_slice %arg8[%dma_start3A_553, %dma_start3A_554] : memref<10240x128xf32, #tpu.memory_space<vmem_shared>> -> memref<10240x128xf32, #tpu.memory_space<vmem_shared>>
        tpu.enqueue_indirect_dma source(%arg6 : memref<125x128xf32, #tpu.memory_space<vmem>>) target(%dma_start3A_555 : memref<10240x128xf32, #tpu.memory_space<vmem_shared>>) offsets(%dma_start3A_552 : memref<125xi32, #tpu.memory_space<vmem>>) semaphore(%run_scoped3A_549 : memref<!tpu.dma_semaphore, #tpu.memory_space<semaphore_mem>>) {add = true}
        %dma_wait3A_556 = arith.constant 0 : i32
        %dma_wait3A_557 = tpu.memref_slice %arg5[%run_scoped3A_527, %run_scoped3A_528, %run_scoped3A_529, %dma_wait3A_556] : memref<2x2x8x125xi32, #tpu.memory_space<vmem>> -> memref<1x1x1x125xi32, #tpu.memory_space<vmem>>
        %dma_wait3A_558 = tpu.memref_squeeze %dma_wait3A_557 : memref<1x1x1x125xi32, #tpu.memory_space<vmem>> -> memref<125xi32, #tpu.memory_space<vmem>>
        %dma_wait3A_559 = arith.constant 0 : i32
        %dma_wait3A_560 = arith.constant 0 : i32
        %dma_wait3A_561 = tpu.memref_slice %arg8[%dma_wait3A_559, %dma_wait3A_560] : memref<10240x128xf32, #tpu.memory_space<vmem_shared>> -> memref<10240x128xf32, #tpu.memory_space<vmem_shared>>
        tpu.wait_indirect_dma semaphore(%run_scoped3A_549 : memref<!tpu.dma_semaphore, #tpu.memory_space<semaphore_mem>>) src(%arg6 : memref<125x128xf32, #tpu.memory_space<vmem>>) dst(%dma_wait3A_561 : memref<10240x128xf32, #tpu.memory_space<vmem_shared>>)
        tpu.yield
      }) : () -> ()
      %add3A_530 = arith.constant 2 : i32
      %add3A_531 = arith.addi %mul3A_131, %add3A_530 : i32
      %lt3A_532 = arith.constant 10 : i32
      %lt3A_533 = arith.cmpi slt, %add3A_531, %lt3A_532 : i32
      %convert_element_type3A_534 = arith.extui %lt3A_533 : i1 to i32
      %cond3A_535 = arith.constant 0 : i32
      %cond3A_536 = arith.cmpi ne, %convert_element_type3A_534, %cond3A_535 : i32
      scf.if %cond3A_536 {
        %dma_wait3A_549 = arith.constant 0 : i32
        %dma_wait3A_550 = arith.constant 0 : i32
        %dma_wait3A_551 = arith.constant 0 : i32
        %dma_wait3A_552 = arith.constant 0 : i32
        %dma_wait3A_553 = arith.constant 0 : i32
        %dma_wait3A_554 = arith.constant 0 : i32
        %dma_wait3A_555 = tpu.memref_slice %arg5[%dma_wait3A_551, %dma_wait3A_552, %dma_wait3A_553, %dma_wait3A_554] : memref<2x2x8x125xi32, #tpu.memory_space<vmem>> -> memref<1x1x8x125xi32, #tpu.memory_space<vmem>>
        %dma_wait3A_556 = tpu.memref_squeeze %dma_wait3A_555 : memref<1x1x8x125xi32, #tpu.memory_space<vmem>> -> memref<8x125xi32, #tpu.memory_space<vmem>>
        %dma_wait3A_557 = arith.constant 0 : i32
        %dma_wait3A_558 = arith.constant 0 : i32
        %dma_wait3A_559 = tpu.memref_slice %arg3[%dma_wait3A_549, %add3A, %dma_wait3A_550, %dma_wait3A_557, %dma_wait3A_558] : memref<2x32x10x8x125xi32, #tpu.memory_space<hbm>> -> memref<1x1x1x8x125xi32, #tpu.memory_space<hbm>>
        %dma_wait3A_560 = tpu.memref_squeeze %dma_wait3A_559 : memref<1x1x1x8x125xi32, #tpu.memory_space<hbm>> -> memref<8x125xi32, #tpu.memory_space<hbm>>
        %dma_wait3A_561 = arith.constant 0 : i32
        %dma_wait3A_562 = arith.constant 0 : i32
        %dma_wait3A_563 = tpu.memref_slice %arg5[%dma_wait3A_551, %dma_wait3A_552, %dma_wait3A_561, %dma_wait3A_562] : memref<2x2x8x125xi32, #tpu.memory_space<vmem>> -> memref<1x1x8x125xi32, #tpu.memory_space<vmem>>
        %dma_wait3A_564 = tpu.memref_squeeze %dma_wait3A_563 : memref<1x1x8x125xi32, #tpu.memory_space<vmem>> -> memref<8x125xi32, #tpu.memory_space<vmem>>
        %dma_wait3A_565 = arith.constant 0 : i32
        %dma_wait3A_566 = arith.constant 0 : i32
        %dma_wait3A_567 = tpu.memref_slice %arg3[%dma_wait3A_549, %add3A, %dma_wait3A_550, %dma_wait3A_565, %dma_wait3A_566] : memref<2x32x10x8x125xi32, #tpu.memory_space<hbm>> -> memref<1x1x1x8x125xi32, #tpu.memory_space<hbm>>
        %dma_wait3A_568 = tpu.memref_squeeze %dma_wait3A_567 : memref<1x1x1x8x125xi32, #tpu.memory_space<hbm>> -> memref<8x125xi32, #tpu.memory_space<hbm>>
        tpu.wait_dma2 semaphore(%arg11 : memref<!tpu.dma_semaphore, #tpu.memory_space<semaphore_mem>>) src(%dma_wait3A_568 : memref<8x125xi32, #tpu.memory_space<hbm>>) dst(%dma_wait3A_564 : memref<8x125xi32, #tpu.memory_space<vmem>>)
        %dma_wait3A_569 = arith.constant 0 : i32
        %dma_wait3A_570 = arith.constant 0 : i32
        %dma_wait3A_571 = arith.constant 0 : i32
        %dma_wait3A_572 = arith.constant 0 : i32
        %dma_wait3A_573 = arith.constant 0 : i32
        %dma_wait3A_574 = arith.constant 0 : i32
        %dma_wait3A_575 = tpu.memref_slice %arg5[%dma_wait3A_571, %dma_wait3A_572, %dma_wait3A_573, %dma_wait3A_574] : memref<2x2x8x125xi32, #tpu.memory_space<vmem>> -> memref<1x1x8x125xi32, #tpu.memory_space<vmem>>
        %dma_wait3A_576 = tpu.memref_squeeze %dma_wait3A_575 : memref<1x1x8x125xi32, #tpu.memory_space<vmem>> -> memref<8x125xi32, #tpu.memory_space<vmem>>
        %dma_wait3A_577 = arith.constant 0 : i32
        %dma_wait3A_578 = arith.constant 0 : i32
        %dma_wait3A_579 = tpu.memref_slice %arg3[%dma_wait3A_569, %add3A, %dma_wait3A_570, %dma_wait3A_577, %dma_wait3A_578] : memref<2x32x10x8x125xi32, #tpu.memory_space<hbm>> -> memref<1x1x1x8x125xi32, #tpu.memory_space<hbm>>
        %dma_wait3A_580 = tpu.memref_squeeze %dma_wait3A_579 : memref<1x1x1x8x125xi32, #tpu.memory_space<hbm>> -> memref<8x125xi32, #tpu.memory_space<hbm>>
        %dma_wait3A_581 = arith.constant 0 : i32
        %dma_wait3A_582 = arith.constant 0 : i32
        %dma_wait3A_583 = tpu.memref_slice %arg5[%dma_wait3A_571, %dma_wait3A_572, %dma_wait3A_581, %dma_wait3A_582] : memref<2x2x8x125xi32, #tpu.memory_space<vmem>> -> memref<1x1x8x125xi32, #tpu.memory_space<vmem>>
        %dma_wait3A_584 = tpu.memref_squeeze %dma_wait3A_583 : memref<1x1x8x125xi32, #tpu.memory_space<vmem>> -> memref<8x125xi32, #tpu.memory_space<vmem>>
        %dma_wait3A_585 = arith.constant 0 : i32
        %dma_wait3A_586 = arith.constant 0 : i32
        %dma_wait3A_587 = tpu.memref_slice %arg3[%dma_wait3A_569, %add3A, %dma_wait3A_570, %dma_wait3A_585, %dma_wait3A_586] : memref<2x32x10x8x125xi32, #tpu.memory_space<hbm>> -> memref<1x1x1x8x125xi32, #tpu.memory_space<hbm>>
        %dma_wait3A_588 = tpu.memref_squeeze %dma_wait3A_587 : memref<1x1x1x8x125xi32, #tpu.memory_space<hbm>> -> memref<8x125xi32, #tpu.memory_space<hbm>>
        tpu.wait_dma2 semaphore(%arg11 : memref<!tpu.dma_semaphore, #tpu.memory_space<semaphore_mem>>) src(%dma_wait3A_588 : memref<8x125xi32, #tpu.memory_space<hbm>>) dst(%dma_wait3A_584 : memref<8x125xi32, #tpu.memory_space<vmem>>)
        %dma_start3A_589 = arith.constant 0 : i32
        %dma_start3A_590 = arith.constant 0 : i32
        %dma_start3A_591 = arith.constant 0 : i32
        %dma_start3A_592 = arith.constant 0 : i32
        %dma_start3A_593 = tpu.memref_slice %arg5[%dma_start3A_589, %dma_start3A_590, %dma_start3A_591, %dma_start3A_592] : memref<2x2x8x125xi32, #tpu.memory_space<vmem>> -> memref<1x1x1x125xi32, #tpu.memory_space<vmem>>
        %dma_start3A_594 = tpu.memref_squeeze %dma_start3A_593 : memref<1x1x1x125xi32, #tpu.memory_space<vmem>> -> memref<125xi32, #tpu.memory_space<vmem>>
        %dma_start3A_595 = arith.constant 0 : i32
        %dma_start3A_596 = arith.constant 0 : i32
        %dma_start3A_597 = tpu.memref_slice %arg2[%dma_start3A_595, %dma_start3A_596] : memref<10000x128xf32, #tpu.memory_space<hbm>> -> memref<10000x128xf32, #tpu.memory_space<hbm>>
        tpu.enqueue_indirect_dma source(%dma_start3A_597 : memref<10000x128xf32, #tpu.memory_space<hbm>>) target(%arg6 : memref<125x128xf32, #tpu.memory_space<vmem>>) offsets(%dma_start3A_594 : memref<125xi32, #tpu.memory_space<vmem>>) semaphore(%arg9 : memref<!tpu.dma_semaphore, #tpu.memory_space<semaphore_mem>>)
      } else {
      }
      %dma_wait3A_537 = arith.constant 0 : i32
      %dma_wait3A_538 = arith.constant 0 : i32
      %dma_wait3A_539 = arith.constant 0 : i32
      %dma_wait3A_540 = arith.constant 0 : i32
      %dma_wait3A_541 = tpu.memref_slice %arg5[%dma_wait3A_537, %dma_wait3A_538, %dma_wait3A_539, %dma_wait3A_540] : memref<2x2x8x125xi32, #tpu.memory_space<vmem>> -> memref<1x1x1x125xi32, #tpu.memory_space<vmem>>
      %dma_wait3A_542 = tpu.memref_squeeze %dma_wait3A_541 : memref<1x1x1x125xi32, #tpu.memory_space<vmem>> -> memref<125xi32, #tpu.memory_space<vmem>>
      %dma_wait3A_543 = arith.constant 0 : i32
      %dma_wait3A_544 = arith.constant 0 : i32
      %dma_wait3A_545 = tpu.memref_slice %arg2[%dma_wait3A_543, %dma_wait3A_544] : memref<10000x128xf32, #tpu.memory_space<hbm>> -> memref<10000x128xf32, #tpu.memory_space<hbm>>
      tpu.wait_indirect_dma semaphore(%arg10 : memref<!tpu.dma_semaphore, #tpu.memory_space<semaphore_mem>>) src(%dma_wait3A_545 : memref<10000x128xf32, #tpu.memory_space<hbm>>) dst(%arg7 : memref<125x128xf32, #tpu.memory_space<vmem>>)
      %run_scoped3A_546 = arith.constant 1 : i32
      %run_scoped3A_547 = arith.constant 1 : i32
      %run_scoped3A_548 = arith.constant 7 : i32
      "tpu.region"() ({
        %run_scoped3A_549 = tpu.sem_alloc : memref<!tpu.dma_semaphore, #tpu.memory_space<semaphore_mem>>
        %dma_start3A_550 = arith.constant 0 : i32
        %dma_start3A_551 = tpu.memref_slice %arg5[%run_scoped3A_546, %run_scoped3A_547, %run_scoped3A_548, %dma_start3A_550] : memref<2x2x8x125xi32, #tpu.memory_space<vmem>> -> memref<1x1x1x125xi32, #tpu.memory_space<vmem>>
        %dma_start3A_552 = tpu.memref_squeeze %dma_start3A_551 : memref<1x1x1x125xi32, #tpu.memory_space<vmem>> -> memref<125xi32, #tpu.memory_space<vmem>>
        %dma_start3A_553 = arith.constant 0 : i32
        %dma_start3A_554 = arith.constant 0 : i32
        %dma_start3A_555 = tpu.memref_slice %arg8[%dma_start3A_553, %dma_start3A_554] : memref<10240x128xf32, #tpu.memory_space<vmem_shared>> -> memref<10240x128xf32, #tpu.memory_space<vmem_shared>>
        tpu.enqueue_indirect_dma source(%arg7 : memref<125x128xf32, #tpu.memory_space<vmem>>) target(%dma_start3A_555 : memref<10240x128xf32, #tpu.memory_space<vmem_shared>>) offsets(%dma_start3A_552 : memref<125xi32, #tpu.memory_space<vmem>>) semaphore(%run_scoped3A_549 : memref<!tpu.dma_semaphore, #tpu.memory_space<semaphore_mem>>) {add = true}
        %dma_wait3A_556 = arith.constant 0 : i32
        %dma_wait3A_557 = tpu.memref_slice %arg5[%run_scoped3A_546, %run_scoped3A_547, %run_scoped3A_548, %dma_wait3A_556] : memref<2x2x8x125xi32, #tpu.memory_space<vmem>> -> memref<1x1x1x125xi32, #tpu.memory_space<vmem>>
        %dma_wait3A_558 = tpu.memref_squeeze %dma_wait3A_557 : memref<1x1x1x125xi32, #tpu.memory_space<vmem>> -> memref<125xi32, #tpu.memory_space<vmem>>
        %dma_wait3A_559 = arith.constant 0 : i32
        %dma_wait3A_560 = arith.constant 0 : i32
        %dma_wait3A_561 = tpu.memref_slice %arg8[%dma_wait3A_559, %dma_wait3A_560] : memref<10240x128xf32, #tpu.memory_space<vmem_shared>> -> memref<10240x128xf32, #tpu.memory_space<vmem_shared>>
        tpu.wait_indirect_dma semaphore(%run_scoped3A_549 : memref<!tpu.dma_semaphore, #tpu.memory_space<semaphore_mem>>) src(%arg7 : memref<125x128xf32, #tpu.memory_space<vmem>>) dst(%dma_wait3A_561 : memref<10240x128xf32, #tpu.memory_space<vmem_shared>>)
        tpu.yield
      }) : () -> ()
    }
    %scan3A_123 = arith.constant 5 : i32
    %barrier3A_124 = arith.constant 0 : index
    tpu.barrier barrier_id(%barrier3A_124)
    %mul3A_125 = arith.constant 640 : i32
    %mul3A_126 = arith.muli %arg1, %mul3A_125 : i32
    %mul3A_127 = arith.constant 640 : i32
    %mul3A_128 = arith.muli %arg1, %mul3A_127 : i32
    "tpu.region"() ({
      %run_scoped3A = tpu.sem_alloc : memref<!tpu.dma_semaphore, #tpu.memory_space<semaphore_mem>>
      %dma_start3A_129 = arith.constant 0 : i32
      %dma_start3A_130 = tpu.memref_slice %arg4[%arg0, %mul3A_128, %dma_start3A_129] : memref<2x10240x128xf32, #tpu.memory_space<hbm>> -> memref<1x640x128xf32, #tpu.memory_space<hbm>>
      %dma_start3A_131 = tpu.memref_squeeze %dma_start3A_130 : memref<1x640x128xf32, #tpu.memory_space<hbm>> -> memref<640x128xf32, #tpu.memory_space<hbm>>
      %dma_start3A_132 = arith.constant 0 : i32
      %dma_start3A_133 = tpu.memref_slice %arg8[%mul3A_126, %dma_start3A_132] : memref<10240x128xf32, #tpu.memory_space<vmem_shared>> -> memref<640x128xf32, #tpu.memory_space<vmem_shared>>
      tpu.enqueue_dma source(%dma_start3A_133 : memref<640x128xf32, #tpu.memory_space<vmem_shared>>) target(%dma_start3A_131 : memref<640x128xf32, #tpu.memory_space<hbm>>) target_semaphore(%run_scoped3A : memref<!tpu.dma_semaphore, #tpu.memory_space<semaphore_mem>>)
      %dma_wait3A_134 = arith.constant 0 : i32
      %dma_wait3A_135 = tpu.memref_slice %arg4[%arg0, %mul3A_128, %dma_wait3A_134] : memref<2x10240x128xf32, #tpu.memory_space<hbm>> -> memref<1x640x128xf32, #tpu.memory_space<hbm>>
      %dma_wait3A_136 = tpu.memref_squeeze %dma_wait3A_135 : memref<1x640x128xf32, #tpu.memory_space<hbm>> -> memref<640x128xf32, #tpu.memory_space<hbm>>
      %dma_wait3A_137 = arith.constant 0 : i32
      %dma_wait3A_138 = tpu.memref_slice %arg8[%mul3A_126, %dma_wait3A_137] : memref<10240x128xf32, #tpu.memory_space<vmem_shared>> -> memref<640x128xf32, #tpu.memory_space<vmem_shared>>
      tpu.wait_dma2 semaphore(%run_scoped3A : memref<!tpu.dma_semaphore, #tpu.memory_space<semaphore_mem>>) src(%dma_wait3A_138 : memref<640x128xf32, #tpu.memory_space<vmem_shared>>) dst(%dma_wait3A_136 : memref<640x128xf32, #tpu.memory_space<hbm>>)
      tpu.yield
    }) : () -> ()
    return
  }
}

module attributes {stable_mosaic.version = 14 : i64} {
  func.func @_tc_mid_body(%arg0: i32, %arg1: memref<1x1000x128xf32, #tpu.memory_space<vmem>>, %arg2: memref<1x1000x128xf32, #tpu.memory_space<vmem>>, %arg3: memref<1000x128xf32, #tpu.memory_space<vmem>>, %arg4: memref<1000x1xf32, #tpu.memory_space<vmem>>, %arg5: memref<128xf32, #tpu.memory_space<vmem>>, %arg6: memref<128x128xf32, #tpu.memory_space<vmem>>, %arg7: memref<1000x128xf32, #tpu.memory_space<vmem>>) attributes {dimension_semantics = [#tpu.dimension_semantics<arbitrary>], iteration_bounds = array<i64: 10>, scalar_prefetch = 0 : i64, scratch_operands = 0 : i64, tpu.core_type = #tpu.core_type<tc>, window_params = [{transform_indices = @transform_0, window_bounds = array<i64: 1, 1000, 128>}, {transform_indices = @transform_1, window_bounds = array<i64: 1, 1000, 128>}, {transform_indices = @transform_2, window_bounds = array<i64: 1000, 128>}, {transform_indices = @transform_3, window_bounds = array<i64: 1000, 1>}, {pipeline_mode = #tpu.pipeline_mode<synchronous>, transform_indices = @transform_4, window_bounds = array<i64: 128>}, {pipeline_mode = #tpu.pipeline_mode<synchronous>, transform_indices = @transform_5, window_bounds = array<i64: 128, 128>}, {transform_indices = @transform_6, window_bounds = array<i64: 1000, 128>}]} {
    %get3A = arith.constant 0 : index
    %get3A_0 = arith.constant 0 : index
    %get3A_1 = vector.load %arg4[%get3A, %get3A_0] : memref<1000x1xf32, #tpu.memory_space<vmem>>, vector<1000x1xf32>
    %get3A_2 = arith.constant 0 : index
    %get3A_3 = arith.constant 0 : index
    %get3A_4 = arith.constant 0 : index
    %get3A_5 = vector.load %arg1[%get3A_2, %get3A_3, %get3A_4] : memref<1x1000x128xf32, #tpu.memory_space<vmem>>, vector<1x1000x128xf32>
    %get3A_6 = vector.shape_cast %get3A_5 : vector<1x1000x128xf32> to vector<1000x128xf32>
    %get3A_7 = arith.constant 0 : index
    %get3A_8 = arith.constant 0 : index
    %get3A_9 = arith.constant 0 : index
    %get3A_10 = vector.load %arg2[%get3A_7, %get3A_8, %get3A_9] : memref<1x1000x128xf32, #tpu.memory_space<vmem>>, vector<1x1000x128xf32>
    %get3A_11 = vector.shape_cast %get3A_10 : vector<1x1000x128xf32> to vector<1000x128xf32>
    %add3A = arith.addf %get3A_6, %get3A_11 : vector<1000x128xf32>
    %get3A_12 = arith.constant 0 : index
    %get3A_13 = arith.constant 0 : index
    %get3A_14 = vector.load %arg3[%get3A_12, %get3A_13] : memref<1000x128xf32, #tpu.memory_space<vmem>>, vector<1000x128xf32>
    %add3A_15 = arith.addf %add3A, %get3A_14 : vector<1000x128xf32>
    %mul3A = vector.broadcast %get3A_1 : vector<1000x1xf32> to vector<1000x128xf32>
    %mul3A_16 = arith.mulf %add3A_15, %mul3A : vector<1000x128xf32>
    %get3A_17 = arith.constant 0 : index
    %get3A_18 = vector.load %arg5[%get3A_17] : memref<128xf32, #tpu.memory_space<vmem>>, vector<128xf32>
    %broadcast_in_dim3A = vector.shape_cast %get3A_18 : vector<128xf32> to vector<1x128xf32>
    %add3A_19 = vector.broadcast %broadcast_in_dim3A : vector<1x128xf32> to vector<1000x128xf32>
    %add3A_20 = arith.addf %mul3A_16, %add3A_19 : vector<1000x128xf32>
    %max3A = arith.constant 0.000000e+00 : f32
    %max3A_21 = vector.broadcast %max3A : f32 to vector<1000x128xf32>
    %max3A_22 = arith.maximumf %add3A_20, %max3A_21 : vector<1000x128xf32>
    %get3A_23 = arith.constant 0 : index
    %get3A_24 = arith.constant 0 : index
    %get3A_25 = vector.load %arg6[%get3A_23, %get3A_24] : memref<128x128xf32, #tpu.memory_space<vmem>>, vector<128x128xf32>
    %dot_general3A = arith.constant dense<0.000000e+00> : vector<1000x128xf32>
    %dot_general3A_26 = tpu.matmul %max3A_22, %get3A_25, %dot_general3A {dimension_numbers = #tpu.dot_dimension_numbers<[1], [0], [0], [1], [0, 0, 1, 1], [], []>, transpose_lhs_hint = false} : vector<1000x128xf32>, vector<128x128xf32>, vector<1000x128xf32> -> vector<1000x128xf32>
    %mul3A_27 = vector.broadcast %get3A_1 : vector<1000x1xf32> to vector<1000x128xf32>
    %mul3A_28 = arith.mulf %dot_general3A_26, %mul3A_27 : vector<1000x128xf32>
    %swap3A = arith.constant 0 : index
    %swap3A_29 = arith.constant 0 : index
    %swap3A_30 = vector.load %arg7[%swap3A, %swap3A_29] : memref<1000x128xf32, #tpu.memory_space<vmem>>, vector<1000x128xf32>
    tpu.vector_store %arg7[%swap3A, %swap3A_29], %mul3A_28 {strides = array<i32>} : memref<1000x128xf32, #tpu.memory_space<vmem>>, vector<1000x128xf32>,
    return
  }
  func.func @transform_0(%arg0: i32) -> (i32, i32, i32) {
    %c0_i32 = arith.constant 0 : i32
    %c0_i32_0 = arith.constant 0 : i32
    %c0_i32_1 = arith.constant 0 : i32
    return %c0_i32, %arg0, %c0_i32_0 : i32, i32, i32
  }
  func.func @transform_1(%arg0: i32) -> (i32, i32, i32) {
    %c1_i32 = arith.constant 1 : i32
    %c0_i32 = arith.constant 0 : i32
    %c0_i32_0 = arith.constant 0 : i32
    return %c1_i32, %arg0, %c0_i32 : i32, i32, i32
  }
  func.func @transform_2(%arg0: i32) -> (i32, i32) {
    %c0_i32 = arith.constant 0 : i32
    %c0_i32_0 = arith.constant 0 : i32
    return %arg0, %c0_i32 : i32, i32
  }
  func.func @transform_3(%arg0: i32) -> (i32, i32) {
    %c0_i32 = arith.constant 0 : i32
    %c0_i32_0 = arith.constant 0 : i32
    return %arg0, %c0_i32 : i32, i32
  }
  func.func @transform_4(%arg0: i32) -> i32 {
    %c0_i32 = arith.constant 0 : i32
    %c0_i32_0 = arith.constant 0 : i32
    return %c0_i32 : i32
  }
  func.func @transform_5(%arg0: i32) -> (i32, i32) {
    %c0_i32 = arith.constant 0 : i32
    %c0_i32_0 = arith.constant 0 : i32
    %c0_i32_1 = arith.constant 0 : i32
    return %c0_i32, %c0_i32_0 : i32, i32
  }
  func.func @transform_6(%arg0: i32) -> (i32, i32) {
    %c0_i32 = arith.constant 0 : i32
    %c0_i32_0 = arith.constant 0 : i32
    return %arg0, %c0_i32 : i32, i32
  }
}

module attributes {stable_mosaic.version = 14 : i64} {
  func.func @_tc1_body(%arg0: i32, %arg1: memref<1000x128xf32, #tpu.memory_space<vmem>>, %arg2: memref<128x128xf32, #tpu.memory_space<vmem>>, %arg3: memref<1x1000x1xf32, #tpu.memory_space<vmem>>, %arg4: memref<1x1000x1xf32, #tpu.memory_space<vmem>>, %arg5: memref<1000x128xf32, #tpu.memory_space<vmem>>, %arg6: memref<1000x1xf32, #tpu.memory_space<vmem>>) attributes {dimension_semantics = [#tpu.dimension_semantics<arbitrary>], iteration_bounds = array<i64: 10>, scalar_prefetch = 0 : i64, scratch_operands = 0 : i64, tpu.core_type = #tpu.core_type<tc>, window_params = [{transform_indices = @transform_0, window_bounds = array<i64: 1000, 128>}, {pipeline_mode = #tpu.pipeline_mode<synchronous>, transform_indices = @transform_1, window_bounds = array<i64: 128, 128>}, {transform_indices = @transform_2, window_bounds = array<i64: 1, 1000, 1>}, {transform_indices = @transform_3, window_bounds = array<i64: 1, 1000, 1>}, {transform_indices = @transform_4, window_bounds = array<i64: 1000, 128>}, {transform_indices = @transform_5, window_bounds = array<i64: 1000, 1>}]} {
    %get3A = arith.constant 0 : index
    %get3A_0 = arith.constant 0 : index
    %get3A_1 = arith.constant 0 : index
    %get3A_2 = vector.load %arg3[%get3A, %get3A_0, %get3A_1] : memref<1x1000x1xf32, #tpu.memory_space<vmem>>, vector<1x1000x1xf32>
    %get3A_3 = vector.shape_cast %get3A_2 : vector<1x1000x1xf32> to vector<1000x1xf32>
    %get3A_4 = arith.constant 0 : index
    %get3A_5 = arith.constant 0 : index
    %get3A_6 = arith.constant 0 : index
    %get3A_7 = vector.load %arg4[%get3A_4, %get3A_5, %get3A_6] : memref<1x1000x1xf32, #tpu.memory_space<vmem>>, vector<1x1000x1xf32>
    %get3A_8 = vector.shape_cast %get3A_7 : vector<1x1000x1xf32> to vector<1000x1xf32>
    %add3A = arith.addf %get3A_3, %get3A_8 : vector<1000x1xf32>
    %add3A_9 = arith.constant 1.000000e+00 : f32
    %add3A_10 = vector.broadcast %add3A_9 : f32 to vector<1000x1xf32>
    %add3A_11 = arith.addf %add3A, %add3A_10 : vector<1000x1xf32>
    %rsqrt3A = math.rsqrt %add3A_11 : vector<1000x1xf32>
    %get3A_12 = arith.constant 0 : index
    %get3A_13 = arith.constant 0 : index
    %get3A_14 = vector.load %arg1[%get3A_12, %get3A_13] : memref<1000x128xf32, #tpu.memory_space<vmem>>, vector<1000x128xf32>
    %get3A_15 = arith.constant 0 : index
    %get3A_16 = arith.constant 0 : index
    %get3A_17 = vector.load %arg2[%get3A_15, %get3A_16] : memref<128x128xf32, #tpu.memory_space<vmem>>, vector<128x128xf32>
    %dot_general3A = arith.constant dense<0.000000e+00> : vector<1000x128xf32>
    %dot_general3A_18 = tpu.matmul %get3A_14, %get3A_17, %dot_general3A {dimension_numbers = #tpu.dot_dimension_numbers<[1], [0], [0], [1], [0, 0, 1, 1], [], []>, transpose_lhs_hint = false} : vector<1000x128xf32>, vector<128x128xf32>, vector<1000x128xf32> -> vector<1000x128xf32>
    %mul3A = vector.broadcast %rsqrt3A : vector<1000x1xf32> to vector<1000x128xf32>
    %mul3A_19 = arith.mulf %dot_general3A_18, %mul3A : vector<1000x128xf32>
    %swap3A = arith.constant 0 : index
    %swap3A_20 = arith.constant 0 : index
    %swap3A_21 = vector.load %arg5[%swap3A, %swap3A_20] : memref<1000x128xf32, #tpu.memory_space<vmem>>, vector<1000x128xf32>
    tpu.vector_store %arg5[%swap3A, %swap3A_20], %mul3A_19 {strides = array<i32>} : memref<1000x128xf32, #tpu.memory_space<vmem>>, vector<1000x128xf32>,
    %swap3A_22 = arith.constant 0 : index
    %swap3A_23 = arith.constant 0 : index
    %swap3A_24 = vector.load %arg6[%swap3A_22, %swap3A_23] : memref<1000x1xf32, #tpu.memory_space<vmem>>, vector<1000x1xf32>
    tpu.vector_store %arg6[%swap3A_22, %swap3A_23], %rsqrt3A {strides = array<i32>} : memref<1000x1xf32, #tpu.memory_space<vmem>>, vector<1000x1xf32>,
    return
  }
  func.func @transform_0(%arg0: i32) -> (i32, i32) {
    %c0_i32 = arith.constant 0 : i32
    %c0_i32_0 = arith.constant 0 : i32
    return %arg0, %c0_i32 : i32, i32
  }
  func.func @transform_1(%arg0: i32) -> (i32, i32) {
    %c0_i32 = arith.constant 0 : i32
    %c0_i32_0 = arith.constant 0 : i32
    %c0_i32_1 = arith.constant 0 : i32
    return %c0_i32, %c0_i32_0 : i32, i32
  }
  func.func @transform_2(%arg0: i32) -> (i32, i32, i32) {
    %c0_i32 = arith.constant 0 : i32
    %c0_i32_0 = arith.constant 0 : i32
    %c0_i32_1 = arith.constant 0 : i32
    return %c0_i32, %arg0, %c0_i32_0 : i32, i32, i32
  }
  func.func @transform_3(%arg0: i32) -> (i32, i32, i32) {
    %c1_i32 = arith.constant 1 : i32
    %c0_i32 = arith.constant 0 : i32
    %c0_i32_0 = arith.constant 0 : i32
    return %c1_i32, %arg0, %c0_i32 : i32, i32, i32
  }
  func.func @transform_4(%arg0: i32) -> (i32, i32) {
    %c0_i32 = arith.constant 0 : i32
    %c0_i32_0 = arith.constant 0 : i32
    return %arg0, %c0_i32 : i32, i32
  }
  func.func @transform_5(%arg0: i32) -> (i32, i32) {
    %c0_i32 = arith.constant 0 : i32
    %c0_i32_0 = arith.constant 0 : i32
    return %arg0, %c0_i32 : i32, i32
  }
}

module attributes {stable_mosaic.version = 14 : i64} {
  func.func @_tc_fin_body(%arg0: i32, %arg1: memref<1x1000x128xf32, #tpu.memory_space<vmem>>, %arg2: memref<1x1000x128xf32, #tpu.memory_space<vmem>>, %arg3: memref<1000x128xf32, #tpu.memory_space<vmem>>, %arg4: memref<1000x1xf32, #tpu.memory_space<vmem>>, %arg5: memref<128xf32, #tpu.memory_space<vmem>>, %arg6: memref<1000x128xf32, #tpu.memory_space<vmem>>) attributes {dimension_semantics = [#tpu.dimension_semantics<arbitrary>], iteration_bounds = array<i64: 10>, scalar_prefetch = 0 : i64, scratch_operands = 0 : i64, tpu.core_type = #tpu.core_type<tc>, window_params = [{transform_indices = @transform_0, window_bounds = array<i64: 1, 1000, 128>}, {transform_indices = @transform_1, window_bounds = array<i64: 1, 1000, 128>}, {transform_indices = @transform_2, window_bounds = array<i64: 1000, 128>}, {transform_indices = @transform_3, window_bounds = array<i64: 1000, 1>}, {pipeline_mode = #tpu.pipeline_mode<synchronous>, transform_indices = @transform_4, window_bounds = array<i64: 128>}, {transform_indices = @transform_5, window_bounds = array<i64: 1000, 128>}]} {
    %get3A = arith.constant 0 : index
    %get3A_0 = arith.constant 0 : index
    %get3A_1 = arith.constant 0 : index
    %get3A_2 = vector.load %arg1[%get3A, %get3A_0, %get3A_1] : memref<1x1000x128xf32, #tpu.memory_space<vmem>>, vector<1x1000x128xf32>
    %get3A_3 = vector.shape_cast %get3A_2 : vector<1x1000x128xf32> to vector<1000x128xf32>
    %get3A_4 = arith.constant 0 : index
    %get3A_5 = arith.constant 0 : index
    %get3A_6 = arith.constant 0 : index
    %get3A_7 = vector.load %arg2[%get3A_4, %get3A_5, %get3A_6] : memref<1x1000x128xf32, #tpu.memory_space<vmem>>, vector<1x1000x128xf32>
    %get3A_8 = vector.shape_cast %get3A_7 : vector<1x1000x128xf32> to vector<1000x128xf32>
    %add3A = arith.addf %get3A_3, %get3A_8 : vector<1000x128xf32>
    %get3A_9 = arith.constant 0 : index
    %get3A_10 = arith.constant 0 : index
    %get3A_11 = vector.load %arg3[%get3A_9, %get3A_10] : memref<1000x128xf32, #tpu.memory_space<vmem>>, vector<1000x128xf32>
    %add3A_12 = arith.addf %add3A, %get3A_11 : vector<1000x128xf32>
    %get3A_13 = arith.constant 0 : index
    %get3A_14 = arith.constant 0 : index
    %get3A_15 = vector.load %arg4[%get3A_13, %get3A_14] : memref<1000x1xf32, #tpu.memory_space<vmem>>, vector<1000x1xf32>
    %mul3A = vector.broadcast %get3A_15 : vector<1000x1xf32> to vector<1000x128xf32>
    %mul3A_16 = arith.mulf %add3A_12, %mul3A : vector<1000x128xf32>
    %get3A_17 = arith.constant 0 : index
    %get3A_18 = vector.load %arg5[%get3A_17] : memref<128xf32, #tpu.memory_space<vmem>>, vector<128xf32>
    %broadcast_in_dim3A = vector.shape_cast %get3A_18 : vector<128xf32> to vector<1x128xf32>
    %add3A_19 = vector.broadcast %broadcast_in_dim3A : vector<1x128xf32> to vector<1000x128xf32>
    %add3A_20 = arith.addf %mul3A_16, %add3A_19 : vector<1000x128xf32>
    %max3A = arith.constant 0.000000e+00 : f32
    %max3A_21 = vector.broadcast %max3A : f32 to vector<1000x128xf32>
    %max3A_22 = arith.maximumf %add3A_20, %max3A_21 : vector<1000x128xf32>
    %swap3A = arith.constant 0 : index
    %swap3A_23 = arith.constant 0 : index
    %swap3A_24 = vector.load %arg6[%swap3A, %swap3A_23] : memref<1000x128xf32, #tpu.memory_space<vmem>>, vector<1000x128xf32>
    tpu.vector_store %arg6[%swap3A, %swap3A_23], %max3A_22 {strides = array<i32>} : memref<1000x128xf32, #tpu.memory_space<vmem>>, vector<1000x128xf32>,
    return
  }
  func.func @transform_0(%arg0: i32) -> (i32, i32, i32) {
    %c0_i32 = arith.constant 0 : i32
    %c0_i32_0 = arith.constant 0 : i32
    %c0_i32_1 = arith.constant 0 : i32
    return %c0_i32, %arg0, %c0_i32_0 : i32, i32, i32
  }
  func.func @transform_1(%arg0: i32) -> (i32, i32, i32) {
    %c1_i32 = arith.constant 1 : i32
    %c0_i32 = arith.constant 0 : i32
    %c0_i32_0 = arith.constant 0 : i32
    return %c1_i32, %arg0, %c0_i32 : i32, i32, i32
  }
  func.func @transform_2(%arg0: i32) -> (i32, i32) {
    %c0_i32 = arith.constant 0 : i32
    %c0_i32_0 = arith.constant 0 : i32
    return %arg0, %c0_i32 : i32, i32
  }
  func.func @transform_3(%arg0: i32) -> (i32, i32) {
    %c0_i32 = arith.constant 0 : i32
    %c0_i32_0 = arith.constant 0 : i32
    return %arg0, %c0_i32 : i32, i32
  }
  func.func @transform_4(%arg0: i32) -> i32 {
    %c0_i32 = arith.constant 0 : i32
    %c0_i32_0 = arith.constant 0 : i32
    return %c0_i32 : i32
  }
  func.func @transform_5(%arg0: i32) -> (i32, i32) {
    %c0_i32 = arith.constant 0 : i32
    %c0_i32_0 = arith.constant 0 : i32
    return %arg0, %c0_i32 : i32, i32
  }
}

</mosaic_0001>

<sc_bundles>
// kernel: kernel.11.cloned.1.call-start
scs
__scs_entry_jumppad:
0x0: {  	(pc) =	sbr.rel $0x88, $3  }
0x1: {  	(tag) =	ssettag $0x0;
	lr =	simm.s32 $0x1  }
0x2: {  	[smem:$0x3F9B] =	sst lr;
	_ =	strace $0xD0000000  }
0x3: {  	_ = 	snop  }
0x4: {  	_ = 	snop  }
0x5: {  	_ = 	snop  }
0x6: {  	_ = 	snop  }
0x7: {  	_ = 	snop  }
__scs_overlays_trampoline_lowered:
0x8: {  	[smem:$0x3FAA] =	sst s0  }
0x9: {  	[smem:$0x3FAB] =	sst s1  }
0xa: {  	[smem:$0x3FAC] =	sst s2  }
0xb: {  	[smem:$0x3FAD] =	sst s3  }
0xc: {  	[smem:$0x3FAE] =	sst s4  }
0xd: {  	[smem:$0x3FAF] =	sst s5  }
0xe: {  	[smem:$0x3FB0] =	sst s6  }
0xf: {  	[smem:$0x3FB1] =	sst s7  }
0x10: {  	[smem:$0x3FB2] =	sst s8  }
0x11: {  	[smem:$0x3FB3] =	sst s9;
	s0 =	simm.s32 @!p0 $0x0  }
0x12: {  	s1 =	sld [smem:$0x3F99];
	s0 =	simm.s32 @p0 $0x1  }
0x13: {  	[smem:$0x3FB4] =	sst s0;
	s0 =	simm.s32 @!p1 $0x0  }
0x14: {  	s2 =	sld [smem:$0x3F98];
	s0 =	simm.s32 @p1 $0x1  }
0x15: {  	[smem:$0x3FB5] =	sst s0;
	s0 =	simm.s32 @!p2 $0x0  }
0x16: {  	s3 =	sld [smem:$0x3FDB];
	s0 =	simm.s32 @p2 $0x1  }
0x17: {  	s4 =	simm.s32 $0x1BF5;
	[smem:$0x3FB7] =	sst s0  }
0x18: {  	s0 =	sld [smem:$0x3F9A];
	_ =	swait.ge [sflag:s4], $0x0  }
0x19: {  	s7 =	sld [smem:$0x3F9B]  }
0x1a: {  	s8 =	sadd.s32 $0xFFFFE003, lr  }
0x1b: {  	s9 =	sadd.s32 $0xFFFFFEF7, lr;
	s5 =	simm.s32 $0xFFFFFFFF;
	p2 =	slt.u32 s8, $0xFFFFF086  }
0x1c: {  	p1 =	slt.u32 s9, $0xF7A;
	s5 =	simm.s32 @!p2 $0x0  }
0x1d: {  	s5 =	simm.s32 @p1 $0x1;
	p0 =	seq.s32 s7, s2  }
0x1e: {  	s7 =	smul.u32 @!p0 $0xF7A, s2;
	p2 =	seq.s32 @!p0 s5, $0x0  }
0x1f: {  	s9 =	smul.u32 $0xF7A, s1;
	s8 =	simm.s32 @!p0 $0x1BF5;
	p2 =	por !p2, p0  }
0x20: {  	[sflag:s8] =	ssyncset.s32 @!p0 $0xFFFFF086;
	s6 =	sadd.s32 @!p0 s3, s7;
	s7 =	simm.s32 @!p0 $0x108  }
0x21: {  	s3 =	sadd.s32 s3, s9;
	s6 =	sadd.s32 @!p0 $0x88, s6;
	s7 =	simm.s32 @p2 $0x1082  }
0x22: {  	[simem:s7], [sflag:s8] =	dma.local @!p0 [hbm:s6], $0xF7A  }
0x23: {  	s9 =	sor.u32 $0xD0000000, s2;
	s6 =	simm.s32 $0x108;
	_ =	swait.ge @!p0 [sflag:s8], $0x0  }
0x24: {  	s3 =	sadd.s32 $0x88, s3;
	s6 =	simm.s32 @!p1 $0x1082;
	[sflag:s4] =	ssyncset.s32 $0xFFFFF086  }
0x25: {  	[simem:s6], [sflag:s4] =	dma.local [hbm:s3], $0xF7A  }
0x26: {  	[smem:$0x3F9B] =	sst s1;
	(tag) =	ssettag s2;
	_ =	strace s9  }
0x27: {  	s1 =	sld [smem:$0x3FAB]  }
0x28: {  	s2 =	sld [smem:$0x3FAC]  }
0x29: {  	s4 =	sld [smem:$0x3FAE]  }
0x2a: {  	p0 =	seq.s32 s5, $0x0;
	s5 =	sld [smem:$0x3FAF]  }
0x2b: {  	s6 =	sld [smem:$0x3FB0]  }
0x2c: {  	s7 =	sld [smem:$0x3FB1]  }
0x2d: {  	s3 =	simm.s32 $0x108;
	s8 =	sld [smem:$0x3FB2]  }
0x2e: {  	s3 =	simm.s32 @!p0 $0x1082;
	s9 =	sld [smem:$0x3FB3]  }
0x2f: {  	lr =	sadd.s32 s0, s3;
	s0 =	sld [smem:$0x3FAA]  }
0x30: {  	s3 =	sld [smem:$0x3FAD]  }
0x31: {  	[smem:$0x3FB6] =	sst s10  }
0x32: {  	s10 =	sld [smem:$0x3FB4];
	_ =	sdelay $0x3  }
0x33: {  	p0 =	seq.s32 s10, $0x1;
	s10 =	sld [smem:$0x3FB6];
	_ =	sdelay $0x3  }
0x34: {  	[smem:$0x3FB6] =	sst s10  }
0x35: {  	s10 =	sld [smem:$0x3FB5];
	_ =	sdelay $0x3  }
0x36: {  	p1 =	seq.s32 s10, $0x1;
	s10 =	sld [smem:$0x3FB6];
	_ =	sdelay $0x3  }
0x37: {  	[smem:$0x3FB6] =	sst s10  }
0x38: {  	s10 =	sld [smem:$0x3FB7]  }
0x39: {  	_ = 	snop;
	(pc) =	sbr.ind lr, $3  }
0x3a: {  	_ = 	snop  }
0x3b: {  	_ = 	snop  }
0x3c: {  	p2 =	seq.s32 s10, $0x1;
	s10 =	sld [smem:$0x3FB6]  }
0x3d: {  	_ =	shalt  }
0x3e: {  	_ =	shalt  }
0x3f: {  	_ =	shalt  }
0x40: {  	_ =	shalt  }
0x41: {  	_ =	shalt  }
0x42: {  	_ =	shalt  }
0x43: {  	_ =	shalt  }
0x44: {  	_ =	shalt  }
0x45: {  	_ =	shalt  }
0x46: {  	_ =	shalt  }
0x47: {  	_ =	shalt  }
0x48: {  	_ =	shalt  }
0x49: {  	_ =	shalt  }
0x4a: {  	_ =	shalt  }
0x4b: {  	_ =	shalt  }
0x4c: {  	_ =	shalt  }
0x4d: {  	_ =	shalt  }
0x4e: {  	_ =	shalt  }
0x4f: {  	_ =	shalt  }
0x50: {  	_ =	shalt  }
0x51: {  	_ =	shalt  }
0x52: {  	_ =	shalt  }
0x53: {  	_ =	shalt  }
0x54: {  	_ =	shalt  }
0x55: {  	_ =	shalt  }
0x56: {  	_ =	shalt  }
0x57: {  	_ =	shalt  }
0x58: {  	_ =	shalt  }
0x59: {  	_ =	shalt  }
0x5a: {  	_ =	shalt  }
0x5b: {  	_ =	shalt  }
0x5c: {  	_ =	shalt  }
0x5d: {  	_ =	shalt  }
0x5e: {  	_ =	shalt  }
0x5f: {  	_ =	shalt  }
0x60: {  	_ =	shalt  }
0x61: {  	_ =	shalt  }
0x62: {  	_ =	shalt  }
0x63: {  	_ =	shalt  }
0x64: {  	_ =	shalt  }
0x65: {  	_ =	shalt  }
0x66: {  	_ =	shalt  }
0x67: {  	_ =	shalt  }
0x68: {  	_ =	shalt  }
0x69: {  	_ =	shalt  }
0x6a: {  	_ =	shalt  }
0x6b: {  	_ =	shalt  }
0x6c: {  	_ =	shalt  }
0x6d: {  	_ =	shalt  }
0x6e: {  	_ =	shalt  }
0x6f: {  	_ =	shalt  }
0x70: {  	_ =	shalt  }
0x71: {  	_ =	shalt  }
0x72: {  	_ =	shalt  }
0x73: {  	_ =	shalt  }
0x74: {  	_ =	shalt  }
0x75: {  	_ =	shalt  }
0x76: {  	_ =	shalt  }
0x77: {  	_ =	shalt  }
0x78: {  	_ =	shalt  }
0x79: {  	_ =	shalt  }
0x7a: {  	_ =	shalt  }
0x7b: {  	_ =	shalt  }
0x7c: {  	_ =	shalt  }
0x7d: {  	_ =	shalt  }
0x7e: {  	_ =	shalt  }
0x7f: {  	_ =	shalt  }
0x80: {  	_ =	shalt  }
0x81: {  	_ =	shalt  }
0x82: {  	_ =	shalt  }
0x83: {  	_ =	shalt  }
0x84: {  	_ =	shalt  }
0x85: {  	_ =	shalt  }
0x86: {  	_ =	shalt  }
0x87: {  	_ =	shalt  }
.Lfunc_end0:
.L_simem_size_0:
called_computation.1_lowered:
.L_overlay_start_0:
0x88: {  	s2 =	sld [smem:$0x3FD9]  }
0x89: {  	s3 =	sld [smem:$0x3FFE];
	_ =	sdelay $0x1  }
0x8a: {  	s1 =	srdreg.scid  }
0x8b: {  	s0 =	sand.u32 $0x1, s1  }
0x8c: {  	s17 =	sshll.u32 s0, $0xA;
	s2 =	sadd.s32 s3, s2  }
0x8d: {  	s2 =	sadd.s32 s2, s17  }
0x8e: {  	[smem:$0x3FC2] =	sst s2  }
0x8f: {  	_ = 	snop  }
0x90: {  	s2 =	sld [smem:$0x3FD0];
	(tm) =	ssettm $0x1  }
0x91: {  	s18 =	sld [smem:$0x3FFB];
	_ =	sdelay $0x3  }
0x92: {  	_ =	strace s18  }
0x93: {  	s3 =	sld [smem:$0x3FFC];
	_ =	sdelay $0x3  }
0x94: {  	_ =	strace s3  }
0x95: {  	s3 =	sld [smem:$0x3FFD];
	_ =	sdelay $0x3  }
0x96: {  	_ =	strace s3  }
0x97: {  	_ =	strace $0x8FFFFFFF  }
0x98: {  	s19 =	sld [smem:$0x3FDB];
	_ =	sdelay $0x1  }
0x99: {  	s4 =	simm.s32 $_scs_section_size  }
0x9a: {  	s5 =	simm.s32 $_size__tile_overlayer_lowered;
	s6 =	simm.s32 $_tile_overlayer_lowered  }
0x9b: {  	s22 =	simm.s32 $0x1BFF;
	s21 =	sshll.u32 s6, $0x1;
	s3 =	sadd.s32 s4, s19  }
0x9c: {  	s7 =	simm.s32 $0x0;
	s20 =	sshll.u32 s5, $0x1;
	s5 =	sadd.s32 s21, s3  }
0x9d: {  	[timem:s7], [sflag:s22] =	dma.local [hbm:s5], s20  }
0x9e: {  	_ =	swait.ge [sflag:s22], s20  }
0x9f: {  	s4 =	ssub.s32 $0x0, s20;
	[sflag:s22] =	ssyncset.done $0x0  }
0xa0: {  	[sflag:s22] =	ssyncadd.s32 s4;
	_ =	sdelay $0x1  }
0xa1: {  	s23 =	simm.s32 $0x1B8B  }
0xa2: {  	_ =	swait.ge [sflag:s23], $0x1  }
0xa3: {  	[sflag:s23] =	ssyncset.done $0x0  }
0xa4: {  	s25 =	simm.s32 $0x1B8E;
	s24 =	sld [smem:$0x3FFE];
	[sflag:s23] =	ssyncadd.s32 $0xFFFFFFFF  }
0xa5: {  	s26 =	simm.s32 $execute0_lowered;
	[smem:$0x3FD2] =	sst s25  }
0xa6: {  	s5 =	sshll.u32 s26, $0x1;
	_ =	strace $0x80000049;
	[dreg:$0x1] =	wrdreg $0xFFFFFFFF  }
0xa7: {  	s28 =	simm.s32 $_size_execute0_lowered;
	s3 =	sadd.s32 s3, s5;
	[dreg:$0x0] =	wrdreg $0x0  }
0xa8: {  	s5 =	sshll.u32 s28, $0x1;
	[dreg:$0x2] =	wrdreg s3  }
0xa9: {  	[dreg:$0x3] =	wrdreg s5  }
0xaa: {  	[dreg:$0x4] =	wrdreg $0xC0  }
0xab: {  	_ =	task [dreg:s7], $0x5FFFF  }
0xac: {  	[dreg:$0x1] =	wrdreg $0xFFFFFFFF  }
0xad: {  	[dreg:$0x0] =	wrdreg $0x60  }
0xae: {  	[dreg:$0x2] =	wrdreg s2  }
0xaf: {  	[dreg:$0x3] =	wrdreg s24  }
0xb0: {  	[dreg:$0x4] =	wrdreg $0x90000  }
0xb1: {  	[dreg:$0x5] =	wrdreg $0x9  }
0xb2: {  	_ =	task.clear_ibuf [dreg:s7], $0x6FFFF;
	_ =	strace $0x90000049  }
0xb3: {  	s29 =	simm.s32 $0x9;
	_ =	strace $0x8000004B  }
0xb4: {  	_ =	swait.ge [sflag:s29], $0x1  }
0xb5: {  	[sflag:s29] =	ssyncadd.s32 $0xFFFFFFFF  }
0xb6: {  	_ =	strace $0x9000004B  }
0xb7: {  	_ =	sfence  }
0xb8: {  	s30 =	sld [smem:$0x0];
	_ =	sdelay $0x2  }
0xb9: {  	s31 =	sshll.u32 s1, $0xD;
	s1 =	sshrl.u32 s1, $0x2  }
0xba: {  	s3 =	sand.u32 $0x4000, s31;
	s1 =	sadd.s32 s1, s30  }
0xbb: {  	s0 =	sor.u32 s3, s0;
	s1 =	sshll.u32 s1, $0x11  }
0xbc: {  	s0 =	sor.u32 s1, s0  }
0xbd: {  	s0 =	sadd.s32 $0x8F2B, s0  }
0xbe: {  	[sflag:s0] =	ssyncadd.remote.s32 $0x1  }
0xbf: {  	_ =	sfence.sel $0xFFFF  }
0xc0: {  	[dreg:$0x0] =	wrdreg $0xFFFFFFFF;
	(pc) =	sbr.abs _section_cstart, $3  }
0xc1: {  	[dreg:$0x1] =	wrdreg $0xFFFFFFFF  }
0xc2: {  	_ =	task.clear_ibuf [dreg:s7], $0x2FFFF;
	_ =	strace $0x9FFFFFFF  }
0xc3: {  	(tm) =	ssettm $0x7FFFFFFF  }
tec
execute0_lowered:
.L_overlay_start_1:
0x0: {  	(tag) =	ssettag $0x1  }
0x1: {  	s1 =	rddreg [dreg:$0x0]  }
0x2: {  	s0 =	srdreg.scid;
	s2 =	rddreg [dreg:$0x1]  }
0x3: {  	s12 =	stileid.u32;
	s3 =	rddreg [dreg:$0x2]  }
0x4: {  	s4 =	simm.s32 $0x0;
	s14 =	simm.s32 $0x80;
	s15 =	simm.s32 $0x100  }
0x5: {  	s17 =	simm.s32 $0x480;
	s19 =	simm.s32 $0x180;
	[smem:$0x7FF] =	sst s4  }
0x6: {  	s20 =	simm.s32 $0x500;
	_ =	strace $0x8000004A;
	[dreg:$0x7] =	wrdreg s14  }
0x7: {  	s21 =	simm.s32 $0x200;
	s22 =	simm.s32 $0x580;
	[dreg:$0x8] =	wrdreg s15  }
0x8: {  	s28 =	simm.s32 $0xB00;
	s29 =	simm.s32 $0xE80;
	[dreg:$0x9] =	wrdreg s17  }
0x9: {  	s30 =	simm.s32 $0xB80;
	s31 =	simm.s32 $0xF00;
	[dreg:$0xa] =	wrdreg s19  }
0xa: {  	s0 =	sand.u32 $0x1, s0;
	s6 =	smul.u32 $0x14000, s12;
	[dreg:$0xb] =	wrdreg s20  }
0xb: {  	s7 =	smul.u32 $0x5000, s12;
	s9 =	sshll.u32 s12, $0x1;
	[dreg:$0xc] =	wrdreg s21  }
0xc: {  	s18 =	smul.u32 $0x50000, s12;
	[dreg:$0xd] =	wrdreg s22;
	s15 =	simm.s32 $0x380  }
0xd: {  	s5 =	smul.u32 $0x140000, s0;
	s17 =	simm.s32 $0x780;
	[dreg:$0x12] =	wrdreg s15  }
0xe: {  	s8 =	smul.u32 $0x2800, s0;
	s19 =	simm.s32 $0x900;
	[dreg:$0x14] =	wrdreg s17  }
0xf: {  	s23 =	ssub.s32 $0x2, s0;
	s20 =	simm.s32 $0xC80;
	[dreg:$0x16] =	wrdreg s19  }
0x10: {  	s0 =	sor.u32 s0, s9;
	s21 =	simm.s32 $0x980;
	[dreg:$0x17] =	wrdreg s20  }
0x11: {  	s22 =	simm.s32 $0xD00;
	s24 =	sshrl.u32 s23, $0x1;
	[dreg:$0x18] =	wrdreg s21  }
0x12: {  	s0 =	smul.u32 $0x2800, s0;
	s17 =	simm.s32 $0x400;
	[dreg:$0x19] =	wrdreg s22  }
0x13: {  	s6 =	sadd.s32 s6, s5;
	s5 =	sadd.s32 $0x2800, s2;
	s7 =	sadd.s32 s8, s7  }
0x14: {  	s8 =	sshrl.u32 s18, $0x2;
	s18 =	simm.s32 $0x880;
	s10 =	sadd.s32 $0x50800, s7  }
0x15: {  	s26 =	sadd.s32 $0x50400, s7;
	s0 =	sshrl.u32 s0, $0x3;
	s8 =	sadd.s32 s8, s3  }
0x16: {  	[dreg:$0x15] =	wrdreg s18;
	s25 =	sshrl.u32 s10, $0x3;
	s16 =	sadd.s32 s5, s0  }
0x17: {  	s10 =	sshrl.u32 s26, $0x3;
	s26 =	simm.s32 $0x600;
	[dreg:$0x1e] =	wrdreg s16  }
0x18: {  	s19 =	simm.s32 $0x4;
	s12 =	sadd.s32 $0xFA00, s8;
	[dreg:$0xf] =	wrdreg s26  }
0x19: {  	s20 =	simm.s32 $0x3;
	s14 =	sadd.s32 $0x13880, s8;
	[smem:$0x7FC] =	sst s12  }
0x1a: {  	s11 =	sor.u32 $0x400, s7;
	s9 =	sadd.s32 s25, s5;
	[smem:$0x7FD] =	sst s14  }
0x1b: {  	s11 =	sshrl.u32 s11, $0x3;
	s10 =	sadd.s32 s10, s5;
	[dreg:$0x4] =	wrdreg s9  }
0x1c: {  	s6 =	sshrl.u32 s6, $0x3;
	s13 =	sadd.s32 s11, s5;
	[dreg:$0x5] =	wrdreg s10  }
0x1d: {  	s2 =	sadd.s32 s6, s2;
	s6 =	sadd.s32 $0xA000, s16;
	[dreg:$0x6] =	wrdreg s13  }
0x1e: {  	s21 =	simm.s32 $0x7D;
	s25 =	sadd.s32 $0x7D00, s8;
	[dreg:$0x1f] =	wrdreg s6  }
0x1f: {  	s22 =	simm.s32 $0x1000;
	s11 =	simm.s32 $0x300;
	[smem:$0x7FA] =	sst s25  }
0x20: {  	s18 =	simm.s32 $0x5000;
	s16 =	simm.s32 $0x700;
	[dreg:$0x10] =	wrdreg s11  }
0x21: {  	s0 =	simm.s32 $0x0;
	s26 =	simm.s32 $0xE00;
	[dreg:$0x13] =	wrdreg s16  }
0x22: {  	s10 =	ssub.s32 s23, s24;
	s23 =	sadd.s32 $0x3E80, s8;
	[dreg:$0x1d] =	wrdreg s26  }
0x23: {  	s14 =	sadd.s32 $0x16800, s2;
	s24 =	simm.s32 $0x280;
	[smem:$0x7F9] =	sst s23  }
0x24: {  	s2 =	simm.s32 $0xF80;
	s9 =	sadd.s32 $0xBB80, s8;
	[dreg:$0xe] =	wrdreg s24  }
0x25: {  	s13 =	simm.s32 $0x680;
	s25 =	simm.s32 $0xA80;
	[smem:$0x7FB] =	sst s9  }
0x26: {  	s26 =	simm.s32 $0x2;
	[dreg:$0x11] =	wrdreg s13;
	s15 =	smax.u32 s10, $0x1  }
0x27: {  	s9 =	sadd.s32 $0x800, s7;
	s23 =	simm.s32 $0xA00;
	[dreg:$0x1c] =	wrdreg s25  }
0x28: {  	s24 =	simm.s32 $0xD80;
	s25 =	simm.s32 $0x1;
	[dreg:$0x1a] =	wrdreg s23  }
0x29: {  	v0 =	vimm.f32 $0.0e+00;
	s23 =	simm.s32 $0x800;
	[dreg:$0x1b] =	wrdreg s24;
	s24 =	simm.s32 $0xC00  }
.LBB2_1:
0x2a: {  	s6 =	rddreg [dreg:$0x1e]  }
0x2b: {  	[tilespmem:s4], [sflag:$0x3] =	stream.linear.gather [hbm4b:s6+s4], $0x400, $0x38;
	[tilespmem:$0x1D000] =	vst v63  }
0x2c: {  	s16 =	rddreg [dreg:$0x1f];
	s7 =	simm.s32 $0x0;
	s10 =	simm.s32 $0x200  }
0x2d: {  	[tilespmem:s17], [sflag:$0x3] =	stream.linear.gather [hbm4b:s16+s4], $0x400, $0x38;
	[tilespmem:$0x1D000] =	vst v63  }
.LBB2_2:
0x2e: {  	p0 =	sne.s32 s10, $0xF800;
	[tilespmem:s7+$0x5070] =	vst v0  }
0x2f: {  	[tilespmem:s7+$0x5000] =	vst v0  }
0x30: {  	[tilespmem:s7+$0x5010] =	vst v0  }
.Ltmp0:
0x31: {  	[tilespmem:s7+$0x5020] =	vst v0;
	(pc) =	sbr.rel @p0 .LBB2_2-.Ltmp0, $4  }
0x32: {  	[tilespmem:s7+$0x5030] =	vst v0  }
0x33: {  	[tilespmem:s7+$0x5040] =	vst v0  }
0x34: {  	[tilespmem:s7+$0x5050] =	vst v0  }
0x35: {  	[tilespmem:s7+$0x5060] =	vst v0;
	s7 =	sshra.s32 s10, $0x2;
	s10 =	sadd.s32 $0x200, s10  }
0x36: {  	[tilespmem:s7+$0x5070] =	vst v0  }
0x37: {  	[tilespmem:s7+$0x5000] =	vst v0  }
0x38: {  	[tilespmem:s7+$0x5010] =	vst v0  }
0x39: {  	[tilespmem:s7+$0x5020] =	vst v0  }
0x3a: {  	[tilespmem:s7+$0x5030] =	vst v0  }
0x3b: {  	[tilespmem:s7+$0x5040] =	vst v0  }
0x3c: {  	[tilespmem:s7+$0x5050] =	vst v0  }
0x3d: {  	[tilespmem:s7+$0x5060] =	vst v0  }
0x3e: {  	[spmem:s8] =	stream.linear.scatter [tilespmem:s18], [sflag:$0x4], $0x3E80, $0x38;
	[tilespmem:$0x1D000] =	vst v63  }
0x3f: {  	_ =	swait.ge [sflag:s19], $0x3E80  }
0x40: {  	s6 =	sld [smem:$0x7F9]  }
0x41: {  	[sflag:s19] =	ssyncset.done $0x0  }
0x42: {  	[sflag:s19] =	ssyncadd.s32 $0xFFFFC180  }
0x43: {  	[spmem:s6] =	stream.linear.scatter [tilespmem:s18], [sflag:$0x4], $0x3E80, $0x38;
	[tilespmem:$0x1D000] =	vst v63  }
0x44: {  	_ =	swait.ge [sflag:s19], $0x3E80  }
0x45: {  	s16 =	sld [smem:$0x7FA]  }
0x46: {  	[sflag:s19] =	ssyncset.done $0x0  }
0x47: {  	[sflag:s19] =	ssyncadd.s32 $0xFFFFC180  }
0x48: {  	[spmem:s16] =	stream.linear.scatter [tilespmem:s18], [sflag:$0x4], $0x3E80, $0x38;
	[tilespmem:$0x1D000] =	vst v63  }
0x49: {  	_ =	swait.ge [sflag:s19], $0x3E80  }
0x4a: {  	s7 =	sld [smem:$0x7FB]  }
0x4b: {  	[sflag:s19] =	ssyncset.done $0x0  }
0x4c: {  	[sflag:s19] =	ssyncadd.s32 $0xFFFFC180  }
0x4d: {  	[spmem:s7] =	stream.linear.scatter [tilespmem:s18], [sflag:$0x4], $0x3E80, $0x38;
	[tilespmem:$0x1D000] =	vst v63  }
0x4e: {  	_ =	swait.ge [sflag:s19], $0x3E80  }
0x4f: {  	s10 =	sld [smem:$0x7FC]  }
0x50: {  	[sflag:s19] =	ssyncset.done $0x0  }
0x51: {  	[sflag:s19] =	ssyncadd.s32 $0xFFFFC180  }
0x52: {  	[spmem:s10] =	stream.linear.scatter [tilespmem:s18], [sflag:$0x4], $0x3E80, $0x38;
	[tilespmem:$0x1D000] =	vst v63  }
0x53: {  	_ =	swait.ge [sflag:s19], $0x3E80  }
0x54: {  	s11 =	sld [smem:$0x7FD]  }
0x55: {  	[sflag:s19] =	ssyncset.done $0x0  }
0x56: {  	[sflag:s19] =	ssyncadd.s32 $0xFFFFC180  }
0x57: {  	[spmem:s11] =	stream.linear.scatter [tilespmem:s18], [sflag:$0x4], $0x780, $0x38;
	[tilespmem:$0x1D000] =	vst v63  }
0x58: {  	_ =	swait.ge [sflag:s19], $0x780  }
0x59: {  	[sflag:s19] =	ssyncset.done $0x0  }
0x5a: {  	[sflag:s19] =	ssyncadd.s32 $0xFFFFF880  }
0x5b: {  	_ =	swait.ge [sflag:s20], $0x400  }
0x5c: {  	[sflag:s20] =	ssyncset.done $0x0  }
0x5d: {  	[sflag:s20] =	ssyncadd.s32 $0xFFFFFC00  }
0x5e: {  	_ =	swait.ge [sflag:s20], $0x400  }
0x5f: {  	[sflag:s20] =	ssyncset.done $0x0  }
0x60: {  	s12 =	simm.s32 $0x0;
	[sflag:s20] =	ssyncadd.s32 $0xFFFFFC00  }
0x61: {  	[tilespmem:s22], [sflag:$0x1] =	stream.indirect.gather [hbm4b:s1+s21], $0x80, s12, s21, $0xb8;
	[tilespmem:$0x1D000] =	vst v63  }
0x62: {  	[bflag:$0x0] =	sbarrier.arrive $0xFFFF  }
0x63: {  	s13 =	rddreg [dreg:$0x6]  }
0x64: {  	s10 =	rddreg [dreg:$0x5];
	s7 =	sadd.s32 $0x0, s13  }
0x65: {  	[tilespmem:s23], [sflag:$0x3] =	stream.linear.gather [hbm4b:s7+s4], $0x400, $0x38;
	[tilespmem:$0x1D000] =	vst v63  }
0x66: {  	s16 =	sadd.s32 $0x0, s10  }
0x67: {  	[tilespmem:s24], [sflag:$0x3] =	stream.linear.gather [hbm4b:s16+s4], $0x400, $0x38;
	[tilespmem:$0x1D000] =	vst v63  }
0x68: {  	s6 =	rddreg [dreg:$0x7]  }
0x69: {  	[tilespmem:s18], [sflag:$0x2] =	stream.indirect.gather [hbm4b:s1+s21], $0x80, s6, s21, $0xb8;
	[tilespmem:$0x1D000] =	vst v63  }
0x6a: {  	_ =	swait.ge [sflag:s25], $0x3E80  }
0x6b: {  	[sflag:s25] =	ssyncset.done $0x0  }
0x6c: {  	[sflag:s25] =	ssyncadd.s32 $0xFFFFC180  }
0x6d: {  	[spmem:s3] =	stream.indirect.scatter.add.f32 [tilespmem:s22], [sflag:$0x4], $0x80, s17, s21, $0xb8;
	[tilespmem:$0x1D000] =	vst v63  }
0x6e: {  	_ =	swait.ge [sflag:s19], $0x3E80  }
0x6f: {  	[sflag:s19] =	ssyncset.done $0x0  }
0x70: {  	s11 =	rddreg [dreg:$0x8];
	[sflag:s19] =	ssyncadd.s32 $0xFFFFC180  }
0x71: {  	[tilespmem:s22], [sflag:$0x1] =	stream.indirect.gather [hbm4b:s1+s21], $0x80, s11, s21, $0xb8;
	[tilespmem:$0x1D000] =	vst v63  }
0x72: {  	_ =	swait.ge [sflag:s26], $0x3E80  }
0x73: {  	[sflag:s26] =	ssyncset.done $0x0  }
0x74: {  	s12 =	rddreg [dreg:$0x9];
	[sflag:s26] =	ssyncadd.s32 $0xFFFFC180  }
0x75: {  	[spmem:s3] =	stream.indirect.scatter.add.f32 [tilespmem:s18], [sflag:$0x4], $0x80, s12, s21, $0xb8;
	[tilespmem:$0x1D000] =	vst v63  }
0x76: {  	_ =	swait.ge [sflag:s19], $0x3E80  }
0x77: {  	[sflag:s19] =	ssyncset.done $0x0  }
0x78: {  	s13 =	rddreg [dreg:$0xa];
	[sflag:s19] =	ssyncadd.s32 $0xFFFFC180  }
0x79: {  	[tilespmem:s18], [sflag:$0x2] =	stream.indirect.gather [hbm4b:s1+s21], $0x80, s13, s21, $0xb8;
	[tilespmem:$0x1D000] =	vst v63  }
0x7a: {  	_ =	swait.ge [sflag:s25], $0x3E80  }
0x7b: {  	[sflag:s25] =	ssyncset.done $0x0  }
0x7c: {  	s16 =	rddreg [dreg:$0xb];
	[sflag:s25] =	ssyncadd.s32 $0xFFFFC180  }
0x7d: {  	[spmem:s3] =	stream.indirect.scatter.add.f32 [tilespmem:s22], [sflag:$0x4], $0x80, s16, s21, $0xb8;
	[tilespmem:$0x1D000] =	vst v63  }
0x7e: {  	_ =	swait.ge [sflag:s19], $0x3E80  }
0x7f: {  	[sflag:s19] =	ssyncset.done $0x0  }
0x80: {  	s6 =	rddreg [dreg:$0xc];
	[sflag:s19] =	ssyncadd.s32 $0xFFFFC180  }
0x81: {  	[tilespmem:s22], [sflag:$0x1] =	stream.indirect.gather [hbm4b:s1+s21], $0x80, s6, s21, $0xb8;
	[tilespmem:$0x1D000] =	vst v63  }
0x82: {  	_ =	swait.ge [sflag:s26], $0x3E80  }
0x83: {  	[sflag:s26] =	ssyncset.done $0x0  }
0x84: {  	s10 =	rddreg [dreg:$0xd];
	[sflag:s26] =	ssyncadd.s32 $0xFFFFC180  }
0x85: {  	[spmem:s3] =	stream.indirect.scatter.add.f32 [tilespmem:s18], [sflag:$0x4], $0x80, s10, s21, $0xb8;
	[tilespmem:$0x1D000] =	vst v63  }
0x86: {  	_ =	swait.ge [sflag:s19], $0x3E80  }
0x87: {  	[sflag:s19] =	ssyncset.done $0x0  }
0x88: {  	s11 =	rddreg [dreg:$0xe];
	[sflag:s19] =	ssyncadd.s32 $0xFFFFC180  }
0x89: {  	[tilespmem:s18], [sflag:$0x2] =	stream.indirect.gather [hbm4b:s1+s21], $0x80, s11, s21, $0xb8;
	[tilespmem:$0x1D000] =	vst v63  }
0x8a: {  	_ =	swait.ge [sflag:s25], $0x3E80  }
0x8b: {  	[sflag:s25] =	ssyncset.done $0x0  }
0x8c: {  	s12 =	rddreg [dreg:$0xf];
	[sflag:s25] =	ssyncadd.s32 $0xFFFFC180  }
0x8d: {  	[spmem:s3] =	stream.indirect.scatter.add.f32 [tilespmem:s22], [sflag:$0x4], $0x80, s12, s21, $0xb8;
	[tilespmem:$0x1D000] =	vst v63  }
0x8e: {  	_ =	swait.ge [sflag:s19], $0x3E80  }
0x8f: {  	[sflag:s19] =	ssyncset.done $0x0  }
0x90: {  	s13 =	rddreg [dreg:$0x10];
	[sflag:s19] =	ssyncadd.s32 $0xFFFFC180  }
0x91: {  	[tilespmem:s22], [sflag:$0x1] =	stream.indirect.gather [hbm4b:s1+s21], $0x80, s13, s21, $0xb8;
	[tilespmem:$0x1D000] =	vst v63  }
0x92: {  	_ =	swait.ge [sflag:s26], $0x3E80  }
0x93: {  	[sflag:s26] =	ssyncset.done $0x0  }
0x94: {  	s16 =	rddreg [dreg:$0x11];
	[sflag:s26] =	ssyncadd.s32 $0xFFFFC180  }
0x95: {  	[spmem:s3] =	stream.indirect.scatter.add.f32 [tilespmem:s18], [sflag:$0x4], $0x80, s16, s21, $0xb8;
	[tilespmem:$0x1D000] =	vst v63  }
0x96: {  	_ =	swait.ge [sflag:s19], $0x3E80  }
0x97: {  	[sflag:s19] =	ssyncset.done $0x0  }
0x98: {  	s6 =	rddreg [dreg:$0x12];
	[sflag:s19] =	ssyncadd.s32 $0xFFFFC180  }
0x99: {  	[tilespmem:s18], [sflag:$0x2] =	stream.indirect.gather [hbm4b:s1+s21], $0x80, s6, s21, $0xb8;
	[tilespmem:$0x1D000] =	vst v63  }
0x9a: {  	_ =	swait.ge [sflag:s25], $0x3E80  }
0x9b: {  	[sflag:s25] =	ssyncset.done $0x0  }
0x9c: {  	s10 =	rddreg [dreg:$0x13];
	[sflag:s25] =	ssyncadd.s32 $0xFFFFC180  }
0x9d: {  	[spmem:s3] =	stream.indirect.scatter.add.f32 [tilespmem:s22], [sflag:$0x4], $0x80, s10, s21, $0xb8;
	[tilespmem:$0x1D000] =	vst v63  }
0x9e: {  	_ =	swait.ge [sflag:s19], $0x3E80  }
0x9f: {  	[sflag:s19] =	ssyncset.done $0x0  }
0xa0: {  	[sflag:s19] =	ssyncadd.s32 $0xFFFFC180  }
0xa1: {  	_ =	swait.ge [sflag:s20], $0x400  }
0xa2: {  	[sflag:s20] =	ssyncset.done $0x0  }
0xa3: {  	[sflag:s20] =	ssyncadd.s32 $0xFFFFFC00  }
0xa4: {  	_ =	swait.ge [sflag:s20], $0x400  }
0xa5: {  	[sflag:s20] =	ssyncset.done $0x0  }
0xa6: {  	[sflag:s20] =	ssyncadd.s32 $0xFFFFFC00  }
0xa7: {  	[tilespmem:s22], [sflag:$0x1] =	stream.indirect.gather [hbm4b:s1+s21], $0x80, s23, s21, $0xb8;
	[tilespmem:$0x1D000] =	vst v63  }
0xa8: {  	_ =	swait.ge [sflag:s26], $0x3E80  }
0xa9: {  	[sflag:s26] =	ssyncset.done $0x0  }
0xaa: {  	p0 =	por $0x0, $0x0;
	s11 =	rddreg [dreg:$0x14];
	[sflag:s26] =	ssyncadd.s32 $0xFFFFC180  }
0xab: {  	[spmem:s3] =	stream.indirect.scatter.add.f32 [tilespmem:s18], [sflag:$0x4], $0x80, s11, s21, $0xb8;
	[tilespmem:$0x1D000] =	vst v63  }
0xac: {  	s7 =	sshrl.u32 @!p0 s9, $0x3;
	_ =	swait.ge [sflag:s19], $0x3E80  }
0xad: {  	s11 =	sadd.s32 @!p0 s5, s7;
	[sflag:s19] =	ssyncset.done $0x0  }
0xae: {  	s7 =	simm.s32 @!p0 $0x0;
	s10 =	rddreg [dreg:$0x4];
	[sflag:s19] =	ssyncadd.s32 $0xFFFFC180  }
0xaf: {  	[tilespmem:s7], [sflag:$0x3] =	stream.linear.gather @!p0 [hbm4b:s11+s7], $0x400, $0x38;
	[tilespmem:$0x1D000] =	vst v63  }
0xb0: {  	s10 =	sadd.s32 @!p0 $0x0, s10;
	s11 =	simm.s32 @!p0 $0x400  }
0xb1: {  	[tilespmem:s11], [sflag:$0x3] =	stream.linear.gather @!p0 [hbm4b:s10+s7], $0x400, $0x38;
	[tilespmem:$0x1D000] =	vst v63  }
0xb2: {  	s12 =	rddreg [dreg:$0x15]  }
0xb3: {  	[tilespmem:s18], [sflag:$0x2] =	stream.indirect.gather [hbm4b:s1+s21], $0x80, s12, s21, $0xb8;
	[tilespmem:$0x1D000] =	vst v63  }
0xb4: {  	_ =	swait.ge [sflag:s25], $0x3E80  }
0xb5: {  	[sflag:s25] =	ssyncset.done $0x0  }
0xb6: {  	[sflag:s25] =	ssyncadd.s32 $0xFFFFC180  }
0xb7: {  	[spmem:s3] =	stream.indirect.scatter.add.f32 [tilespmem:s22], [sflag:$0x4], $0x80, s24, s21, $0xb8;
	[tilespmem:$0x1D000] =	vst v63  }
0xb8: {  	_ =	swait.ge [sflag:s19], $0x3E80  }
0xb9: {  	[sflag:s19] =	ssyncset.done $0x0  }
0xba: {  	s12 =	rddreg [dreg:$0x16];
	[sflag:s19] =	ssyncadd.s32 $0xFFFFC180  }
0xbb: {  	[tilespmem:s22], [sflag:$0x1] =	stream.indirect.gather [hbm4b:s1+s21], $0x80, s12, s21, $0xb8;
	[tilespmem:$0x1D000] =	vst v63  }
0xbc: {  	_ =	swait.ge [sflag:s26], $0x3E80  }
0xbd: {  	[sflag:s26] =	ssyncset.done $0x0  }
0xbe: {  	s13 =	rddreg [dreg:$0x17];
	[sflag:s26] =	ssyncadd.s32 $0xFFFFC180  }
0xbf: {  	[spmem:s3] =	stream.indirect.scatter.add.f32 [tilespmem:s18], [sflag:$0x4], $0x80, s13, s21, $0xb8;
	[tilespmem:$0x1D000] =	vst v63  }
0xc0: {  	_ =	swait.ge [sflag:s19], $0x3E80  }
0xc1: {  	[sflag:s19] =	ssyncset.done $0x0  }
0xc2: {  	s16 =	rddreg [dreg:$0x18];
	[sflag:s19] =	ssyncadd.s32 $0xFFFFC180  }
0xc3: {  	[tilespmem:s18], [sflag:$0x2] =	stream.indirect.gather [hbm4b:s1+s21], $0x80, s16, s21, $0xb8;
	[tilespmem:$0x1D000] =	vst v63  }
0xc4: {  	_ =	swait.ge [sflag:s25], $0x3E80  }
0xc5: {  	[sflag:s25] =	ssyncset.done $0x0  }
0xc6: {  	s6 =	rddreg [dreg:$0x19];
	[sflag:s25] =	ssyncadd.s32 $0xFFFFC180  }
0xc7: {  	[spmem:s3] =	stream.indirect.scatter.add.f32 [tilespmem:s22], [sflag:$0x4], $0x80, s6, s21, $0xb8;
	[tilespmem:$0x1D000] =	vst v63  }
0xc8: {  	_ =	swait.ge [sflag:s19], $0x3E80  }
0xc9: {  	[sflag:s19] =	ssyncset.done $0x0  }
0xca: {  	s11 =	rddreg [dreg:$0x1a];
	[sflag:s19] =	ssyncadd.s32 $0xFFFFC180  }
0xcb: {  	[tilespmem:s22], [sflag:$0x1] =	stream.indirect.gather [hbm4b:s1+s21], $0x80, s11, s21, $0xb8;
	[tilespmem:$0x1D000] =	vst v63  }
0xcc: {  	_ =	swait.ge [sflag:s26], $0x3E80  }
0xcd: {  	[sflag:s26] =	ssyncset.done $0x0  }
0xce: {  	s12 =	rddreg [dreg:$0x1b];
	[sflag:s26] =	ssyncadd.s32 $0xFFFFC180  }
0xcf: {  	[spmem:s3] =	stream.indirect.scatter.add.f32 [tilespmem:s18], [sflag:$0x4], $0x80, s12, s21, $0xb8;
	[tilespmem:$0x1D000] =	vst v63  }
0xd0: {  	_ =	swait.ge [sflag:s19], $0x3E80  }
0xd1: {  	[sflag:s19] =	ssyncset.done $0x0  }
0xd2: {  	s13 =	rddreg [dreg:$0x1c];
	[sflag:s19] =	ssyncadd.s32 $0xFFFFC180  }
0xd3: {  	[tilespmem:s18], [sflag:$0x2] =	stream.indirect.gather [hbm4b:s1+s21], $0x80, s13, s21, $0xb8;
	[tilespmem:$0x1D000] =	vst v63  }
0xd4: {  	_ =	swait.ge [sflag:s25], $0x3E80  }
0xd5: {  	[sflag:s25] =	ssyncset.done $0x0  }
0xd6: {  	s16 =	rddreg [dreg:$0x1d];
	[sflag:s25] =	ssyncadd.s32 $0xFFFFC180  }
0xd7: {  	[spmem:s3] =	stream.indirect.scatter.add.f32 [tilespmem:s22], [sflag:$0x4], $0x80, s16, s21, $0xb8;
	[tilespmem:$0x1D000] =	vst v63  }
0xd8: {  	_ =	swait.ge [sflag:s19], $0x3E80  }
0xd9: {  	[sflag:s19] =	ssyncset.done $0x0  }
0xda: {  	[sflag:s19] =	ssyncadd.s32 $0xFFFFC180  }
0xdb: {  	[tilespmem:s22], [sflag:$0x1] =	stream.indirect.gather [hbm4b:s1+s21], $0x80, s28, s21, $0xb8;
	[tilespmem:$0x1D000] =	vst v63  }
0xdc: {  	_ =	swait.ge [sflag:s26], $0x3E80  }
0xdd: {  	[sflag:s26] =	ssyncset.done $0x0  }
0xde: {  	[sflag:s26] =	ssyncadd.s32 $0xFFFFC180  }
0xdf: {  	[spmem:s3] =	stream.indirect.scatter.add.f32 [tilespmem:s18], [sflag:$0x4], $0x80, s29, s21, $0xb8;
	[tilespmem:$0x1D000] =	vst v63  }
0xe0: {  	_ =	swait.ge [sflag:s19], $0x3E80  }
0xe1: {  	[sflag:s19] =	ssyncset.done $0x0  }
0xe2: {  	[sflag:s19] =	ssyncadd.s32 $0xFFFFC180  }
0xe3: {  	[tilespmem:s18], [sflag:$0x2] =	stream.indirect.gather [hbm4b:s1+s21], $0x80, s30, s21, $0xb8;
	[tilespmem:$0x1D000] =	vst v63  }
0xe4: {  	_ =	swait.ge [sflag:s25], $0x3E80  }
0xe5: {  	[sflag:s25] =	ssyncset.done $0x0  }
0xe6: {  	[sflag:s25] =	ssyncadd.s32 $0xFFFFC180  }
0xe7: {  	[spmem:s3] =	stream.indirect.scatter.add.f32 [tilespmem:s22], [sflag:$0x4], $0x80, s31, s21, $0xb8;
	[tilespmem:$0x1D000] =	vst v63  }
0xe8: {  	_ =	swait.ge [sflag:s19], $0x3E80  }
0xe9: {  	[sflag:s19] =	ssyncset.done $0x0  }
0xea: {  	s10 =	simm.s32 @!p0 $0x3;
	[sflag:s19] =	ssyncadd.s32 $0xFFFFC180  }
0xeb: {  	_ =	swait.ge @!p0 [sflag:s10], $0x400  }
0xec: {  	[sflag:s10] =	ssyncset.done @!p0 $0x0  }
0xed: {  	[sflag:s10] =	ssyncadd.s32 @!p0 $0xFFFFFC00  }
0xee: {  	_ =	swait.ge @!p0 [sflag:s10], $0x400  }
0xef: {  	[sflag:s10] =	ssyncset.done @!p0 $0x0  }
0xf0: {  	s11 =	simm.s32 @!p0 $0x1000;
	[sflag:s10] =	ssyncadd.s32 @!p0 $0xFFFFFC00;
	s10 =	simm.s32 @!p0 $0x7D  }
0xf1: {  	[tilespmem:s11], [sflag:$0x1] =	stream.indirect.gather @!p0 [hbm4b:s1+s10], $0x80, s7, s10, $0xb8;
	[tilespmem:$0x1D000] =	vst v63  }
0xf2: {  	_ =	swait.ge [sflag:s26], $0x3E80  }
0xf3: {  	[sflag:s26] =	ssyncset.done $0x0  }
0xf4: {  	[sflag:s26] =	ssyncadd.s32 $0xFFFFC180  }
0xf5: {  	[spmem:s3] =	stream.indirect.scatter.add.f32 [tilespmem:s18], [sflag:$0x4], $0x80, s2, s21, $0xb8;
	[tilespmem:$0x1D000] =	vst v63  }
0xf6: {  	s16 =	smov.u32 s9;
	s7 =	simm.s32 $0x100;
	_ =	swait.ge [sflag:s19], $0x3E80  }
0xf7: {  	s10 =	simm.s32 $0x200;
	s12 =	rddreg [dreg:$0x6];
	[sflag:s19] =	ssyncset.done $0x0  }
.LBB2_4:
0xf8: {  	[sflag:s19] =	ssyncadd.s32 $0xFFFFC180;
	s6 =	rddreg [dreg:$0x5];
	s12 =	sadd.s32 s7, s12  }
0xf9: {  	[tilespmem:s23], [sflag:$0x3] =	stream.linear.gather [hbm4b:s12+s4], $0x400, $0x38;
	[tilespmem:$0x1D000] =	vst v63  }
0xfa: {  	s6 =	sadd.s32 s7, s6  }
0xfb: {  	[tilespmem:s24], [sflag:$0x3] =	stream.linear.gather [hbm4b:s6+s4], $0x400, $0x38;
	[tilespmem:$0x1D000] =	vst v63  }
0xfc: {  	s13 =	rddreg [dreg:$0x7]  }
0xfd: {  	[tilespmem:s18], [sflag:$0x2] =	stream.indirect.gather [hbm4b:s1+s21], $0x80, s13, s21, $0xb8;
	[tilespmem:$0x1D000] =	vst v63  }
0xfe: {  	_ =	swait.ge [sflag:s25], $0x3E80  }
0xff: {  	[sflag:s25] =	ssyncset.done $0x0  }
0x100: {  	[sflag:s25] =	ssyncadd.s32 $0xFFFFC180  }
0x101: {  	[spmem:s3] =	stream.indirect.scatter.add.f32 [tilespmem:s22], [sflag:$0x4], $0x80, s17, s21, $0xb8;
	[tilespmem:$0x1D000] =	vst v63  }
0x102: {  	_ =	swait.ge [sflag:s19], $0x3E80  }
0x103: {  	[sflag:s19] =	ssyncset.done $0x0  }
0x104: {  	s13 =	rddreg [dreg:$0x8];
	[sflag:s19] =	ssyncadd.s32 $0xFFFFC180  }
0x105: {  	[tilespmem:s22], [sflag:$0x1] =	stream.indirect.gather [hbm4b:s1+s21], $0x80, s13, s21, $0xb8;
	[tilespmem:$0x1D000] =	vst v63  }
0x106: {  	_ =	swait.ge [sflag:s26], $0x3E80  }
0x107: {  	[sflag:s26] =	ssyncset.done $0x0  }
0x108: {  	s12 =	rddreg [dreg:$0x9];
	[sflag:s26] =	ssyncadd.s32 $0xFFFFC180  }
0x109: {  	[spmem:s3] =	stream.indirect.scatter.add.f32 [tilespmem:s18], [sflag:$0x4], $0x80, s12, s21, $0xb8;
	[tilespmem:$0x1D000] =	vst v63  }
0x10a: {  	_ =	swait.ge [sflag:s19], $0x3E80  }
0x10b: {  	[sflag:s19] =	ssyncset.done $0x0  }
0x10c: {  	s13 =	rddreg [dreg:$0xa];
	[sflag:s19] =	ssyncadd.s32 $0xFFFFC180  }
0x10d: {  	[tilespmem:s18], [sflag:$0x2] =	stream.indirect.gather [hbm4b:s1+s21], $0x80, s13, s21, $0xb8;
	[tilespmem:$0x1D000] =	vst v63  }
0x10e: {  	_ =	swait.ge [sflag:s25], $0x3E80  }
0x10f: {  	[sflag:s25] =	ssyncset.done $0x0  }
0x110: {  	s12 =	rddreg [dreg:$0xb];
	[sflag:s25] =	ssyncadd.s32 $0xFFFFC180  }
0x111: {  	[spmem:s3] =	stream.indirect.scatter.add.f32 [tilespmem:s22], [sflag:$0x4], $0x80, s12, s21, $0xb8;
	[tilespmem:$0x1D000] =	vst v63  }
0x112: {  	_ =	swait.ge [sflag:s19], $0x3E80  }
0x113: {  	[sflag:s19] =	ssyncset.done $0x0  }
0x114: {  	s13 =	rddreg [dreg:$0xc];
	[sflag:s19] =	ssyncadd.s32 $0xFFFFC180  }
0x115: {  	[tilespmem:s22], [sflag:$0x1] =	stream.indirect.gather [hbm4b:s1+s21], $0x80, s13, s21, $0xb8;
	[tilespmem:$0x1D000] =	vst v63  }
0x116: {  	_ =	swait.ge [sflag:s26], $0x3E80  }
0x117: {  	[sflag:s26] =	ssyncset.done $0x0  }
0x118: {  	s12 =	rddreg [dreg:$0xd];
	[sflag:s26] =	ssyncadd.s32 $0xFFFFC180  }
0x119: {  	[spmem:s3] =	stream.indirect.scatter.add.f32 [tilespmem:s18], [sflag:$0x4], $0x80, s12, s21, $0xb8;
	[tilespmem:$0x1D000] =	vst v63  }
0x11a: {  	_ =	swait.ge [sflag:s19], $0x3E80  }
0x11b: {  	[sflag:s19] =	ssyncset.done $0x0  }
0x11c: {  	s13 =	rddreg [dreg:$0xe];
	[sflag:s19] =	ssyncadd.s32 $0xFFFFC180  }
0x11d: {  	[tilespmem:s18], [sflag:$0x2] =	stream.indirect.gather [hbm4b:s1+s21], $0x80, s13, s21, $0xb8;
	[tilespmem:$0x1D000] =	vst v63  }
0x11e: {  	_ =	swait.ge [sflag:s25], $0x3E80  }
0x11f: {  	[sflag:s25] =	ssyncset.done $0x0  }
0x120: {  	s12 =	rddreg [dreg:$0xf];
	[sflag:s25] =	ssyncadd.s32 $0xFFFFC180  }
0x121: {  	[spmem:s3] =	stream.indirect.scatter.add.f32 [tilespmem:s22], [sflag:$0x4], $0x80, s12, s21, $0xb8;
	[tilespmem:$0x1D000] =	vst v63  }
0x122: {  	_ =	swait.ge [sflag:s19], $0x3E80  }
0x123: {  	[sflag:s19] =	ssyncset.done $0x0  }
0x124: {  	s13 =	rddreg [dreg:$0x10];
	[sflag:s19] =	ssyncadd.s32 $0xFFFFC180  }
0x125: {  	[tilespmem:s22], [sflag:$0x1] =	stream.indirect.gather [hbm4b:s1+s21], $0x80, s13, s21, $0xb8;
	[tilespmem:$0x1D000] =	vst v63  }
0x126: {  	_ =	swait.ge [sflag:s26], $0x3E80  }
0x127: {  	[sflag:s26] =	ssyncset.done $0x0  }
0x128: {  	s12 =	rddreg [dreg:$0x11];
	[sflag:s26] =	ssyncadd.s32 $0xFFFFC180  }
0x129: {  	[spmem:s3] =	stream.indirect.scatter.add.f32 [tilespmem:s18], [sflag:$0x4], $0x80, s12, s21, $0xb8;
	[tilespmem:$0x1D000] =	vst v63  }
0x12a: {  	_ =	swait.ge [sflag:s19], $0x3E80  }
0x12b: {  	[sflag:s19] =	ssyncset.done $0x0  }
0x12c: {  	s13 =	rddreg [dreg:$0x12];
	[sflag:s19] =	ssyncadd.s32 $0xFFFFC180  }
0x12d: {  	[tilespmem:s18], [sflag:$0x2] =	stream.indirect.gather [hbm4b:s1+s21], $0x80, s13, s21, $0xb8;
	[tilespmem:$0x1D000] =	vst v63  }
0x12e: {  	_ =	swait.ge [sflag:s25], $0x3E80  }
0x12f: {  	[sflag:s25] =	ssyncset.done $0x0  }
0x130: {  	s12 =	rddreg [dreg:$0x13];
	[sflag:s25] =	ssyncadd.s32 $0xFFFFC180  }
0x131: {  	[spmem:s3] =	stream.indirect.scatter.add.f32 [tilespmem:s22], [sflag:$0x4], $0x80, s12, s21, $0xb8;
	[tilespmem:$0x1D000] =	vst v63  }
0x132: {  	_ =	swait.ge [sflag:s19], $0x3E80  }
0x133: {  	[sflag:s19] =	ssyncset.done $0x0  }
0x134: {  	[sflag:s19] =	ssyncadd.s32 $0xFFFFC180  }
0x135: {  	_ =	swait.ge [sflag:s20], $0x400  }
0x136: {  	[sflag:s20] =	ssyncset.done $0x0  }
0x137: {  	[sflag:s20] =	ssyncadd.s32 $0xFFFFFC00  }
0x138: {  	_ =	swait.ge [sflag:s20], $0x400  }
0x139: {  	[sflag:s20] =	ssyncset.done $0x0  }
0x13a: {  	[sflag:s20] =	ssyncadd.s32 $0xFFFFFC00  }
0x13b: {  	[tilespmem:s22], [sflag:$0x1] =	stream.indirect.gather [hbm4b:s1+s21], $0x80, s23, s21, $0xb8;
	[tilespmem:$0x1D000] =	vst v63  }
0x13c: {  	_ =	swait.ge [sflag:s26], $0x3E80  }
0x13d: {  	s16 =	sadd.s32 $0x800, s16;
	[sflag:s26] =	ssyncset.done $0x0  }
0x13e: {  	p1 =	seq.s32 s7, $0x400;
	s13 =	rddreg [dreg:$0x14];
	[sflag:s26] =	ssyncadd.s32 $0xFFFFC180  }
0x13f: {  	[spmem:s3] =	stream.indirect.scatter.add.f32 [tilespmem:s18], [sflag:$0x4], $0x80, s13, s21, $0xb8;
	[tilespmem:$0x1D000] =	vst v63  }
0x140: {  	s6 =	sshrl.u32 @!p1 s16, $0x3;
	_ =	swait.ge [sflag:s19], $0x3E80  }
0x141: {  	s6 =	sadd.s32 @!p1 s5, s6;
	[sflag:s19] =	ssyncset.done $0x0  }
0x142: {  	s12 =	simm.s32 @!p1 $0x0;
	s13 =	rddreg [dreg:$0x4];
	[sflag:s19] =	ssyncadd.s32 $0xFFFFC180  }
0x143: {  	[tilespmem:s12], [sflag:$0x3] =	stream.linear.gather @!p1 [hbm4b:s6+s12], $0x400, $0x38;
	[tilespmem:$0x1D000] =	vst v63  }
0x144: {  	s6 =	sadd.s32 @!p1 s7, s13;
	s7 =	simm.s32 @!p1 $0x400  }
0x145: {  	[tilespmem:s7], [sflag:$0x3] =	stream.linear.gather @!p1 [hbm4b:s6+s12], $0x400, $0x38;
	[tilespmem:$0x1D000] =	vst v63  }
0x146: {  	s13 =	rddreg [dreg:$0x15]  }
0x147: {  	[tilespmem:s18], [sflag:$0x2] =	stream.indirect.gather [hbm4b:s1+s21], $0x80, s13, s21, $0xb8;
	[tilespmem:$0x1D000] =	vst v63  }
0x148: {  	_ =	swait.ge [sflag:s25], $0x3E80  }
0x149: {  	[sflag:s25] =	ssyncset.done $0x0  }
0x14a: {  	[sflag:s25] =	ssyncadd.s32 $0xFFFFC180  }
0x14b: {  	[spmem:s3] =	stream.indirect.scatter.add.f32 [tilespmem:s22], [sflag:$0x4], $0x80, s24, s21, $0xb8;
	[tilespmem:$0x1D000] =	vst v63  }
0x14c: {  	_ =	swait.ge [sflag:s19], $0x3E80  }
0x14d: {  	s11 =	smov.u32 s10;
	[sflag:s19] =	ssyncset.done $0x0  }
0x14e: {  	s7 =	smov.u32 s11;
	s11 =	rddreg [dreg:$0x16];
	[sflag:s19] =	ssyncadd.s32 $0xFFFFC180  }
0x14f: {  	[tilespmem:s22], [sflag:$0x1] =	stream.indirect.gather [hbm4b:s1+s21], $0x80, s11, s21, $0xb8;
	[tilespmem:$0x1D000] =	vst v63  }
0x150: {  	_ =	swait.ge [sflag:s26], $0x3E80  }
0x151: {  	[sflag:s26] =	ssyncset.done $0x0  }
0x152: {  	s13 =	rddreg [dreg:$0x17];
	[sflag:s26] =	ssyncadd.s32 $0xFFFFC180  }
0x153: {  	[spmem:s3] =	stream.indirect.scatter.add.f32 [tilespmem:s18], [sflag:$0x4], $0x80, s13, s21, $0xb8;
	[tilespmem:$0x1D000] =	vst v63  }
0x154: {  	_ =	swait.ge [sflag:s19], $0x3E80  }
0x155: {  	[sflag:s19] =	ssyncset.done $0x0  }
0x156: {  	s11 =	rddreg [dreg:$0x18];
	[sflag:s19] =	ssyncadd.s32 $0xFFFFC180  }
0x157: {  	[tilespmem:s18], [sflag:$0x2] =	stream.indirect.gather [hbm4b:s1+s21], $0x80, s11, s21, $0xb8;
	[tilespmem:$0x1D000] =	vst v63  }
0x158: {  	_ =	swait.ge [sflag:s25], $0x3E80  }
0x159: {  	[sflag:s25] =	ssyncset.done $0x0  }
0x15a: {  	s13 =	rddreg [dreg:$0x19];
	[sflag:s25] =	ssyncadd.s32 $0xFFFFC180  }
0x15b: {  	[spmem:s3] =	stream.indirect.scatter.add.f32 [tilespmem:s22], [sflag:$0x4], $0x80, s13, s21, $0xb8;
	[tilespmem:$0x1D000] =	vst v63  }
0x15c: {  	_ =	swait.ge [sflag:s19], $0x3E80  }
0x15d: {  	[sflag:s19] =	ssyncset.done $0x0  }
0x15e: {  	s11 =	rddreg [dreg:$0x1a];
	[sflag:s19] =	ssyncadd.s32 $0xFFFFC180  }
0x15f: {  	[tilespmem:s22], [sflag:$0x1] =	stream.indirect.gather [hbm4b:s1+s21], $0x80, s11, s21, $0xb8;
	[tilespmem:$0x1D000] =	vst v63  }
0x160: {  	_ =	swait.ge [sflag:s26], $0x3E80  }
0x161: {  	[sflag:s26] =	ssyncset.done $0x0  }
0x162: {  	s13 =	rddreg [dreg:$0x1b];
	[sflag:s26] =	ssyncadd.s32 $0xFFFFC180  }
0x163: {  	[spmem:s3] =	stream.indirect.scatter.add.f32 [tilespmem:s18], [sflag:$0x4], $0x80, s13, s21, $0xb8;
	[tilespmem:$0x1D000] =	vst v63  }
0x164: {  	_ =	swait.ge [sflag:s19], $0x3E80  }
0x165: {  	[sflag:s19] =	ssyncset.done $0x0  }
0x166: {  	s11 =	rddreg [dreg:$0x1c];
	[sflag:s19] =	ssyncadd.s32 $0xFFFFC180  }
0x167: {  	[tilespmem:s18], [sflag:$0x2] =	stream.indirect.gather [hbm4b:s1+s21], $0x80, s11, s21, $0xb8;
	[tilespmem:$0x1D000] =	vst v63  }
0x168: {  	_ =	swait.ge [sflag:s25], $0x3E80  }
0x169: {  	[sflag:s25] =	ssyncset.done $0x0  }
0x16a: {  	s13 =	rddreg [dreg:$0x1d];
	[sflag:s25] =	ssyncadd.s32 $0xFFFFC180  }
0x16b: {  	[spmem:s3] =	stream.indirect.scatter.add.f32 [tilespmem:s22], [sflag:$0x4], $0x80, s13, s21, $0xb8;
	[tilespmem:$0x1D000] =	vst v63  }
0x16c: {  	_ =	swait.ge [sflag:s19], $0x3E80  }
0x16d: {  	[sflag:s19] =	ssyncset.done $0x0  }
0x16e: {  	[sflag:s19] =	ssyncadd.s32 $0xFFFFC180  }
0x16f: {  	[tilespmem:s22], [sflag:$0x1] =	stream.indirect.gather [hbm4b:s1+s21], $0x80, s28, s21, $0xb8;
	[tilespmem:$0x1D000] =	vst v63  }
0x170: {  	_ =	swait.ge [sflag:s26], $0x3E80  }
0x171: {  	[sflag:s26] =	ssyncset.done $0x0  }
0x172: {  	[sflag:s26] =	ssyncadd.s32 $0xFFFFC180  }
0x173: {  	[spmem:s3] =	stream.indirect.scatter.add.f32 [tilespmem:s18], [sflag:$0x4], $0x80, s29, s21, $0xb8;
	[tilespmem:$0x1D000] =	vst v63  }
0x174: {  	_ =	swait.ge [sflag:s19], $0x3E80  }
0x175: {  	[sflag:s19] =	ssyncset.done $0x0  }
0x176: {  	[sflag:s19] =	ssyncadd.s32 $0xFFFFC180  }
0x177: {  	[tilespmem:s18], [sflag:$0x2] =	stream.indirect.gather [hbm4b:s1+s21], $0x80, s30, s21, $0xb8;
	[tilespmem:$0x1D000] =	vst v63  }
0x178: {  	_ =	swait.ge [sflag:s25], $0x3E80  }
0x179: {  	[sflag:s25] =	ssyncset.done $0x0  }
0x17a: {  	[sflag:s25] =	ssyncadd.s32 $0xFFFFC180  }
0x17b: {  	[spmem:s3] =	stream.indirect.scatter.add.f32 [tilespmem:s22], [sflag:$0x4], $0x80, s31, s21, $0xb8;
	[tilespmem:$0x1D000] =	vst v63  }
0x17c: {  	_ =	swait.ge [sflag:s19], $0x3E80  }
0x17d: {  	[sflag:s19] =	ssyncset.done $0x0  }
0x17e: {  	s6 =	simm.s32 @!p1 $0x3;
	[sflag:s19] =	ssyncadd.s32 $0xFFFFC180  }
0x17f: {  	_ =	swait.ge @!p1 [sflag:s6], $0x400  }
0x180: {  	[sflag:s6] =	ssyncset.done @!p1 $0x0  }
0x181: {  	[sflag:s6] =	ssyncadd.s32 @!p1 $0xFFFFFC00  }
0x182: {  	_ =	swait.ge @!p1 [sflag:s6], $0x400  }
0x183: {  	s10 =	sadd.s32 $0x100, s10;
	[sflag:s6] =	ssyncset.done @!p1 $0x0  }
0x184: {  	s11 =	simm.s32 @!p1 $0x1000;
	[sflag:s6] =	ssyncadd.s32 @!p1 $0xFFFFFC00;
	s6 =	simm.s32 @!p1 $0x7D  }
0x185: {  	[tilespmem:s11], [sflag:$0x1] =	stream.indirect.gather @!p1 [hbm4b:s1+s6], $0x80, s12, s6, $0xb8;
	[tilespmem:$0x1D000] =	vst v63  }
0x186: {  	p0 =	sne.s32 s10, $0x500;
	_ =	swait.ge [sflag:s26], $0x3E80  }
.Ltmp1:
0x187: {  	[sflag:s26] =	ssyncset.done $0x0;
	(pc) =	sbr.rel @p0 .LBB2_4-.Ltmp1, $4  }
0x188: {  	[sflag:s26] =	ssyncadd.s32 $0xFFFFC180  }
0x189: {  	[spmem:s3] =	stream.indirect.scatter.add.f32 [tilespmem:s18], [sflag:$0x4], $0x80, s2, s21, $0xb8;
	[tilespmem:$0x1D000] =	vst v63  }
0x18a: {  	_ =	swait.ge [sflag:s19], $0x3E80  }
0x18b: {  	s12 =	rddreg [dreg:$0x6];
	[sflag:s19] =	ssyncset.done $0x0  }
0x18c: {  	s6 =	rddreg [dreg:$0x5];
	[sflag:s19] =	ssyncadd.s32 $0xFFFFC180;
	s10 =	sadd.s32 s7, s12  }
0x18d: {  	[tilespmem:s23], [sflag:$0x3] =	stream.linear.gather [hbm4b:s10+s4], $0x400, $0x38;
	[tilespmem:$0x1D000] =	vst v63  }
0x18e: {  	s6 =	sadd.s32 s7, s6  }
0x18f: {  	[tilespmem:s24], [sflag:$0x3] =	stream.linear.gather [hbm4b:s6+s4], $0x400, $0x38;
	[tilespmem:$0x1D000] =	vst v63  }
0x190: {  	s12 =	rddreg [dreg:$0x7]  }
0x191: {  	[tilespmem:s18], [sflag:$0x2] =	stream.indirect.gather [hbm4b:s1+s21], $0x80, s12, s21, $0xb8;
	[tilespmem:$0x1D000] =	vst v63  }
0x192: {  	_ =	swait.ge [sflag:s25], $0x3E80  }
0x193: {  	[sflag:s25] =	ssyncset.done $0x0  }
0x194: {  	[sflag:s25] =	ssyncadd.s32 $0xFFFFC180  }
0x195: {  	[spmem:s3] =	stream.indirect.scatter.add.f32 [tilespmem:s22], [sflag:$0x4], $0x80, s17, s21, $0xb8;
	[tilespmem:$0x1D000] =	vst v63  }
0x196: {  	_ =	swait.ge [sflag:s19], $0x3E80  }
0x197: {  	[sflag:s19] =	ssyncset.done $0x0  }
0x198: {  	s13 =	rddreg [dreg:$0x8];
	[sflag:s19] =	ssyncadd.s32 $0xFFFFC180  }
0x199: {  	[tilespmem:s22], [sflag:$0x1] =	stream.indirect.gather [hbm4b:s1+s21], $0x80, s13, s21, $0xb8;
	[tilespmem:$0x1D000] =	vst v63  }
0x19a: {  	_ =	swait.ge [sflag:s26], $0x3E80  }
0x19b: {  	[sflag:s26] =	ssyncset.done $0x0  }
0x19c: {  	s10 =	rddreg [dreg:$0x9];
	[sflag:s26] =	ssyncadd.s32 $0xFFFFC180  }
0x19d: {  	[spmem:s3] =	stream.indirect.scatter.add.f32 [tilespmem:s18], [sflag:$0x4], $0x80, s10, s21, $0xb8;
	[tilespmem:$0x1D000] =	vst v63  }
0x19e: {  	_ =	swait.ge [sflag:s19], $0x3E80  }
0x19f: {  	[sflag:s19] =	ssyncset.done $0x0  }
0x1a0: {  	s11 =	rddreg [dreg:$0xa];
	[sflag:s19] =	ssyncadd.s32 $0xFFFFC180  }
0x1a1: {  	[tilespmem:s18], [sflag:$0x2] =	stream.indirect.gather [hbm4b:s1+s21], $0x80, s11, s21, $0xb8;
	[tilespmem:$0x1D000] =	vst v63  }
0x1a2: {  	_ =	swait.ge [sflag:s25], $0x3E80  }
0x1a3: {  	[sflag:s25] =	ssyncset.done $0x0  }
0x1a4: {  	s12 =	rddreg [dreg:$0xb];
	[sflag:s25] =	ssyncadd.s32 $0xFFFFC180  }
0x1a5: {  	[spmem:s3] =	stream.indirect.scatter.add.f32 [tilespmem:s22], [sflag:$0x4], $0x80, s12, s21, $0xb8;
	[tilespmem:$0x1D000] =	vst v63  }
0x1a6: {  	_ =	swait.ge [sflag:s19], $0x3E80  }
0x1a7: {  	[sflag:s19] =	ssyncset.done $0x0  }
0x1a8: {  	s13 =	rddreg [dreg:$0xc];
	[sflag:s19] =	ssyncadd.s32 $0xFFFFC180  }
0x1a9: {  	[tilespmem:s22], [sflag:$0x1] =	stream.indirect.gather [hbm4b:s1+s21], $0x80, s13, s21, $0xb8;
	[tilespmem:$0x1D000] =	vst v63  }
0x1aa: {  	_ =	swait.ge [sflag:s26], $0x3E80  }
0x1ab: {  	[sflag:s26] =	ssyncset.done $0x0  }
0x1ac: {  	s10 =	rddreg [dreg:$0xd];
	[sflag:s26] =	ssyncadd.s32 $0xFFFFC180  }
0x1ad: {  	[spmem:s3] =	stream.indirect.scatter.add.f32 [tilespmem:s18], [sflag:$0x4], $0x80, s10, s21, $0xb8;
	[tilespmem:$0x1D000] =	vst v63  }
0x1ae: {  	_ =	swait.ge [sflag:s19], $0x3E80  }
0x1af: {  	[sflag:s19] =	ssyncset.done $0x0  }
0x1b0: {  	s11 =	rddreg [dreg:$0xe];
	[sflag:s19] =	ssyncadd.s32 $0xFFFFC180  }
0x1b1: {  	[tilespmem:s18], [sflag:$0x2] =	stream.indirect.gather [hbm4b:s1+s21], $0x80, s11, s21, $0xb8;
	[tilespmem:$0x1D000] =	vst v63  }
0x1b2: {  	_ =	swait.ge [sflag:s25], $0x3E80  }
0x1b3: {  	[sflag:s25] =	ssyncset.done $0x0  }
0x1b4: {  	s12 =	rddreg [dreg:$0xf];
	[sflag:s25] =	ssyncadd.s32 $0xFFFFC180  }
0x1b5: {  	[spmem:s3] =	stream.indirect.scatter.add.f32 [tilespmem:s22], [sflag:$0x4], $0x80, s12, s21, $0xb8;
	[tilespmem:$0x1D000] =	vst v63  }
0x1b6: {  	_ =	swait.ge [sflag:s19], $0x3E80  }
0x1b7: {  	[sflag:s19] =	ssyncset.done $0x0  }
0x1b8: {  	s13 =	rddreg [dreg:$0x10];
	[sflag:s19] =	ssyncadd.s32 $0xFFFFC180  }
0x1b9: {  	[tilespmem:s22], [sflag:$0x1] =	stream.indirect.gather [hbm4b:s1+s21], $0x80, s13, s21, $0xb8;
	[tilespmem:$0x1D000] =	vst v63  }
0x1ba: {  	_ =	swait.ge [sflag:s26], $0x3E80  }
0x1bb: {  	[sflag:s26] =	ssyncset.done $0x0  }
0x1bc: {  	s10 =	rddreg [dreg:$0x11];
	[sflag:s26] =	ssyncadd.s32 $0xFFFFC180  }
0x1bd: {  	[spmem:s3] =	stream.indirect.scatter.add.f32 [tilespmem:s18], [sflag:$0x4], $0x80, s10, s21, $0xb8;
	[tilespmem:$0x1D000] =	vst v63  }
0x1be: {  	_ =	swait.ge [sflag:s19], $0x3E80  }
0x1bf: {  	[sflag:s19] =	ssyncset.done $0x0  }
0x1c0: {  	s11 =	rddreg [dreg:$0x12];
	[sflag:s19] =	ssyncadd.s32 $0xFFFFC180  }
0x1c1: {  	[tilespmem:s18], [sflag:$0x2] =	stream.indirect.gather [hbm4b:s1+s21], $0x80, s11, s21, $0xb8;
	[tilespmem:$0x1D000] =	vst v63  }
0x1c2: {  	_ =	swait.ge [sflag:s25], $0x3E80  }
0x1c3: {  	[sflag:s25] =	ssyncset.done $0x0  }
0x1c4: {  	s12 =	rddreg [dreg:$0x13];
	[sflag:s25] =	ssyncadd.s32 $0xFFFFC180  }
0x1c5: {  	[spmem:s3] =	stream.indirect.scatter.add.f32 [tilespmem:s22], [sflag:$0x4], $0x80, s12, s21, $0xb8;
	[tilespmem:$0x1D000] =	vst v63  }
0x1c6: {  	_ =	swait.ge [sflag:s19], $0x3E80  }
0x1c7: {  	[sflag:s19] =	ssyncset.done $0x0  }
0x1c8: {  	[sflag:s19] =	ssyncadd.s32 $0xFFFFC180  }
0x1c9: {  	_ =	swait.ge [sflag:s20], $0x400  }
0x1ca: {  	[sflag:s20] =	ssyncset.done $0x0  }
0x1cb: {  	[sflag:s20] =	ssyncadd.s32 $0xFFFFFC00  }
0x1cc: {  	_ =	swait.ge [sflag:s20], $0x400  }
0x1cd: {  	[sflag:s20] =	ssyncset.done $0x0  }
0x1ce: {  	[sflag:s20] =	ssyncadd.s32 $0xFFFFFC00  }
0x1cf: {  	[tilespmem:s22], [sflag:$0x1] =	stream.indirect.gather [hbm4b:s1+s21], $0x80, s23, s21, $0xb8;
	[tilespmem:$0x1D000] =	vst v63  }
0x1d0: {  	_ =	swait.ge [sflag:s26], $0x3E80  }
0x1d1: {  	p0 =	seq.s32 s7, $0x400;
	[sflag:s26] =	ssyncset.done $0x0  }
0x1d2: {  	s6 =	sadd.s32 $0x800, s16;
	s13 =	rddreg [dreg:$0x14];
	[sflag:s26] =	ssyncadd.s32 $0xFFFFC180  }
0x1d3: {  	[spmem:s3] =	stream.indirect.scatter.add.f32 [tilespmem:s18], [sflag:$0x4], $0x80, s13, s21, $0xb8;
	[tilespmem:$0x1D000] =	vst v63  }
0x1d4: {  	s6 =	sshrl.u32 @!p0 s6, $0x3;
	_ =	swait.ge [sflag:s19], $0x3E80  }
0x1d5: {  	s6 =	sadd.s32 @!p0 s5, s6;
	[sflag:s19] =	ssyncset.done $0x0  }
0x1d6: {  	s10 =	simm.s32 @!p0 $0x0;
	s11 =	rddreg [dreg:$0x4];
	[sflag:s19] =	ssyncadd.s32 $0xFFFFC180  }
0x1d7: {  	[tilespmem:s10], [sflag:$0x3] =	stream.linear.gather @!p0 [hbm4b:s6+s10], $0x400, $0x38;
	[tilespmem:$0x1D000] =	vst v63  }
0x1d8: {  	s6 =	sadd.s32 @!p0 s7, s11;
	s7 =	simm.s32 @!p0 $0x400  }
0x1d9: {  	[tilespmem:s7], [sflag:$0x3] =	stream.linear.gather @!p0 [hbm4b:s6+s10], $0x400, $0x38;
	[tilespmem:$0x1D000] =	vst v63  }
0x1da: {  	s16 =	rddreg [dreg:$0x15]  }
0x1db: {  	[tilespmem:s18], [sflag:$0x2] =	stream.indirect.gather [hbm4b:s1+s21], $0x80, s16, s21, $0xb8;
	[tilespmem:$0x1D000] =	vst v63  }
0x1dc: {  	_ =	swait.ge [sflag:s25], $0x3E80  }
0x1dd: {  	[sflag:s25] =	ssyncset.done $0x0  }
0x1de: {  	[sflag:s25] =	ssyncadd.s32 $0xFFFFC180  }
0x1df: {  	[spmem:s3] =	stream.indirect.scatter.add.f32 [tilespmem:s22], [sflag:$0x4], $0x80, s24, s21, $0xb8;
	[tilespmem:$0x1D000] =	vst v63  }
0x1e0: {  	_ =	swait.ge [sflag:s19], $0x3E80  }
0x1e1: {  	[sflag:s19] =	ssyncset.done $0x0  }
0x1e2: {  	s7 =	rddreg [dreg:$0x16];
	[sflag:s19] =	ssyncadd.s32 $0xFFFFC180  }
0x1e3: {  	[tilespmem:s22], [sflag:$0x1] =	stream.indirect.gather [hbm4b:s1+s21], $0x80, s7, s21, $0xb8;
	[tilespmem:$0x1D000] =	vst v63  }
0x1e4: {  	_ =	swait.ge [sflag:s26], $0x3E80  }
0x1e5: {  	[sflag:s26] =	ssyncset.done $0x0  }
0x1e6: {  	s11 =	rddreg [dreg:$0x17];
	[sflag:s26] =	ssyncadd.s32 $0xFFFFC180  }
0x1e7: {  	[spmem:s3] =	stream.indirect.scatter.add.f32 [tilespmem:s18], [sflag:$0x4], $0x80, s11, s21, $0xb8;
	[tilespmem:$0x1D000] =	vst v63  }
0x1e8: {  	_ =	swait.ge [sflag:s19], $0x3E80  }
0x1e9: {  	[sflag:s19] =	ssyncset.done $0x0  }
0x1ea: {  	s12 =	rddreg [dreg:$0x18];
	[sflag:s19] =	ssyncadd.s32 $0xFFFFC180  }
0x1eb: {  	[tilespmem:s18], [sflag:$0x2] =	stream.indirect.gather [hbm4b:s1+s21], $0x80, s12, s21, $0xb8;
	[tilespmem:$0x1D000] =	vst v63  }
0x1ec: {  	_ =	swait.ge [sflag:s25], $0x3E80  }
0x1ed: {  	[sflag:s25] =	ssyncset.done $0x0  }
0x1ee: {  	s13 =	rddreg [dreg:$0x19];
	[sflag:s25] =	ssyncadd.s32 $0xFFFFC180  }
0x1ef: {  	[spmem:s3] =	stream.indirect.scatter.add.f32 [tilespmem:s22], [sflag:$0x4], $0x80, s13, s21, $0xb8;
	[tilespmem:$0x1D000] =	vst v63  }
0x1f0: {  	_ =	swait.ge [sflag:s19], $0x3E80  }
0x1f1: {  	[sflag:s19] =	ssyncset.done $0x0  }
0x1f2: {  	s16 =	rddreg [dreg:$0x1a];
	[sflag:s19] =	ssyncadd.s32 $0xFFFFC180  }
0x1f3: {  	[tilespmem:s22], [sflag:$0x1] =	stream.indirect.gather [hbm4b:s1+s21], $0x80, s16, s21, $0xb8;
	[tilespmem:$0x1D000] =	vst v63  }
0x1f4: {  	_ =	swait.ge [sflag:s26], $0x3E80  }
0x1f5: {  	[sflag:s26] =	ssyncset.done $0x0  }
0x1f6: {  	s7 =	rddreg [dreg:$0x1b];
	[sflag:s26] =	ssyncadd.s32 $0xFFFFC180  }
0x1f7: {  	[spmem:s3] =	stream.indirect.scatter.add.f32 [tilespmem:s18], [sflag:$0x4], $0x80, s7, s21, $0xb8;
	[tilespmem:$0x1D000] =	vst v63  }
0x1f8: {  	_ =	swait.ge [sflag:s19], $0x3E80  }
0x1f9: {  	[sflag:s19] =	ssyncset.done $0x0  }
0x1fa: {  	s11 =	rddreg [dreg:$0x1c];
	[sflag:s19] =	ssyncadd.s32 $0xFFFFC180  }
0x1fb: {  	[tilespmem:s18], [sflag:$0x2] =	stream.indirect.gather [hbm4b:s1+s21], $0x80, s11, s21, $0xb8;
	[tilespmem:$0x1D000] =	vst v63  }
0x1fc: {  	_ =	swait.ge [sflag:s25], $0x3E80  }
0x1fd: {  	[sflag:s25] =	ssyncset.done $0x0  }
0x1fe: {  	s12 =	rddreg [dreg:$0x1d];
	[sflag:s25] =	ssyncadd.s32 $0xFFFFC180  }
0x1ff: {  	[spmem:s3] =	stream.indirect.scatter.add.f32 [tilespmem:s22], [sflag:$0x4], $0x80, s12, s21, $0xb8;
	[tilespmem:$0x1D000] =	vst v63  }
0x200: {  	_ =	swait.ge [sflag:s19], $0x3E80  }
0x201: {  	[sflag:s19] =	ssyncset.done $0x0  }
0x202: {  	[sflag:s19] =	ssyncadd.s32 $0xFFFFC180  }
0x203: {  	[tilespmem:s22], [sflag:$0x1] =	stream.indirect.gather [hbm4b:s1+s21], $0x80, s28, s21, $0xb8;
	[tilespmem:$0x1D000] =	vst v63  }
0x204: {  	_ =	swait.ge [sflag:s26], $0x3E80  }
0x205: {  	[sflag:s26] =	ssyncset.done $0x0  }
0x206: {  	[sflag:s26] =	ssyncadd.s32 $0xFFFFC180  }
0x207: {  	[spmem:s3] =	stream.indirect.scatter.add.f32 [tilespmem:s18], [sflag:$0x4], $0x80, s29, s21, $0xb8;
	[tilespmem:$0x1D000] =	vst v63  }
0x208: {  	_ =	swait.ge [sflag:s19], $0x3E80  }
0x209: {  	[sflag:s19] =	ssyncset.done $0x0  }
0x20a: {  	[sflag:s19] =	ssyncadd.s32 $0xFFFFC180  }
0x20b: {  	[tilespmem:s18], [sflag:$0x2] =	stream.indirect.gather [hbm4b:s1+s21], $0x80, s30, s21, $0xb8;
	[tilespmem:$0x1D000] =	vst v63  }
0x20c: {  	_ =	swait.ge [sflag:s25], $0x3E80  }
0x20d: {  	[sflag:s25] =	ssyncset.done $0x0  }
0x20e: {  	[sflag:s25] =	ssyncadd.s32 $0xFFFFC180  }
0x20f: {  	[spmem:s3] =	stream.indirect.scatter.add.f32 [tilespmem:s22], [sflag:$0x4], $0x80, s31, s21, $0xb8;
	[tilespmem:$0x1D000] =	vst v63  }
0x210: {  	_ =	swait.ge [sflag:s19], $0x3E80  }
0x211: {  	[sflag:s19] =	ssyncset.done $0x0  }
0x212: {  	s6 =	simm.s32 @!p0 $0x3;
	[sflag:s19] =	ssyncadd.s32 $0xFFFFC180  }
0x213: {  	_ =	swait.ge @!p0 [sflag:s6], $0x400  }
0x214: {  	[sflag:s6] =	ssyncset.done @!p0 $0x0  }
0x215: {  	[sflag:s6] =	ssyncadd.s32 @!p0 $0xFFFFFC00  }
0x216: {  	_ =	swait.ge @!p0 [sflag:s6], $0x400  }
0x217: {  	[sflag:s6] =	ssyncset.done @!p0 $0x0  }
0x218: {  	s7 =	simm.s32 @!p0 $0x1000;
	[sflag:s6] =	ssyncadd.s32 @!p0 $0xFFFFFC00;
	s6 =	simm.s32 @!p0 $0x7D  }
0x219: {  	[tilespmem:s7], [sflag:$0x1] =	stream.indirect.gather @!p0 [hbm4b:s1+s6], $0x80, s10, s6, $0xb8;
	[tilespmem:$0x1D000] =	vst v63  }
0x21a: {  	_ =	swait.ge [sflag:s26], $0x3E80  }
0x21b: {  	[sflag:s26] =	ssyncset.done $0x0  }
0x21c: {  	[sflag:s26] =	ssyncadd.s32 $0xFFFFC180  }
0x21d: {  	[spmem:s3] =	stream.indirect.scatter.add.f32 [tilespmem:s18], [sflag:$0x4], $0x80, s2, s21, $0xb8;
	[tilespmem:$0x1D000] =	vst v63  }
0x21e: {  	s0 =	sadd.s32 $0x1, s0;
	_ =	swait.ge [sflag:s19], $0x3E80  }
0x21f: {  	s13 =	stileid.u32;
	s16 =	sshrl.u32 s8, $0x3;
	[sflag:s19] =	ssyncset.done $0x0  }
0x220: {  	s6 =	sshll.u32 s13, $0x6;
	p0 =	sne.s32 s0, s15;
	[sflag:s19] =	ssyncadd.s32 $0xFFFFC180  }
.Ltmp2:
0x221: {  	s6 =	sor.u32 $0x1C04, s6;
	[bflag:$0x0] =	sbarrier.arrive $0xFFFF;
	(pc) =	sbr.rel @p0 .LBB2_1-.Ltmp2, $4  }
0x222: {  	[hbm:s14], [sflag:s6] =	dma.local [spmem:s16], $0x2800  }
0x223: {  	_ =	swait.ge [sflag:s19], $0x2800  }
0x224: {  	[sflag:s19] =	ssyncset.done $0x0  }
0x225: {  	[sflag:s19] =	ssyncadd.s32 $0xFFFFD800  }
0x226: {  	_ =	sfence.sel $0x180000  }
0x227: {  	[bflag:$0x0] =	sbarrier.arrive $0xFFFF  }
0x228: {  	_ =	strace $0x9000004A  }
0x229: {  	s0 =	stileid.u32;
	[bflag:$0x2] =	sbarrier.arrive $0xFFFF  }
0x22a: {  	p0 =	sne.s32 s0, $0x0;
	s0 =	rddreg [dreg:$0x3]  }
0x22b: {  	s0 =	sadd.s32 @!p0 $0x100000, s0  }
0x22c: {  	[sflag:s0] =	ssyncadd.tile.s32 @!p0 $0x1;
	_ =	shalt  }
.Lfunc_end2:
_tile_overlayer_lowered:
.L_overlay_start_2:
0x22d: {  	(tag) =	ssettag $0x2  }
0x22e: {  	s0 =	rddreg [dreg:$0x0];
	s2 =	stileid.u32  }
0x22f: {  	s1 =	rddreg [dreg:$0x1];
	p0 =	sne.s32 s2, $0x0  }
0x230: {  	s3 =	rddreg [dreg:$0x2];
	[bflag:$0x3] =	sbarrier.arrive $0xFFFF;
	s2 =	simm.s32 @!p0 $0x1C04  }
0x231: {  	[timem:s3], [sflag:s2] =	dma.local @!p0 [hbm:s0], s1  }
0x232: {  	s0 =	simm.s32 @!p0 $0x4  }
0x233: {  	_ =	swait.ge @!p0 [sflag:s0], s1  }
0x234: {  	s1 =	ssub.s32 @!p0 $0x0, s1;
	[sflag:s0] =	ssyncset.done @!p0 $0x0  }
0x235: {  	[sflag:s0] =	ssyncadd.s32 @!p0 s1  }
0x236: {  	[bflag:$0x3] =	sbarrier.arrive $0xFFFF  }
0x237: {  	_ =	shalt  }

// kernel: kernel.14.cloned.1.call-start
scs
__scs_entry_jumppad:
0x0: {  	(pc) =	sbr.rel $0x88, $3  }
0x1: {  	(tag) =	ssettag $0x0;
	lr =	simm.s32 $0x1  }
0x2: {  	[smem:$0x3F9B] =	sst lr;
	_ =	strace $0xD0000000  }
0x3: {  	_ = 	snop  }
0x4: {  	_ = 	snop  }
0x5: {  	_ = 	snop  }
0x6: {  	_ = 	snop  }
0x7: {  	_ = 	snop  }
__scs_overlays_trampoline_lowered:
0x8: {  	[smem:$0x3FAA] =	sst s0  }
0x9: {  	[smem:$0x3FAB] =	sst s1  }
0xa: {  	[smem:$0x3FAC] =	sst s2  }
0xb: {  	[smem:$0x3FAD] =	sst s3  }
0xc: {  	[smem:$0x3FAE] =	sst s4  }
0xd: {  	[smem:$0x3FAF] =	sst s5  }
0xe: {  	[smem:$0x3FB0] =	sst s6  }
0xf: {  	[smem:$0x3FB1] =	sst s7  }
0x10: {  	[smem:$0x3FB2] =	sst s8  }
0x11: {  	[smem:$0x3FB3] =	sst s9;
	s0 =	simm.s32 @!p0 $0x0  }
0x12: {  	s1 =	sld [smem:$0x3F99];
	s0 =	simm.s32 @p0 $0x1  }
0x13: {  	[smem:$0x3FB4] =	sst s0;
	s0 =	simm.s32 @!p1 $0x0  }
0x14: {  	s2 =	sld [smem:$0x3F98];
	s0 =	simm.s32 @p1 $0x1  }
0x15: {  	[smem:$0x3FB5] =	sst s0;
	s0 =	simm.s32 @!p2 $0x0  }
0x16: {  	s3 =	sld [smem:$0x3FDB];
	s0 =	simm.s32 @p2 $0x1  }
0x17: {  	s4 =	simm.s32 $0x1BF5;
	[smem:$0x3FB7] =	sst s0  }
0x18: {  	s0 =	sld [smem:$0x3F9A];
	_ =	swait.ge [sflag:s4], $0x0  }
0x19: {  	s7 =	sld [smem:$0x3F9B]  }
0x1a: {  	s8 =	sadd.s32 $0xFFFFE003, lr  }
0x1b: {  	s9 =	sadd.s32 $0xFFFFFEF7, lr;
	s5 =	simm.s32 $0xFFFFFFFF;
	p2 =	slt.u32 s8, $0xFFFFF086  }
0x1c: {  	p1 =	slt.u32 s9, $0xF7A;
	s5 =	simm.s32 @!p2 $0x0  }
0x1d: {  	s5 =	simm.s32 @p1 $0x1;
	p0 =	seq.s32 s7, s2  }
0x1e: {  	s7 =	smul.u32 @!p0 $0xF7A, s2;
	p2 =	seq.s32 @!p0 s5, $0x0  }
0x1f: {  	s9 =	smul.u32 $0xF7A, s1;
	s8 =	simm.s32 @!p0 $0x1BF5;
	p2 =	por !p2, p0  }
0x20: {  	[sflag:s8] =	ssyncset.s32 @!p0 $0xFFFFF086;
	s6 =	sadd.s32 @!p0 s3, s7;
	s7 =	simm.s32 @!p0 $0x108  }
0x21: {  	s3 =	sadd.s32 s3, s9;
	s6 =	sadd.s32 @!p0 $0x88, s6;
	s7 =	simm.s32 @p2 $0x1082  }
0x22: {  	[simem:s7], [sflag:s8] =	dma.local @!p0 [hbm:s6], $0xF7A  }
0x23: {  	s9 =	sor.u32 $0xD0000000, s2;
	s6 =	simm.s32 $0x108;
	_ =	swait.ge @!p0 [sflag:s8], $0x0  }
0x24: {  	s3 =	sadd.s32 $0x88, s3;
	s6 =	simm.s32 @!p1 $0x1082;
	[sflag:s4] =	ssyncset.s32 $0xFFFFF086  }
0x25: {  	[simem:s6], [sflag:s4] =	dma.local [hbm:s3], $0xF7A  }
0x26: {  	[smem:$0x3F9B] =	sst s1;
	(tag) =	ssettag s2;
	_ =	strace s9  }
0x27: {  	s1 =	sld [smem:$0x3FAB]  }
0x28: {  	s2 =	sld [smem:$0x3FAC]  }
0x29: {  	s4 =	sld [smem:$0x3FAE]  }
0x2a: {  	p0 =	seq.s32 s5, $0x0;
	s5 =	sld [smem:$0x3FAF]  }
0x2b: {  	s6 =	sld [smem:$0x3FB0]  }
0x2c: {  	s7 =	sld [smem:$0x3FB1]  }
0x2d: {  	s3 =	simm.s32 $0x108;
	s8 =	sld [smem:$0x3FB2]  }
0x2e: {  	s3 =	simm.s32 @!p0 $0x1082;
	s9 =	sld [smem:$0x3FB3]  }
0x2f: {  	lr =	sadd.s32 s0, s3;
	s0 =	sld [smem:$0x3FAA]  }
0x30: {  	s3 =	sld [smem:$0x3FAD]  }
0x31: {  	[smem:$0x3FB6] =	sst s10  }
0x32: {  	s10 =	sld [smem:$0x3FB4];
	_ =	sdelay $0x3  }
0x33: {  	p0 =	seq.s32 s10, $0x1;
	s10 =	sld [smem:$0x3FB6];
	_ =	sdelay $0x3  }
0x34: {  	[smem:$0x3FB6] =	sst s10  }
0x35: {  	s10 =	sld [smem:$0x3FB5];
	_ =	sdelay $0x3  }
0x36: {  	p1 =	seq.s32 s10, $0x1;
	s10 =	sld [smem:$0x3FB6];
	_ =	sdelay $0x3  }
0x37: {  	[smem:$0x3FB6] =	sst s10  }
0x38: {  	s10 =	sld [smem:$0x3FB7]  }
0x39: {  	_ = 	snop;
	(pc) =	sbr.ind lr, $3  }
0x3a: {  	_ = 	snop  }
0x3b: {  	_ = 	snop  }
0x3c: {  	p2 =	seq.s32 s10, $0x1;
	s10 =	sld [smem:$0x3FB6]  }
0x3d: {  	_ =	shalt  }
0x3e: {  	_ =	shalt  }
0x3f: {  	_ =	shalt  }
0x40: {  	_ =	shalt  }
0x41: {  	_ =	shalt  }
0x42: {  	_ =	shalt  }
0x43: {  	_ =	shalt  }
0x44: {  	_ =	shalt  }
0x45: {  	_ =	shalt  }
0x46: {  	_ =	shalt  }
0x47: {  	_ =	shalt  }
0x48: {  	_ =	shalt  }
0x49: {  	_ =	shalt  }
0x4a: {  	_ =	shalt  }
0x4b: {  	_ =	shalt  }
0x4c: {  	_ =	shalt  }
0x4d: {  	_ =	shalt  }
0x4e: {  	_ =	shalt  }
0x4f: {  	_ =	shalt  }
0x50: {  	_ =	shalt  }
0x51: {  	_ =	shalt  }
0x52: {  	_ =	shalt  }
0x53: {  	_ =	shalt  }
0x54: {  	_ =	shalt  }
0x55: {  	_ =	shalt  }
0x56: {  	_ =	shalt  }
0x57: {  	_ =	shalt  }
0x58: {  	_ =	shalt  }
0x59: {  	_ =	shalt  }
0x5a: {  	_ =	shalt  }
0x5b: {  	_ =	shalt  }
0x5c: {  	_ =	shalt  }
0x5d: {  	_ =	shalt  }
0x5e: {  	_ =	shalt  }
0x5f: {  	_ =	shalt  }
0x60: {  	_ =	shalt  }
0x61: {  	_ =	shalt  }
0x62: {  	_ =	shalt  }
0x63: {  	_ =	shalt  }
0x64: {  	_ =	shalt  }
0x65: {  	_ =	shalt  }
0x66: {  	_ =	shalt  }
0x67: {  	_ =	shalt  }
0x68: {  	_ =	shalt  }
0x69: {  	_ =	shalt  }
0x6a: {  	_ =	shalt  }
0x6b: {  	_ =	shalt  }
0x6c: {  	_ =	shalt  }
0x6d: {  	_ =	shalt  }
0x6e: {  	_ =	shalt  }
0x6f: {  	_ =	shalt  }
0x70: {  	_ =	shalt  }
0x71: {  	_ =	shalt  }
0x72: {  	_ =	shalt  }
0x73: {  	_ =	shalt  }
0x74: {  	_ =	shalt  }
0x75: {  	_ =	shalt  }
0x76: {  	_ =	shalt  }
0x77: {  	_ =	shalt  }
0x78: {  	_ =	shalt  }
0x79: {  	_ =	shalt  }
0x7a: {  	_ =	shalt  }
0x7b: {  	_ =	shalt  }
0x7c: {  	_ =	shalt  }
0x7d: {  	_ =	shalt  }
0x7e: {  	_ =	shalt  }
0x7f: {  	_ =	shalt  }
0x80: {  	_ =	shalt  }
0x81: {  	_ =	shalt  }
0x82: {  	_ =	shalt  }
0x83: {  	_ =	shalt  }
0x84: {  	_ =	shalt  }
0x85: {  	_ =	shalt  }
0x86: {  	_ =	shalt  }
0x87: {  	_ =	shalt  }
.Lfunc_end0:
.L_simem_size_0:
called_computation.2_lowered:
.L_overlay_start_0:
0x88: {  	s2 =	sld [smem:$0x3FD9]  }
0x89: {  	s3 =	sld [smem:$0x3FFE];
	_ =	sdelay $0x1  }
0x8a: {  	s1 =	srdreg.scid  }
0x8b: {  	s0 =	sand.u32 $0x1, s1  }
0x8c: {  	s17 =	sshll.u32 s0, $0xA;
	s2 =	sadd.s32 s3, s2  }
0x8d: {  	s2 =	sadd.s32 s2, s17  }
0x8e: {  	[smem:$0x3FC2] =	sst s2  }
0x8f: {  	_ = 	snop  }
0x90: {  	s2 =	sld [smem:$0x3FD0];
	(tm) =	ssettm $0x1  }
0x91: {  	s18 =	sld [smem:$0x3FFB];
	_ =	sdelay $0x3  }
0x92: {  	_ =	strace s18  }
0x93: {  	s3 =	sld [smem:$0x3FFC];
	_ =	sdelay $0x3  }
0x94: {  	_ =	strace s3  }
0x95: {  	s3 =	sld [smem:$0x3FFD];
	_ =	sdelay $0x3  }
0x96: {  	_ =	strace s3  }
0x97: {  	_ =	strace $0x8FFFFFFF  }
0x98: {  	s19 =	sld [smem:$0x3FDB];
	_ =	sdelay $0x1  }
0x99: {  	s4 =	simm.s32 $_scs_section_size  }
0x9a: {  	s5 =	simm.s32 $_size__tile_overlayer_lowered;
	s6 =	simm.s32 $_tile_overlayer_lowered  }
0x9b: {  	s22 =	simm.s32 $0x1BFF;
	s21 =	sshll.u32 s6, $0x1;
	s3 =	sadd.s32 s4, s19  }
0x9c: {  	s7 =	simm.s32 $0x0;
	s20 =	sshll.u32 s5, $0x1;
	s5 =	sadd.s32 s21, s3  }
0x9d: {  	[timem:s7], [sflag:s22] =	dma.local [hbm:s5], s20  }
0x9e: {  	_ =	swait.ge [sflag:s22], s20  }
0x9f: {  	s4 =	ssub.s32 $0x0, s20;
	[sflag:s22] =	ssyncset.done $0x0  }
0xa0: {  	[sflag:s22] =	ssyncadd.s32 s4;
	_ =	sdelay $0x1  }
0xa1: {  	s23 =	simm.s32 $0x1B8B  }
0xa2: {  	_ =	swait.ge [sflag:s23], $0x1  }
0xa3: {  	[sflag:s23] =	ssyncset.done $0x0  }
0xa4: {  	s25 =	simm.s32 $0x1B8E;
	s24 =	sld [smem:$0x3FFE];
	[sflag:s23] =	ssyncadd.s32 $0xFFFFFFFF  }
0xa5: {  	s26 =	simm.s32 $execute0_lowered;
	[smem:$0x3FD2] =	sst s25  }
0xa6: {  	s5 =	sshll.u32 s26, $0x1;
	_ =	strace $0x8000004C;
	[dreg:$0x1] =	wrdreg $0xFFFFFFFF  }
0xa7: {  	s28 =	simm.s32 $_size_execute0_lowered;
	s3 =	sadd.s32 s3, s5;
	[dreg:$0x0] =	wrdreg $0x0  }
0xa8: {  	s5 =	sshll.u32 s28, $0x1;
	[dreg:$0x2] =	wrdreg s3  }
0xa9: {  	[dreg:$0x3] =	wrdreg s5  }
0xaa: {  	[dreg:$0x4] =	wrdreg $0xC0  }
0xab: {  	_ =	task [dreg:s7], $0x5FFFF  }
0xac: {  	[dreg:$0x1] =	wrdreg $0xFFFFFFFF  }
0xad: {  	[dreg:$0x0] =	wrdreg $0x60  }
0xae: {  	[dreg:$0x2] =	wrdreg s2  }
0xaf: {  	[dreg:$0x3] =	wrdreg s24  }
0xb0: {  	[dreg:$0x4] =	wrdreg $0x90000  }
0xb1: {  	[dreg:$0x5] =	wrdreg $0x9  }
0xb2: {  	_ =	task.clear_ibuf [dreg:s7], $0x6FFFF;
	_ =	strace $0x9000004C  }
0xb3: {  	s29 =	simm.s32 $0x9;
	_ =	strace $0x8000004E  }
0xb4: {  	_ =	swait.ge [sflag:s29], $0x1  }
0xb5: {  	[sflag:s29] =	ssyncadd.s32 $0xFFFFFFFF  }
0xb6: {  	_ =	strace $0x9000004E  }
0xb7: {  	_ =	sfence  }
0xb8: {  	s30 =	sld [smem:$0x0];
	_ =	sdelay $0x2  }
0xb9: {  	s31 =	sshll.u32 s1, $0xD;
	s1 =	sshrl.u32 s1, $0x2  }
0xba: {  	s3 =	sand.u32 $0x4000, s31;
	s1 =	sadd.s32 s1, s30  }
0xbb: {  	s0 =	sor.u32 s3, s0;
	s1 =	sshll.u32 s1, $0x11  }
0xbc: {  	s0 =	sor.u32 s1, s0  }
0xbd: {  	s0 =	sadd.s32 $0x8F2B, s0  }
0xbe: {  	[sflag:s0] =	ssyncadd.remote.s32 $0x1  }
0xbf: {  	_ =	sfence.sel $0xFFFF  }
0xc0: {  	[dreg:$0x0] =	wrdreg $0xFFFFFFFF;
	(pc) =	sbr.abs _section_cstart, $3  }
0xc1: {  	[dreg:$0x1] =	wrdreg $0xFFFFFFFF  }
0xc2: {  	_ =	task.clear_ibuf [dreg:s7], $0x2FFFF;
	_ =	strace $0x9FFFFFFF  }
0xc3: {  	(tm) =	ssettm $0x7FFFFFFF  }
tec
execute0_lowered:
.L_overlay_start_1:
0x0: {  	(tag) =	ssettag $0x1  }
0x1: {  	s1 =	rddreg [dreg:$0x0]  }
0x2: {  	s0 =	srdreg.scid;
	s2 =	rddreg [dreg:$0x1]  }
0x3: {  	s12 =	stileid.u32;
	s3 =	rddreg [dreg:$0x2]  }
0x4: {  	s4 =	simm.s32 $0x0;
	s14 =	simm.s32 $0x80;
	s15 =	simm.s32 $0x100  }
0x5: {  	s17 =	simm.s32 $0x480;
	s19 =	simm.s32 $0x180;
	[smem:$0x7FF] =	sst s4  }
0x6: {  	s20 =	simm.s32 $0x500;
	_ =	strace $0x8000004D;
	[dreg:$0x7] =	wrdreg s14  }
0x7: {  	s21 =	simm.s32 $0x200;
	s22 =	simm.s32 $0x580;
	[dreg:$0x8] =	wrdreg s15  }
0x8: {  	s28 =	simm.s32 $0xB00;
	s29 =	simm.s32 $0xE80;
	[dreg:$0x9] =	wrdreg s17  }
0x9: {  	s30 =	simm.s32 $0xB80;
	s31 =	simm.s32 $0xF00;
	[dreg:$0xa] =	wrdreg s19  }
0xa: {  	s0 =	sand.u32 $0x1, s0;
	s6 =	smul.u32 $0x14000, s12;
	[dreg:$0xb] =	wrdreg s20  }
0xb: {  	s7 =	smul.u32 $0x5000, s12;
	s9 =	sshll.u32 s12, $0x1;
	[dreg:$0xc] =	wrdreg s21  }
0xc: {  	s18 =	smul.u32 $0x50000, s12;
	[dreg:$0xd] =	wrdreg s22;
	s15 =	simm.s32 $0x380  }
0xd: {  	s5 =	smul.u32 $0x140000, s0;
	s17 =	simm.s32 $0x780;
	[dreg:$0x12] =	wrdreg s15  }
0xe: {  	s8 =	smul.u32 $0x2800, s0;
	s19 =	simm.s32 $0x900;
	[dreg:$0x14] =	wrdreg s17  }
0xf: {  	s23 =	ssub.s32 $0x2, s0;
	s20 =	simm.s32 $0xC80;
	[dreg:$0x16] =	wrdreg s19  }
0x10: {  	s0 =	sor.u32 s0, s9;
	s21 =	simm.s32 $0x980;
	[dreg:$0x17] =	wrdreg s20  }
0x11: {  	s22 =	simm.s32 $0xD00;
	s24 =	sshrl.u32 s23, $0x1;
	[dreg:$0x18] =	wrdreg s21  }
0x12: {  	s0 =	smul.u32 $0x2800, s0;
	s17 =	simm.s32 $0x400;
	[dreg:$0x19] =	wrdreg s22  }
0x13: {  	s6 =	sadd.s32 s6, s5;
	s5 =	sadd.s32 $0x2800, s2;
	s7 =	sadd.s32 s8, s7  }
0x14: {  	s8 =	sshrl.u32 s18, $0x2;
	s18 =	simm.s32 $0x880;
	s10 =	sadd.s32 $0x50800, s7  }
0x15: {  	s26 =	sadd.s32 $0x50400, s7;
	s0 =	sshrl.u32 s0, $0x3;
	s8 =	sadd.s32 s8, s3  }
0x16: {  	[dreg:$0x15] =	wrdreg s18;
	s25 =	sshrl.u32 s10, $0x3;
	s16 =	sadd.s32 s5, s0  }
0x17: {  	s10 =	sshrl.u32 s26, $0x3;
	s26 =	simm.s32 $0x600;
	[dreg:$0x1e] =	wrdreg s16  }
0x18: {  	s19 =	simm.s32 $0x4;
	s12 =	sadd.s32 $0xFA00, s8;
	[dreg:$0xf] =	wrdreg s26  }
0x19: {  	s20 =	simm.s32 $0x3;
	s14 =	sadd.s32 $0x13880, s8;
	[smem:$0x7FC] =	sst s12  }
0x1a: {  	s11 =	sor.u32 $0x400, s7;
	s9 =	sadd.s32 s25, s5;
	[smem:$0x7FD] =	sst s14  }
0x1b: {  	s11 =	sshrl.u32 s11, $0x3;
	s10 =	sadd.s32 s10, s5;
	[dreg:$0x4] =	wrdreg s9  }
0x1c: {  	s6 =	sshrl.u32 s6, $0x3;
	s13 =	sadd.s32 s11, s5;
	[dreg:$0x5] =	wrdreg s10  }
0x1d: {  	s2 =	sadd.s32 s6, s2;
	s6 =	sadd.s32 $0xA000, s16;
	[dreg:$0x6] =	wrdreg s13  }
0x1e: {  	s21 =	simm.s32 $0x7D;
	s25 =	sadd.s32 $0x7D00, s8;
	[dreg:$0x1f] =	wrdreg s6  }
0x1f: {  	s22 =	simm.s32 $0x1000;
	s11 =	simm.s32 $0x300;
	[smem:$0x7FA] =	sst s25  }
0x20: {  	s18 =	simm.s32 $0x5000;
	s16 =	simm.s32 $0x700;
	[dreg:$0x10] =	wrdreg s11  }
0x21: {  	s0 =	simm.s32 $0x0;
	s26 =	simm.s32 $0xE00;
	[dreg:$0x13] =	wrdreg s16  }
0x22: {  	s10 =	ssub.s32 s23, s24;
	s23 =	sadd.s32 $0x3E80, s8;
	[dreg:$0x1d] =	wrdreg s26  }
0x23: {  	s14 =	sadd.s32 $0x16800, s2;
	s24 =	simm.s32 $0x280;
	[smem:$0x7F9] =	sst s23  }
0x24: {  	s2 =	simm.s32 $0xF80;
	s9 =	sadd.s32 $0xBB80, s8;
	[dreg:$0xe] =	wrdreg s24  }
0x25: {  	s13 =	simm.s32 $0x680;
	s25 =	simm.s32 $0xA80;
	[smem:$0x7FB] =	sst s9  }
0x26: {  	s26 =	simm.s32 $0x2;
	[dreg:$0x11] =	wrdreg s13;
	s15 =	smax.u32 s10, $0x1  }
0x27: {  	s9 =	sadd.s32 $0x800, s7;
	s23 =	simm.s32 $0xA00;
	[dreg:$0x1c] =	wrdreg s25  }
0x28: {  	s24 =	simm.s32 $0xD80;
	s25 =	simm.s32 $0x1;
	[dreg:$0x1a] =	wrdreg s23  }
0x29: {  	v0 =	vimm.f32 $0.0e+00;
	s23 =	simm.s32 $0x800;
	[dreg:$0x1b] =	wrdreg s24;
	s24 =	simm.s32 $0xC00  }
.LBB2_1:
0x2a: {  	s6 =	rddreg [dreg:$0x1e]  }
0x2b: {  	[tilespmem:s4], [sflag:$0x3] =	stream.linear.gather [hbm4b:s6+s4], $0x400, $0x38;
	[tilespmem:$0x1D000] =	vst v63  }
0x2c: {  	s16 =	rddreg [dreg:$0x1f];
	s7 =	simm.s32 $0x0;
	s10 =	simm.s32 $0x200  }
0x2d: {  	[tilespmem:s17], [sflag:$0x3] =	stream.linear.gather [hbm4b:s16+s4], $0x400, $0x38;
	[tilespmem:$0x1D000] =	vst v63  }
.LBB2_2:
0x2e: {  	p0 =	sne.s32 s10, $0xF800;
	[tilespmem:s7+$0x5070] =	vst v0  }
0x2f: {  	[tilespmem:s7+$0x5000] =	vst v0  }
0x30: {  	[tilespmem:s7+$0x5010] =	vst v0  }
.Ltmp0:
0x31: {  	[tilespmem:s7+$0x5020] =	vst v0;
	(pc) =	sbr.rel @p0 .LBB2_2-.Ltmp0, $4  }
0x32: {  	[tilespmem:s7+$0x5030] =	vst v0  }
0x33: {  	[tilespmem:s7+$0x5040] =	vst v0  }
0x34: {  	[tilespmem:s7+$0x5050] =	vst v0  }
0x35: {  	[tilespmem:s7+$0x5060] =	vst v0;
	s7 =	sshra.s32 s10, $0x2;
	s10 =	sadd.s32 $0x200, s10  }
0x36: {  	[tilespmem:s7+$0x5070] =	vst v0  }
0x37: {  	[tilespmem:s7+$0x5000] =	vst v0  }
0x38: {  	[tilespmem:s7+$0x5010] =	vst v0  }
0x39: {  	[tilespmem:s7+$0x5020] =	vst v0  }
0x3a: {  	[tilespmem:s7+$0x5030] =	vst v0  }
0x3b: {  	[tilespmem:s7+$0x5040] =	vst v0  }
0x3c: {  	[tilespmem:s7+$0x5050] =	vst v0  }
0x3d: {  	[tilespmem:s7+$0x5060] =	vst v0  }
0x3e: {  	[spmem:s8] =	stream.linear.scatter [tilespmem:s18], [sflag:$0x4], $0x3E80, $0x38;
	[tilespmem:$0x1D000] =	vst v63  }
0x3f: {  	_ =	swait.ge [sflag:s19], $0x3E80  }
0x40: {  	s6 =	sld [smem:$0x7F9]  }
0x41: {  	[sflag:s19] =	ssyncset.done $0x0  }
0x42: {  	[sflag:s19] =	ssyncadd.s32 $0xFFFFC180  }
0x43: {  	[spmem:s6] =	stream.linear.scatter [tilespmem:s18], [sflag:$0x4], $0x3E80, $0x38;
	[tilespmem:$0x1D000] =	vst v63  }
0x44: {  	_ =	swait.ge [sflag:s19], $0x3E80  }
0x45: {  	s16 =	sld [smem:$0x7FA]  }
0x46: {  	[sflag:s19] =	ssyncset.done $0x0  }
0x47: {  	[sflag:s19] =	ssyncadd.s32 $0xFFFFC180  }
0x48: {  	[spmem:s16] =	stream.linear.scatter [tilespmem:s18], [sflag:$0x4], $0x3E80, $0x38;
	[tilespmem:$0x1D000] =	vst v63  }
0x49: {  	_ =	swait.ge [sflag:s19], $0x3E80  }
0x4a: {  	s7 =	sld [smem:$0x7FB]  }
0x4b: {  	[sflag:s19] =	ssyncset.done $0x0  }
0x4c: {  	[sflag:s19] =	ssyncadd.s32 $0xFFFFC180  }
0x4d: {  	[spmem:s7] =	stream.linear.scatter [tilespmem:s18], [sflag:$0x4], $0x3E80, $0x38;
	[tilespmem:$0x1D000] =	vst v63  }
0x4e: {  	_ =	swait.ge [sflag:s19], $0x3E80  }
0x4f: {  	s10 =	sld [smem:$0x7FC]  }
0x50: {  	[sflag:s19] =	ssyncset.done $0x0  }
0x51: {  	[sflag:s19] =	ssyncadd.s32 $0xFFFFC180  }
0x52: {  	[spmem:s10] =	stream.linear.scatter [tilespmem:s18], [sflag:$0x4], $0x3E80, $0x38;
	[tilespmem:$0x1D000] =	vst v63  }
0x53: {  	_ =	swait.ge [sflag:s19], $0x3E80  }
0x54: {  	s11 =	sld [smem:$0x7FD]  }
0x55: {  	[sflag:s19] =	ssyncset.done $0x0  }
0x56: {  	[sflag:s19] =	ssyncadd.s32 $0xFFFFC180  }
0x57: {  	[spmem:s11] =	stream.linear.scatter [tilespmem:s18], [sflag:$0x4], $0x780, $0x38;
	[tilespmem:$0x1D000] =	vst v63  }
0x58: {  	_ =	swait.ge [sflag:s19], $0x780  }
0x59: {  	[sflag:s19] =	ssyncset.done $0x0  }
0x5a: {  	[sflag:s19] =	ssyncadd.s32 $0xFFFFF880  }
0x5b: {  	_ =	swait.ge [sflag:s20], $0x400  }
0x5c: {  	[sflag:s20] =	ssyncset.done $0x0  }
0x5d: {  	[sflag:s20] =	ssyncadd.s32 $0xFFFFFC00  }
0x5e: {  	_ =	swait.ge [sflag:s20], $0x400  }
0x5f: {  	[sflag:s20] =	ssyncset.done $0x0  }
0x60: {  	s12 =	simm.s32 $0x0;
	[sflag:s20] =	ssyncadd.s32 $0xFFFFFC00  }
0x61: {  	[tilespmem:s22], [sflag:$0x1] =	stream.indirect.gather [hbm4b:s1+s21], $0x80, s12, s21, $0xb8;
	[tilespmem:$0x1D000] =	vst v63  }
0x62: {  	[bflag:$0x0] =	sbarrier.arrive $0xFFFF  }
0x63: {  	s13 =	rddreg [dreg:$0x6]  }
0x64: {  	s10 =	rddreg [dreg:$0x5];
	s7 =	sadd.s32 $0x0, s13  }
0x65: {  	[tilespmem:s23], [sflag:$0x3] =	stream.linear.gather [hbm4b:s7+s4], $0x400, $0x38;
	[tilespmem:$0x1D000] =	vst v63  }
0x66: {  	s16 =	sadd.s32 $0x0, s10  }
0x67: {  	[tilespmem:s24], [sflag:$0x3] =	stream.linear.gather [hbm4b:s16+s4], $0x400, $0x38;
	[tilespmem:$0x1D000] =	vst v63  }
0x68: {  	s6 =	rddreg [dreg:$0x7]  }
0x69: {  	[tilespmem:s18], [sflag:$0x2] =	stream.indirect.gather [hbm4b:s1+s21], $0x80, s6, s21, $0xb8;
	[tilespmem:$0x1D000] =	vst v63  }
0x6a: {  	_ =	swait.ge [sflag:s25], $0x3E80  }
0x6b: {  	[sflag:s25] =	ssyncset.done $0x0  }
0x6c: {  	[sflag:s25] =	ssyncadd.s32 $0xFFFFC180  }
0x6d: {  	[spmem:s3] =	stream.indirect.scatter.add.f32 [tilespmem:s22], [sflag:$0x4], $0x80, s17, s21, $0xb8;
	[tilespmem:$0x1D000] =	vst v63  }
0x6e: {  	_ =	swait.ge [sflag:s19], $0x3E80  }
0x6f: {  	[sflag:s19] =	ssyncset.done $0x0  }
0x70: {  	s11 =	rddreg [dreg:$0x8];
	[sflag:s19] =	ssyncadd.s32 $0xFFFFC180  }
0x71: {  	[tilespmem:s22], [sflag:$0x1] =	stream.indirect.gather [hbm4b:s1+s21], $0x80, s11, s21, $0xb8;
	[tilespmem:$0x1D000] =	vst v63  }
0x72: {  	_ =	swait.ge [sflag:s26], $0x3E80  }
0x73: {  	[sflag:s26] =	ssyncset.done $0x0  }
0x74: {  	s12 =	rddreg [dreg:$0x9];
	[sflag:s26] =	ssyncadd.s32 $0xFFFFC180  }
0x75: {  	[spmem:s3] =	stream.indirect.scatter.add.f32 [tilespmem:s18], [sflag:$0x4], $0x80, s12, s21, $0xb8;
	[tilespmem:$0x1D000] =	vst v63  }
0x76: {  	_ =	swait.ge [sflag:s19], $0x3E80  }
0x77: {  	[sflag:s19] =	ssyncset.done $0x0  }
0x78: {  	s13 =	rddreg [dreg:$0xa];
	[sflag:s19] =	ssyncadd.s32 $0xFFFFC180  }
0x79: {  	[tilespmem:s18], [sflag:$0x2] =	stream.indirect.gather [hbm4b:s1+s21], $0x80, s13, s21, $0xb8;
	[tilespmem:$0x1D000] =	vst v63  }
0x7a: {  	_ =	swait.ge [sflag:s25], $0x3E80  }
0x7b: {  	[sflag:s25] =	ssyncset.done $0x0  }
0x7c: {  	s16 =	rddreg [dreg:$0xb];
	[sflag:s25] =	ssyncadd.s32 $0xFFFFC180  }
0x7d: {  	[spmem:s3] =	stream.indirect.scatter.add.f32 [tilespmem:s22], [sflag:$0x4], $0x80, s16, s21, $0xb8;
	[tilespmem:$0x1D000] =	vst v63  }
0x7e: {  	_ =	swait.ge [sflag:s19], $0x3E80  }
0x7f: {  	[sflag:s19] =	ssyncset.done $0x0  }
0x80: {  	s6 =	rddreg [dreg:$0xc];
	[sflag:s19] =	ssyncadd.s32 $0xFFFFC180  }
0x81: {  	[tilespmem:s22], [sflag:$0x1] =	stream.indirect.gather [hbm4b:s1+s21], $0x80, s6, s21, $0xb8;
	[tilespmem:$0x1D000] =	vst v63  }
0x82: {  	_ =	swait.ge [sflag:s26], $0x3E80  }
0x83: {  	[sflag:s26] =	ssyncset.done $0x0  }
0x84: {  	s10 =	rddreg [dreg:$0xd];
	[sflag:s26] =	ssyncadd.s32 $0xFFFFC180  }
0x85: {  	[spmem:s3] =	stream.indirect.scatter.add.f32 [tilespmem:s18], [sflag:$0x4], $0x80, s10, s21, $0xb8;
	[tilespmem:$0x1D000] =	vst v63  }
0x86: {  	_ =	swait.ge [sflag:s19], $0x3E80  }
0x87: {  	[sflag:s19] =	ssyncset.done $0x0  }
0x88: {  	s11 =	rddreg [dreg:$0xe];
	[sflag:s19] =	ssyncadd.s32 $0xFFFFC180  }
0x89: {  	[tilespmem:s18], [sflag:$0x2] =	stream.indirect.gather [hbm4b:s1+s21], $0x80, s11, s21, $0xb8;
	[tilespmem:$0x1D000] =	vst v63  }
0x8a: {  	_ =	swait.ge [sflag:s25], $0x3E80  }
0x8b: {  	[sflag:s25] =	ssyncset.done $0x0  }
0x8c: {  	s12 =	rddreg [dreg:$0xf];
	[sflag:s25] =	ssyncadd.s32 $0xFFFFC180  }
0x8d: {  	[spmem:s3] =	stream.indirect.scatter.add.f32 [tilespmem:s22], [sflag:$0x4], $0x80, s12, s21, $0xb8;
	[tilespmem:$0x1D000] =	vst v63  }
0x8e: {  	_ =	swait.ge [sflag:s19], $0x3E80  }
0x8f: {  	[sflag:s19] =	ssyncset.done $0x0  }
0x90: {  	s13 =	rddreg [dreg:$0x10];
	[sflag:s19] =	ssyncadd.s32 $0xFFFFC180  }
0x91: {  	[tilespmem:s22], [sflag:$0x1] =	stream.indirect.gather [hbm4b:s1+s21], $0x80, s13, s21, $0xb8;
	[tilespmem:$0x1D000] =	vst v63  }
0x92: {  	_ =	swait.ge [sflag:s26], $0x3E80  }
0x93: {  	[sflag:s26] =	ssyncset.done $0x0  }
0x94: {  	s16 =	rddreg [dreg:$0x11];
	[sflag:s26] =	ssyncadd.s32 $0xFFFFC180  }
0x95: {  	[spmem:s3] =	stream.indirect.scatter.add.f32 [tilespmem:s18], [sflag:$0x4], $0x80, s16, s21, $0xb8;
	[tilespmem:$0x1D000] =	vst v63  }
0x96: {  	_ =	swait.ge [sflag:s19], $0x3E80  }
0x97: {  	[sflag:s19] =	ssyncset.done $0x0  }
0x98: {  	s6 =	rddreg [dreg:$0x12];
	[sflag:s19] =	ssyncadd.s32 $0xFFFFC180  }
0x99: {  	[tilespmem:s18], [sflag:$0x2] =	stream.indirect.gather [hbm4b:s1+s21], $0x80, s6, s21, $0xb8;
	[tilespmem:$0x1D000] =	vst v63  }
0x9a: {  	_ =	swait.ge [sflag:s25], $0x3E80  }
0x9b: {  	[sflag:s25] =	ssyncset.done $0x0  }
0x9c: {  	s10 =	rddreg [dreg:$0x13];
	[sflag:s25] =	ssyncadd.s32 $0xFFFFC180  }
0x9d: {  	[spmem:s3] =	stream.indirect.scatter.add.f32 [tilespmem:s22], [sflag:$0x4], $0x80, s10, s21, $0xb8;
	[tilespmem:$0x1D000] =	vst v63  }
0x9e: {  	_ =	swait.ge [sflag:s19], $0x3E80  }
0x9f: {  	[sflag:s19] =	ssyncset.done $0x0  }
0xa0: {  	[sflag:s19] =	ssyncadd.s32 $0xFFFFC180  }
0xa1: {  	_ =	swait.ge [sflag:s20], $0x400  }
0xa2: {  	[sflag:s20] =	ssyncset.done $0x0  }
0xa3: {  	[sflag:s20] =	ssyncadd.s32 $0xFFFFFC00  }
0xa4: {  	_ =	swait.ge [sflag:s20], $0x400  }
0xa5: {  	[sflag:s20] =	ssyncset.done $0x0  }
0xa6: {  	[sflag:s20] =	ssyncadd.s32 $0xFFFFFC00  }
0xa7: {  	[tilespmem:s22], [sflag:$0x1] =	stream.indirect.gather [hbm4b:s1+s21], $0x80, s23, s21, $0xb8;
	[tilespmem:$0x1D000] =	vst v63  }
0xa8: {  	_ =	swait.ge [sflag:s26], $0x3E80  }
0xa9: {  	[sflag:s26] =	ssyncset.done $0x0  }
0xaa: {  	p0 =	por $0x0, $0x0;
	s11 =	rddreg [dreg:$0x14];
	[sflag:s26] =	ssyncadd.s32 $0xFFFFC180  }
0xab: {  	[spmem:s3] =	stream.indirect.scatter.add.f32 [tilespmem:s18], [sflag:$0x4], $0x80, s11, s21, $0xb8;
	[tilespmem:$0x1D000] =	vst v63  }
0xac: {  	s7 =	sshrl.u32 @!p0 s9, $0x3;
	_ =	swait.ge [sflag:s19], $0x3E80  }
0xad: {  	s11 =	sadd.s32 @!p0 s5, s7;
	[sflag:s19] =	ssyncset.done $0x0  }
0xae: {  	s7 =	simm.s32 @!p0 $0x0;
	s10 =	rddreg [dreg:$0x4];
	[sflag:s19] =	ssyncadd.s32 $0xFFFFC180  }
0xaf: {  	[tilespmem:s7], [sflag:$0x3] =	stream.linear.gather @!p0 [hbm4b:s11+s7], $0x400, $0x38;
	[tilespmem:$0x1D000] =	vst v63  }
0xb0: {  	s10 =	sadd.s32 @!p0 $0x0, s10;
	s11 =	simm.s32 @!p0 $0x400  }
0xb1: {  	[tilespmem:s11], [sflag:$0x3] =	stream.linear.gather @!p0 [hbm4b:s10+s7], $0x400, $0x38;
	[tilespmem:$0x1D000] =	vst v63  }
0xb2: {  	s12 =	rddreg [dreg:$0x15]  }
0xb3: {  	[tilespmem:s18], [sflag:$0x2] =	stream.indirect.gather [hbm4b:s1+s21], $0x80, s12, s21, $0xb8;
	[tilespmem:$0x1D000] =	vst v63  }
0xb4: {  	_ =	swait.ge [sflag:s25], $0x3E80  }
0xb5: {  	[sflag:s25] =	ssyncset.done $0x0  }
0xb6: {  	[sflag:s25] =	ssyncadd.s32 $0xFFFFC180  }
0xb7: {  	[spmem:s3] =	stream.indirect.scatter.add.f32 [tilespmem:s22], [sflag:$0x4], $0x80, s24, s21, $0xb8;
	[tilespmem:$0x1D000] =	vst v63  }
0xb8: {  	_ =	swait.ge [sflag:s19], $0x3E80  }
0xb9: {  	[sflag:s19] =	ssyncset.done $0x0  }
0xba: {  	s12 =	rddreg [dreg:$0x16];
	[sflag:s19] =	ssyncadd.s32 $0xFFFFC180  }
0xbb: {  	[tilespmem:s22], [sflag:$0x1] =	stream.indirect.gather [hbm4b:s1+s21], $0x80, s12, s21, $0xb8;
	[tilespmem:$0x1D000] =	vst v63  }
0xbc: {  	_ =	swait.ge [sflag:s26], $0x3E80  }
0xbd: {  	[sflag:s26] =	ssyncset.done $0x0  }
0xbe: {  	s13 =	rddreg [dreg:$0x17];
	[sflag:s26] =	ssyncadd.s32 $0xFFFFC180  }
0xbf: {  	[spmem:s3] =	stream.indirect.scatter.add.f32 [tilespmem:s18], [sflag:$0x4], $0x80, s13, s21, $0xb8;
	[tilespmem:$0x1D000] =	vst v63  }
0xc0: {  	_ =	swait.ge [sflag:s19], $0x3E80  }
0xc1: {  	[sflag:s19] =	ssyncset.done $0x0  }
0xc2: {  	s16 =	rddreg [dreg:$0x18];
	[sflag:s19] =	ssyncadd.s32 $0xFFFFC180  }
0xc3: {  	[tilespmem:s18], [sflag:$0x2] =	stream.indirect.gather [hbm4b:s1+s21], $0x80, s16, s21, $0xb8;
	[tilespmem:$0x1D000] =	vst v63  }
0xc4: {  	_ =	swait.ge [sflag:s25], $0x3E80  }
0xc5: {  	[sflag:s25] =	ssyncset.done $0x0  }
0xc6: {  	s6 =	rddreg [dreg:$0x19];
	[sflag:s25] =	ssyncadd.s32 $0xFFFFC180  }
0xc7: {  	[spmem:s3] =	stream.indirect.scatter.add.f32 [tilespmem:s22], [sflag:$0x4], $0x80, s6, s21, $0xb8;
	[tilespmem:$0x1D000] =	vst v63  }
0xc8: {  	_ =	swait.ge [sflag:s19], $0x3E80  }
0xc9: {  	[sflag:s19] =	ssyncset.done $0x0  }
0xca: {  	s11 =	rddreg [dreg:$0x1a];
	[sflag:s19] =	ssyncadd.s32 $0xFFFFC180  }
0xcb: {  	[tilespmem:s22], [sflag:$0x1] =	stream.indirect.gather [hbm4b:s1+s21], $0x80, s11, s21, $0xb8;
	[tilespmem:$0x1D000] =	vst v63  }
0xcc: {  	_ =	swait.ge [sflag:s26], $0x3E80  }
0xcd: {  	[sflag:s26] =	ssyncset.done $0x0  }
0xce: {  	s12 =	rddreg [dreg:$0x1b];
	[sflag:s26] =	ssyncadd.s32 $0xFFFFC180  }
0xcf: {  	[spmem:s3] =	stream.indirect.scatter.add.f32 [tilespmem:s18], [sflag:$0x4], $0x80, s12, s21, $0xb8;
	[tilespmem:$0x1D000] =	vst v63  }
0xd0: {  	_ =	swait.ge [sflag:s19], $0x3E80  }
0xd1: {  	[sflag:s19] =	ssyncset.done $0x0  }
0xd2: {  	s13 =	rddreg [dreg:$0x1c];
	[sflag:s19] =	ssyncadd.s32 $0xFFFFC180  }
0xd3: {  	[tilespmem:s18], [sflag:$0x2] =	stream.indirect.gather [hbm4b:s1+s21], $0x80, s13, s21, $0xb8;
	[tilespmem:$0x1D000] =	vst v63  }
0xd4: {  	_ =	swait.ge [sflag:s25], $0x3E80  }
0xd5: {  	[sflag:s25] =	ssyncset.done $0x0  }
0xd6: {  	s16 =	rddreg [dreg:$0x1d];
	[sflag:s25] =	ssyncadd.s32 $0xFFFFC180  }
0xd7: {  	[spmem:s3] =	stream.indirect.scatter.add.f32 [tilespmem:s22], [sflag:$0x4], $0x80, s16, s21, $0xb8;
	[tilespmem:$0x1D000] =	vst v63  }
0xd8: {  	_ =	swait.ge [sflag:s19], $0x3E80  }
0xd9: {  	[sflag:s19] =	ssyncset.done $0x0  }
0xda: {  	[sflag:s19] =	ssyncadd.s32 $0xFFFFC180  }
0xdb: {  	[tilespmem:s22], [sflag:$0x1] =	stream.indirect.gather [hbm4b:s1+s21], $0x80, s28, s21, $0xb8;
	[tilespmem:$0x1D000] =	vst v63  }
0xdc: {  	_ =	swait.ge [sflag:s26], $0x3E80  }
0xdd: {  	[sflag:s26] =	ssyncset.done $0x0  }
0xde: {  	[sflag:s26] =	ssyncadd.s32 $0xFFFFC180  }
0xdf: {  	[spmem:s3] =	stream.indirect.scatter.add.f32 [tilespmem:s18], [sflag:$0x4], $0x80, s29, s21, $0xb8;
	[tilespmem:$0x1D000] =	vst v63  }
0xe0: {  	_ =	swait.ge [sflag:s19], $0x3E80  }
0xe1: {  	[sflag:s19] =	ssyncset.done $0x0  }
0xe2: {  	[sflag:s19] =	ssyncadd.s32 $0xFFFFC180  }
0xe3: {  	[tilespmem:s18], [sflag:$0x2] =	stream.indirect.gather [hbm4b:s1+s21], $0x80, s30, s21, $0xb8;
	[tilespmem:$0x1D000] =	vst v63  }
0xe4: {  	_ =	swait.ge [sflag:s25], $0x3E80  }
0xe5: {  	[sflag:s25] =	ssyncset.done $0x0  }
0xe6: {  	[sflag:s25] =	ssyncadd.s32 $0xFFFFC180  }
0xe7: {  	[spmem:s3] =	stream.indirect.scatter.add.f32 [tilespmem:s22], [sflag:$0x4], $0x80, s31, s21, $0xb8;
	[tilespmem:$0x1D000] =	vst v63  }
0xe8: {  	_ =	swait.ge [sflag:s19], $0x3E80  }
0xe9: {  	[sflag:s19] =	ssyncset.done $0x0  }
0xea: {  	s10 =	simm.s32 @!p0 $0x3;
	[sflag:s19] =	ssyncadd.s32 $0xFFFFC180  }
0xeb: {  	_ =	swait.ge @!p0 [sflag:s10], $0x400  }
0xec: {  	[sflag:s10] =	ssyncset.done @!p0 $0x0  }
0xed: {  	[sflag:s10] =	ssyncadd.s32 @!p0 $0xFFFFFC00  }
0xee: {  	_ =	swait.ge @!p0 [sflag:s10], $0x400  }
0xef: {  	[sflag:s10] =	ssyncset.done @!p0 $0x0  }
0xf0: {  	s11 =	simm.s32 @!p0 $0x1000;
	[sflag:s10] =	ssyncadd.s32 @!p0 $0xFFFFFC00;
	s10 =	simm.s32 @!p0 $0x7D  }
0xf1: {  	[tilespmem:s11], [sflag:$0x1] =	stream.indirect.gather @!p0 [hbm4b:s1+s10], $0x80, s7, s10, $0xb8;
	[tilespmem:$0x1D000] =	vst v63  }
0xf2: {  	_ =	swait.ge [sflag:s26], $0x3E80  }
0xf3: {  	[sflag:s26] =	ssyncset.done $0x0  }
0xf4: {  	[sflag:s26] =	ssyncadd.s32 $0xFFFFC180  }
0xf5: {  	[spmem:s3] =	stream.indirect.scatter.add.f32 [tilespmem:s18], [sflag:$0x4], $0x80, s2, s21, $0xb8;
	[tilespmem:$0x1D000] =	vst v63  }
0xf6: {  	s16 =	smov.u32 s9;
	s7 =	simm.s32 $0x100;
	_ =	swait.ge [sflag:s19], $0x3E80  }
0xf7: {  	s10 =	simm.s32 $0x200;
	s12 =	rddreg [dreg:$0x6];
	[sflag:s19] =	ssyncset.done $0x0  }
.LBB2_4:
0xf8: {  	[sflag:s19] =	ssyncadd.s32 $0xFFFFC180;
	s6 =	rddreg [dreg:$0x5];
	s12 =	sadd.s32 s7, s12  }
0xf9: {  	[tilespmem:s23], [sflag:$0x3] =	stream.linear.gather [hbm4b:s12+s4], $0x400, $0x38;
	[tilespmem:$0x1D000] =	vst v63  }
0xfa: {  	s6 =	sadd.s32 s7, s6  }
0xfb: {  	[tilespmem:s24], [sflag:$0x3] =	stream.linear.gather [hbm4b:s6+s4], $0x400, $0x38;
	[tilespmem:$0x1D000] =	vst v63  }
0xfc: {  	s13 =	rddreg [dreg:$0x7]  }
0xfd: {  	[tilespmem:s18], [sflag:$0x2] =	stream.indirect.gather [hbm4b:s1+s21], $0x80, s13, s21, $0xb8;
	[tilespmem:$0x1D000] =	vst v63  }
0xfe: {  	_ =	swait.ge [sflag:s25], $0x3E80  }
0xff: {  	[sflag:s25] =	ssyncset.done $0x0  }
0x100: {  	[sflag:s25] =	ssyncadd.s32 $0xFFFFC180  }
0x101: {  	[spmem:s3] =	stream.indirect.scatter.add.f32 [tilespmem:s22], [sflag:$0x4], $0x80, s17, s21, $0xb8;
	[tilespmem:$0x1D000] =	vst v63  }
0x102: {  	_ =	swait.ge [sflag:s19], $0x3E80  }
0x103: {  	[sflag:s19] =	ssyncset.done $0x0  }
0x104: {  	s13 =	rddreg [dreg:$0x8];
	[sflag:s19] =	ssyncadd.s32 $0xFFFFC180  }
0x105: {  	[tilespmem:s22], [sflag:$0x1] =	stream.indirect.gather [hbm4b:s1+s21], $0x80, s13, s21, $0xb8;
	[tilespmem:$0x1D000] =	vst v63  }
0x106: {  	_ =	swait.ge [sflag:s26], $0x3E80  }
0x107: {  	[sflag:s26] =	ssyncset.done $0x0  }
0x108: {  	s12 =	rddreg [dreg:$0x9];
	[sflag:s26] =	ssyncadd.s32 $0xFFFFC180  }
0x109: {  	[spmem:s3] =	stream.indirect.scatter.add.f32 [tilespmem:s18], [sflag:$0x4], $0x80, s12, s21, $0xb8;
	[tilespmem:$0x1D000] =	vst v63  }
0x10a: {  	_ =	swait.ge [sflag:s19], $0x3E80  }
0x10b: {  	[sflag:s19] =	ssyncset.done $0x0  }
0x10c: {  	s13 =	rddreg [dreg:$0xa];
	[sflag:s19] =	ssyncadd.s32 $0xFFFFC180  }
0x10d: {  	[tilespmem:s18], [sflag:$0x2] =	stream.indirect.gather [hbm4b:s1+s21], $0x80, s13, s21, $0xb8;
	[tilespmem:$0x1D000] =	vst v63  }
0x10e: {  	_ =	swait.ge [sflag:s25], $0x3E80  }
0x10f: {  	[sflag:s25] =	ssyncset.done $0x0  }
0x110: {  	s12 =	rddreg [dreg:$0xb];
	[sflag:s25] =	ssyncadd.s32 $0xFFFFC180  }
0x111: {  	[spmem:s3] =	stream.indirect.scatter.add.f32 [tilespmem:s22], [sflag:$0x4], $0x80, s12, s21, $0xb8;
	[tilespmem:$0x1D000] =	vst v63  }
0x112: {  	_ =	swait.ge [sflag:s19], $0x3E80  }
0x113: {  	[sflag:s19] =	ssyncset.done $0x0  }
0x114: {  	s13 =	rddreg [dreg:$0xc];
	[sflag:s19] =	ssyncadd.s32 $0xFFFFC180  }
0x115: {  	[tilespmem:s22], [sflag:$0x1] =	stream.indirect.gather [hbm4b:s1+s21], $0x80, s13, s21, $0xb8;
	[tilespmem:$0x1D000] =	vst v63  }
0x116: {  	_ =	swait.ge [sflag:s26], $0x3E80  }
0x117: {  	[sflag:s26] =	ssyncset.done $0x0  }
0x118: {  	s12 =	rddreg [dreg:$0xd];
	[sflag:s26] =	ssyncadd.s32 $0xFFFFC180  }
0x119: {  	[spmem:s3] =	stream.indirect.scatter.add.f32 [tilespmem:s18], [sflag:$0x4], $0x80, s12, s21, $0xb8;
	[tilespmem:$0x1D000] =	vst v63  }
0x11a: {  	_ =	swait.ge [sflag:s19], $0x3E80  }
0x11b: {  	[sflag:s19] =	ssyncset.done $0x0  }
0x11c: {  	s13 =	rddreg [dreg:$0xe];
	[sflag:s19] =	ssyncadd.s32 $0xFFFFC180  }
0x11d: {  	[tilespmem:s18], [sflag:$0x2] =	stream.indirect.gather [hbm4b:s1+s21], $0x80, s13, s21, $0xb8;
	[tilespmem:$0x1D000] =	vst v63  }
0x11e: {  	_ =	swait.ge [sflag:s25], $0x3E80  }
0x11f: {  	[sflag:s25] =	ssyncset.done $0x0  }
0x120: {  	s12 =	rddreg [dreg:$0xf];
	[sflag:s25] =	ssyncadd.s32 $0xFFFFC180  }
0x121: {  	[spmem:s3] =	stream.indirect.scatter.add.f32 [tilespmem:s22], [sflag:$0x4], $0x80, s12, s21, $0xb8;
	[tilespmem:$0x1D000] =	vst v63  }
0x122: {  	_ =	swait.ge [sflag:s19], $0x3E80  }
0x123: {  	[sflag:s19] =	ssyncset.done $0x0  }
0x124: {  	s13 =	rddreg [dreg:$0x10];
	[sflag:s19] =	ssyncadd.s32 $0xFFFFC180  }
0x125: {  	[tilespmem:s22], [sflag:$0x1] =	stream.indirect.gather [hbm4b:s1+s21], $0x80, s13, s21, $0xb8;
	[tilespmem:$0x1D000] =	vst v63  }
0x126: {  	_ =	swait.ge [sflag:s26], $0x3E80  }
0x127: {  	[sflag:s26] =	ssyncset.done $0x0  }
0x128: {  	s12 =	rddreg [dreg:$0x11];
	[sflag:s26] =	ssyncadd.s32 $0xFFFFC180  }
0x129: {  	[spmem:s3] =	stream.indirect.scatter.add.f32 [tilespmem:s18], [sflag:$0x4], $0x80, s12, s21, $0xb8;
	[tilespmem:$0x1D000] =	vst v63  }
0x12a: {  	_ =	swait.ge [sflag:s19], $0x3E80  }
0x12b: {  	[sflag:s19] =	ssyncset.done $0x0  }
0x12c: {  	s13 =	rddreg [dreg:$0x12];
	[sflag:s19] =	ssyncadd.s32 $0xFFFFC180  }
0x12d: {  	[tilespmem:s18], [sflag:$0x2] =	stream.indirect.gather [hbm4b:s1+s21], $0x80, s13, s21, $0xb8;
	[tilespmem:$0x1D000] =	vst v63  }
0x12e: {  	_ =	swait.ge [sflag:s25], $0x3E80  }
0x12f: {  	[sflag:s25] =	ssyncset.done $0x0  }
0x130: {  	s12 =	rddreg [dreg:$0x13];
	[sflag:s25] =	ssyncadd.s32 $0xFFFFC180  }
0x131: {  	[spmem:s3] =	stream.indirect.scatter.add.f32 [tilespmem:s22], [sflag:$0x4], $0x80, s12, s21, $0xb8;
	[tilespmem:$0x1D000] =	vst v63  }
0x132: {  	_ =	swait.ge [sflag:s19], $0x3E80  }
0x133: {  	[sflag:s19] =	ssyncset.done $0x0  }
0x134: {  	[sflag:s19] =	ssyncadd.s32 $0xFFFFC180  }
0x135: {  	_ =	swait.ge [sflag:s20], $0x400  }
0x136: {  	[sflag:s20] =	ssyncset.done $0x0  }
0x137: {  	[sflag:s20] =	ssyncadd.s32 $0xFFFFFC00  }
0x138: {  	_ =	swait.ge [sflag:s20], $0x400  }
0x139: {  	[sflag:s20] =	ssyncset.done $0x0  }
0x13a: {  	[sflag:s20] =	ssyncadd.s32 $0xFFFFFC00  }
0x13b: {  	[tilespmem:s22], [sflag:$0x1] =	stream.indirect.gather [hbm4b:s1+s21], $0x80, s23, s21, $0xb8;
	[tilespmem:$0x1D000] =	vst v63  }
0x13c: {  	_ =	swait.ge [sflag:s26], $0x3E80  }
0x13d: {  	s16 =	sadd.s32 $0x800, s16;
	[sflag:s26] =	ssyncset.done $0x0  }
0x13e: {  	p1 =	seq.s32 s7, $0x400;
	s13 =	rddreg [dreg:$0x14];
	[sflag:s26] =	ssyncadd.s32 $0xFFFFC180  }
0x13f: {  	[spmem:s3] =	stream.indirect.scatter.add.f32 [tilespmem:s18], [sflag:$0x4], $0x80, s13, s21, $0xb8;
	[tilespmem:$0x1D000] =	vst v63  }
0x140: {  	s6 =	sshrl.u32 @!p1 s16, $0x3;
	_ =	swait.ge [sflag:s19], $0x3E80  }
0x141: {  	s6 =	sadd.s32 @!p1 s5, s6;
	[sflag:s19] =	ssyncset.done $0x0  }
0x142: {  	s12 =	simm.s32 @!p1 $0x0;
	s13 =	rddreg [dreg:$0x4];
	[sflag:s19] =	ssyncadd.s32 $0xFFFFC180  }
0x143: {  	[tilespmem:s12], [sflag:$0x3] =	stream.linear.gather @!p1 [hbm4b:s6+s12], $0x400, $0x38;
	[tilespmem:$0x1D000] =	vst v63  }
0x144: {  	s6 =	sadd.s32 @!p1 s7, s13;
	s7 =	simm.s32 @!p1 $0x400  }
0x145: {  	[tilespmem:s7], [sflag:$0x3] =	stream.linear.gather @!p1 [hbm4b:s6+s12], $0x400, $0x38;
	[tilespmem:$0x1D000] =	vst v63  }
0x146: {  	s13 =	rddreg [dreg:$0x15]  }
0x147: {  	[tilespmem:s18], [sflag:$0x2] =	stream.indirect.gather [hbm4b:s1+s21], $0x80, s13, s21, $0xb8;
	[tilespmem:$0x1D000] =	vst v63  }
0x148: {  	_ =	swait.ge [sflag:s25], $0x3E80  }
0x149: {  	[sflag:s25] =	ssyncset.done $0x0  }
0x14a: {  	[sflag:s25] =	ssyncadd.s32 $0xFFFFC180  }
0x14b: {  	[spmem:s3] =	stream.indirect.scatter.add.f32 [tilespmem:s22], [sflag:$0x4], $0x80, s24, s21, $0xb8;
	[tilespmem:$0x1D000] =	vst v63  }
0x14c: {  	_ =	swait.ge [sflag:s19], $0x3E80  }
0x14d: {  	s11 =	smov.u32 s10;
	[sflag:s19] =	ssyncset.done $0x0  }
0x14e: {  	s7 =	smov.u32 s11;
	s11 =	rddreg [dreg:$0x16];
	[sflag:s19] =	ssyncadd.s32 $0xFFFFC180  }
0x14f: {  	[tilespmem:s22], [sflag:$0x1] =	stream.indirect.gather [hbm4b:s1+s21], $0x80, s11, s21, $0xb8;
	[tilespmem:$0x1D000] =	vst v63  }
0x150: {  	_ =	swait.ge [sflag:s26], $0x3E80  }
0x151: {  	[sflag:s26] =	ssyncset.done $0x0  }
0x152: {  	s13 =	rddreg [dreg:$0x17];
	[sflag:s26] =	ssyncadd.s32 $0xFFFFC180  }
0x153: {  	[spmem:s3] =	stream.indirect.scatter.add.f32 [tilespmem:s18], [sflag:$0x4], $0x80, s13, s21, $0xb8;
	[tilespmem:$0x1D000] =	vst v63  }
0x154: {  	_ =	swait.ge [sflag:s19], $0x3E80  }
0x155: {  	[sflag:s19] =	ssyncset.done $0x0  }
0x156: {  	s11 =	rddreg [dreg:$0x18];
	[sflag:s19] =	ssyncadd.s32 $0xFFFFC180  }
0x157: {  	[tilespmem:s18], [sflag:$0x2] =	stream.indirect.gather [hbm4b:s1+s21], $0x80, s11, s21, $0xb8;
	[tilespmem:$0x1D000] =	vst v63  }
0x158: {  	_ =	swait.ge [sflag:s25], $0x3E80  }
0x159: {  	[sflag:s25] =	ssyncset.done $0x0  }
0x15a: {  	s13 =	rddreg [dreg:$0x19];
	[sflag:s25] =	ssyncadd.s32 $0xFFFFC180  }
0x15b: {  	[spmem:s3] =	stream.indirect.scatter.add.f32 [tilespmem:s22], [sflag:$0x4], $0x80, s13, s21, $0xb8;
	[tilespmem:$0x1D000] =	vst v63  }
0x15c: {  	_ =	swait.ge [sflag:s19], $0x3E80  }
0x15d: {  	[sflag:s19] =	ssyncset.done $0x0  }
0x15e: {  	s11 =	rddreg [dreg:$0x1a];
	[sflag:s19] =	ssyncadd.s32 $0xFFFFC180  }
0x15f: {  	[tilespmem:s22], [sflag:$0x1] =	stream.indirect.gather [hbm4b:s1+s21], $0x80, s11, s21, $0xb8;
	[tilespmem:$0x1D000] =	vst v63  }
0x160: {  	_ =	swait.ge [sflag:s26], $0x3E80  }
0x161: {  	[sflag:s26] =	ssyncset.done $0x0  }
0x162: {  	s13 =	rddreg [dreg:$0x1b];
	[sflag:s26] =	ssyncadd.s32 $0xFFFFC180  }
0x163: {  	[spmem:s3] =	stream.indirect.scatter.add.f32 [tilespmem:s18], [sflag:$0x4], $0x80, s13, s21, $0xb8;
	[tilespmem:$0x1D000] =	vst v63  }
0x164: {  	_ =	swait.ge [sflag:s19], $0x3E80  }
0x165: {  	[sflag:s19] =	ssyncset.done $0x0  }
0x166: {  	s11 =	rddreg [dreg:$0x1c];
	[sflag:s19] =	ssyncadd.s32 $0xFFFFC180  }
0x167: {  	[tilespmem:s18], [sflag:$0x2] =	stream.indirect.gather [hbm4b:s1+s21], $0x80, s11, s21, $0xb8;
	[tilespmem:$0x1D000] =	vst v63  }
0x168: {  	_ =	swait.ge [sflag:s25], $0x3E80  }
0x169: {  	[sflag:s25] =	ssyncset.done $0x0  }
0x16a: {  	s13 =	rddreg [dreg:$0x1d];
	[sflag:s25] =	ssyncadd.s32 $0xFFFFC180  }
0x16b: {  	[spmem:s3] =	stream.indirect.scatter.add.f32 [tilespmem:s22], [sflag:$0x4], $0x80, s13, s21, $0xb8;
	[tilespmem:$0x1D000] =	vst v63  }
0x16c: {  	_ =	swait.ge [sflag:s19], $0x3E80  }
0x16d: {  	[sflag:s19] =	ssyncset.done $0x0  }
0x16e: {  	[sflag:s19] =	ssyncadd.s32 $0xFFFFC180  }
0x16f: {  	[tilespmem:s22], [sflag:$0x1] =	stream.indirect.gather [hbm4b:s1+s21], $0x80, s28, s21, $0xb8;
	[tilespmem:$0x1D000] =	vst v63  }
0x170: {  	_ =	swait.ge [sflag:s26], $0x3E80  }
0x171: {  	[sflag:s26] =	ssyncset.done $0x0  }
0x172: {  	[sflag:s26] =	ssyncadd.s32 $0xFFFFC180  }
0x173: {  	[spmem:s3] =	stream.indirect.scatter.add.f32 [tilespmem:s18], [sflag:$0x4], $0x80, s29, s21, $0xb8;
	[tilespmem:$0x1D000] =	vst v63  }
0x174: {  	_ =	swait.ge [sflag:s19], $0x3E80  }
0x175: {  	[sflag:s19] =	ssyncset.done $0x0  }
0x176: {  	[sflag:s19] =	ssyncadd.s32 $0xFFFFC180  }
0x177: {  	[tilespmem:s18], [sflag:$0x2] =	stream.indirect.gather [hbm4b:s1+s21], $0x80, s30, s21, $0xb8;
	[tilespmem:$0x1D000] =	vst v63  }
0x178: {  	_ =	swait.ge [sflag:s25], $0x3E80  }
0x179: {  	[sflag:s25] =	ssyncset.done $0x0  }
0x17a: {  	[sflag:s25] =	ssyncadd.s32 $0xFFFFC180  }
0x17b: {  	[spmem:s3] =	stream.indirect.scatter.add.f32 [tilespmem:s22], [sflag:$0x4], $0x80, s31, s21, $0xb8;
	[tilespmem:$0x1D000] =	vst v63  }
0x17c: {  	_ =	swait.ge [sflag:s19], $0x3E80  }
0x17d: {  	[sflag:s19] =	ssyncset.done $0x0  }
0x17e: {  	s6 =	simm.s32 @!p1 $0x3;
	[sflag:s19] =	ssyncadd.s32 $0xFFFFC180  }
0x17f: {  	_ =	swait.ge @!p1 [sflag:s6], $0x400  }
0x180: {  	[sflag:s6] =	ssyncset.done @!p1 $0x0  }
0x181: {  	[sflag:s6] =	ssyncadd.s32 @!p1 $0xFFFFFC00  }
0x182: {  	_ =	swait.ge @!p1 [sflag:s6], $0x400  }
0x183: {  	s10 =	sadd.s32 $0x100, s10;
	[sflag:s6] =	ssyncset.done @!p1 $0x0  }
0x184: {  	s11 =	simm.s32 @!p1 $0x1000;
	[sflag:s6] =	ssyncadd.s32 @!p1 $0xFFFFFC00;
	s6 =	simm.s32 @!p1 $0x7D  }
0x185: {  	[tilespmem:s11], [sflag:$0x1] =	stream.indirect.gather @!p1 [hbm4b:s1+s6], $0x80, s12, s6, $0xb8;
	[tilespmem:$0x1D000] =	vst v63  }
0x186: {  	p0 =	sne.s32 s10, $0x500;
	_ =	swait.ge [sflag:s26], $0x3E80  }
.Ltmp1:
0x187: {  	[sflag:s26] =	ssyncset.done $0x0;
	(pc) =	sbr.rel @p0 .LBB2_4-.Ltmp1, $4  }
0x188: {  	[sflag:s26] =	ssyncadd.s32 $0xFFFFC180  }
0x189: {  	[spmem:s3] =	stream.indirect.scatter.add.f32 [tilespmem:s18], [sflag:$0x4], $0x80, s2, s21, $0xb8;
	[tilespmem:$0x1D000] =	vst v63  }
0x18a: {  	_ =	swait.ge [sflag:s19], $0x3E80  }
0x18b: {  	s12 =	rddreg [dreg:$0x6];
	[sflag:s19] =	ssyncset.done $0x0  }
0x18c: {  	s6 =	rddreg [dreg:$0x5];
	[sflag:s19] =	ssyncadd.s32 $0xFFFFC180;
	s10 =	sadd.s32 s7, s12  }
0x18d: {  	[tilespmem:s23], [sflag:$0x3] =	stream.linear.gather [hbm4b:s10+s4], $0x400, $0x38;
	[tilespmem:$0x1D000] =	vst v63  }
0x18e: {  	s6 =	sadd.s32 s7, s6  }
0x18f: {  	[tilespmem:s24], [sflag:$0x3] =	stream.linear.gather [hbm4b:s6+s4], $0x400, $0x38;
	[tilespmem:$0x1D000] =	vst v63  }
0x190: {  	s12 =	rddreg [dreg:$0x7]  }
0x191: {  	[tilespmem:s18], [sflag:$0x2] =	stream.indirect.gather [hbm4b:s1+s21], $0x80, s12, s21, $0xb8;
	[tilespmem:$0x1D000] =	vst v63  }
0x192: {  	_ =	swait.ge [sflag:s25], $0x3E80  }
0x193: {  	[sflag:s25] =	ssyncset.done $0x0  }
0x194: {  	[sflag:s25] =	ssyncadd.s32 $0xFFFFC180  }
0x195: {  	[spmem:s3] =	stream.indirect.scatter.add.f32 [tilespmem:s22], [sflag:$0x4], $0x80, s17, s21, $0xb8;
	[tilespmem:$0x1D000] =	vst v63  }
0x196: {  	_ =	swait.ge [sflag:s19], $0x3E80  }
0x197: {  	[sflag:s19] =	ssyncset.done $0x0  }
0x198: {  	s13 =	rddreg [dreg:$0x8];
	[sflag:s19] =	ssyncadd.s32 $0xFFFFC180  }
0x199: {  	[tilespmem:s22], [sflag:$0x1] =	stream.indirect.gather [hbm4b:s1+s21], $0x80, s13, s21, $0xb8;
	[tilespmem:$0x1D000] =	vst v63  }
0x19a: {  	_ =	swait.ge [sflag:s26], $0x3E80  }
0x19b: {  	[sflag:s26] =	ssyncset.done $0x0  }
0x19c: {  	s10 =	rddreg [dreg:$0x9];
	[sflag:s26] =	ssyncadd.s32 $0xFFFFC180  }
0x19d: {  	[spmem:s3] =	stream.indirect.scatter.add.f32 [tilespmem:s18], [sflag:$0x4], $0x80, s10, s21, $0xb8;
	[tilespmem:$0x1D000] =	vst v63  }
0x19e: {  	_ =	swait.ge [sflag:s19], $0x3E80  }
0x19f: {  	[sflag:s19] =	ssyncset.done $0x0  }
0x1a0: {  	s11 =	rddreg [dreg:$0xa];
	[sflag:s19] =	ssyncadd.s32 $0xFFFFC180  }
0x1a1: {  	[tilespmem:s18], [sflag:$0x2] =	stream.indirect.gather [hbm4b:s1+s21], $0x80, s11, s21, $0xb8;
	[tilespmem:$0x1D000] =	vst v63  }
0x1a2: {  	_ =	swait.ge [sflag:s25], $0x3E80  }
0x1a3: {  	[sflag:s25] =	ssyncset.done $0x0  }
0x1a4: {  	s12 =	rddreg [dreg:$0xb];
	[sflag:s25] =	ssyncadd.s32 $0xFFFFC180  }
0x1a5: {  	[spmem:s3] =	stream.indirect.scatter.add.f32 [tilespmem:s22], [sflag:$0x4], $0x80, s12, s21, $0xb8;
	[tilespmem:$0x1D000] =	vst v63  }
0x1a6: {  	_ =	swait.ge [sflag:s19], $0x3E80  }
0x1a7: {  	[sflag:s19] =	ssyncset.done $0x0  }
0x1a8: {  	s13 =	rddreg [dreg:$0xc];
	[sflag:s19] =	ssyncadd.s32 $0xFFFFC180  }
0x1a9: {  	[tilespmem:s22], [sflag:$0x1] =	stream.indirect.gather [hbm4b:s1+s21], $0x80, s13, s21, $0xb8;
	[tilespmem:$0x1D000] =	vst v63  }
0x1aa: {  	_ =	swait.ge [sflag:s26], $0x3E80  }
0x1ab: {  	[sflag:s26] =	ssyncset.done $0x0  }
0x1ac: {  	s10 =	rddreg [dreg:$0xd];
	[sflag:s26] =	ssyncadd.s32 $0xFFFFC180  }
0x1ad: {  	[spmem:s3] =	stream.indirect.scatter.add.f32 [tilespmem:s18], [sflag:$0x4], $0x80, s10, s21, $0xb8;
	[tilespmem:$0x1D000] =	vst v63  }
0x1ae: {  	_ =	swait.ge [sflag:s19], $0x3E80  }
0x1af: {  	[sflag:s19] =	ssyncset.done $0x0  }
0x1b0: {  	s11 =	rddreg [dreg:$0xe];
	[sflag:s19] =	ssyncadd.s32 $0xFFFFC180  }
0x1b1: {  	[tilespmem:s18], [sflag:$0x2] =	stream.indirect.gather [hbm4b:s1+s21], $0x80, s11, s21, $0xb8;
	[tilespmem:$0x1D000] =	vst v63  }
0x1b2: {  	_ =	swait.ge [sflag:s25], $0x3E80  }
0x1b3: {  	[sflag:s25] =	ssyncset.done $0x0  }
0x1b4: {  	s12 =	rddreg [dreg:$0xf];
	[sflag:s25] =	ssyncadd.s32 $0xFFFFC180  }
0x1b5: {  	[spmem:s3] =	stream.indirect.scatter.add.f32 [tilespmem:s22], [sflag:$0x4], $0x80, s12, s21, $0xb8;
	[tilespmem:$0x1D000] =	vst v63  }
0x1b6: {  	_ =	swait.ge [sflag:s19], $0x3E80  }
0x1b7: {  	[sflag:s19] =	ssyncset.done $0x0  }
0x1b8: {  	s13 =	rddreg [dreg:$0x10];
	[sflag:s19] =	ssyncadd.s32 $0xFFFFC180  }
0x1b9: {  	[tilespmem:s22], [sflag:$0x1] =	stream.indirect.gather [hbm4b:s1+s21], $0x80, s13, s21, $0xb8;
	[tilespmem:$0x1D000] =	vst v63  }
0x1ba: {  	_ =	swait.ge [sflag:s26], $0x3E80  }
0x1bb: {  	[sflag:s26] =	ssyncset.done $0x0  }
0x1bc: {  	s10 =	rddreg [dreg:$0x11];
	[sflag:s26] =	ssyncadd.s32 $0xFFFFC180  }
0x1bd: {  	[spmem:s3] =	stream.indirect.scatter.add.f32 [tilespmem:s18], [sflag:$0x4], $0x80, s10, s21, $0xb8;
	[tilespmem:$0x1D000] =	vst v63  }
0x1be: {  	_ =	swait.ge [sflag:s19], $0x3E80  }
0x1bf: {  	[sflag:s19] =	ssyncset.done $0x0  }
0x1c0: {  	s11 =	rddreg [dreg:$0x12];
	[sflag:s19] =	ssyncadd.s32 $0xFFFFC180  }
0x1c1: {  	[tilespmem:s18], [sflag:$0x2] =	stream.indirect.gather [hbm4b:s1+s21], $0x80, s11, s21, $0xb8;
	[tilespmem:$0x1D000] =	vst v63  }
0x1c2: {  	_ =	swait.ge [sflag:s25], $0x3E80  }
0x1c3: {  	[sflag:s25] =	ssyncset.done $0x0  }
0x1c4: {  	s12 =	rddreg [dreg:$0x13];
	[sflag:s25] =	ssyncadd.s32 $0xFFFFC180  }
0x1c5: {  	[spmem:s3] =	stream.indirect.scatter.add.f32 [tilespmem:s22], [sflag:$0x4], $0x80, s12, s21, $0xb8;
	[tilespmem:$0x1D000] =	vst v63  }
0x1c6: {  	_ =	swait.ge [sflag:s19], $0x3E80  }
0x1c7: {  	[sflag:s19] =	ssyncset.done $0x0  }
0x1c8: {  	[sflag:s19] =	ssyncadd.s32 $0xFFFFC180  }
0x1c9: {  	_ =	swait.ge [sflag:s20], $0x400  }
0x1ca: {  	[sflag:s20] =	ssyncset.done $0x0  }
0x1cb: {  	[sflag:s20] =	ssyncadd.s32 $0xFFFFFC00  }
0x1cc: {  	_ =	swait.ge [sflag:s20], $0x400  }
0x1cd: {  	[sflag:s20] =	ssyncset.done $0x0  }
0x1ce: {  	[sflag:s20] =	ssyncadd.s32 $0xFFFFFC00  }
0x1cf: {  	[tilespmem:s22], [sflag:$0x1] =	stream.indirect.gather [hbm4b:s1+s21], $0x80, s23, s21, $0xb8;
	[tilespmem:$0x1D000] =	vst v63  }
0x1d0: {  	_ =	swait.ge [sflag:s26], $0x3E80  }
0x1d1: {  	p0 =	seq.s32 s7, $0x400;
	[sflag:s26] =	ssyncset.done $0x0  }
0x1d2: {  	s6 =	sadd.s32 $0x800, s16;
	s13 =	rddreg [dreg:$0x14];
	[sflag:s26] =	ssyncadd.s32 $0xFFFFC180  }
0x1d3: {  	[spmem:s3] =	stream.indirect.scatter.add.f32 [tilespmem:s18], [sflag:$0x4], $0x80, s13, s21, $0xb8;
	[tilespmem:$0x1D000] =	vst v63  }
0x1d4: {  	s6 =	sshrl.u32 @!p0 s6, $0x3;
	_ =	swait.ge [sflag:s19], $0x3E80  }
0x1d5: {  	s6 =	sadd.s32 @!p0 s5, s6;
	[sflag:s19] =	ssyncset.done $0x0  }
0x1d6: {  	s10 =	simm.s32 @!p0 $0x0;
	s11 =	rddreg [dreg:$0x4];
	[sflag:s19] =	ssyncadd.s32 $0xFFFFC180  }
0x1d7: {  	[tilespmem:s10], [sflag:$0x3] =	stream.linear.gather @!p0 [hbm4b:s6+s10], $0x400, $0x38;
	[tilespmem:$0x1D000] =	vst v63  }
0x1d8: {  	s6 =	sadd.s32 @!p0 s7, s11;
	s7 =	simm.s32 @!p0 $0x400  }
0x1d9: {  	[tilespmem:s7], [sflag:$0x3] =	stream.linear.gather @!p0 [hbm4b:s6+s10], $0x400, $0x38;
	[tilespmem:$0x1D000] =	vst v63  }
0x1da: {  	s16 =	rddreg [dreg:$0x15]  }
0x1db: {  	[tilespmem:s18], [sflag:$0x2] =	stream.indirect.gather [hbm4b:s1+s21], $0x80, s16, s21, $0xb8;
	[tilespmem:$0x1D000] =	vst v63  }
0x1dc: {  	_ =	swait.ge [sflag:s25], $0x3E80  }
0x1dd: {  	[sflag:s25] =	ssyncset.done $0x0  }
0x1de: {  	[sflag:s25] =	ssyncadd.s32 $0xFFFFC180  }
0x1df: {  	[spmem:s3] =	stream.indirect.scatter.add.f32 [tilespmem:s22], [sflag:$0x4], $0x80, s24, s21, $0xb8;
	[tilespmem:$0x1D000] =	vst v63  }
0x1e0: {  	_ =	swait.ge [sflag:s19], $0x3E80  }
0x1e1: {  	[sflag:s19] =	ssyncset.done $0x0  }
0x1e2: {  	s7 =	rddreg [dreg:$0x16];
	[sflag:s19] =	ssyncadd.s32 $0xFFFFC180  }
0x1e3: {  	[tilespmem:s22], [sflag:$0x1] =	stream.indirect.gather [hbm4b:s1+s21], $0x80, s7, s21, $0xb8;
	[tilespmem:$0x1D000] =	vst v63  }
0x1e4: {  	_ =	swait.ge [sflag:s26], $0x3E80  }
0x1e5: {  	[sflag:s26] =	ssyncset.done $0x0  }
0x1e6: {  	s11 =	rddreg [dreg:$0x17];
	[sflag:s26] =	ssyncadd.s32 $0xFFFFC180  }
0x1e7: {  	[spmem:s3] =	stream.indirect.scatter.add.f32 [tilespmem:s18], [sflag:$0x4], $0x80, s11, s21, $0xb8;
	[tilespmem:$0x1D000] =	vst v63  }
0x1e8: {  	_ =	swait.ge [sflag:s19], $0x3E80  }
0x1e9: {  	[sflag:s19] =	ssyncset.done $0x0  }
0x1ea: {  	s12 =	rddreg [dreg:$0x18];
	[sflag:s19] =	ssyncadd.s32 $0xFFFFC180  }
0x1eb: {  	[tilespmem:s18], [sflag:$0x2] =	stream.indirect.gather [hbm4b:s1+s21], $0x80, s12, s21, $0xb8;
	[tilespmem:$0x1D000] =	vst v63  }
0x1ec: {  	_ =	swait.ge [sflag:s25], $0x3E80  }
0x1ed: {  	[sflag:s25] =	ssyncset.done $0x0  }
0x1ee: {  	s13 =	rddreg [dreg:$0x19];
	[sflag:s25] =	ssyncadd.s32 $0xFFFFC180  }
0x1ef: {  	[spmem:s3] =	stream.indirect.scatter.add.f32 [tilespmem:s22], [sflag:$0x4], $0x80, s13, s21, $0xb8;
	[tilespmem:$0x1D000] =	vst v63  }
0x1f0: {  	_ =	swait.ge [sflag:s19], $0x3E80  }
0x1f1: {  	[sflag:s19] =	ssyncset.done $0x0  }
0x1f2: {  	s16 =	rddreg [dreg:$0x1a];
	[sflag:s19] =	ssyncadd.s32 $0xFFFFC180  }
0x1f3: {  	[tilespmem:s22], [sflag:$0x1] =	stream.indirect.gather [hbm4b:s1+s21], $0x80, s16, s21, $0xb8;
	[tilespmem:$0x1D000] =	vst v63  }
0x1f4: {  	_ =	swait.ge [sflag:s26], $0x3E80  }
0x1f5: {  	[sflag:s26] =	ssyncset.done $0x0  }
0x1f6: {  	s7 =	rddreg [dreg:$0x1b];
	[sflag:s26] =	ssyncadd.s32 $0xFFFFC180  }
0x1f7: {  	[spmem:s3] =	stream.indirect.scatter.add.f32 [tilespmem:s18], [sflag:$0x4], $0x80, s7, s21, $0xb8;
	[tilespmem:$0x1D000] =	vst v63  }
0x1f8: {  	_ =	swait.ge [sflag:s19], $0x3E80  }
0x1f9: {  	[sflag:s19] =	ssyncset.done $0x0  }
0x1fa: {  	s11 =	rddreg [dreg:$0x1c];
	[sflag:s19] =	ssyncadd.s32 $0xFFFFC180  }
0x1fb: {  	[tilespmem:s18], [sflag:$0x2] =	stream.indirect.gather [hbm4b:s1+s21], $0x80, s11, s21, $0xb8;
	[tilespmem:$0x1D000] =	vst v63  }
0x1fc: {  	_ =	swait.ge [sflag:s25], $0x3E80  }
0x1fd: {  	[sflag:s25] =	ssyncset.done $0x0  }
0x1fe: {  	s12 =	rddreg [dreg:$0x1d];
	[sflag:s25] =	ssyncadd.s32 $0xFFFFC180  }
0x1ff: {  	[spmem:s3] =	stream.indirect.scatter.add.f32 [tilespmem:s22], [sflag:$0x4], $0x80, s12, s21, $0xb8;
	[tilespmem:$0x1D000] =	vst v63  }
0x200: {  	_ =	swait.ge [sflag:s19], $0x3E80  }
0x201: {  	[sflag:s19] =	ssyncset.done $0x0  }
0x202: {  	[sflag:s19] =	ssyncadd.s32 $0xFFFFC180  }
0x203: {  	[tilespmem:s22], [sflag:$0x1] =	stream.indirect.gather [hbm4b:s1+s21], $0x80, s28, s21, $0xb8;
	[tilespmem:$0x1D000] =	vst v63  }
0x204: {  	_ =	swait.ge [sflag:s26], $0x3E80  }
0x205: {  	[sflag:s26] =	ssyncset.done $0x0  }
0x206: {  	[sflag:s26] =	ssyncadd.s32 $0xFFFFC180  }
0x207: {  	[spmem:s3] =	stream.indirect.scatter.add.f32 [tilespmem:s18], [sflag:$0x4], $0x80, s29, s21, $0xb8;
	[tilespmem:$0x1D000] =	vst v63  }
0x208: {  	_ =	swait.ge [sflag:s19], $0x3E80  }
0x209: {  	[sflag:s19] =	ssyncset.done $0x0  }
0x20a: {  	[sflag:s19] =	ssyncadd.s32 $0xFFFFC180  }
0x20b: {  	[tilespmem:s18], [sflag:$0x2] =	stream.indirect.gather [hbm4b:s1+s21], $0x80, s30, s21, $0xb8;
	[tilespmem:$0x1D000] =	vst v63  }
0x20c: {  	_ =	swait.ge [sflag:s25], $0x3E80  }
0x20d: {  	[sflag:s25] =	ssyncset.done $0x0  }
0x20e: {  	[sflag:s25] =	ssyncadd.s32 $0xFFFFC180  }
0x20f: {  	[spmem:s3] =	stream.indirect.scatter.add.f32 [tilespmem:s22], [sflag:$0x4], $0x80, s31, s21, $0xb8;
	[tilespmem:$0x1D000] =	vst v63  }
0x210: {  	_ =	swait.ge [sflag:s19], $0x3E80  }
0x211: {  	[sflag:s19] =	ssyncset.done $0x0  }
0x212: {  	s6 =	simm.s32 @!p0 $0x3;
	[sflag:s19] =	ssyncadd.s32 $0xFFFFC180  }
0x213: {  	_ =	swait.ge @!p0 [sflag:s6], $0x400  }
0x214: {  	[sflag:s6] =	ssyncset.done @!p0 $0x0  }
0x215: {  	[sflag:s6] =	ssyncadd.s32 @!p0 $0xFFFFFC00  }
0x216: {  	_ =	swait.ge @!p0 [sflag:s6], $0x400  }
0x217: {  	[sflag:s6] =	ssyncset.done @!p0 $0x0  }
0x218: {  	s7 =	simm.s32 @!p0 $0x1000;
	[sflag:s6] =	ssyncadd.s32 @!p0 $0xFFFFFC00;
	s6 =	simm.s32 @!p0 $0x7D  }
0x219: {  	[tilespmem:s7], [sflag:$0x1] =	stream.indirect.gather @!p0 [hbm4b:s1+s6], $0x80, s10, s6, $0xb8;
	[tilespmem:$0x1D000] =	vst v63  }
0x21a: {  	_ =	swait.ge [sflag:s26], $0x3E80  }
0x21b: {  	[sflag:s26] =	ssyncset.done $0x0  }
0x21c: {  	[sflag:s26] =	ssyncadd.s32 $0xFFFFC180  }
0x21d: {  	[spmem:s3] =	stream.indirect.scatter.add.f32 [tilespmem:s18], [sflag:$0x4], $0x80, s2, s21, $0xb8;
	[tilespmem:$0x1D000] =	vst v63  }
0x21e: {  	s0 =	sadd.s32 $0x1, s0;
	_ =	swait.ge [sflag:s19], $0x3E80  }
0x21f: {  	s13 =	stileid.u32;
	s16 =	sshrl.u32 s8, $0x3;
	[sflag:s19] =	ssyncset.done $0x0  }
0x220: {  	s6 =	sshll.u32 s13, $0x6;
	p0 =	sne.s32 s0, s15;
	[sflag:s19] =	ssyncadd.s32 $0xFFFFC180  }
.Ltmp2:
0x221: {  	s6 =	sor.u32 $0x1C04, s6;
	[bflag:$0x0] =	sbarrier.arrive $0xFFFF;
	(pc) =	sbr.rel @p0 .LBB2_1-.Ltmp2, $4  }
0x222: {  	[hbm:s14], [sflag:s6] =	dma.local [spmem:s16], $0x2800  }
0x223: {  	_ =	swait.ge [sflag:s19], $0x2800  }
0x224: {  	[sflag:s19] =	ssyncset.done $0x0  }
0x225: {  	[sflag:s19] =	ssyncadd.s32 $0xFFFFD800  }
0x226: {  	_ =	sfence.sel $0x180000  }
0x227: {  	[bflag:$0x0] =	sbarrier.arrive $0xFFFF  }
0x228: {  	_ =	strace $0x9000004D  }
0x229: {  	s0 =	stileid.u32;
	[bflag:$0x2] =	sbarrier.arrive $0xFFFF  }
0x22a: {  	p0 =	sne.s32 s0, $0x0;
	s0 =	rddreg [dreg:$0x3]  }
0x22b: {  	s0 =	sadd.s32 @!p0 $0x100000, s0  }
0x22c: {  	[sflag:s0] =	ssyncadd.tile.s32 @!p0 $0x1;
	_ =	shalt  }
.Lfunc_end2:
_tile_overlayer_lowered:
.L_overlay_start_2:
0x22d: {  	(tag) =	ssettag $0x2  }
0x22e: {  	s0 =	rddreg [dreg:$0x0];
	s2 =	stileid.u32  }
0x22f: {  	s1 =	rddreg [dreg:$0x1];
	p0 =	sne.s32 s2, $0x0  }
0x230: {  	s3 =	rddreg [dreg:$0x2];
	[bflag:$0x3] =	sbarrier.arrive $0xFFFF;
	s2 =	simm.s32 @!p0 $0x1C04  }
0x231: {  	[timem:s3], [sflag:s2] =	dma.local @!p0 [hbm:s0], s1  }
0x232: {  	s0 =	simm.s32 @!p0 $0x4  }
0x233: {  	_ =	swait.ge @!p0 [sflag:s0], s1  }
0x234: {  	s1 =	ssub.s32 @!p0 $0x0, s1;
	[sflag:s0] =	ssyncset.done @!p0 $0x0  }
0x235: {  	[sflag:s0] =	ssyncadd.s32 @!p0 s1  }
0x236: {  	[bflag:$0x3] =	sbarrier.arrive $0xFFFF  }
0x237: {  	_ =	shalt  }

// kernel: kernel.8.cloned.1.call-start
scs
__scs_entry_jumppad:
0x0: {  	(pc) =	sbr.rel $0x88, $3  }
0x1: {  	(tag) =	ssettag $0x0;
	lr =	simm.s32 $0x1  }
0x2: {  	[smem:$0x3F9B] =	sst lr;
	_ =	strace $0xD0000000  }
0x3: {  	_ = 	snop  }
0x4: {  	_ = 	snop  }
0x5: {  	_ = 	snop  }
0x6: {  	_ = 	snop  }
0x7: {  	_ = 	snop  }
__scs_overlays_trampoline_lowered:
0x8: {  	[smem:$0x3FAA] =	sst s0  }
0x9: {  	[smem:$0x3FAB] =	sst s1  }
0xa: {  	[smem:$0x3FAC] =	sst s2  }
0xb: {  	[smem:$0x3FAD] =	sst s3  }
0xc: {  	[smem:$0x3FAE] =	sst s4  }
0xd: {  	[smem:$0x3FAF] =	sst s5  }
0xe: {  	[smem:$0x3FB0] =	sst s6  }
0xf: {  	[smem:$0x3FB1] =	sst s7  }
0x10: {  	[smem:$0x3FB2] =	sst s8  }
0x11: {  	[smem:$0x3FB3] =	sst s9;
	s0 =	simm.s32 @!p0 $0x0  }
0x12: {  	s1 =	sld [smem:$0x3F99];
	s0 =	simm.s32 @p0 $0x1  }
0x13: {  	[smem:$0x3FB4] =	sst s0;
	s0 =	simm.s32 @!p1 $0x0  }
0x14: {  	s2 =	sld [smem:$0x3F98];
	s0 =	simm.s32 @p1 $0x1  }
0x15: {  	[smem:$0x3FB5] =	sst s0;
	s0 =	simm.s32 @!p2 $0x0  }
0x16: {  	s3 =	sld [smem:$0x3FDB];
	s0 =	simm.s32 @p2 $0x1  }
0x17: {  	s4 =	simm.s32 $0x1BF5;
	[smem:$0x3FB7] =	sst s0  }
0x18: {  	s0 =	sld [smem:$0x3F9A];
	_ =	swait.ge [sflag:s4], $0x0  }
0x19: {  	s7 =	sld [smem:$0x3F9B]  }
0x1a: {  	s8 =	sadd.s32 $0xFFFFE003, lr  }
0x1b: {  	s9 =	sadd.s32 $0xFFFFFEF7, lr;
	s5 =	simm.s32 $0xFFFFFFFF;
	p2 =	slt.u32 s8, $0xFFFFF086  }
0x1c: {  	p1 =	slt.u32 s9, $0xF7A;
	s5 =	simm.s32 @!p2 $0x0  }
0x1d: {  	s5 =	simm.s32 @p1 $0x1;
	p0 =	seq.s32 s7, s2  }
0x1e: {  	s7 =	smul.u32 @!p0 $0xF7A, s2;
	p2 =	seq.s32 @!p0 s5, $0x0  }
0x1f: {  	s9 =	smul.u32 $0xF7A, s1;
	s8 =	simm.s32 @!p0 $0x1BF5;
	p2 =	por !p2, p0  }
0x20: {  	[sflag:s8] =	ssyncset.s32 @!p0 $0xFFFFF086;
	s6 =	sadd.s32 @!p0 s3, s7;
	s7 =	simm.s32 @!p0 $0x108  }
0x21: {  	s3 =	sadd.s32 s3, s9;
	s6 =	sadd.s32 @!p0 $0x88, s6;
	s7 =	simm.s32 @p2 $0x1082  }
0x22: {  	[simem:s7], [sflag:s8] =	dma.local @!p0 [hbm:s6], $0xF7A  }
0x23: {  	s9 =	sor.u32 $0xD0000000, s2;
	s6 =	simm.s32 $0x108;
	_ =	swait.ge @!p0 [sflag:s8], $0x0  }
0x24: {  	s3 =	sadd.s32 $0x88, s3;
	s6 =	simm.s32 @!p1 $0x1082;
	[sflag:s4] =	ssyncset.s32 $0xFFFFF086  }
0x25: {  	[simem:s6], [sflag:s4] =	dma.local [hbm:s3], $0xF7A  }
0x26: {  	[smem:$0x3F9B] =	sst s1;
	(tag) =	ssettag s2;
	_ =	strace s9  }
0x27: {  	s1 =	sld [smem:$0x3FAB]  }
0x28: {  	s2 =	sld [smem:$0x3FAC]  }
0x29: {  	s4 =	sld [smem:$0x3FAE]  }
0x2a: {  	p0 =	seq.s32 s5, $0x0;
	s5 =	sld [smem:$0x3FAF]  }
0x2b: {  	s6 =	sld [smem:$0x3FB0]  }
0x2c: {  	s7 =	sld [smem:$0x3FB1]  }
0x2d: {  	s3 =	simm.s32 $0x108;
	s8 =	sld [smem:$0x3FB2]  }
0x2e: {  	s3 =	simm.s32 @!p0 $0x1082;
	s9 =	sld [smem:$0x3FB3]  }
0x2f: {  	lr =	sadd.s32 s0, s3;
	s0 =	sld [smem:$0x3FAA]  }
0x30: {  	s3 =	sld [smem:$0x3FAD]  }
0x31: {  	[smem:$0x3FB6] =	sst s10  }
0x32: {  	s10 =	sld [smem:$0x3FB4];
	_ =	sdelay $0x3  }
0x33: {  	p0 =	seq.s32 s10, $0x1;
	s10 =	sld [smem:$0x3FB6];
	_ =	sdelay $0x3  }
0x34: {  	[smem:$0x3FB6] =	sst s10  }
0x35: {  	s10 =	sld [smem:$0x3FB5];
	_ =	sdelay $0x3  }
0x36: {  	p1 =	seq.s32 s10, $0x1;
	s10 =	sld [smem:$0x3FB6];
	_ =	sdelay $0x3  }
0x37: {  	[smem:$0x3FB6] =	sst s10  }
0x38: {  	s10 =	sld [smem:$0x3FB7]  }
0x39: {  	_ = 	snop;
	(pc) =	sbr.ind lr, $3  }
0x3a: {  	_ = 	snop  }
0x3b: {  	_ = 	snop  }
0x3c: {  	p2 =	seq.s32 s10, $0x1;
	s10 =	sld [smem:$0x3FB6]  }
0x3d: {  	_ =	shalt  }
0x3e: {  	_ =	shalt  }
0x3f: {  	_ =	shalt  }
0x40: {  	_ =	shalt  }
0x41: {  	_ =	shalt  }
0x42: {  	_ =	shalt  }
0x43: {  	_ =	shalt  }
0x44: {  	_ =	shalt  }
0x45: {  	_ =	shalt  }
0x46: {  	_ =	shalt  }
0x47: {  	_ =	shalt  }
0x48: {  	_ =	shalt  }
0x49: {  	_ =	shalt  }
0x4a: {  	_ =	shalt  }
0x4b: {  	_ =	shalt  }
0x4c: {  	_ =	shalt  }
0x4d: {  	_ =	shalt  }
0x4e: {  	_ =	shalt  }
0x4f: {  	_ =	shalt  }
0x50: {  	_ =	shalt  }
0x51: {  	_ =	shalt  }
0x52: {  	_ =	shalt  }
0x53: {  	_ =	shalt  }
0x54: {  	_ =	shalt  }
0x55: {  	_ =	shalt  }
0x56: {  	_ =	shalt  }
0x57: {  	_ =	shalt  }
0x58: {  	_ =	shalt  }
0x59: {  	_ =	shalt  }
0x5a: {  	_ =	shalt  }
0x5b: {  	_ =	shalt  }
0x5c: {  	_ =	shalt  }
0x5d: {  	_ =	shalt  }
0x5e: {  	_ =	shalt  }
0x5f: {  	_ =	shalt  }
0x60: {  	_ =	shalt  }
0x61: {  	_ =	shalt  }
0x62: {  	_ =	shalt  }
0x63: {  	_ =	shalt  }
0x64: {  	_ =	shalt  }
0x65: {  	_ =	shalt  }
0x66: {  	_ =	shalt  }
0x67: {  	_ =	shalt  }
0x68: {  	_ =	shalt  }
0x69: {  	_ =	shalt  }
0x6a: {  	_ =	shalt  }
0x6b: {  	_ =	shalt  }
0x6c: {  	_ =	shalt  }
0x6d: {  	_ =	shalt  }
0x6e: {  	_ =	shalt  }
0x6f: {  	_ =	shalt  }
0x70: {  	_ =	shalt  }
0x71: {  	_ =	shalt  }
0x72: {  	_ =	shalt  }
0x73: {  	_ =	shalt  }
0x74: {  	_ =	shalt  }
0x75: {  	_ =	shalt  }
0x76: {  	_ =	shalt  }
0x77: {  	_ =	shalt  }
0x78: {  	_ =	shalt  }
0x79: {  	_ =	shalt  }
0x7a: {  	_ =	shalt  }
0x7b: {  	_ =	shalt  }
0x7c: {  	_ =	shalt  }
0x7d: {  	_ =	shalt  }
0x7e: {  	_ =	shalt  }
0x7f: {  	_ =	shalt  }
0x80: {  	_ =	shalt  }
0x81: {  	_ =	shalt  }
0x82: {  	_ =	shalt  }
0x83: {  	_ =	shalt  }
0x84: {  	_ =	shalt  }
0x85: {  	_ =	shalt  }
0x86: {  	_ =	shalt  }
0x87: {  	_ =	shalt  }
.Lfunc_end0:
.L_simem_size_0:
called_computation_lowered:
.L_overlay_start_0:
0x88: {  	s2 =	sld [smem:$0x3FD9]  }
0x89: {  	s3 =	sld [smem:$0x3FFE];
	_ =	sdelay $0x1  }
0x8a: {  	s1 =	srdreg.scid  }
0x8b: {  	s0 =	sand.u32 $0x1, s1  }
0x8c: {  	s17 =	sshll.u32 s0, $0xA;
	s2 =	sadd.s32 s3, s2  }
0x8d: {  	s2 =	sadd.s32 s2, s17  }
0x8e: {  	[smem:$0x3FC2] =	sst s2  }
0x8f: {  	_ = 	snop  }
0x90: {  	s2 =	sld [smem:$0x3FD0];
	(tm) =	ssettm $0x1  }
0x91: {  	s18 =	sld [smem:$0x3FFB];
	_ =	sdelay $0x3  }
0x92: {  	_ =	strace s18  }
0x93: {  	s3 =	sld [smem:$0x3FFC];
	_ =	sdelay $0x3  }
0x94: {  	_ =	strace s3  }
0x95: {  	s3 =	sld [smem:$0x3FFD];
	_ =	sdelay $0x3  }
0x96: {  	_ =	strace s3  }
0x97: {  	_ =	strace $0x8FFFFFFF  }
0x98: {  	s19 =	sld [smem:$0x3FDB];
	_ =	sdelay $0x1  }
0x99: {  	s4 =	simm.s32 $_scs_section_size  }
0x9a: {  	s5 =	simm.s32 $_size__tile_overlayer_lowered;
	s6 =	simm.s32 $_tile_overlayer_lowered  }
0x9b: {  	s22 =	simm.s32 $0x1BFF;
	s21 =	sshll.u32 s6, $0x1;
	s3 =	sadd.s32 s4, s19  }
0x9c: {  	s7 =	simm.s32 $0x0;
	s20 =	sshll.u32 s5, $0x1;
	s5 =	sadd.s32 s21, s3  }
0x9d: {  	[timem:s7], [sflag:s22] =	dma.local [hbm:s5], s20  }
0x9e: {  	_ =	swait.ge [sflag:s22], s20  }
0x9f: {  	s4 =	ssub.s32 $0x0, s20;
	[sflag:s22] =	ssyncset.done $0x0  }
0xa0: {  	[sflag:s22] =	ssyncadd.s32 s4;
	_ =	sdelay $0x1  }
0xa1: {  	s23 =	simm.s32 $0x1B8B  }
0xa2: {  	_ =	swait.ge [sflag:s23], $0x1  }
0xa3: {  	[sflag:s23] =	ssyncset.done $0x0  }
0xa4: {  	s25 =	simm.s32 $0x1B8E;
	s24 =	sld [smem:$0x3FFE];
	[sflag:s23] =	ssyncadd.s32 $0xFFFFFFFF  }
0xa5: {  	s26 =	simm.s32 $execute0_lowered;
	[smem:$0x3FD2] =	sst s25  }
0xa6: {  	s5 =	sshll.u32 s26, $0x1;
	_ =	strace $0x80000046;
	[dreg:$0x1] =	wrdreg $0xFFFFFFFF  }
0xa7: {  	s28 =	simm.s32 $_size_execute0_lowered;
	s3 =	sadd.s32 s3, s5;
	[dreg:$0x0] =	wrdreg $0x0  }
0xa8: {  	s5 =	sshll.u32 s28, $0x1;
	[dreg:$0x2] =	wrdreg s3  }
0xa9: {  	[dreg:$0x3] =	wrdreg s5  }
0xaa: {  	[dreg:$0x4] =	wrdreg $0xC0  }
0xab: {  	_ =	task [dreg:s7], $0x5FFFF  }
0xac: {  	[dreg:$0x1] =	wrdreg $0xFFFFFFFF  }
0xad: {  	[dreg:$0x0] =	wrdreg $0x60  }
0xae: {  	[dreg:$0x2] =	wrdreg s24  }
0xaf: {  	[dreg:$0x3] =	wrdreg s2  }
0xb0: {  	[dreg:$0x4] =	wrdreg $0x2B000  }
0xb1: {  	[dreg:$0x5] =	wrdreg $0x9  }
0xb2: {  	_ =	task.clear_ibuf [dreg:s7], $0x6FFFF;
	_ =	strace $0x90000046  }
0xb3: {  	s29 =	simm.s32 $0x9;
	_ =	strace $0x80000048  }
0xb4: {  	_ =	swait.ge [sflag:s29], $0x1  }
0xb5: {  	[sflag:s29] =	ssyncadd.s32 $0xFFFFFFFF  }
0xb6: {  	_ =	strace $0x90000048  }
0xb7: {  	_ =	sfence  }
0xb8: {  	s30 =	sld [smem:$0x0];
	_ =	sdelay $0x2  }
0xb9: {  	s31 =	sshll.u32 s1, $0xD;
	s1 =	sshrl.u32 s1, $0x2  }
0xba: {  	s3 =	sand.u32 $0x4000, s31;
	s1 =	sadd.s32 s1, s30  }
0xbb: {  	s0 =	sor.u32 s3, s0;
	s1 =	sshll.u32 s1, $0x11  }
0xbc: {  	s0 =	sor.u32 s1, s0  }
0xbd: {  	s0 =	sadd.s32 $0x8F2B, s0  }
0xbe: {  	[sflag:s0] =	ssyncadd.remote.s32 $0x1  }
0xbf: {  	_ =	sfence.sel $0xFFFF  }
0xc0: {  	[dreg:$0x0] =	wrdreg $0xFFFFFFFF;
	(pc) =	sbr.abs _section_cstart, $3  }
0xc1: {  	[dreg:$0x1] =	wrdreg $0xFFFFFFFF  }
0xc2: {  	_ =	task.clear_ibuf [dreg:s7], $0x2FFFF;
	_ =	strace $0x9FFFFFFF  }
0xc3: {  	(tm) =	ssettm $0x7FFFFFFF  }
tec
execute0_lowered:
.L_overlay_start_1:
0x0: {  	(tag) =	ssettag $0x1  }
0x1: {  	s4 =	rddreg [dreg:$0x0]  }
0x2: {  	s6 =	rddreg [dreg:$0x1];
	s1 =	srdreg.scid  }
0x3: {  	s0 =	stileid.u32;
	s2 =	rddreg [dreg:$0x2];
	s3 =	simm.s32 $0x0  }
0x4: {  	s12 =	simm.s32 $0x2800;
	s15 =	simm.s32 $0x20;
	s16 =	simm.s32 $0x10  }
0x5: {  	s17 =	simm.s32 $0x0;
	s5 =	sand.u32 $0x1, s1;
	s1 =	rddreg [dreg:$0x3]  }
0x6: {  	s7 =	sshll.u32 s0, $0x1;
	[smem:$0x7FF] =	sst s3;
	s9 =	smul.u32 $0x500, s0  }
0x7: {  	s11 =	smul.u32 $0xA00, s0;
	s13 =	sshll.u32 s0, $0x6;
	s7 =	sor.u32 s5, s7  }
0x8: {  	_ =	strace $0x80000047;
	s8 =	ssub.s32 $0x2, s5;
	s5 =	sshll.u32 s5, $0x7  }
0x9: {  	s13 =	sor.u32 $0x1C02, s13;
	s7 =	smul.u32 $0x2800, s7;
	s10 =	sshrl.u32 s8, $0x1  }
0xa: {  	s5 =	sor.u32 s5, s9;
	s31 =	sshrl.u32 s11, $0x2;
	s11 =	simm.s32 $0x7D  }
0xb: {  	s8 =	ssub.s32 s8, s10;
	s9 =	sshrl.u32 s5, $0x3;
	s5 =	sadd.s32 s31, s2  }
0xc: {  	s10 =	simm.s32 $0x1;
	s7 =	sshrl.u32 s7, $0x3;
	s6 =	sadd.s32 s6, s9  }
0xd: {  	s9 =	simm.s32 $0x2;
	s14 =	sshrl.u32 s5, $0x3;
	s4 =	sadd.s32 s4, s7  }
0xe: {  	v0 =	vimm.f32 $1.000000000e+00;
	v1 =	vimm.f32 $0.0e+00;
	s7 =	smax.u32 s8, $0x1;
	s8 =	simm.s32 $0x2880;
	s4 =	sadd.s32 $0xC800, s4  }
.LBB2_1:
0xf: {  	[tilespmem:s3], [sflag:$0x1] =	stream.linear.gather [hbm4b:s4+s3], $0x2800, $0x38;
	[tilespmem:$0x2D80] =	vst v63  }
0x10: {  	[tilespmem:$0x2800] =	vst v0  }
0x11: {  	[tilespmem:$0x2810] =	vst v0  }
0x12: {  	[tilespmem:$0x2820] =	vst v0  }
0x13: {  	[tilespmem:$0x2830] =	vst v0  }
0x14: {  	[tilespmem:$0x2840] =	vst v0  }
0x15: {  	[tilespmem:$0x2850] =	vst v0  }
0x16: {  	[tilespmem:$0x2860] =	vst v0  }
0x17: {  	[tilespmem:$0x2870] =	vst v0  }
0x18: {  	[tilespmem:$0x2880] =	vst v1  }
0x19: {  	[tilespmem:$0x2890] =	vst v1  }
0x1a: {  	[tilespmem:$0x28A0] =	vst v1  }
0x1b: {  	[tilespmem:$0x28B0] =	vst v1  }
0x1c: {  	[tilespmem:$0x28C0] =	vst v1  }
0x1d: {  	[tilespmem:$0x28D0] =	vst v1  }
0x1e: {  	[tilespmem:$0x28E0] =	vst v1  }
0x1f: {  	[tilespmem:$0x28F0] =	vst v1  }
0x20: {  	[tilespmem:$0x2900] =	vst v1  }
0x21: {  	[tilespmem:$0x2910] =	vst v1  }
0x22: {  	[tilespmem:$0x2920] =	vst v1  }
0x23: {  	[tilespmem:$0x2930] =	vst v1  }
0x24: {  	[tilespmem:$0x2940] =	vst v1  }
0x25: {  	[tilespmem:$0x2950] =	vst v1  }
0x26: {  	[tilespmem:$0x2960] =	vst v1  }
0x27: {  	[tilespmem:$0x2970] =	vst v1  }
0x28: {  	[tilespmem:$0x2980] =	vst v1  }
0x29: {  	[tilespmem:$0x2990] =	vst v1  }
0x2a: {  	[tilespmem:$0x29A0] =	vst v1  }
0x2b: {  	[tilespmem:$0x29B0] =	vst v1  }
0x2c: {  	[tilespmem:$0x29C0] =	vst v1  }
0x2d: {  	[tilespmem:$0x29D0] =	vst v1  }
0x2e: {  	[tilespmem:$0x29E0] =	vst v1  }
0x2f: {  	[tilespmem:$0x29F0] =	vst v1  }
0x30: {  	[tilespmem:$0x2A00] =	vst v1  }
0x31: {  	[tilespmem:$0x2A10] =	vst v1  }
0x32: {  	[tilespmem:$0x2A20] =	vst v1  }
0x33: {  	[tilespmem:$0x2A30] =	vst v1  }
0x34: {  	[tilespmem:$0x2A40] =	vst v1  }
0x35: {  	[tilespmem:$0x2A50] =	vst v1  }
0x36: {  	[tilespmem:$0x2A60] =	vst v1  }
0x37: {  	[tilespmem:$0x2A70] =	vst v1  }
0x38: {  	[tilespmem:$0x2A80] =	vst v1  }
0x39: {  	[tilespmem:$0x2A90] =	vst v1  }
0x3a: {  	[tilespmem:$0x2AA0] =	vst v1  }
0x3b: {  	[tilespmem:$0x2AB0] =	vst v1  }
0x3c: {  	[tilespmem:$0x2AC0] =	vst v1  }
0x3d: {  	[tilespmem:$0x2AD0] =	vst v1  }
0x3e: {  	[tilespmem:$0x2AE0] =	vst v1  }
0x3f: {  	[tilespmem:$0x2AF0] =	vst v1  }
0x40: {  	[spmem:s5] =	stream.linear.scatter [tilespmem:s8], [sflag:$0x2], $0x280, $0x38;
	[tilespmem:$0x2D80] =	vst v63  }
0x41: {  	_ =	swait.ge [sflag:s9], $0x280  }
0x42: {  	[sflag:s9] =	ssyncset.done $0x0  }
0x43: {  	[sflag:s9] =	ssyncadd.s32 $0xFFFFFD80  }
0x44: {  	_ =	swait.ge [sflag:s10], $0x2800  }
0x45: {  	[sflag:s10] =	ssyncset.done $0x0  }
0x46: {  	[sflag:s10] =	ssyncadd.s32 $0xFFFFD800  }
0x47: {  	s18 =	simm.s32 $0x0;
	[bflag:$0x0] =	sbarrier.arrive $0xFFFF  }
0x48: {  	[spmem:s2] =	stream.indirect.scatter.add.f32 [tilespmem:s12], [sflag:$0x1], $0x1, s18, s11, $0xb8;
	[tilespmem:$0x2D80] =	vst v63  }
0x49: {  	s24 =	simm.s32 $0x80  }
0x4a: {  	[spmem:s2] =	stream.indirect.scatter.add.f32 [tilespmem:s12], [sflag:$0x1], $0x1, s24, s11, $0xb8;
	[tilespmem:$0x2D80] =	vst v63  }
0x4b: {  	s25 =	simm.s32 $0x100  }
0x4c: {  	[spmem:s2] =	stream.indirect.scatter.add.f32 [tilespmem:s12], [sflag:$0x1], $0x1, s25, s11, $0xb8;
	[tilespmem:$0x2D80] =	vst v63  }
0x4d: {  	s26 =	simm.s32 $0x180  }
0x4e: {  	[spmem:s2] =	stream.indirect.scatter.add.f32 [tilespmem:s12], [sflag:$0x1], $0x1, s26, s11, $0xb8;
	[tilespmem:$0x2D80] =	vst v63  }
0x4f: {  	s28 =	simm.s32 $0x200  }
0x50: {  	[spmem:s2] =	stream.indirect.scatter.add.f32 [tilespmem:s12], [sflag:$0x1], $0x1, s28, s11, $0xb8;
	[tilespmem:$0x2D80] =	vst v63  }
0x51: {  	s29 =	simm.s32 $0x280  }
0x52: {  	[spmem:s2] =	stream.indirect.scatter.add.f32 [tilespmem:s12], [sflag:$0x1], $0x1, s29, s11, $0xb8;
	[tilespmem:$0x2D80] =	vst v63  }
0x53: {  	s30 =	simm.s32 $0x300  }
0x54: {  	[spmem:s2] =	stream.indirect.scatter.add.f32 [tilespmem:s12], [sflag:$0x1], $0x1, s30, s11, $0xb8;
	[tilespmem:$0x2D80] =	vst v63  }
0x55: {  	s31 =	simm.s32 $0x380  }
0x56: {  	[spmem:s2] =	stream.indirect.scatter.add.f32 [tilespmem:s12], [sflag:$0x1], $0x1, s31, s11, $0xb8;
	[tilespmem:$0x2D80] =	vst v63  }
0x57: {  	_ =	swait.ge [sflag:s10], $0x7D  }
0x58: {  	[sflag:s10] =	ssyncset.done $0x0  }
0x59: {  	[sflag:s10] =	ssyncadd.s32 $0xFFFFFF83  }
0x5a: {  	_ =	swait.ge [sflag:s10], $0x7D  }
0x5b: {  	[sflag:s10] =	ssyncset.done $0x0  }
0x5c: {  	[sflag:s10] =	ssyncadd.s32 $0xFFFFFF83  }
0x5d: {  	_ =	swait.ge [sflag:s10], $0x7D  }
0x5e: {  	[sflag:s10] =	ssyncset.done $0x0  }
0x5f: {  	[sflag:s10] =	ssyncadd.s32 $0xFFFFFF83  }
0x60: {  	_ =	swait.ge [sflag:s10], $0x7D  }
0x61: {  	[sflag:s10] =	ssyncset.done $0x0  }
0x62: {  	[sflag:s10] =	ssyncadd.s32 $0xFFFFFF83  }
0x63: {  	_ =	swait.ge [sflag:s10], $0x7D  }
0x64: {  	[sflag:s10] =	ssyncset.done $0x0  }
0x65: {  	[sflag:s10] =	ssyncadd.s32 $0xFFFFFF83  }
0x66: {  	_ =	swait.ge [sflag:s10], $0x7D  }
0x67: {  	[sflag:s10] =	ssyncset.done $0x0  }
0x68: {  	[sflag:s10] =	ssyncadd.s32 $0xFFFFFF83  }
0x69: {  	_ =	swait.ge [sflag:s10], $0x7D  }
0x6a: {  	[sflag:s10] =	ssyncset.done $0x0  }
0x6b: {  	[sflag:s10] =	ssyncadd.s32 $0xFFFFFF83  }
0x6c: {  	_ =	swait.ge [sflag:s10], $0x7D  }
0x6d: {  	s20 =	simm.s32 $0x2000;
	s18 =	simm.s32 $0x1000;
	[sflag:s10] =	ssyncset.done $0x0  }
.LBB2_2:
0x6e: {  	s21 =	sshra.s32 s18, $0x2  }
0x6f: {  	[sflag:s10] =	ssyncadd.s32 $0xFFFFFF83;
	s18 =	smov.u32 s20;
	s19 =	sadd.s32 $0x1000, s20  }
0x70: {  	[spmem:s2] =	stream.indirect.scatter.add.f32 [tilespmem:s12], [sflag:$0x1], $0x1, s21, s11, $0xb8;
	[tilespmem:$0x2D80] =	vst v63  }
0x71: {  	p0 =	sne.s32 s20, $0x9000;
	s20 =	sadd.s32 $0x80, s21  }
0x72: {  	[spmem:s2] =	stream.indirect.scatter.add.f32 [tilespmem:s12], [sflag:$0x1], $0x1, s20, s11, $0xb8;
	[tilespmem:$0x2D80] =	vst v63  }
0x73: {  	s20 =	sadd.s32 $0x100, s21  }
0x74: {  	[spmem:s2] =	stream.indirect.scatter.add.f32 [tilespmem:s12], [sflag:$0x1], $0x1, s20, s11, $0xb8;
	[tilespmem:$0x2D80] =	vst v63  }
0x75: {  	s20 =	sadd.s32 $0x180, s21  }
0x76: {  	[spmem:s2] =	stream.indirect.scatter.add.f32 [tilespmem:s12], [sflag:$0x1], $0x1, s20, s11, $0xb8;
	[tilespmem:$0x2D80] =	vst v63  }
0x77: {  	s20 =	sadd.s32 $0x200, s21  }
0x78: {  	[spmem:s2] =	stream.indirect.scatter.add.f32 [tilespmem:s12], [sflag:$0x1], $0x1, s20, s11, $0xb8;
	[tilespmem:$0x2D80] =	vst v63  }
0x79: {  	s20 =	sadd.s32 $0x280, s21  }
0x7a: {  	[spmem:s2] =	stream.indirect.scatter.add.f32 [tilespmem:s12], [sflag:$0x1], $0x1, s20, s11, $0xb8;
	[tilespmem:$0x2D80] =	vst v63  }
0x7b: {  	s20 =	sadd.s32 $0x300, s21  }
0x7c: {  	[spmem:s2] =	stream.indirect.scatter.add.f32 [tilespmem:s12], [sflag:$0x1], $0x1, s20, s11, $0xb8;
	[tilespmem:$0x2D80] =	vst v63  }
0x7d: {  	s20 =	sadd.s32 $0x380, s21  }
0x7e: {  	[spmem:s2] =	stream.indirect.scatter.add.f32 [tilespmem:s12], [sflag:$0x1], $0x1, s20, s11, $0xb8;
	[tilespmem:$0x2D80] =	vst v63  }
0x7f: {  	_ =	swait.ge [sflag:s10], $0x7D  }
0x80: {  	[sflag:s10] =	ssyncset.done $0x0  }
0x81: {  	[sflag:s10] =	ssyncadd.s32 $0xFFFFFF83  }
0x82: {  	_ =	swait.ge [sflag:s10], $0x7D  }
0x83: {  	[sflag:s10] =	ssyncset.done $0x0  }
0x84: {  	[sflag:s10] =	ssyncadd.s32 $0xFFFFFF83  }
0x85: {  	_ =	swait.ge [sflag:s10], $0x7D  }
0x86: {  	[sflag:s10] =	ssyncset.done $0x0  }
0x87: {  	[sflag:s10] =	ssyncadd.s32 $0xFFFFFF83  }
0x88: {  	_ =	swait.ge [sflag:s10], $0x7D  }
0x89: {  	[sflag:s10] =	ssyncset.done $0x0  }
0x8a: {  	[sflag:s10] =	ssyncadd.s32 $0xFFFFFF83  }
0x8b: {  	_ =	swait.ge [sflag:s10], $0x7D  }
0x8c: {  	[sflag:s10] =	ssyncset.done $0x0  }
0x8d: {  	[sflag:s10] =	ssyncadd.s32 $0xFFFFFF83  }
0x8e: {  	_ =	swait.ge [sflag:s10], $0x7D  }
0x8f: {  	[sflag:s10] =	ssyncset.done $0x0  }
0x90: {  	[sflag:s10] =	ssyncadd.s32 $0xFFFFFF83  }
.Ltmp0:
0x91: {  	_ =	swait.ge [sflag:s10], $0x7D;
	(pc) =	sbr.rel @p0 .LBB2_2-.Ltmp0, $4  }
0x92: {  	[sflag:s10] =	ssyncset.done $0x0  }
0x93: {  	[sflag:s10] =	ssyncadd.s32 $0xFFFFFF83  }
0x94: {  	_ =	swait.ge [sflag:s10], $0x7D  }
0x95: {  	s20 =	smov.u32 s19;
	[sflag:s10] =	ssyncset.done $0x0  }
0x96: {  	s18 =	sshra.s32 s18, $0x2;
	[sflag:s10] =	ssyncadd.s32 $0xFFFFFF83  }
0x97: {  	[spmem:s2] =	stream.indirect.scatter.add.f32 [tilespmem:s12], [sflag:$0x1], $0x1, s18, s11, $0xb8;
	[tilespmem:$0x2D80] =	vst v63  }
0x98: {  	s19 =	sadd.s32 $0x80, s18  }
0x99: {  	[spmem:s2] =	stream.indirect.scatter.add.f32 [tilespmem:s12], [sflag:$0x1], $0x1, s19, s11, $0xb8;
	[tilespmem:$0x2D80] =	vst v63  }
0x9a: {  	s26 =	sadd.s32 $0x100, s18  }
0x9b: {  	[spmem:s2] =	stream.indirect.scatter.add.f32 [tilespmem:s12], [sflag:$0x1], $0x1, s26, s11, $0xb8;
	[tilespmem:$0x2D80] =	vst v63  }
0x9c: {  	s28 =	sadd.s32 $0x180, s18  }
0x9d: {  	[spmem:s2] =	stream.indirect.scatter.add.f32 [tilespmem:s12], [sflag:$0x1], $0x1, s28, s11, $0xb8;
	[tilespmem:$0x2D80] =	vst v63  }
0x9e: {  	s29 =	sadd.s32 $0x200, s18  }
0x9f: {  	[spmem:s2] =	stream.indirect.scatter.add.f32 [tilespmem:s12], [sflag:$0x1], $0x1, s29, s11, $0xb8;
	[tilespmem:$0x2D80] =	vst v63  }
0xa0: {  	s30 =	sadd.s32 $0x280, s18  }
0xa1: {  	[spmem:s2] =	stream.indirect.scatter.add.f32 [tilespmem:s12], [sflag:$0x1], $0x1, s30, s11, $0xb8;
	[tilespmem:$0x2D80] =	vst v63  }
0xa2: {  	s31 =	sadd.s32 $0x300, s18  }
0xa3: {  	[spmem:s2] =	stream.indirect.scatter.add.f32 [tilespmem:s12], [sflag:$0x1], $0x1, s31, s11, $0xb8;
	[tilespmem:$0x2D80] =	vst v63  }
0xa4: {  	s18 =	sadd.s32 $0x380, s18  }
0xa5: {  	[spmem:s2] =	stream.indirect.scatter.add.f32 [tilespmem:s12], [sflag:$0x1], $0x1, s18, s11, $0xb8;
	[tilespmem:$0x2D80] =	vst v63  }
0xa6: {  	_ =	swait.ge [sflag:s10], $0x7D  }
0xa7: {  	[sflag:s10] =	ssyncset.done $0x0  }
0xa8: {  	[sflag:s10] =	ssyncadd.s32 $0xFFFFFF83  }
0xa9: {  	_ =	swait.ge [sflag:s10], $0x7D  }
0xaa: {  	[sflag:s10] =	ssyncset.done $0x0  }
0xab: {  	[sflag:s10] =	ssyncadd.s32 $0xFFFFFF83  }
0xac: {  	_ =	swait.ge [sflag:s10], $0x7D  }
0xad: {  	[sflag:s10] =	ssyncset.done $0x0  }
0xae: {  	[sflag:s10] =	ssyncadd.s32 $0xFFFFFF83  }
0xaf: {  	_ =	swait.ge [sflag:s10], $0x7D  }
0xb0: {  	[sflag:s10] =	ssyncset.done $0x0  }
0xb1: {  	[sflag:s10] =	ssyncadd.s32 $0xFFFFFF83  }
0xb2: {  	_ =	swait.ge [sflag:s10], $0x7D  }
0xb3: {  	[sflag:s10] =	ssyncset.done $0x0  }
0xb4: {  	[sflag:s10] =	ssyncadd.s32 $0xFFFFFF83  }
0xb5: {  	_ =	swait.ge [sflag:s10], $0x7D  }
0xb6: {  	[sflag:s10] =	ssyncset.done $0x0  }
0xb7: {  	[sflag:s10] =	ssyncadd.s32 $0xFFFFFF83  }
0xb8: {  	_ =	swait.ge [sflag:s10], $0x7D  }
0xb9: {  	[sflag:s10] =	ssyncset.done $0x0  }
0xba: {  	[sflag:s10] =	ssyncadd.s32 $0xFFFFFF83  }
0xbb: {  	_ =	swait.ge [sflag:s10], $0x7D  }
0xbc: {  	s17 =	sadd.s32 $0x1, s17;
	[sflag:s10] =	ssyncset.done $0x0  }
0xbd: {  	p0 =	sne.s32 s17, s7;
	[sflag:s10] =	ssyncadd.s32 $0xFFFFFF83  }
.Ltmp1:
0xbe: {  	[bflag:$0x0] =	sbarrier.arrive $0xFFFF;
	(pc) =	sbr.rel @p0 .LBB2_1-.Ltmp1, $4  }
0xbf: {  	[hbm:s6@s15], [sflag:s13] =	dma.strided [spmem:s14@s16], $0x50, s10, $0x10   }
0xc0: {  	_ =	swait.ge [sflag:s9], $0x50  }
0xc1: {  	[sflag:s9] =	ssyncset.done $0x0  }
0xc2: {  	[sflag:s9] =	ssyncadd.s32 $0xFFFFFFB0  }
0xc3: {  	_ =	sfence.sel $0x180000  }
0xc4: {  	[bflag:$0x0] =	sbarrier.arrive $0xFFFF  }
0xc5: {  	p0 =	sne.s32 s0, $0x0;
	_ =	strace $0x90000047  }
0xc6: {  	s0 =	sadd.s32 @!p0 $0x100000, s1;
	[bflag:$0x2] =	sbarrier.arrive $0xFFFF  }
0xc7: {  	[sflag:s0] =	ssyncadd.tile.s32 @!p0 $0x1;
	_ =	shalt  }
.Lfunc_end2:
_tile_overlayer_lowered:
.L_overlay_start_2:
0xc8: {  	(tag) =	ssettag $0x2  }
0xc9: {  	s0 =	rddreg [dreg:$0x0];
	s2 =	stileid.u32  }
0xca: {  	s1 =	rddreg [dreg:$0x1];
	p0 =	sne.s32 s2, $0x0  }
0xcb: {  	s3 =	rddreg [dreg:$0x2];
	[bflag:$0x3] =	sbarrier.arrive $0xFFFF;
	s2 =	simm.s32 @!p0 $0x1C02  }
0xcc: {  	[timem:s3], [sflag:s2] =	dma.local @!p0 [hbm:s0], s1  }
0xcd: {  	s0 =	simm.s32 @!p0 $0x2  }
0xce: {  	_ =	swait.ge @!p0 [sflag:s0], s1  }
0xcf: {  	s1 =	ssub.s32 @!p0 $0x0, s1;
	[sflag:s0] =	ssyncset.done @!p0 $0x0  }
0xd0: {  	[sflag:s0] =	ssyncadd.s32 @!p0 s1  }
0xd1: {  	[bflag:$0x3] =	sbarrier.arrive $0xFFFF  }
0xd2: {  	_ =	shalt  }

</sc_bundles>
